<compile_context>
chip_gen: v7x
topology: tpu7x:2x2x1
jax: 0.10.2.dev20260603
libtpu: 0.0.44.dev20260713+nightly
codegen_flags: <defaults>
</compile_context>

<pallas_src>
import jax
import jax.numpy as jnp
from jax import lax
from jax.experimental import pallas as pl
from jax.experimental.pallas import tpu as pltpu
from jax.experimental.pallas import tpu_sc as plsc

_N = 307
_H = 128
_L = 16
_NC = 2
_NS = 16
_NW = _NC * _NS
_NPAD = 312
_EP = 992


def _proj_body(x_ref, wl_ref, wr_ref, xl_ref, xr_ref):
    x = x_ref[...]
    dn = (((1,), (1,)), ((), ()))
    xl_ref[...] = lax.dot_general(x, wl_ref[...], dn,
                                  preferred_element_type=jnp.float32)
    xr_ref[...] = lax.dot_general(x, wr_ref[...], dn,
                                  preferred_element_type=jnp.float32)


def _sc_body(xl_hbm, xr_hbm, src_hbm, dst_hbm, att_hbm, bias_hbm, out_hbm,
             xl_v, xr_v, out_v, src_v, dst_v, e_v, den_v, att_v, bias_v, sem):
    wid = lax.axis_index("s") * _NC + lax.axis_index("c")
    c_small = [
        pltpu.async_copy(src_hbm, src_v, sem),
        pltpu.async_copy(dst_hbm, dst_v, sem),
        pltpu.async_copy(att_hbm, att_v, sem),
        pltpu.async_copy(bias_hbm, bias_v, sem),
    ]
    base0 = wid * (_N * _H)
    base1 = (wid + _NW) * (_N * _H)
    c_xl = pltpu.async_copy(xl_hbm.at[pl.ds(base0, _N * _H)],
                            xl_v.at[pl.ds(0, _N * _H)], sem)
    c_xr = pltpu.async_copy(xr_hbm.at[pl.ds(base0, _N * _H)],
                            xr_v.at[pl.ds(0, _N * _H)], sem)

    zero16 = jnp.zeros((_L,), jnp.float32)
    iota16 = lax.iota(jnp.int32, _L)

    def zpad(i, c):
        xl_v[pl.ds(_N * _H + i * _L, _L)] = zero16
        xr_v[pl.ds(_N * _H + i * _L, _L)] = zero16
        return c
    lax.fori_loop(0, (_NPAD - _N) * _H // _L, zpad, 0)

    for c in c_small:
        c.wait()
    bias_chunks = [bias_v[pl.ds(fc * _L, _L)] for fc in range(_H // _L)]

    def binit(row, c):
        for fc in range(_H // _L):
            out_v[pl.ds(row * _H + fc * _L, _L)] = bias_chunks[fc]
        return c

    def dzero(i, c):
        den_v[pl.ds(i * _L, _L)] = zero16
        return c

    def run_passes():
        @plsc.parallel_loop(0, _EP // _L, unroll=2,
                            carry=jnp.full((_L,), -1e30, jnp.float32))
        def score_chunk(c, gmax):
            src16 = src_v[pl.ds(c * _L, _L)]
            dst16 = dst_v[pl.ds(c * _L, _L)]
            sb = src16 * _H
            db = dst16 * _H
            def fblock(fo, accs):
                accs = list(accs)
                fb = fo * _L
                for fi in range(_L):
                    rot = iota16 ^ (fb + fi)
                    attf = att_v[pl.ds((fb + fi) * _L, _L)]
                    sl = plsc.load_gather(xl_v, [sb + rot])
                    dl = plsc.load_gather(xr_v, [db + rot])
                    m = sl + dl
                    hh = jnp.where(m >= 0, m, jnp.float32(0.2) * m)
                    accs[fi % 4] = accs[fi % 4] + attf * hh
                return tuple(accs)
            accs = lax.fori_loop(0, _H // _L, fblock,
                                 (zero16, zero16, zero16, zero16))
            acc = (accs[0] + accs[1]) + (accs[2] + accs[3])
            e_v[pl.ds(c * _L, _L)] = acc
            return jnp.maximum(gmax, acc)
        gmax = jnp.max(score_chunk)

        @plsc.parallel_loop(0, _EP // _L, carry=jnp.int32(0))
        def den_chunk(c, carry):
            dst16 = dst_v[pl.ds(c * _L, _L)]
            ex = jnp.exp(e_v[pl.ds(c * _L, _L)] - gmax)
            e_v[pl.ds(c * _L, _L)] = ex
            plsc.addupdate_scatter(den_v, [dst16], ex)
            return carry

        @plsc.parallel_loop(0, _EP // _L, unroll=2, carry=jnp.int32(0))
        def agg_chunk(c, carry):
            src16 = src_v[pl.ds(c * _L, _L)]
            dst16 = dst_v[pl.ds(c * _L, _L)]
            sb = src16 * _H
            db = dst16 * _H
            ex = e_v[pl.ds(c * _L, _L)]
            dn = plsc.load_gather(den_v, [dst16])
            alpha = ex / (dn + jnp.float32(1e-16))
            def ablock(fo, c2):
                fb = fo * _L
                for fi in range(_L):
                    rot = iota16 ^ (fb + fi)
                    xv = plsc.load_gather(xl_v, [sb + rot])
                    plsc.addupdate_scatter(out_v, [db + rot], alpha * xv)
                return c2
            lax.fori_loop(0, _H // _L, ablock, 0)
            return carry

    lax.fori_loop(0, _NPAD, binit, 0)
    lax.fori_loop(0, 320 // _L, dzero, 0)
    c_xl.wait()
    c_xr.wait()
    run_passes()

    c_out = pltpu.async_copy(out_v.at[pl.ds(0, _N * _H)],
                             out_hbm.at[pl.ds(base0, _N * _H)], sem)
    c_xl = pltpu.async_copy(xl_hbm.at[pl.ds(base1, _N * _H)],
                            xl_v.at[pl.ds(0, _N * _H)], sem)
    c_xr = pltpu.async_copy(xr_hbm.at[pl.ds(base1, _N * _H)],
                            xr_v.at[pl.ds(0, _N * _H)], sem)
    lax.fori_loop(0, 320 // _L, dzero, 0)
    c_out.wait()
    lax.fori_loop(0, _NPAD, binit, 0)
    c_xl.wait()
    c_xr.wait()
    run_passes()
    pltpu.sync_copy(out_v.at[pl.ds(0, _N * _H)],
                    out_hbm.at[pl.ds(base1, _N * _H)])


def kernel(t, z, edge_index, Wl, Wr, att, bias):
    h = z.shape[1]
    n = _N
    b = z.shape[0] // n
    e = edge_index.shape[1]
    et = e + n
    loop = jnp.arange(n, dtype=jnp.int32)
    pad = jnp.full((_EP - et,), n, jnp.int32)
    src = jnp.concatenate([edge_index[0].astype(jnp.int32), loop, pad])
    dst = jnp.concatenate([edge_index[1].astype(jnp.int32), loop, pad])

    rows = b * n
    nch = 8
    blk = rows // nch
    xl, xr = pl.pallas_call(
        _proj_body,
        grid=(nch,),
        in_specs=[
            pl.BlockSpec((blk, h), lambda i: (i, 0)),
            pl.BlockSpec((h, h), lambda i: (0, 0)),
            pl.BlockSpec((h, h), lambda i: (0, 0)),
        ],
        out_specs=[
            pl.BlockSpec((blk, h), lambda i: (i, 0)),
            pl.BlockSpec((blk, h), lambda i: (i, 0)),
        ],
        out_shape=[
            jax.ShapeDtypeStruct((rows, h), jnp.float32),
            jax.ShapeDtypeStruct((rows, h), jnp.float32),
        ],
    )(z, Wl, Wr)

    sc = pl.kernel(
        _sc_body,
        out_type=jax.ShapeDtypeStruct((rows * h,), jnp.float32),
        mesh=plsc.VectorSubcoreMesh(core_axis_name="c", subcore_axis_name="s",
                                    num_cores=_NC, num_subcores=_NS),
        compiler_params=pltpu.CompilerParams(needs_layout_passes=False),
        scratch_types=[
            pltpu.VMEM((_NPAD * _H,), jnp.float32),
            pltpu.VMEM((_NPAD * _H,), jnp.float32),
            pltpu.VMEM((_NPAD * _H,), jnp.float32),
            pltpu.VMEM((_EP,), jnp.int32),
            pltpu.VMEM((_EP,), jnp.int32),
            pltpu.VMEM((_EP,), jnp.float32),
            pltpu.VMEM((320,), jnp.float32),
            pltpu.VMEM((_H * _L,), jnp.float32),
            pltpu.VMEM((h,), jnp.float32),
            pltpu.SemaphoreType.DMA,
        ],
    )
    rot_idx = jnp.arange(_H)[:, None] ^ jnp.arange(_L)[None, :]
    att_tab = att[rot_idx].reshape(-1)
    out = sc(xl.reshape(-1), xr.reshape(-1), src, dst, att_tab, bias)
    return out.reshape(rows, h, 1)

# --- scband reference (transcript-rebuilt; emitter-appended) ---
"""Pipeline reference for scband-f-5437428597176 (READ-ONLY COPY).

The authoritative reference and input builder live on the scoring server;
editing this copy changes nothing except your own understanding.
"""

import jax, jax.numpy as jnp
import numpy as np

B = 64
N = 307
H = 128
IC = 1
OUT = H * IC
E = 680

def setup_inputs(seed: int = 0) -> dict:
    key = jax.random.key(seed)
    k1, k2, k3, k4, k5 = jax.random.split(key, 5)
    z = jax.random.normal(k1, (B * N, H), dtype=jnp.float32)
    t = jnp.zeros((1,), dtype=jnp.float32)
    edge_index = jax.random.randint(k2, (2, E), 0, N, dtype=jnp.int32)
    s = 1.0 / np.sqrt(H)
    Wl = jax.random.normal(k3, (OUT, H), dtype=jnp.float32) * s
    Wr = jax.random.normal(k4, (OUT, H), dtype=jnp.float32) * s
    att = jax.random.normal(k5, (OUT,), dtype=jnp.float32) * s
    bias = jnp.zeros((OUT,), dtype=jnp.float32)
    return {"t": t, "z": z, "edge_index": edge_index, "Wl": Wl, "Wr": Wr, "att": att, "bias": bias}

def reference(t, z, edge_index, Wl, Wr, att, bias):
    # z: [B*N, H] -> per-graph GATv2Conv (heads=1, concat) with shared edge_index
    x = z.reshape(B, N, H)
    loop = jnp.arange(N, dtype=edge_index.dtype)
    src = jnp.concatenate([edge_index[0], loop])  # add self loops (PyG default)
    dst = jnp.concatenate([edge_index[1], loop])

    def gat_one(xi):
        xl = xi @ Wl.T  # [N, OUT]
        xr = xi @ Wr.T  # [N, OUT]
        m = xl[src] + xr[dst]                      # gather per edge
        e = jax.nn.leaky_relu(m, 0.2) @ att        # [E+N]
        emax = jax.ops.segment_max(e, dst, num_segments=N)
        emax = jnp.where(jnp.isfinite(emax), emax, 0.0)
        ex = jnp.exp(e - emax[dst])
        den = jax.ops.segment_sum(ex, dst, num_segments=N)
        alpha = ex / (den[dst] + 1e-16)
        out = jax.ops.segment_sum(alpha[:, None] * xl[src], dst, num_segments=N)
        return out + bias

    out = jax.vmap(gat_one)(x)                      # [B, N, OUT]
    return out.reshape(B * N, H, IC)

if __name__ == "__main__":
    import jax
    _d = setup_inputs()
    print(jax.jit(kernel)(*tuple(_d.values())))

</pallas_src>

<mosaic_0001>
#map = affine_map<(d0, d1) -> (0)>
module attributes {stable_mosaic.version = 14 : i64} {
  func.func @_sc_body(%arg0: i32, %arg1: i32, %arg2: memref<2514944xf32, #tpu.memory_space<hbm>>, %arg3: memref<2514944xf32, #tpu.memory_space<hbm>>, %arg4: memref<992xi32, #tpu.memory_space<hbm>>, %arg5: memref<992xi32, #tpu.memory_space<hbm>>, %arg6: memref<2048xf32, #tpu.memory_space<hbm>>, %arg7: memref<128xf32, #tpu.memory_space<hbm>>, %arg8: memref<2514944xf32, #tpu.memory_space<hbm>>, %arg9: memref<39936xf32, #tpu.memory_space<vmem>>, %arg10: memref<39936xf32, #tpu.memory_space<vmem>>, %arg11: memref<39936xf32, #tpu.memory_space<vmem>>, %arg12: memref<992xi32, #tpu.memory_space<vmem>>, %arg13: memref<992xi32, #tpu.memory_space<vmem>>, %arg14: memref<992xf32, #tpu.memory_space<vmem>>, %arg15: memref<320xf32, #tpu.memory_space<vmem>>, %arg16: memref<2048xf32, #tpu.memory_space<vmem>>, %arg17: memref<128xf32, #tpu.memory_space<vmem>>, %arg18: memref<!tpu.dma_semaphore, #tpu.memory_space<semaphore_mem>>) attributes {dimension_semantics = [#tpu.dimension_semantics<core_parallel>, #tpu.dimension_semantics<subcore_parallel>], iteration_bounds = array<i64: 2, 16>, scalar_prefetch = 0 : i64, scratch_operands = 10 : i64, tpu.core_type = #tpu.core_type<sc_vector_subcore>, window_params = [{transform_indices = #map}, {transform_indices = #map}, {transform_indices = #map}, {transform_indices = #map}, {transform_indices = #map}, {transform_indices = #map}, {transform_indices = #map}]} {
    %mul3A = arith.constant 2 : i32
    %mul3A_0 = arith.muli %arg1, %mul3A : i32
    %add3A = arith.addi %mul3A_0, %arg0 : i32
    tpu.enqueue_dma source(%arg4 : memref<992xi32, #tpu.memory_space<hbm>>) target(%arg12 : memref<992xi32, #tpu.memory_space<vmem>>) target_semaphore(%arg18 : memref<!tpu.dma_semaphore, #tpu.memory_space<semaphore_mem>>)
    tpu.enqueue_dma source(%arg5 : memref<992xi32, #tpu.memory_space<hbm>>) target(%arg13 : memref<992xi32, #tpu.memory_space<vmem>>) target_semaphore(%arg18 : memref<!tpu.dma_semaphore, #tpu.memory_space<semaphore_mem>>)
    tpu.enqueue_dma source(%arg6 : memref<2048xf32, #tpu.memory_space<hbm>>) target(%arg16 : memref<2048xf32, #tpu.memory_space<vmem>>) target_semaphore(%arg18 : memref<!tpu.dma_semaphore, #tpu.memory_space<semaphore_mem>>)
    tpu.enqueue_dma source(%arg7 : memref<128xf32, #tpu.memory_space<hbm>>) target(%arg17 : memref<128xf32, #tpu.memory_space<vmem>>) target_semaphore(%arg18 : memref<!tpu.dma_semaphore, #tpu.memory_space<semaphore_mem>>)
    %mul3A_1 = arith.constant 39296 : i32
    %mul3A_2 = arith.muli %add3A, %mul3A_1 : i32
    %add3A_3 = arith.constant 32 : i32
    %add3A_4 = arith.addi %add3A, %add3A_3 : i32
    %mul3A_5 = arith.constant 39296 : i32
    %mul3A_6 = arith.muli %add3A_4, %mul3A_5 : i32
    %dma_start3A = arith.constant 0 : i32
    %dma_start3A_7 = tpu.memref_slice %arg9[%dma_start3A] : memref<39936xf32, #tpu.memory_space<vmem>> -> memref<39296xf32, #tpu.memory_space<vmem>>
    %dma_start3A_8 = tpu.memref_slice %arg2[%mul3A_2] : memref<2514944xf32, #tpu.memory_space<hbm>> -> memref<39296xf32, #tpu.memory_space<hbm>>
    %dma_start3A_9 = arith.constant 0 : i32
    %dma_start3A_10 = tpu.memref_slice %arg9[%dma_start3A_9] : memref<39936xf32, #tpu.memory_space<vmem>> -> memref<39296xf32, #tpu.memory_space<vmem>>
    %dma_start3A_11 = tpu.memref_slice %arg2[%mul3A_2] : memref<2514944xf32, #tpu.memory_space<hbm>> -> memref<39296xf32, #tpu.memory_space<hbm>>
    tpu.enqueue_dma source(%dma_start3A_11 : memref<39296xf32, #tpu.memory_space<hbm>>) target(%dma_start3A_10 : memref<39296xf32, #tpu.memory_space<vmem>>) target_semaphore(%arg18 : memref<!tpu.dma_semaphore, #tpu.memory_space<semaphore_mem>>)
    %dma_start3A_12 = arith.constant 0 : i32
    %dma_start3A_13 = tpu.memref_slice %arg10[%dma_start3A_12] : memref<39936xf32, #tpu.memory_space<vmem>> -> memref<39296xf32, #tpu.memory_space<vmem>>
    %dma_start3A_14 = tpu.memref_slice %arg3[%mul3A_2] : memref<2514944xf32, #tpu.memory_space<hbm>> -> memref<39296xf32, #tpu.memory_space<hbm>>
    %dma_start3A_15 = arith.constant 0 : i32
    %dma_start3A_16 = tpu.memref_slice %arg10[%dma_start3A_15] : memref<39936xf32, #tpu.memory_space<vmem>> -> memref<39296xf32, #tpu.memory_space<vmem>>
    %dma_start3A_17 = tpu.memref_slice %arg3[%mul3A_2] : memref<2514944xf32, #tpu.memory_space<hbm>> -> memref<39296xf32, #tpu.memory_space<hbm>>
    tpu.enqueue_dma source(%dma_start3A_17 : memref<39296xf32, #tpu.memory_space<hbm>>) target(%dma_start3A_16 : memref<39296xf32, #tpu.memory_space<vmem>>) target_semaphore(%arg18 : memref<!tpu.dma_semaphore, #tpu.memory_space<semaphore_mem>>)
    %broadcast_in_dim3A = arith.constant 0.000000e+00 : f32
    %broadcast_in_dim3A_18 = vector.broadcast %broadcast_in_dim3A : f32 to vector<16xf32>
    %iota3A = tpu.iota {dimensions = array<i32: 0>} : vector<16xi32>
    %scan3A = arith.constant 0 : i32
    %scan3A_19 = arith.constant 0 : i32
    %scan3A_20 = arith.constant 40 : i32
    %scan3A_21 = arith.addi %scan3A_19, %scan3A_20 : i32
    %scan3A_22 = arith.constant 1 : i32
    scf.for %scan3A_148 = %scan3A_19 to %scan3A_21 step %scan3A_22  : i32 {
      %mul3A_149 = arith.constant 16 : i32
      %mul3A_150 = arith.muli %scan3A_148, %mul3A_149 : i32
      %add3A_151 = arith.constant 39296 : i32
      %add3A_152 = arith.addi %add3A_151, %mul3A_150 : i32
      %swap3A = arith.index_cast %add3A_152 : i32 to index
      %swap3A_153 = tpu.vector_load %arg9[%swap3A] {strides = array<i32>} : memref<39936xf32, #tpu.memory_space<vmem>>, vector<16xf32>,
      tpu.vector_store %arg9[%swap3A], %broadcast_in_dim3A_18 {strides = array<i32>} : memref<39936xf32, #tpu.memory_space<vmem>>, vector<16xf32>,
      %mul3A_154 = arith.constant 16 : i32
      %mul3A_155 = arith.muli %scan3A_148, %mul3A_154 : i32
      %add3A_156 = arith.constant 39296 : i32
      %add3A_157 = arith.addi %add3A_156, %mul3A_155 : i32
      %swap3A_158 = arith.index_cast %add3A_157 : i32 to index
      %swap3A_159 = tpu.vector_load %arg10[%swap3A_158] {strides = array<i32>} : memref<39936xf32, #tpu.memory_space<vmem>>, vector<16xf32>,
      tpu.vector_store %arg10[%swap3A_158], %broadcast_in_dim3A_18 {strides = array<i32>} : memref<39936xf32, #tpu.memory_space<vmem>>, vector<16xf32>,
    }
    %scan3A_23 = arith.constant 40 : i32
    tpu.wait_dma2 semaphore(%arg18 : memref<!tpu.dma_semaphore, #tpu.memory_space<semaphore_mem>>) src(%arg4 : memref<992xi32, #tpu.memory_space<hbm>>) dst(%arg12 : memref<992xi32, #tpu.memory_space<vmem>>)
    tpu.wait_dma2 semaphore(%arg18 : memref<!tpu.dma_semaphore, #tpu.memory_space<semaphore_mem>>) src(%arg5 : memref<992xi32, #tpu.memory_space<hbm>>) dst(%arg13 : memref<992xi32, #tpu.memory_space<vmem>>)
    tpu.wait_dma2 semaphore(%arg18 : memref<!tpu.dma_semaphore, #tpu.memory_space<semaphore_mem>>) src(%arg6 : memref<2048xf32, #tpu.memory_space<hbm>>) dst(%arg16 : memref<2048xf32, #tpu.memory_space<vmem>>)
    tpu.wait_dma2 semaphore(%arg18 : memref<!tpu.dma_semaphore, #tpu.memory_space<semaphore_mem>>) src(%arg7 : memref<128xf32, #tpu.memory_space<hbm>>) dst(%arg17 : memref<128xf32, #tpu.memory_space<vmem>>)
    %get3A = arith.constant 0 : index
    %get3A_24 = tpu.vector_load %arg17[%get3A] {strides = array<i32>} : memref<128xf32, #tpu.memory_space<vmem>>, vector<16xf32>,
    %get3A_25 = arith.constant 16 : index
    %get3A_26 = tpu.vector_load %arg17[%get3A_25] {strides = array<i32>} : memref<128xf32, #tpu.memory_space<vmem>>, vector<16xf32>,
    %get3A_27 = arith.constant 32 : index
    %get3A_28 = tpu.vector_load %arg17[%get3A_27] {strides = array<i32>} : memref<128xf32, #tpu.memory_space<vmem>>, vector<16xf32>,
    %get3A_29 = arith.constant 48 : index
    %get3A_30 = tpu.vector_load %arg17[%get3A_29] {strides = array<i32>} : memref<128xf32, #tpu.memory_space<vmem>>, vector<16xf32>,
    %get3A_31 = arith.constant 64 : index
    %get3A_32 = tpu.vector_load %arg17[%get3A_31] {strides = array<i32>} : memref<128xf32, #tpu.memory_space<vmem>>, vector<16xf32>,
    %get3A_33 = arith.constant 80 : index
    %get3A_34 = tpu.vector_load %arg17[%get3A_33] {strides = array<i32>} : memref<128xf32, #tpu.memory_space<vmem>>, vector<16xf32>,
    %get3A_35 = arith.constant 96 : index
    %get3A_36 = tpu.vector_load %arg17[%get3A_35] {strides = array<i32>} : memref<128xf32, #tpu.memory_space<vmem>>, vector<16xf32>,
    %get3A_37 = arith.constant 112 : index
    %get3A_38 = tpu.vector_load %arg17[%get3A_37] {strides = array<i32>} : memref<128xf32, #tpu.memory_space<vmem>>, vector<16xf32>,
    %scan3A_39 = arith.constant 0 : i32
    %scan3A_40 = arith.constant 0 : i32
    %scan3A_41 = arith.constant 312 : i32
    %scan3A_42 = arith.addi %scan3A_40, %scan3A_41 : i32
    %scan3A_43 = arith.constant 1 : i32
    scf.for %scan3A_148 = %scan3A_40 to %scan3A_42 step %scan3A_43  : i32 {
      %mul3A_149 = arith.constant 128 : i32
      %mul3A_150 = arith.muli %scan3A_148, %mul3A_149 : i32
      %add3A_151 = arith.constant 0 : i32
      %add3A_152 = arith.addi %mul3A_150, %add3A_151 : i32
      %swap3A = arith.index_cast %add3A_152 : i32 to index
      %swap3A_153 = tpu.vector_load %arg11[%swap3A] {strides = array<i32>} : memref<39936xf32, #tpu.memory_space<vmem>>, vector<16xf32>,
      tpu.vector_store %arg11[%swap3A], %get3A_24 {strides = array<i32>} : memref<39936xf32, #tpu.memory_space<vmem>>, vector<16xf32>,
      %mul3A_154 = arith.constant 128 : i32
      %mul3A_155 = arith.muli %scan3A_148, %mul3A_154 : i32
      %add3A_156 = arith.constant 16 : i32
      %add3A_157 = arith.addi %mul3A_155, %add3A_156 : i32
      %swap3A_158 = arith.index_cast %add3A_157 : i32 to index
      %swap3A_159 = tpu.vector_load %arg11[%swap3A_158] {strides = array<i32>} : memref<39936xf32, #tpu.memory_space<vmem>>, vector<16xf32>,
      tpu.vector_store %arg11[%swap3A_158], %get3A_26 {strides = array<i32>} : memref<39936xf32, #tpu.memory_space<vmem>>, vector<16xf32>,
      %mul3A_160 = arith.constant 128 : i32
      %mul3A_161 = arith.muli %scan3A_148, %mul3A_160 : i32
      %add3A_162 = arith.constant 32 : i32
      %add3A_163 = arith.addi %mul3A_161, %add3A_162 : i32
      %swap3A_164 = arith.index_cast %add3A_163 : i32 to index
      %swap3A_165 = tpu.vector_load %arg11[%swap3A_164] {strides = array<i32>} : memref<39936xf32, #tpu.memory_space<vmem>>, vector<16xf32>,
      tpu.vector_store %arg11[%swap3A_164], %get3A_28 {strides = array<i32>} : memref<39936xf32, #tpu.memory_space<vmem>>, vector<16xf32>,
      %mul3A_166 = arith.constant 128 : i32
      %mul3A_167 = arith.muli %scan3A_148, %mul3A_166 : i32
      %add3A_168 = arith.constant 48 : i32
      %add3A_169 = arith.addi %mul3A_167, %add3A_168 : i32
      %swap3A_170 = arith.index_cast %add3A_169 : i32 to index
      %swap3A_171 = tpu.vector_load %arg11[%swap3A_170] {strides = array<i32>} : memref<39936xf32, #tpu.memory_space<vmem>>, vector<16xf32>,
      tpu.vector_store %arg11[%swap3A_170], %get3A_30 {strides = array<i32>} : memref<39936xf32, #tpu.memory_space<vmem>>, vector<16xf32>,
      %mul3A_172 = arith.constant 128 : i32
      %mul3A_173 = arith.muli %scan3A_148, %mul3A_172 : i32
      %add3A_174 = arith.constant 64 : i32
      %add3A_175 = arith.addi %mul3A_173, %add3A_174 : i32
      %swap3A_176 = arith.index_cast %add3A_175 : i32 to index
      %swap3A_177 = tpu.vector_load %arg11[%swap3A_176] {strides = array<i32>} : memref<39936xf32, #tpu.memory_space<vmem>>, vector<16xf32>,
      tpu.vector_store %arg11[%swap3A_176], %get3A_32 {strides = array<i32>} : memref<39936xf32, #tpu.memory_space<vmem>>, vector<16xf32>,
      %mul3A_178 = arith.constant 128 : i32
      %mul3A_179 = arith.muli %scan3A_148, %mul3A_178 : i32
      %add3A_180 = arith.constant 80 : i32
      %add3A_181 = arith.addi %mul3A_179, %add3A_180 : i32
      %swap3A_182 = arith.index_cast %add3A_181 : i32 to index
      %swap3A_183 = tpu.vector_load %arg11[%swap3A_182] {strides = array<i32>} : memref<39936xf32, #tpu.memory_space<vmem>>, vector<16xf32>,
      tpu.vector_store %arg11[%swap3A_182], %get3A_34 {strides = array<i32>} : memref<39936xf32, #tpu.memory_space<vmem>>, vector<16xf32>,
      %mul3A_184 = arith.constant 128 : i32
      %mul3A_185 = arith.muli %scan3A_148, %mul3A_184 : i32
      %add3A_186 = arith.constant 96 : i32
      %add3A_187 = arith.addi %mul3A_185, %add3A_186 : i32
      %swap3A_188 = arith.index_cast %add3A_187 : i32 to index
      %swap3A_189 = tpu.vector_load %arg11[%swap3A_188] {strides = array<i32>} : memref<39936xf32, #tpu.memory_space<vmem>>, vector<16xf32>,
      tpu.vector_store %arg11[%swap3A_188], %get3A_36 {strides = array<i32>} : memref<39936xf32, #tpu.memory_space<vmem>>, vector<16xf32>,
      %mul3A_190 = arith.constant 128 : i32
      %mul3A_191 = arith.muli %scan3A_148, %mul3A_190 : i32
      %add3A_192 = arith.constant 112 : i32
      %add3A_193 = arith.addi %mul3A_191, %add3A_192 : i32
      %swap3A_194 = arith.index_cast %add3A_193 : i32 to index
      %swap3A_195 = tpu.vector_load %arg11[%swap3A_194] {strides = array<i32>} : memref<39936xf32, #tpu.memory_space<vmem>>, vector<16xf32>,
      tpu.vector_store %arg11[%swap3A_194], %get3A_38 {strides = array<i32>} : memref<39936xf32, #tpu.memory_space<vmem>>, vector<16xf32>,
    }
    %scan3A_44 = arith.constant 312 : i32
    %scan3A_45 = arith.constant 0 : i32
    %scan3A_46 = arith.constant 0 : i32
    %scan3A_47 = arith.constant 20 : i32
    %scan3A_48 = arith.addi %scan3A_46, %scan3A_47 : i32
    %scan3A_49 = arith.constant 1 : i32
    scf.for %scan3A_148 = %scan3A_46 to %scan3A_48 step %scan3A_49  : i32 {
      %mul3A_149 = arith.constant 16 : i32
      %mul3A_150 = arith.muli %scan3A_148, %mul3A_149 : i32
      %swap3A = arith.index_cast %mul3A_150 : i32 to index
      %swap3A_151 = tpu.vector_load %arg15[%swap3A] {strides = array<i32>} : memref<320xf32, #tpu.memory_space<vmem>>, vector<16xf32>,
      tpu.vector_store %arg15[%swap3A], %broadcast_in_dim3A_18 {strides = array<i32>} : memref<320xf32, #tpu.memory_space<vmem>>, vector<16xf32>,
    }
    %scan3A_50 = arith.constant 20 : i32
    %dma_wait3A = arith.constant 0 : i32
    %dma_wait3A_51 = tpu.memref_slice %arg9[%dma_wait3A] : memref<39936xf32, #tpu.memory_space<vmem>> -> memref<39296xf32, #tpu.memory_space<vmem>>
    %dma_wait3A_52 = tpu.memref_slice %arg2[%mul3A_2] : memref<2514944xf32, #tpu.memory_space<hbm>> -> memref<39296xf32, #tpu.memory_space<hbm>>
    %dma_wait3A_53 = arith.constant 0 : i32
    %dma_wait3A_54 = tpu.memref_slice %arg9[%dma_wait3A_53] : memref<39936xf32, #tpu.memory_space<vmem>> -> memref<39296xf32, #tpu.memory_space<vmem>>
    %dma_wait3A_55 = tpu.memref_slice %arg2[%mul3A_2] : memref<2514944xf32, #tpu.memory_space<hbm>> -> memref<39296xf32, #tpu.memory_space<hbm>>
    tpu.wait_dma2 semaphore(%arg18 : memref<!tpu.dma_semaphore, #tpu.memory_space<semaphore_mem>>) src(%dma_wait3A_55 : memref<39296xf32, #tpu.memory_space<hbm>>) dst(%dma_wait3A_54 : memref<39296xf32, #tpu.memory_space<vmem>>)
    %dma_wait3A_56 = arith.constant 0 : i32
    %dma_wait3A_57 = tpu.memref_slice %arg10[%dma_wait3A_56] : memref<39936xf32, #tpu.memory_space<vmem>> -> memref<39296xf32, #tpu.memory_space<vmem>>
    %dma_wait3A_58 = tpu.memref_slice %arg3[%mul3A_2] : memref<2514944xf32, #tpu.memory_space<hbm>> -> memref<39296xf32, #tpu.memory_space<hbm>>
    %dma_wait3A_59 = arith.constant 0 : i32
    %dma_wait3A_60 = tpu.memref_slice %arg10[%dma_wait3A_59] : memref<39936xf32, #tpu.memory_space<vmem>> -> memref<39296xf32, #tpu.memory_space<vmem>>
    %dma_wait3A_61 = tpu.memref_slice %arg3[%mul3A_2] : memref<2514944xf32, #tpu.memory_space<hbm>> -> memref<39296xf32, #tpu.memory_space<hbm>>
    tpu.wait_dma2 semaphore(%arg18 : memref<!tpu.dma_semaphore, #tpu.memory_space<semaphore_mem>>) src(%dma_wait3A_61 : memref<39296xf32, #tpu.memory_space<hbm>>) dst(%dma_wait3A_60 : memref<39296xf32, #tpu.memory_space<vmem>>)
    %broadcast_in_dim3A_62 = arith.constant -1.000000e+30 : f32
    %broadcast_in_dim3A_63 = vector.broadcast %broadcast_in_dim3A_62 : f32 to vector<16xf32>
    %parallel_loop3A = arith.constant 0 : i32
    %parallel_loop3A_64 = arith.constant 62 : i32
    %parallel_loop3A_65 = arith.constant 1 : i32
    %parallel_loop3A_66 = scf.for %parallel_loop3A_148 = %parallel_loop3A to %parallel_loop3A_64 step %parallel_loop3A_65 iter_args(%parallel_loop3A_149 = %broadcast_in_dim3A_63) -> (vector<16xf32>)  : i32 {
      %parallel_loop3A_150 = arith.constant 16 : i32
      %parallel_loop3A_151 = arith.muli %parallel_loop3A_148, %parallel_loop3A_150 : i32
      %parallel_loop3A_152 = arith.index_cast %parallel_loop3A_151 : i32 to index
      %parallel_loop3A_153 = tpu.vector_load %arg12[%parallel_loop3A_152] {strides = array<i32>} : memref<992xi32, #tpu.memory_space<vmem>>, vector<16xi32>,
      %parallel_loop3A_154 = arith.constant 16 : i32
      %parallel_loop3A_155 = arith.muli %parallel_loop3A_148, %parallel_loop3A_154 : i32
      %parallel_loop3A_156 = arith.index_cast %parallel_loop3A_155 : i32 to index
      %parallel_loop3A_157 = tpu.vector_load %arg13[%parallel_loop3A_156] {strides = array<i32>} : memref<992xi32, #tpu.memory_space<vmem>>, vector<16xi32>,
      %parallel_loop3A_158 = arith.constant 128 : i32
      %parallel_loop3A_159 = vector.broadcast %parallel_loop3A_158 : i32 to vector<16xi32>
      %parallel_loop3A_160 = arith.muli %parallel_loop3A_153, %parallel_loop3A_159 : vector<16xi32>
      %parallel_loop3A_161 = arith.constant 128 : i32
      %parallel_loop3A_162 = vector.broadcast %parallel_loop3A_161 : i32 to vector<16xi32>
      %parallel_loop3A_163 = arith.muli %parallel_loop3A_157, %parallel_loop3A_162 : vector<16xi32>
      %parallel_loop3A_164 = arith.constant 0 : i32
      %parallel_loop3A_165 = arith.constant 8 : i32
      %parallel_loop3A_166 = arith.addi %parallel_loop3A_164, %parallel_loop3A_165 : i32
      %parallel_loop3A_167 = arith.constant 1 : i32
      %parallel_loop3A_168:4 = scf.for %scan3A_178 = %parallel_loop3A_164 to %parallel_loop3A_166 step %parallel_loop3A_167 iter_args(%scan3A_179 = %broadcast_in_dim3A_18, %scan3A_180 = %broadcast_in_dim3A_18, %scan3A_181 = %broadcast_in_dim3A_18, %scan3A_182 = %broadcast_in_dim3A_18) -> (vector<16xf32>, vector<16xf32>, vector<16xf32>, vector<16xf32>)  : i32 {
        %parallel_loop3A_183 = arith.constant 16 : i32
        %parallel_loop3A_184 = arith.muli %scan3A_178, %parallel_loop3A_183 : i32
        %parallel_loop3A_185 = arith.constant 0 : i32
        %parallel_loop3A_186 = arith.addi %parallel_loop3A_184, %parallel_loop3A_185 : i32
        %parallel_loop3A_187 = vector.broadcast %parallel_loop3A_186 : i32 to vector<16xi32>
        %parallel_loop3A_188 = arith.xori %iota3A, %parallel_loop3A_187 : vector<16xi32>
        %parallel_loop3A_189 = arith.constant 0 : i32
        %parallel_loop3A_190 = arith.addi %parallel_loop3A_184, %parallel_loop3A_189 : i32
        %parallel_loop3A_191 = arith.constant 16 : i32
        %parallel_loop3A_192 = arith.muli %parallel_loop3A_190, %parallel_loop3A_191 : i32
        %parallel_loop3A_193 = arith.index_cast %parallel_loop3A_192 : i32 to index
        %parallel_loop3A_194 = tpu.vector_load %arg16[%parallel_loop3A_193] {strides = array<i32>} : memref<2048xf32, #tpu.memory_space<vmem>>, vector<16xf32>,
        %parallel_loop3A_195 = arith.addi %parallel_loop3A_160, %parallel_loop3A_188 : vector<16xi32>
        %parallel_loop3A_196 = tpu.vector_load_idx %arg9[%parallel_loop3A_195] : memref<39936xf32, #tpu.memory_space<vmem>>[vector<16xi32>], vector<16xf32>,
        %parallel_loop3A_197 = arith.addi %parallel_loop3A_163, %parallel_loop3A_188 : vector<16xi32>
        %parallel_loop3A_198 = tpu.vector_load_idx %arg10[%parallel_loop3A_197] : memref<39936xf32, #tpu.memory_space<vmem>>[vector<16xi32>], vector<16xf32>,
        %parallel_loop3A_199 = arith.addf %parallel_loop3A_196, %parallel_loop3A_198 : vector<16xf32>
        %parallel_loop3A_200 = arith.constant 0.000000e+00 : f32
        %parallel_loop3A_201 = vector.broadcast %parallel_loop3A_200 : f32 to vector<16xf32>
        %parallel_loop3A_202 = arith.cmpf oge, %parallel_loop3A_199, %parallel_loop3A_201 : vector<16xf32>
        %parallel_loop3A_203 = arith.constant 2.000000e-01 : f32
        %parallel_loop3A_204 = vector.broadcast %parallel_loop3A_203 : f32 to vector<16xf32>
        %parallel_loop3A_205 = arith.mulf %parallel_loop3A_204, %parallel_loop3A_199 : vector<16xf32>
        %parallel_loop3A_206 = arith.select %parallel_loop3A_202, %parallel_loop3A_199, %parallel_loop3A_205 : vector<16xi1>, vector<16xf32>
        %parallel_loop3A_207 = arith.mulf %parallel_loop3A_194, %parallel_loop3A_206 : vector<16xf32>
        %parallel_loop3A_208 = arith.addf %scan3A_179, %parallel_loop3A_207 : vector<16xf32>
        %parallel_loop3A_209 = arith.constant 1 : i32
        %parallel_loop3A_210 = arith.addi %parallel_loop3A_184, %parallel_loop3A_209 : i32
        %parallel_loop3A_211 = vector.broadcast %parallel_loop3A_210 : i32 to vector<16xi32>
        %parallel_loop3A_212 = arith.xori %iota3A, %parallel_loop3A_211 : vector<16xi32>
        %parallel_loop3A_213 = arith.constant 1 : i32
        %parallel_loop3A_214 = arith.addi %parallel_loop3A_184, %parallel_loop3A_213 : i32
        %parallel_loop3A_215 = arith.constant 16 : i32
        %parallel_loop3A_216 = arith.muli %parallel_loop3A_214, %parallel_loop3A_215 : i32
        %parallel_loop3A_217 = arith.index_cast %parallel_loop3A_216 : i32 to index
        %parallel_loop3A_218 = tpu.vector_load %arg16[%parallel_loop3A_217] {strides = array<i32>} : memref<2048xf32, #tpu.memory_space<vmem>>, vector<16xf32>,
        %parallel_loop3A_219 = arith.addi %parallel_loop3A_160, %parallel_loop3A_212 : vector<16xi32>
        %parallel_loop3A_220 = tpu.vector_load_idx %arg9[%parallel_loop3A_219] : memref<39936xf32, #tpu.memory_space<vmem>>[vector<16xi32>], vector<16xf32>,
        %parallel_loop3A_221 = arith.addi %parallel_loop3A_163, %parallel_loop3A_212 : vector<16xi32>
        %parallel_loop3A_222 = tpu.vector_load_idx %arg10[%parallel_loop3A_221] : memref<39936xf32, #tpu.memory_space<vmem>>[vector<16xi32>], vector<16xf32>,
        %parallel_loop3A_223 = arith.addf %parallel_loop3A_220, %parallel_loop3A_222 : vector<16xf32>
        %parallel_loop3A_224 = arith.constant 0.000000e+00 : f32
        %parallel_loop3A_225 = vector.broadcast %parallel_loop3A_224 : f32 to vector<16xf32>
        %parallel_loop3A_226 = arith.cmpf oge, %parallel_loop3A_223, %parallel_loop3A_225 : vector<16xf32>
        %parallel_loop3A_227 = arith.constant 2.000000e-01 : f32
        %parallel_loop3A_228 = vector.broadcast %parallel_loop3A_227 : f32 to vector<16xf32>
        %parallel_loop3A_229 = arith.mulf %parallel_loop3A_228, %parallel_loop3A_223 : vector<16xf32>
        %parallel_loop3A_230 = arith.select %parallel_loop3A_226, %parallel_loop3A_223, %parallel_loop3A_229 : vector<16xi1>, vector<16xf32>
        %parallel_loop3A_231 = arith.mulf %parallel_loop3A_218, %parallel_loop3A_230 : vector<16xf32>
        %parallel_loop3A_232 = arith.addf %scan3A_180, %parallel_loop3A_231 : vector<16xf32>
        %parallel_loop3A_233 = arith.constant 2 : i32
        %parallel_loop3A_234 = arith.addi %parallel_loop3A_184, %parallel_loop3A_233 : i32
        %parallel_loop3A_235 = vector.broadcast %parallel_loop3A_234 : i32 to vector<16xi32>
        %parallel_loop3A_236 = arith.xori %iota3A, %parallel_loop3A_235 : vector<16xi32>
        %parallel_loop3A_237 = arith.constant 2 : i32
        %parallel_loop3A_238 = arith.addi %parallel_loop3A_184, %parallel_loop3A_237 : i32
        %parallel_loop3A_239 = arith.constant 16 : i32
        %parallel_loop3A_240 = arith.muli %parallel_loop3A_238, %parallel_loop3A_239 : i32
        %parallel_loop3A_241 = arith.index_cast %parallel_loop3A_240 : i32 to index
        %parallel_loop3A_242 = tpu.vector_load %arg16[%parallel_loop3A_241] {strides = array<i32>} : memref<2048xf32, #tpu.memory_space<vmem>>, vector<16xf32>,
        %parallel_loop3A_243 = arith.addi %parallel_loop3A_160, %parallel_loop3A_236 : vector<16xi32>
        %parallel_loop3A_244 = tpu.vector_load_idx %arg9[%parallel_loop3A_243] : memref<39936xf32, #tpu.memory_space<vmem>>[vector<16xi32>], vector<16xf32>,
        %parallel_loop3A_245 = arith.addi %parallel_loop3A_163, %parallel_loop3A_236 : vector<16xi32>
        %parallel_loop3A_246 = tpu.vector_load_idx %arg10[%parallel_loop3A_245] : memref<39936xf32, #tpu.memory_space<vmem>>[vector<16xi32>], vector<16xf32>,
        %parallel_loop3A_247 = arith.addf %parallel_loop3A_244, %parallel_loop3A_246 : vector<16xf32>
        %parallel_loop3A_248 = arith.constant 0.000000e+00 : f32
        %parallel_loop3A_249 = vector.broadcast %parallel_loop3A_248 : f32 to vector<16xf32>
        %parallel_loop3A_250 = arith.cmpf oge, %parallel_loop3A_247, %parallel_loop3A_249 : vector<16xf32>
        %parallel_loop3A_251 = arith.constant 2.000000e-01 : f32
        %parallel_loop3A_252 = vector.broadcast %parallel_loop3A_251 : f32 to vector<16xf32>
        %parallel_loop3A_253 = arith.mulf %parallel_loop3A_252, %parallel_loop3A_247 : vector<16xf32>
        %parallel_loop3A_254 = arith.select %parallel_loop3A_250, %parallel_loop3A_247, %parallel_loop3A_253 : vector<16xi1>, vector<16xf32>
        %parallel_loop3A_255 = arith.mulf %parallel_loop3A_242, %parallel_loop3A_254 : vector<16xf32>
        %parallel_loop3A_256 = arith.addf %scan3A_181, %parallel_loop3A_255 : vector<16xf32>
        %parallel_loop3A_257 = arith.constant 3 : i32
        %parallel_loop3A_258 = arith.addi %parallel_loop3A_184, %parallel_loop3A_257 : i32
        %parallel_loop3A_259 = vector.broadcast %parallel_loop3A_258 : i32 to vector<16xi32>
        %parallel_loop3A_260 = arith.xori %iota3A, %parallel_loop3A_259 : vector<16xi32>
        %parallel_loop3A_261 = arith.constant 3 : i32
        %parallel_loop3A_262 = arith.addi %parallel_loop3A_184, %parallel_loop3A_261 : i32
        %parallel_loop3A_263 = arith.constant 16 : i32
        %parallel_loop3A_264 = arith.muli %parallel_loop3A_262, %parallel_loop3A_263 : i32
        %parallel_loop3A_265 = arith.index_cast %parallel_loop3A_264 : i32 to index
        %parallel_loop3A_266 = tpu.vector_load %arg16[%parallel_loop3A_265] {strides = array<i32>} : memref<2048xf32, #tpu.memory_space<vmem>>, vector<16xf32>,
        %parallel_loop3A_267 = arith.addi %parallel_loop3A_160, %parallel_loop3A_260 : vector<16xi32>
        %parallel_loop3A_268 = tpu.vector_load_idx %arg9[%parallel_loop3A_267] : memref<39936xf32, #tpu.memory_space<vmem>>[vector<16xi32>], vector<16xf32>,
        %parallel_loop3A_269 = arith.addi %parallel_loop3A_163, %parallel_loop3A_260 : vector<16xi32>
        %parallel_loop3A_270 = tpu.vector_load_idx %arg10[%parallel_loop3A_269] : memref<39936xf32, #tpu.memory_space<vmem>>[vector<16xi32>], vector<16xf32>,
        %parallel_loop3A_271 = arith.addf %parallel_loop3A_268, %parallel_loop3A_270 : vector<16xf32>
        %parallel_loop3A_272 = arith.constant 0.000000e+00 : f32
        %parallel_loop3A_273 = vector.broadcast %parallel_loop3A_272 : f32 to vector<16xf32>
        %parallel_loop3A_274 = arith.cmpf oge, %parallel_loop3A_271, %parallel_loop3A_273 : vector<16xf32>
        %parallel_loop3A_275 = arith.constant 2.000000e-01 : f32
        %parallel_loop3A_276 = vector.broadcast %parallel_loop3A_275 : f32 to vector<16xf32>
        %parallel_loop3A_277 = arith.mulf %parallel_loop3A_276, %parallel_loop3A_271 : vector<16xf32>
        %parallel_loop3A_278 = arith.select %parallel_loop3A_274, %parallel_loop3A_271, %parallel_loop3A_277 : vector<16xi1>, vector<16xf32>
        %parallel_loop3A_279 = arith.mulf %parallel_loop3A_266, %parallel_loop3A_278 : vector<16xf32>
        %parallel_loop3A_280 = arith.addf %scan3A_182, %parallel_loop3A_279 : vector<16xf32>
        %parallel_loop3A_281 = arith.constant 4 : i32
        %parallel_loop3A_282 = arith.addi %parallel_loop3A_184, %parallel_loop3A_281 : i32
        %parallel_loop3A_283 = vector.broadcast %parallel_loop3A_282 : i32 to vector<16xi32>
        %parallel_loop3A_284 = arith.xori %iota3A, %parallel_loop3A_283 : vector<16xi32>
        %parallel_loop3A_285 = arith.constant 4 : i32
        %parallel_loop3A_286 = arith.addi %parallel_loop3A_184, %parallel_loop3A_285 : i32
        %parallel_loop3A_287 = arith.constant 16 : i32
        %parallel_loop3A_288 = arith.muli %parallel_loop3A_286, %parallel_loop3A_287 : i32
        %parallel_loop3A_289 = arith.index_cast %parallel_loop3A_288 : i32 to index
        %parallel_loop3A_290 = tpu.vector_load %arg16[%parallel_loop3A_289] {strides = array<i32>} : memref<2048xf32, #tpu.memory_space<vmem>>, vector<16xf32>,
        %parallel_loop3A_291 = arith.addi %parallel_loop3A_160, %parallel_loop3A_284 : vector<16xi32>
        %parallel_loop3A_292 = tpu.vector_load_idx %arg9[%parallel_loop3A_291] : memref<39936xf32, #tpu.memory_space<vmem>>[vector<16xi32>], vector<16xf32>,
        %parallel_loop3A_293 = arith.addi %parallel_loop3A_163, %parallel_loop3A_284 : vector<16xi32>
        %parallel_loop3A_294 = tpu.vector_load_idx %arg10[%parallel_loop3A_293] : memref<39936xf32, #tpu.memory_space<vmem>>[vector<16xi32>], vector<16xf32>,
        %parallel_loop3A_295 = arith.addf %parallel_loop3A_292, %parallel_loop3A_294 : vector<16xf32>
        %parallel_loop3A_296 = arith.constant 0.000000e+00 : f32
        %parallel_loop3A_297 = vector.broadcast %parallel_loop3A_296 : f32 to vector<16xf32>
        %parallel_loop3A_298 = arith.cmpf oge, %parallel_loop3A_295, %parallel_loop3A_297 : vector<16xf32>
        %parallel_loop3A_299 = arith.constant 2.000000e-01 : f32
        %parallel_loop3A_300 = vector.broadcast %parallel_loop3A_299 : f32 to vector<16xf32>
        %parallel_loop3A_301 = arith.mulf %parallel_loop3A_300, %parallel_loop3A_295 : vector<16xf32>
        %parallel_loop3A_302 = arith.select %parallel_loop3A_298, %parallel_loop3A_295, %parallel_loop3A_301 : vector<16xi1>, vector<16xf32>
        %parallel_loop3A_303 = arith.mulf %parallel_loop3A_290, %parallel_loop3A_302 : vector<16xf32>
        %parallel_loop3A_304 = arith.addf %parallel_loop3A_208, %parallel_loop3A_303 : vector<16xf32>
        %parallel_loop3A_305 = arith.constant 5 : i32
        %parallel_loop3A_306 = arith.addi %parallel_loop3A_184, %parallel_loop3A_305 : i32
        %parallel_loop3A_307 = vector.broadcast %parallel_loop3A_306 : i32 to vector<16xi32>
        %parallel_loop3A_308 = arith.xori %iota3A, %parallel_loop3A_307 : vector<16xi32>
        %parallel_loop3A_309 = arith.constant 5 : i32
        %parallel_loop3A_310 = arith.addi %parallel_loop3A_184, %parallel_loop3A_309 : i32
        %parallel_loop3A_311 = arith.constant 16 : i32
        %parallel_loop3A_312 = arith.muli %parallel_loop3A_310, %parallel_loop3A_311 : i32
        %parallel_loop3A_313 = arith.index_cast %parallel_loop3A_312 : i32 to index
        %parallel_loop3A_314 = tpu.vector_load %arg16[%parallel_loop3A_313] {strides = array<i32>} : memref<2048xf32, #tpu.memory_space<vmem>>, vector<16xf32>,
        %parallel_loop3A_315 = arith.addi %parallel_loop3A_160, %parallel_loop3A_308 : vector<16xi32>
        %parallel_loop3A_316 = tpu.vector_load_idx %arg9[%parallel_loop3A_315] : memref<39936xf32, #tpu.memory_space<vmem>>[vector<16xi32>], vector<16xf32>,
        %parallel_loop3A_317 = arith.addi %parallel_loop3A_163, %parallel_loop3A_308 : vector<16xi32>
        %parallel_loop3A_318 = tpu.vector_load_idx %arg10[%parallel_loop3A_317] : memref<39936xf32, #tpu.memory_space<vmem>>[vector<16xi32>], vector<16xf32>,
        %parallel_loop3A_319 = arith.addf %parallel_loop3A_316, %parallel_loop3A_318 : vector<16xf32>
        %parallel_loop3A_320 = arith.constant 0.000000e+00 : f32
        %parallel_loop3A_321 = vector.broadcast %parallel_loop3A_320 : f32 to vector<16xf32>
        %parallel_loop3A_322 = arith.cmpf oge, %parallel_loop3A_319, %parallel_loop3A_321 : vector<16xf32>
        %parallel_loop3A_323 = arith.constant 2.000000e-01 : f32
        %parallel_loop3A_324 = vector.broadcast %parallel_loop3A_323 : f32 to vector<16xf32>
        %parallel_loop3A_325 = arith.mulf %parallel_loop3A_324, %parallel_loop3A_319 : vector<16xf32>
        %parallel_loop3A_326 = arith.select %parallel_loop3A_322, %parallel_loop3A_319, %parallel_loop3A_325 : vector<16xi1>, vector<16xf32>
        %parallel_loop3A_327 = arith.mulf %parallel_loop3A_314, %parallel_loop3A_326 : vector<16xf32>
        %parallel_loop3A_328 = arith.addf %parallel_loop3A_232, %parallel_loop3A_327 : vector<16xf32>
        %parallel_loop3A_329 = arith.constant 6 : i32
        %parallel_loop3A_330 = arith.addi %parallel_loop3A_184, %parallel_loop3A_329 : i32
        %parallel_loop3A_331 = vector.broadcast %parallel_loop3A_330 : i32 to vector<16xi32>
        %parallel_loop3A_332 = arith.xori %iota3A, %parallel_loop3A_331 : vector<16xi32>
        %parallel_loop3A_333 = arith.constant 6 : i32
        %parallel_loop3A_334 = arith.addi %parallel_loop3A_184, %parallel_loop3A_333 : i32
        %parallel_loop3A_335 = arith.constant 16 : i32
        %parallel_loop3A_336 = arith.muli %parallel_loop3A_334, %parallel_loop3A_335 : i32
        %parallel_loop3A_337 = arith.index_cast %parallel_loop3A_336 : i32 to index
        %parallel_loop3A_338 = tpu.vector_load %arg16[%parallel_loop3A_337] {strides = array<i32>} : memref<2048xf32, #tpu.memory_space<vmem>>, vector<16xf32>,
        %parallel_loop3A_339 = arith.addi %parallel_loop3A_160, %parallel_loop3A_332 : vector<16xi32>
        %parallel_loop3A_340 = tpu.vector_load_idx %arg9[%parallel_loop3A_339] : memref<39936xf32, #tpu.memory_space<vmem>>[vector<16xi32>], vector<16xf32>,
        %parallel_loop3A_341 = arith.addi %parallel_loop3A_163, %parallel_loop3A_332 : vector<16xi32>
        %parallel_loop3A_342 = tpu.vector_load_idx %arg10[%parallel_loop3A_341] : memref<39936xf32, #tpu.memory_space<vmem>>[vector<16xi32>], vector<16xf32>,
        %parallel_loop3A_343 = arith.addf %parallel_loop3A_340, %parallel_loop3A_342 : vector<16xf32>
        %parallel_loop3A_344 = arith.constant 0.000000e+00 : f32
        %parallel_loop3A_345 = vector.broadcast %parallel_loop3A_344 : f32 to vector<16xf32>
        %parallel_loop3A_346 = arith.cmpf oge, %parallel_loop3A_343, %parallel_loop3A_345 : vector<16xf32>
        %parallel_loop3A_347 = arith.constant 2.000000e-01 : f32
        %parallel_loop3A_348 = vector.broadcast %parallel_loop3A_347 : f32 to vector<16xf32>
        %parallel_loop3A_349 = arith.mulf %parallel_loop3A_348, %parallel_loop3A_343 : vector<16xf32>
        %parallel_loop3A_350 = arith.select %parallel_loop3A_346, %parallel_loop3A_343, %parallel_loop3A_349 : vector<16xi1>, vector<16xf32>
        %parallel_loop3A_351 = arith.mulf %parallel_loop3A_338, %parallel_loop3A_350 : vector<16xf32>
        %parallel_loop3A_352 = arith.addf %parallel_loop3A_256, %parallel_loop3A_351 : vector<16xf32>
        %parallel_loop3A_353 = arith.constant 7 : i32
        %parallel_loop3A_354 = arith.addi %parallel_loop3A_184, %parallel_loop3A_353 : i32
        %parallel_loop3A_355 = vector.broadcast %parallel_loop3A_354 : i32 to vector<16xi32>
        %parallel_loop3A_356 = arith.xori %iota3A, %parallel_loop3A_355 : vector<16xi32>
        %parallel_loop3A_357 = arith.constant 7 : i32
        %parallel_loop3A_358 = arith.addi %parallel_loop3A_184, %parallel_loop3A_357 : i32
        %parallel_loop3A_359 = arith.constant 16 : i32
        %parallel_loop3A_360 = arith.muli %parallel_loop3A_358, %parallel_loop3A_359 : i32
        %parallel_loop3A_361 = arith.index_cast %parallel_loop3A_360 : i32 to index
        %parallel_loop3A_362 = tpu.vector_load %arg16[%parallel_loop3A_361] {strides = array<i32>} : memref<2048xf32, #tpu.memory_space<vmem>>, vector<16xf32>,
        %parallel_loop3A_363 = arith.addi %parallel_loop3A_160, %parallel_loop3A_356 : vector<16xi32>
        %parallel_loop3A_364 = tpu.vector_load_idx %arg9[%parallel_loop3A_363] : memref<39936xf32, #tpu.memory_space<vmem>>[vector<16xi32>], vector<16xf32>,
        %parallel_loop3A_365 = arith.addi %parallel_loop3A_163, %parallel_loop3A_356 : vector<16xi32>
        %parallel_loop3A_366 = tpu.vector_load_idx %arg10[%parallel_loop3A_365] : memref<39936xf32, #tpu.memory_space<vmem>>[vector<16xi32>], vector<16xf32>,
        %parallel_loop3A_367 = arith.addf %parallel_loop3A_364, %parallel_loop3A_366 : vector<16xf32>
        %parallel_loop3A_368 = arith.constant 0.000000e+00 : f32
        %parallel_loop3A_369 = vector.broadcast %parallel_loop3A_368 : f32 to vector<16xf32>
        %parallel_loop3A_370 = arith.cmpf oge, %parallel_loop3A_367, %parallel_loop3A_369 : vector<16xf32>
        %parallel_loop3A_371 = arith.constant 2.000000e-01 : f32
        %parallel_loop3A_372 = vector.broadcast %parallel_loop3A_371 : f32 to vector<16xf32>
        %parallel_loop3A_373 = arith.mulf %parallel_loop3A_372, %parallel_loop3A_367 : vector<16xf32>
        %parallel_loop3A_374 = arith.select %parallel_loop3A_370, %parallel_loop3A_367, %parallel_loop3A_373 : vector<16xi1>, vector<16xf32>
        %parallel_loop3A_375 = arith.mulf %parallel_loop3A_362, %parallel_loop3A_374 : vector<16xf32>
        %parallel_loop3A_376 = arith.addf %parallel_loop3A_280, %parallel_loop3A_375 : vector<16xf32>
        %parallel_loop3A_377 = arith.constant 8 : i32
        %parallel_loop3A_378 = arith.addi %parallel_loop3A_184, %parallel_loop3A_377 : i32
        %parallel_loop3A_379 = vector.broadcast %parallel_loop3A_378 : i32 to vector<16xi32>
        %parallel_loop3A_380 = arith.xori %iota3A, %parallel_loop3A_379 : vector<16xi32>
        %parallel_loop3A_381 = arith.constant 8 : i32
        %parallel_loop3A_382 = arith.addi %parallel_loop3A_184, %parallel_loop3A_381 : i32
        %parallel_loop3A_383 = arith.constant 16 : i32
        %parallel_loop3A_384 = arith.muli %parallel_loop3A_382, %parallel_loop3A_383 : i32
        %parallel_loop3A_385 = arith.index_cast %parallel_loop3A_384 : i32 to index
        %parallel_loop3A_386 = tpu.vector_load %arg16[%parallel_loop3A_385] {strides = array<i32>} : memref<2048xf32, #tpu.memory_space<vmem>>, vector<16xf32>,
        %parallel_loop3A_387 = arith.addi %parallel_loop3A_160, %parallel_loop3A_380 : vector<16xi32>
        %parallel_loop3A_388 = tpu.vector_load_idx %arg9[%parallel_loop3A_387] : memref<39936xf32, #tpu.memory_space<vmem>>[vector<16xi32>], vector<16xf32>,
        %parallel_loop3A_389 = arith.addi %parallel_loop3A_163, %parallel_loop3A_380 : vector<16xi32>
        %parallel_loop3A_390 = tpu.vector_load_idx %arg10[%parallel_loop3A_389] : memref<39936xf32, #tpu.memory_space<vmem>>[vector<16xi32>], vector<16xf32>,
        %parallel_loop3A_391 = arith.addf %parallel_loop3A_388, %parallel_loop3A_390 : vector<16xf32>
        %parallel_loop3A_392 = arith.constant 0.000000e+00 : f32
        %parallel_loop3A_393 = vector.broadcast %parallel_loop3A_392 : f32 to vector<16xf32>
        %parallel_loop3A_394 = arith.cmpf oge, %parallel_loop3A_391, %parallel_loop3A_393 : vector<16xf32>
        %parallel_loop3A_395 = arith.constant 2.000000e-01 : f32
        %parallel_loop3A_396 = vector.broadcast %parallel_loop3A_395 : f32 to vector<16xf32>
        %parallel_loop3A_397 = arith.mulf %parallel_loop3A_396, %parallel_loop3A_391 : vector<16xf32>
        %parallel_loop3A_398 = arith.select %parallel_loop3A_394, %parallel_loop3A_391, %parallel_loop3A_397 : vector<16xi1>, vector<16xf32>
        %parallel_loop3A_399 = arith.mulf %parallel_loop3A_386, %parallel_loop3A_398 : vector<16xf32>
        %parallel_loop3A_400 = arith.addf %parallel_loop3A_304, %parallel_loop3A_399 : vector<16xf32>
        %parallel_loop3A_401 = arith.constant 9 : i32
        %parallel_loop3A_402 = arith.addi %parallel_loop3A_184, %parallel_loop3A_401 : i32
        %parallel_loop3A_403 = vector.broadcast %parallel_loop3A_402 : i32 to vector<16xi32>
        %parallel_loop3A_404 = arith.xori %iota3A, %parallel_loop3A_403 : vector<16xi32>
        %parallel_loop3A_405 = arith.constant 9 : i32
        %parallel_loop3A_406 = arith.addi %parallel_loop3A_184, %parallel_loop3A_405 : i32
        %parallel_loop3A_407 = arith.constant 16 : i32
        %parallel_loop3A_408 = arith.muli %parallel_loop3A_406, %parallel_loop3A_407 : i32
        %parallel_loop3A_409 = arith.index_cast %parallel_loop3A_408 : i32 to index
        %parallel_loop3A_410 = tpu.vector_load %arg16[%parallel_loop3A_409] {strides = array<i32>} : memref<2048xf32, #tpu.memory_space<vmem>>, vector<16xf32>,
        %parallel_loop3A_411 = arith.addi %parallel_loop3A_160, %parallel_loop3A_404 : vector<16xi32>
        %parallel_loop3A_412 = tpu.vector_load_idx %arg9[%parallel_loop3A_411] : memref<39936xf32, #tpu.memory_space<vmem>>[vector<16xi32>], vector<16xf32>,
        %parallel_loop3A_413 = arith.addi %parallel_loop3A_163, %parallel_loop3A_404 : vector<16xi32>
        %parallel_loop3A_414 = tpu.vector_load_idx %arg10[%parallel_loop3A_413] : memref<39936xf32, #tpu.memory_space<vmem>>[vector<16xi32>], vector<16xf32>,
        %parallel_loop3A_415 = arith.addf %parallel_loop3A_412, %parallel_loop3A_414 : vector<16xf32>
        %parallel_loop3A_416 = arith.constant 0.000000e+00 : f32
        %parallel_loop3A_417 = vector.broadcast %parallel_loop3A_416 : f32 to vector<16xf32>
        %parallel_loop3A_418 = arith.cmpf oge, %parallel_loop3A_415, %parallel_loop3A_417 : vector<16xf32>
        %parallel_loop3A_419 = arith.constant 2.000000e-01 : f32
        %parallel_loop3A_420 = vector.broadcast %parallel_loop3A_419 : f32 to vector<16xf32>
        %parallel_loop3A_421 = arith.mulf %parallel_loop3A_420, %parallel_loop3A_415 : vector<16xf32>
        %parallel_loop3A_422 = arith.select %parallel_loop3A_418, %parallel_loop3A_415, %parallel_loop3A_421 : vector<16xi1>, vector<16xf32>
        %parallel_loop3A_423 = arith.mulf %parallel_loop3A_410, %parallel_loop3A_422 : vector<16xf32>
        %parallel_loop3A_424 = arith.addf %parallel_loop3A_328, %parallel_loop3A_423 : vector<16xf32>
        %parallel_loop3A_425 = arith.constant 10 : i32
        %parallel_loop3A_426 = arith.addi %parallel_loop3A_184, %parallel_loop3A_425 : i32
        %parallel_loop3A_427 = vector.broadcast %parallel_loop3A_426 : i32 to vector<16xi32>
        %parallel_loop3A_428 = arith.xori %iota3A, %parallel_loop3A_427 : vector<16xi32>
        %parallel_loop3A_429 = arith.constant 10 : i32
        %parallel_loop3A_430 = arith.addi %parallel_loop3A_184, %parallel_loop3A_429 : i32
        %parallel_loop3A_431 = arith.constant 16 : i32
        %parallel_loop3A_432 = arith.muli %parallel_loop3A_430, %parallel_loop3A_431 : i32
        %parallel_loop3A_433 = arith.index_cast %parallel_loop3A_432 : i32 to index
        %parallel_loop3A_434 = tpu.vector_load %arg16[%parallel_loop3A_433] {strides = array<i32>} : memref<2048xf32, #tpu.memory_space<vmem>>, vector<16xf32>,
        %parallel_loop3A_435 = arith.addi %parallel_loop3A_160, %parallel_loop3A_428 : vector<16xi32>
        %parallel_loop3A_436 = tpu.vector_load_idx %arg9[%parallel_loop3A_435] : memref<39936xf32, #tpu.memory_space<vmem>>[vector<16xi32>], vector<16xf32>,
        %parallel_loop3A_437 = arith.addi %parallel_loop3A_163, %parallel_loop3A_428 : vector<16xi32>
        %parallel_loop3A_438 = tpu.vector_load_idx %arg10[%parallel_loop3A_437] : memref<39936xf32, #tpu.memory_space<vmem>>[vector<16xi32>], vector<16xf32>,
        %parallel_loop3A_439 = arith.addf %parallel_loop3A_436, %parallel_loop3A_438 : vector<16xf32>
        %parallel_loop3A_440 = arith.constant 0.000000e+00 : f32
        %parallel_loop3A_441 = vector.broadcast %parallel_loop3A_440 : f32 to vector<16xf32>
        %parallel_loop3A_442 = arith.cmpf oge, %parallel_loop3A_439, %parallel_loop3A_441 : vector<16xf32>
        %parallel_loop3A_443 = arith.constant 2.000000e-01 : f32
        %parallel_loop3A_444 = vector.broadcast %parallel_loop3A_443 : f32 to vector<16xf32>
        %parallel_loop3A_445 = arith.mulf %parallel_loop3A_444, %parallel_loop3A_439 : vector<16xf32>
        %parallel_loop3A_446 = arith.select %parallel_loop3A_442, %parallel_loop3A_439, %parallel_loop3A_445 : vector<16xi1>, vector<16xf32>
        %parallel_loop3A_447 = arith.mulf %parallel_loop3A_434, %parallel_loop3A_446 : vector<16xf32>
        %parallel_loop3A_448 = arith.addf %parallel_loop3A_352, %parallel_loop3A_447 : vector<16xf32>
        %parallel_loop3A_449 = arith.constant 11 : i32
        %parallel_loop3A_450 = arith.addi %parallel_loop3A_184, %parallel_loop3A_449 : i32
        %parallel_loop3A_451 = vector.broadcast %parallel_loop3A_450 : i32 to vector<16xi32>
        %parallel_loop3A_452 = arith.xori %iota3A, %parallel_loop3A_451 : vector<16xi32>
        %parallel_loop3A_453 = arith.constant 11 : i32
        %parallel_loop3A_454 = arith.addi %parallel_loop3A_184, %parallel_loop3A_453 : i32
        %parallel_loop3A_455 = arith.constant 16 : i32
        %parallel_loop3A_456 = arith.muli %parallel_loop3A_454, %parallel_loop3A_455 : i32
        %parallel_loop3A_457 = arith.index_cast %parallel_loop3A_456 : i32 to index
        %parallel_loop3A_458 = tpu.vector_load %arg16[%parallel_loop3A_457] {strides = array<i32>} : memref<2048xf32, #tpu.memory_space<vmem>>, vector<16xf32>,
        %parallel_loop3A_459 = arith.addi %parallel_loop3A_160, %parallel_loop3A_452 : vector<16xi32>
        %parallel_loop3A_460 = tpu.vector_load_idx %arg9[%parallel_loop3A_459] : memref<39936xf32, #tpu.memory_space<vmem>>[vector<16xi32>], vector<16xf32>,
        %parallel_loop3A_461 = arith.addi %parallel_loop3A_163, %parallel_loop3A_452 : vector<16xi32>
        %parallel_loop3A_462 = tpu.vector_load_idx %arg10[%parallel_loop3A_461] : memref<39936xf32, #tpu.memory_space<vmem>>[vector<16xi32>], vector<16xf32>,
        %parallel_loop3A_463 = arith.addf %parallel_loop3A_460, %parallel_loop3A_462 : vector<16xf32>
        %parallel_loop3A_464 = arith.constant 0.000000e+00 : f32
        %parallel_loop3A_465 = vector.broadcast %parallel_loop3A_464 : f32 to vector<16xf32>
        %parallel_loop3A_466 = arith.cmpf oge, %parallel_loop3A_463, %parallel_loop3A_465 : vector<16xf32>
        %parallel_loop3A_467 = arith.constant 2.000000e-01 : f32
        %parallel_loop3A_468 = vector.broadcast %parallel_loop3A_467 : f32 to vector<16xf32>
        %parallel_loop3A_469 = arith.mulf %parallel_loop3A_468, %parallel_loop3A_463 : vector<16xf32>
        %parallel_loop3A_470 = arith.select %parallel_loop3A_466, %parallel_loop3A_463, %parallel_loop3A_469 : vector<16xi1>, vector<16xf32>
        %parallel_loop3A_471 = arith.mulf %parallel_loop3A_458, %parallel_loop3A_470 : vector<16xf32>
        %parallel_loop3A_472 = arith.addf %parallel_loop3A_376, %parallel_loop3A_471 : vector<16xf32>
        %parallel_loop3A_473 = arith.constant 12 : i32
        %parallel_loop3A_474 = arith.addi %parallel_loop3A_184, %parallel_loop3A_473 : i32
        %parallel_loop3A_475 = vector.broadcast %parallel_loop3A_474 : i32 to vector<16xi32>
        %parallel_loop3A_476 = arith.xori %iota3A, %parallel_loop3A_475 : vector<16xi32>
        %parallel_loop3A_477 = arith.constant 12 : i32
        %parallel_loop3A_478 = arith.addi %parallel_loop3A_184, %parallel_loop3A_477 : i32
        %parallel_loop3A_479 = arith.constant 16 : i32
        %parallel_loop3A_480 = arith.muli %parallel_loop3A_478, %parallel_loop3A_479 : i32
        %parallel_loop3A_481 = arith.index_cast %parallel_loop3A_480 : i32 to index
        %parallel_loop3A_482 = tpu.vector_load %arg16[%parallel_loop3A_481] {strides = array<i32>} : memref<2048xf32, #tpu.memory_space<vmem>>, vector<16xf32>,
        %parallel_loop3A_483 = arith.addi %parallel_loop3A_160, %parallel_loop3A_476 : vector<16xi32>
        %parallel_loop3A_484 = tpu.vector_load_idx %arg9[%parallel_loop3A_483] : memref<39936xf32, #tpu.memory_space<vmem>>[vector<16xi32>], vector<16xf32>,
        %parallel_loop3A_485 = arith.addi %parallel_loop3A_163, %parallel_loop3A_476 : vector<16xi32>
        %parallel_loop3A_486 = tpu.vector_load_idx %arg10[%parallel_loop3A_485] : memref<39936xf32, #tpu.memory_space<vmem>>[vector<16xi32>], vector<16xf32>,
        %parallel_loop3A_487 = arith.addf %parallel_loop3A_484, %parallel_loop3A_486 : vector<16xf32>
        %parallel_loop3A_488 = arith.constant 0.000000e+00 : f32
        %parallel_loop3A_489 = vector.broadcast %parallel_loop3A_488 : f32 to vector<16xf32>
        %parallel_loop3A_490 = arith.cmpf oge, %parallel_loop3A_487, %parallel_loop3A_489 : vector<16xf32>
        %parallel_loop3A_491 = arith.constant 2.000000e-01 : f32
        %parallel_loop3A_492 = vector.broadcast %parallel_loop3A_491 : f32 to vector<16xf32>
        %parallel_loop3A_493 = arith.mulf %parallel_loop3A_492, %parallel_loop3A_487 : vector<16xf32>
        %parallel_loop3A_494 = arith.select %parallel_loop3A_490, %parallel_loop3A_487, %parallel_loop3A_493 : vector<16xi1>, vector<16xf32>
        %parallel_loop3A_495 = arith.mulf %parallel_loop3A_482, %parallel_loop3A_494 : vector<16xf32>
        %parallel_loop3A_496 = arith.addf %parallel_loop3A_400, %parallel_loop3A_495 : vector<16xf32>
        %parallel_loop3A_497 = arith.constant 13 : i32
        %parallel_loop3A_498 = arith.addi %parallel_loop3A_184, %parallel_loop3A_497 : i32
        %parallel_loop3A_499 = vector.broadcast %parallel_loop3A_498 : i32 to vector<16xi32>
        %parallel_loop3A_500 = arith.xori %iota3A, %parallel_loop3A_499 : vector<16xi32>
        %parallel_loop3A_501 = arith.constant 13 : i32
        %parallel_loop3A_502 = arith.addi %parallel_loop3A_184, %parallel_loop3A_501 : i32
        %parallel_loop3A_503 = arith.constant 16 : i32
        %parallel_loop3A_504 = arith.muli %parallel_loop3A_502, %parallel_loop3A_503 : i32
        %parallel_loop3A_505 = arith.index_cast %parallel_loop3A_504 : i32 to index
        %parallel_loop3A_506 = tpu.vector_load %arg16[%parallel_loop3A_505] {strides = array<i32>} : memref<2048xf32, #tpu.memory_space<vmem>>, vector<16xf32>,
        %parallel_loop3A_507 = arith.addi %parallel_loop3A_160, %parallel_loop3A_500 : vector<16xi32>
        %parallel_loop3A_508 = tpu.vector_load_idx %arg9[%parallel_loop3A_507] : memref<39936xf32, #tpu.memory_space<vmem>>[vector<16xi32>], vector<16xf32>,
        %parallel_loop3A_509 = arith.addi %parallel_loop3A_163, %parallel_loop3A_500 : vector<16xi32>
        %parallel_loop3A_510 = tpu.vector_load_idx %arg10[%parallel_loop3A_509] : memref<39936xf32, #tpu.memory_space<vmem>>[vector<16xi32>], vector<16xf32>,
        %parallel_loop3A_511 = arith.addf %parallel_loop3A_508, %parallel_loop3A_510 : vector<16xf32>
        %parallel_loop3A_512 = arith.constant 0.000000e+00 : f32
        %parallel_loop3A_513 = vector.broadcast %parallel_loop3A_512 : f32 to vector<16xf32>
        %parallel_loop3A_514 = arith.cmpf oge, %parallel_loop3A_511, %parallel_loop3A_513 : vector<16xf32>
        %parallel_loop3A_515 = arith.constant 2.000000e-01 : f32
        %parallel_loop3A_516 = vector.broadcast %parallel_loop3A_515 : f32 to vector<16xf32>
        %parallel_loop3A_517 = arith.mulf %parallel_loop3A_516, %parallel_loop3A_511 : vector<16xf32>
        %parallel_loop3A_518 = arith.select %parallel_loop3A_514, %parallel_loop3A_511, %parallel_loop3A_517 : vector<16xi1>, vector<16xf32>
        %parallel_loop3A_519 = arith.mulf %parallel_loop3A_506, %parallel_loop3A_518 : vector<16xf32>
        %parallel_loop3A_520 = arith.addf %parallel_loop3A_424, %parallel_loop3A_519 : vector<16xf32>
        %parallel_loop3A_521 = arith.constant 14 : i32
        %parallel_loop3A_522 = arith.addi %parallel_loop3A_184, %parallel_loop3A_521 : i32
        %parallel_loop3A_523 = vector.broadcast %parallel_loop3A_522 : i32 to vector<16xi32>
        %parallel_loop3A_524 = arith.xori %iota3A, %parallel_loop3A_523 : vector<16xi32>
        %parallel_loop3A_525 = arith.constant 14 : i32
        %parallel_loop3A_526 = arith.addi %parallel_loop3A_184, %parallel_loop3A_525 : i32
        %parallel_loop3A_527 = arith.constant 16 : i32
        %parallel_loop3A_528 = arith.muli %parallel_loop3A_526, %parallel_loop3A_527 : i32
        %parallel_loop3A_529 = arith.index_cast %parallel_loop3A_528 : i32 to index
        %parallel_loop3A_530 = tpu.vector_load %arg16[%parallel_loop3A_529] {strides = array<i32>} : memref<2048xf32, #tpu.memory_space<vmem>>, vector<16xf32>,
        %parallel_loop3A_531 = arith.addi %parallel_loop3A_160, %parallel_loop3A_524 : vector<16xi32>
        %parallel_loop3A_532 = tpu.vector_load_idx %arg9[%parallel_loop3A_531] : memref<39936xf32, #tpu.memory_space<vmem>>[vector<16xi32>], vector<16xf32>,
        %parallel_loop3A_533 = arith.addi %parallel_loop3A_163, %parallel_loop3A_524 : vector<16xi32>
        %parallel_loop3A_534 = tpu.vector_load_idx %arg10[%parallel_loop3A_533] : memref<39936xf32, #tpu.memory_space<vmem>>[vector<16xi32>], vector<16xf32>,
        %parallel_loop3A_535 = arith.addf %parallel_loop3A_532, %parallel_loop3A_534 : vector<16xf32>
        %parallel_loop3A_536 = arith.constant 0.000000e+00 : f32
        %parallel_loop3A_537 = vector.broadcast %parallel_loop3A_536 : f32 to vector<16xf32>
        %parallel_loop3A_538 = arith.cmpf oge, %parallel_loop3A_535, %parallel_loop3A_537 : vector<16xf32>
        %parallel_loop3A_539 = arith.constant 2.000000e-01 : f32
        %parallel_loop3A_540 = vector.broadcast %parallel_loop3A_539 : f32 to vector<16xf32>
        %parallel_loop3A_541 = arith.mulf %parallel_loop3A_540, %parallel_loop3A_535 : vector<16xf32>
        %parallel_loop3A_542 = arith.select %parallel_loop3A_538, %parallel_loop3A_535, %parallel_loop3A_541 : vector<16xi1>, vector<16xf32>
        %parallel_loop3A_543 = arith.mulf %parallel_loop3A_530, %parallel_loop3A_542 : vector<16xf32>
        %parallel_loop3A_544 = arith.addf %parallel_loop3A_448, %parallel_loop3A_543 : vector<16xf32>
        %parallel_loop3A_545 = arith.constant 15 : i32
        %parallel_loop3A_546 = arith.addi %parallel_loop3A_184, %parallel_loop3A_545 : i32
        %parallel_loop3A_547 = vector.broadcast %parallel_loop3A_546 : i32 to vector<16xi32>
        %parallel_loop3A_548 = arith.xori %iota3A, %parallel_loop3A_547 : vector<16xi32>
        %parallel_loop3A_549 = arith.constant 15 : i32
        %parallel_loop3A_550 = arith.addi %parallel_loop3A_184, %parallel_loop3A_549 : i32
        %parallel_loop3A_551 = arith.constant 16 : i32
        %parallel_loop3A_552 = arith.muli %parallel_loop3A_550, %parallel_loop3A_551 : i32
        %parallel_loop3A_553 = arith.index_cast %parallel_loop3A_552 : i32 to index
        %parallel_loop3A_554 = tpu.vector_load %arg16[%parallel_loop3A_553] {strides = array<i32>} : memref<2048xf32, #tpu.memory_space<vmem>>, vector<16xf32>,
        %parallel_loop3A_555 = arith.addi %parallel_loop3A_160, %parallel_loop3A_548 : vector<16xi32>
        %parallel_loop3A_556 = tpu.vector_load_idx %arg9[%parallel_loop3A_555] : memref<39936xf32, #tpu.memory_space<vmem>>[vector<16xi32>], vector<16xf32>,
        %parallel_loop3A_557 = arith.addi %parallel_loop3A_163, %parallel_loop3A_548 : vector<16xi32>
        %parallel_loop3A_558 = tpu.vector_load_idx %arg10[%parallel_loop3A_557] : memref<39936xf32, #tpu.memory_space<vmem>>[vector<16xi32>], vector<16xf32>,
        %parallel_loop3A_559 = arith.addf %parallel_loop3A_556, %parallel_loop3A_558 : vector<16xf32>
        %parallel_loop3A_560 = arith.constant 0.000000e+00 : f32
        %parallel_loop3A_561 = vector.broadcast %parallel_loop3A_560 : f32 to vector<16xf32>
        %parallel_loop3A_562 = arith.cmpf oge, %parallel_loop3A_559, %parallel_loop3A_561 : vector<16xf32>
        %parallel_loop3A_563 = arith.constant 2.000000e-01 : f32
        %parallel_loop3A_564 = vector.broadcast %parallel_loop3A_563 : f32 to vector<16xf32>
        %parallel_loop3A_565 = arith.mulf %parallel_loop3A_564, %parallel_loop3A_559 : vector<16xf32>
        %parallel_loop3A_566 = arith.select %parallel_loop3A_562, %parallel_loop3A_559, %parallel_loop3A_565 : vector<16xi1>, vector<16xf32>
        %parallel_loop3A_567 = arith.mulf %parallel_loop3A_554, %parallel_loop3A_566 : vector<16xf32>
        %parallel_loop3A_568 = arith.addf %parallel_loop3A_472, %parallel_loop3A_567 : vector<16xf32>
        scf.yield %parallel_loop3A_496, %parallel_loop3A_520, %parallel_loop3A_544, %parallel_loop3A_568 : vector<16xf32>, vector<16xf32>, vector<16xf32>, vector<16xf32>
      }
      %parallel_loop3A_169 = arith.constant 8 : i32
      %parallel_loop3A_170 = arith.addf %parallel_loop3A_168#0, %parallel_loop3A_168#1 : vector<16xf32>
      %parallel_loop3A_171 = arith.addf %parallel_loop3A_168#2, %parallel_loop3A_168#3 : vector<16xf32>
      %parallel_loop3A_172 = arith.addf %parallel_loop3A_170, %parallel_loop3A_171 : vector<16xf32>
      %parallel_loop3A_173 = arith.constant 16 : i32
      %parallel_loop3A_174 = arith.muli %parallel_loop3A_148, %parallel_loop3A_173 : i32
      %parallel_loop3A_175 = arith.index_cast %parallel_loop3A_174 : i32 to index
      %parallel_loop3A_176 = tpu.vector_load %arg14[%parallel_loop3A_175] {strides = array<i32>} : memref<992xf32, #tpu.memory_space<vmem>>, vector<16xf32>,
      tpu.vector_store %arg14[%parallel_loop3A_175], %parallel_loop3A_172 {strides = array<i32>} : memref<992xf32, #tpu.memory_space<vmem>>, vector<16xf32>,
      %parallel_loop3A_177 = arith.maximumf %parallel_loop3A_149, %parallel_loop3A_172 : vector<16xf32>
      scf.yield %parallel_loop3A_177 : vector<16xf32>
    } {sc.loop_unroll_factor = 2 : i64, sc.parallel_access}
    %reduce_max3A = arith.constant true
    %reduce_max3A_67 = vector.broadcast %reduce_max3A : i1 to vector<16xi1>
    %reduce_max3A_68 = tpu.scan <max>, %parallel_loop3A_66 masked %reduce_max3A_67 : vector<16xf32>, vector<16xi1> -> vector<16xf32>
    %reduce_max3A_69 = vector.extract %reduce_max3A_68[15] : f32 from vector<16xf32>
    %parallel_loop3A_70 = arith.constant 0 : i32
    %parallel_loop3A_71 = arith.constant 62 : i32
    %parallel_loop3A_72 = arith.constant 1 : i32
    %parallel_loop3A_73 = arith.constant 0 : i32
    %parallel_loop3A_74 = scf.for %parallel_loop3A_148 = %parallel_loop3A_70 to %parallel_loop3A_71 step %parallel_loop3A_72 iter_args(%parallel_loop3A_149 = %parallel_loop3A_73) -> (i32)  : i32 {
      %parallel_loop3A_150 = arith.constant 16 : i32
      %parallel_loop3A_151 = arith.muli %parallel_loop3A_148, %parallel_loop3A_150 : i32
      %parallel_loop3A_152 = arith.index_cast %parallel_loop3A_151 : i32 to index
      %parallel_loop3A_153 = tpu.vector_load %arg13[%parallel_loop3A_152] {strides = array<i32>} : memref<992xi32, #tpu.memory_space<vmem>>, vector<16xi32>,
      %parallel_loop3A_154 = arith.constant 16 : i32
      %parallel_loop3A_155 = arith.muli %parallel_loop3A_148, %parallel_loop3A_154 : i32
      %parallel_loop3A_156 = arith.index_cast %parallel_loop3A_155 : i32 to index
      %parallel_loop3A_157 = tpu.vector_load %arg14[%parallel_loop3A_156] {strides = array<i32>} : memref<992xf32, #tpu.memory_space<vmem>>, vector<16xf32>,
      %parallel_loop3A_158 = vector.broadcast %reduce_max3A_69 : f32 to vector<16xf32>
      %parallel_loop3A_159 = arith.subf %parallel_loop3A_157, %parallel_loop3A_158 : vector<16xf32>
      %parallel_loop3A_160 = math.exp %parallel_loop3A_159 : vector<16xf32>
      %parallel_loop3A_161 = arith.constant 16 : i32
      %parallel_loop3A_162 = arith.muli %parallel_loop3A_148, %parallel_loop3A_161 : i32
      %parallel_loop3A_163 = arith.index_cast %parallel_loop3A_162 : i32 to index
      %parallel_loop3A_164 = tpu.vector_load %arg14[%parallel_loop3A_163] {strides = array<i32>} : memref<992xf32, #tpu.memory_space<vmem>>, vector<16xf32>,
      tpu.vector_store %arg14[%parallel_loop3A_163], %parallel_loop3A_160 {strides = array<i32>} : memref<992xf32, #tpu.memory_space<vmem>>, vector<16xf32>,
      tpu.vector_store_idx %arg15[%parallel_loop3A_153], %parallel_loop3A_160 {add = true} : memref<320xf32, #tpu.memory_space<vmem>>[vector<16xi32>], vector<16xf32>,
      scf.yield %parallel_loop3A_149 : i32
    } {sc.loop_unroll_factor = 1 : i64, sc.parallel_access}
    %parallel_loop3A_75 = arith.constant 0 : i32
    %parallel_loop3A_76 = arith.constant 62 : i32
    %parallel_loop3A_77 = arith.constant 1 : i32
    %parallel_loop3A_78 = arith.constant 0 : i32
    %parallel_loop3A_79 = scf.for %parallel_loop3A_148 = %parallel_loop3A_75 to %parallel_loop3A_76 step %parallel_loop3A_77 iter_args(%parallel_loop3A_149 = %parallel_loop3A_78) -> (i32)  : i32 {
      %parallel_loop3A_150 = arith.constant 16 : i32
      %parallel_loop3A_151 = arith.muli %parallel_loop3A_148, %parallel_loop3A_150 : i32
      %parallel_loop3A_152 = arith.index_cast %parallel_loop3A_151 : i32 to index
      %parallel_loop3A_153 = tpu.vector_load %arg12[%parallel_loop3A_152] {strides = array<i32>} : memref<992xi32, #tpu.memory_space<vmem>>, vector<16xi32>,
      %parallel_loop3A_154 = arith.constant 16 : i32
      %parallel_loop3A_155 = arith.muli %parallel_loop3A_148, %parallel_loop3A_154 : i32
      %parallel_loop3A_156 = arith.index_cast %parallel_loop3A_155 : i32 to index
      %parallel_loop3A_157 = tpu.vector_load %arg13[%parallel_loop3A_156] {strides = array<i32>} : memref<992xi32, #tpu.memory_space<vmem>>, vector<16xi32>,
      %parallel_loop3A_158 = arith.constant 128 : i32
      %parallel_loop3A_159 = vector.broadcast %parallel_loop3A_158 : i32 to vector<16xi32>
      %parallel_loop3A_160 = arith.muli %parallel_loop3A_153, %parallel_loop3A_159 : vector<16xi32>
      %parallel_loop3A_161 = arith.constant 128 : i32
      %parallel_loop3A_162 = vector.broadcast %parallel_loop3A_161 : i32 to vector<16xi32>
      %parallel_loop3A_163 = arith.muli %parallel_loop3A_157, %parallel_loop3A_162 : vector<16xi32>
      %parallel_loop3A_164 = arith.constant 16 : i32
      %parallel_loop3A_165 = arith.muli %parallel_loop3A_148, %parallel_loop3A_164 : i32
      %parallel_loop3A_166 = arith.index_cast %parallel_loop3A_165 : i32 to index
      %parallel_loop3A_167 = tpu.vector_load %arg14[%parallel_loop3A_166] {strides = array<i32>} : memref<992xf32, #tpu.memory_space<vmem>>, vector<16xf32>,
      %parallel_loop3A_168 = tpu.vector_load_idx %arg15[%parallel_loop3A_157] : memref<320xf32, #tpu.memory_space<vmem>>[vector<16xi32>], vector<16xf32>,
      %parallel_loop3A_169 = arith.constant 1.000000e-16 : f32
      %parallel_loop3A_170 = vector.broadcast %parallel_loop3A_169 : f32 to vector<16xf32>
      %parallel_loop3A_171 = arith.addf %parallel_loop3A_168, %parallel_loop3A_170 : vector<16xf32>
      %parallel_loop3A_172 = arith.divf %parallel_loop3A_167, %parallel_loop3A_171 : vector<16xf32>
      %parallel_loop3A_173 = arith.constant 0 : i32
      %parallel_loop3A_174 = arith.constant 0 : i32
      %parallel_loop3A_175 = arith.constant 8 : i32
      %parallel_loop3A_176 = arith.addi %parallel_loop3A_174, %parallel_loop3A_175 : i32
      %parallel_loop3A_177 = arith.constant 1 : i32
      scf.for %scan3A_179 = %parallel_loop3A_174 to %parallel_loop3A_176 step %parallel_loop3A_177  : i32 {
        %parallel_loop3A_180 = arith.constant 16 : i32
        %parallel_loop3A_181 = arith.muli %scan3A_179, %parallel_loop3A_180 : i32
        %parallel_loop3A_182 = arith.constant 0 : i32
        %parallel_loop3A_183 = arith.addi %parallel_loop3A_181, %parallel_loop3A_182 : i32
        %parallel_loop3A_184 = vector.broadcast %parallel_loop3A_183 : i32 to vector<16xi32>
        %parallel_loop3A_185 = arith.xori %iota3A, %parallel_loop3A_184 : vector<16xi32>
        %parallel_loop3A_186 = arith.addi %parallel_loop3A_160, %parallel_loop3A_185 : vector<16xi32>
        %parallel_loop3A_187 = tpu.vector_load_idx %arg9[%parallel_loop3A_186] : memref<39936xf32, #tpu.memory_space<vmem>>[vector<16xi32>], vector<16xf32>,
        %parallel_loop3A_188 = arith.addi %parallel_loop3A_163, %parallel_loop3A_185 : vector<16xi32>
        %parallel_loop3A_189 = arith.mulf %parallel_loop3A_172, %parallel_loop3A_187 : vector<16xf32>
        tpu.vector_store_idx %arg11[%parallel_loop3A_188], %parallel_loop3A_189 {add = true} : memref<39936xf32, #tpu.memory_space<vmem>>[vector<16xi32>], vector<16xf32>,
        %parallel_loop3A_190 = arith.constant 1 : i32
        %parallel_loop3A_191 = arith.addi %parallel_loop3A_181, %parallel_loop3A_190 : i32
        %parallel_loop3A_192 = vector.broadcast %parallel_loop3A_191 : i32 to vector<16xi32>
        %parallel_loop3A_193 = arith.xori %iota3A, %parallel_loop3A_192 : vector<16xi32>
        %parallel_loop3A_194 = arith.addi %parallel_loop3A_160, %parallel_loop3A_193 : vector<16xi32>
        %parallel_loop3A_195 = tpu.vector_load_idx %arg9[%parallel_loop3A_194] : memref<39936xf32, #tpu.memory_space<vmem>>[vector<16xi32>], vector<16xf32>,
        %parallel_loop3A_196 = arith.addi %parallel_loop3A_163, %parallel_loop3A_193 : vector<16xi32>
        %parallel_loop3A_197 = arith.mulf %parallel_loop3A_172, %parallel_loop3A_195 : vector<16xf32>
        tpu.vector_store_idx %arg11[%parallel_loop3A_196], %parallel_loop3A_197 {add = true} : memref<39936xf32, #tpu.memory_space<vmem>>[vector<16xi32>], vector<16xf32>,
        %parallel_loop3A_198 = arith.constant 2 : i32
        %parallel_loop3A_199 = arith.addi %parallel_loop3A_181, %parallel_loop3A_198 : i32
        %parallel_loop3A_200 = vector.broadcast %parallel_loop3A_199 : i32 to vector<16xi32>
        %parallel_loop3A_201 = arith.xori %iota3A, %parallel_loop3A_200 : vector<16xi32>
        %parallel_loop3A_202 = arith.addi %parallel_loop3A_160, %parallel_loop3A_201 : vector<16xi32>
        %parallel_loop3A_203 = tpu.vector_load_idx %arg9[%parallel_loop3A_202] : memref<39936xf32, #tpu.memory_space<vmem>>[vector<16xi32>], vector<16xf32>,
        %parallel_loop3A_204 = arith.addi %parallel_loop3A_163, %parallel_loop3A_201 : vector<16xi32>
        %parallel_loop3A_205 = arith.mulf %parallel_loop3A_172, %parallel_loop3A_203 : vector<16xf32>
        tpu.vector_store_idx %arg11[%parallel_loop3A_204], %parallel_loop3A_205 {add = true} : memref<39936xf32, #tpu.memory_space<vmem>>[vector<16xi32>], vector<16xf32>,
        %parallel_loop3A_206 = arith.constant 3 : i32
        %parallel_loop3A_207 = arith.addi %parallel_loop3A_181, %parallel_loop3A_206 : i32
        %parallel_loop3A_208 = vector.broadcast %parallel_loop3A_207 : i32 to vector<16xi32>
        %parallel_loop3A_209 = arith.xori %iota3A, %parallel_loop3A_208 : vector<16xi32>
        %parallel_loop3A_210 = arith.addi %parallel_loop3A_160, %parallel_loop3A_209 : vector<16xi32>
        %parallel_loop3A_211 = tpu.vector_load_idx %arg9[%parallel_loop3A_210] : memref<39936xf32, #tpu.memory_space<vmem>>[vector<16xi32>], vector<16xf32>,
        %parallel_loop3A_212 = arith.addi %parallel_loop3A_163, %parallel_loop3A_209 : vector<16xi32>
        %parallel_loop3A_213 = arith.mulf %parallel_loop3A_172, %parallel_loop3A_211 : vector<16xf32>
        tpu.vector_store_idx %arg11[%parallel_loop3A_212], %parallel_loop3A_213 {add = true} : memref<39936xf32, #tpu.memory_space<vmem>>[vector<16xi32>], vector<16xf32>,
        %parallel_loop3A_214 = arith.constant 4 : i32
        %parallel_loop3A_215 = arith.addi %parallel_loop3A_181, %parallel_loop3A_214 : i32
        %parallel_loop3A_216 = vector.broadcast %parallel_loop3A_215 : i32 to vector<16xi32>
        %parallel_loop3A_217 = arith.xori %iota3A, %parallel_loop3A_216 : vector<16xi32>
        %parallel_loop3A_218 = arith.addi %parallel_loop3A_160, %parallel_loop3A_217 : vector<16xi32>
        %parallel_loop3A_219 = tpu.vector_load_idx %arg9[%parallel_loop3A_218] : memref<39936xf32, #tpu.memory_space<vmem>>[vector<16xi32>], vector<16xf32>,
        %parallel_loop3A_220 = arith.addi %parallel_loop3A_163, %parallel_loop3A_217 : vector<16xi32>
        %parallel_loop3A_221 = arith.mulf %parallel_loop3A_172, %parallel_loop3A_219 : vector<16xf32>
        tpu.vector_store_idx %arg11[%parallel_loop3A_220], %parallel_loop3A_221 {add = true} : memref<39936xf32, #tpu.memory_space<vmem>>[vector<16xi32>], vector<16xf32>,
        %parallel_loop3A_222 = arith.constant 5 : i32
        %parallel_loop3A_223 = arith.addi %parallel_loop3A_181, %parallel_loop3A_222 : i32
        %parallel_loop3A_224 = vector.broadcast %parallel_loop3A_223 : i32 to vector<16xi32>
        %parallel_loop3A_225 = arith.xori %iota3A, %parallel_loop3A_224 : vector<16xi32>
        %parallel_loop3A_226 = arith.addi %parallel_loop3A_160, %parallel_loop3A_225 : vector<16xi32>
        %parallel_loop3A_227 = tpu.vector_load_idx %arg9[%parallel_loop3A_226] : memref<39936xf32, #tpu.memory_space<vmem>>[vector<16xi32>], vector<16xf32>,
        %parallel_loop3A_228 = arith.addi %parallel_loop3A_163, %parallel_loop3A_225 : vector<16xi32>
        %parallel_loop3A_229 = arith.mulf %parallel_loop3A_172, %parallel_loop3A_227 : vector<16xf32>
        tpu.vector_store_idx %arg11[%parallel_loop3A_228], %parallel_loop3A_229 {add = true} : memref<39936xf32, #tpu.memory_space<vmem>>[vector<16xi32>], vector<16xf32>,
        %parallel_loop3A_230 = arith.constant 6 : i32
        %parallel_loop3A_231 = arith.addi %parallel_loop3A_181, %parallel_loop3A_230 : i32
        %parallel_loop3A_232 = vector.broadcast %parallel_loop3A_231 : i32 to vector<16xi32>
        %parallel_loop3A_233 = arith.xori %iota3A, %parallel_loop3A_232 : vector<16xi32>
        %parallel_loop3A_234 = arith.addi %parallel_loop3A_160, %parallel_loop3A_233 : vector<16xi32>
        %parallel_loop3A_235 = tpu.vector_load_idx %arg9[%parallel_loop3A_234] : memref<39936xf32, #tpu.memory_space<vmem>>[vector<16xi32>], vector<16xf32>,
        %parallel_loop3A_236 = arith.addi %parallel_loop3A_163, %parallel_loop3A_233 : vector<16xi32>
        %parallel_loop3A_237 = arith.mulf %parallel_loop3A_172, %parallel_loop3A_235 : vector<16xf32>
        tpu.vector_store_idx %arg11[%parallel_loop3A_236], %parallel_loop3A_237 {add = true} : memref<39936xf32, #tpu.memory_space<vmem>>[vector<16xi32>], vector<16xf32>,
        %parallel_loop3A_238 = arith.constant 7 : i32
        %parallel_loop3A_239 = arith.addi %parallel_loop3A_181, %parallel_loop3A_238 : i32
        %parallel_loop3A_240 = vector.broadcast %parallel_loop3A_239 : i32 to vector<16xi32>
        %parallel_loop3A_241 = arith.xori %iota3A, %parallel_loop3A_240 : vector<16xi32>
        %parallel_loop3A_242 = arith.addi %parallel_loop3A_160, %parallel_loop3A_241 : vector<16xi32>
        %parallel_loop3A_243 = tpu.vector_load_idx %arg9[%parallel_loop3A_242] : memref<39936xf32, #tpu.memory_space<vmem>>[vector<16xi32>], vector<16xf32>,
        %parallel_loop3A_244 = arith.addi %parallel_loop3A_163, %parallel_loop3A_241 : vector<16xi32>
        %parallel_loop3A_245 = arith.mulf %parallel_loop3A_172, %parallel_loop3A_243 : vector<16xf32>
        tpu.vector_store_idx %arg11[%parallel_loop3A_244], %parallel_loop3A_245 {add = true} : memref<39936xf32, #tpu.memory_space<vmem>>[vector<16xi32>], vector<16xf32>,
        %parallel_loop3A_246 = arith.constant 8 : i32
        %parallel_loop3A_247 = arith.addi %parallel_loop3A_181, %parallel_loop3A_246 : i32
        %parallel_loop3A_248 = vector.broadcast %parallel_loop3A_247 : i32 to vector<16xi32>
        %parallel_loop3A_249 = arith.xori %iota3A, %parallel_loop3A_248 : vector<16xi32>
        %parallel_loop3A_250 = arith.addi %parallel_loop3A_160, %parallel_loop3A_249 : vector<16xi32>
        %parallel_loop3A_251 = tpu.vector_load_idx %arg9[%parallel_loop3A_250] : memref<39936xf32, #tpu.memory_space<vmem>>[vector<16xi32>], vector<16xf32>,
        %parallel_loop3A_252 = arith.addi %parallel_loop3A_163, %parallel_loop3A_249 : vector<16xi32>
        %parallel_loop3A_253 = arith.mulf %parallel_loop3A_172, %parallel_loop3A_251 : vector<16xf32>
        tpu.vector_store_idx %arg11[%parallel_loop3A_252], %parallel_loop3A_253 {add = true} : memref<39936xf32, #tpu.memory_space<vmem>>[vector<16xi32>], vector<16xf32>,
        %parallel_loop3A_254 = arith.constant 9 : i32
        %parallel_loop3A_255 = arith.addi %parallel_loop3A_181, %parallel_loop3A_254 : i32
        %parallel_loop3A_256 = vector.broadcast %parallel_loop3A_255 : i32 to vector<16xi32>
        %parallel_loop3A_257 = arith.xori %iota3A, %parallel_loop3A_256 : vector<16xi32>
        %parallel_loop3A_258 = arith.addi %parallel_loop3A_160, %parallel_loop3A_257 : vector<16xi32>
        %parallel_loop3A_259 = tpu.vector_load_idx %arg9[%parallel_loop3A_258] : memref<39936xf32, #tpu.memory_space<vmem>>[vector<16xi32>], vector<16xf32>,
        %parallel_loop3A_260 = arith.addi %parallel_loop3A_163, %parallel_loop3A_257 : vector<16xi32>
        %parallel_loop3A_261 = arith.mulf %parallel_loop3A_172, %parallel_loop3A_259 : vector<16xf32>
        tpu.vector_store_idx %arg11[%parallel_loop3A_260], %parallel_loop3A_261 {add = true} : memref<39936xf32, #tpu.memory_space<vmem>>[vector<16xi32>], vector<16xf32>,
        %parallel_loop3A_262 = arith.constant 10 : i32
        %parallel_loop3A_263 = arith.addi %parallel_loop3A_181, %parallel_loop3A_262 : i32
        %parallel_loop3A_264 = vector.broadcast %parallel_loop3A_263 : i32 to vector<16xi32>
        %parallel_loop3A_265 = arith.xori %iota3A, %parallel_loop3A_264 : vector<16xi32>
        %parallel_loop3A_266 = arith.addi %parallel_loop3A_160, %parallel_loop3A_265 : vector<16xi32>
        %parallel_loop3A_267 = tpu.vector_load_idx %arg9[%parallel_loop3A_266] : memref<39936xf32, #tpu.memory_space<vmem>>[vector<16xi32>], vector<16xf32>,
        %parallel_loop3A_268 = arith.addi %parallel_loop3A_163, %parallel_loop3A_265 : vector<16xi32>
        %parallel_loop3A_269 = arith.mulf %parallel_loop3A_172, %parallel_loop3A_267 : vector<16xf32>
        tpu.vector_store_idx %arg11[%parallel_loop3A_268], %parallel_loop3A_269 {add = true} : memref<39936xf32, #tpu.memory_space<vmem>>[vector<16xi32>], vector<16xf32>,
        %parallel_loop3A_270 = arith.constant 11 : i32
        %parallel_loop3A_271 = arith.addi %parallel_loop3A_181, %parallel_loop3A_270 : i32
        %parallel_loop3A_272 = vector.broadcast %parallel_loop3A_271 : i32 to vector<16xi32>
        %parallel_loop3A_273 = arith.xori %iota3A, %parallel_loop3A_272 : vector<16xi32>
        %parallel_loop3A_274 = arith.addi %parallel_loop3A_160, %parallel_loop3A_273 : vector<16xi32>
        %parallel_loop3A_275 = tpu.vector_load_idx %arg9[%parallel_loop3A_274] : memref<39936xf32, #tpu.memory_space<vmem>>[vector<16xi32>], vector<16xf32>,
        %parallel_loop3A_276 = arith.addi %parallel_loop3A_163, %parallel_loop3A_273 : vector<16xi32>
        %parallel_loop3A_277 = arith.mulf %parallel_loop3A_172, %parallel_loop3A_275 : vector<16xf32>
        tpu.vector_store_idx %arg11[%parallel_loop3A_276], %parallel_loop3A_277 {add = true} : memref<39936xf32, #tpu.memory_space<vmem>>[vector<16xi32>], vector<16xf32>,
        %parallel_loop3A_278 = arith.constant 12 : i32
        %parallel_loop3A_279 = arith.addi %parallel_loop3A_181, %parallel_loop3A_278 : i32
        %parallel_loop3A_280 = vector.broadcast %parallel_loop3A_279 : i32 to vector<16xi32>
        %parallel_loop3A_281 = arith.xori %iota3A, %parallel_loop3A_280 : vector<16xi32>
        %parallel_loop3A_282 = arith.addi %parallel_loop3A_160, %parallel_loop3A_281 : vector<16xi32>
        %parallel_loop3A_283 = tpu.vector_load_idx %arg9[%parallel_loop3A_282] : memref<39936xf32, #tpu.memory_space<vmem>>[vector<16xi32>], vector<16xf32>,
        %parallel_loop3A_284 = arith.addi %parallel_loop3A_163, %parallel_loop3A_281 : vector<16xi32>
        %parallel_loop3A_285 = arith.mulf %parallel_loop3A_172, %parallel_loop3A_283 : vector<16xf32>
        tpu.vector_store_idx %arg11[%parallel_loop3A_284], %parallel_loop3A_285 {add = true} : memref<39936xf32, #tpu.memory_space<vmem>>[vector<16xi32>], vector<16xf32>,
        %parallel_loop3A_286 = arith.constant 13 : i32
        %parallel_loop3A_287 = arith.addi %parallel_loop3A_181, %parallel_loop3A_286 : i32
        %parallel_loop3A_288 = vector.broadcast %parallel_loop3A_287 : i32 to vector<16xi32>
        %parallel_loop3A_289 = arith.xori %iota3A, %parallel_loop3A_288 : vector<16xi32>
        %parallel_loop3A_290 = arith.addi %parallel_loop3A_160, %parallel_loop3A_289 : vector<16xi32>
        %parallel_loop3A_291 = tpu.vector_load_idx %arg9[%parallel_loop3A_290] : memref<39936xf32, #tpu.memory_space<vmem>>[vector<16xi32>], vector<16xf32>,
        %parallel_loop3A_292 = arith.addi %parallel_loop3A_163, %parallel_loop3A_289 : vector<16xi32>
        %parallel_loop3A_293 = arith.mulf %parallel_loop3A_172, %parallel_loop3A_291 : vector<16xf32>
        tpu.vector_store_idx %arg11[%parallel_loop3A_292], %parallel_loop3A_293 {add = true} : memref<39936xf32, #tpu.memory_space<vmem>>[vector<16xi32>], vector<16xf32>,
        %parallel_loop3A_294 = arith.constant 14 : i32
        %parallel_loop3A_295 = arith.addi %parallel_loop3A_181, %parallel_loop3A_294 : i32
        %parallel_loop3A_296 = vector.broadcast %parallel_loop3A_295 : i32 to vector<16xi32>
        %parallel_loop3A_297 = arith.xori %iota3A, %parallel_loop3A_296 : vector<16xi32>
        %parallel_loop3A_298 = arith.addi %parallel_loop3A_160, %parallel_loop3A_297 : vector<16xi32>
        %parallel_loop3A_299 = tpu.vector_load_idx %arg9[%parallel_loop3A_298] : memref<39936xf32, #tpu.memory_space<vmem>>[vector<16xi32>], vector<16xf32>,
        %parallel_loop3A_300 = arith.addi %parallel_loop3A_163, %parallel_loop3A_297 : vector<16xi32>
        %parallel_loop3A_301 = arith.mulf %parallel_loop3A_172, %parallel_loop3A_299 : vector<16xf32>
        tpu.vector_store_idx %arg11[%parallel_loop3A_300], %parallel_loop3A_301 {add = true} : memref<39936xf32, #tpu.memory_space<vmem>>[vector<16xi32>], vector<16xf32>,
        %parallel_loop3A_302 = arith.constant 15 : i32
        %parallel_loop3A_303 = arith.addi %parallel_loop3A_181, %parallel_loop3A_302 : i32
        %parallel_loop3A_304 = vector.broadcast %parallel_loop3A_303 : i32 to vector<16xi32>
        %parallel_loop3A_305 = arith.xori %iota3A, %parallel_loop3A_304 : vector<16xi32>
        %parallel_loop3A_306 = arith.addi %parallel_loop3A_160, %parallel_loop3A_305 : vector<16xi32>
        %parallel_loop3A_307 = tpu.vector_load_idx %arg9[%parallel_loop3A_306] : memref<39936xf32, #tpu.memory_space<vmem>>[vector<16xi32>], vector<16xf32>,
        %parallel_loop3A_308 = arith.addi %parallel_loop3A_163, %parallel_loop3A_305 : vector<16xi32>
        %parallel_loop3A_309 = arith.mulf %parallel_loop3A_172, %parallel_loop3A_307 : vector<16xf32>
        tpu.vector_store_idx %arg11[%parallel_loop3A_308], %parallel_loop3A_309 {add = true} : memref<39936xf32, #tpu.memory_space<vmem>>[vector<16xi32>], vector<16xf32>,
      }
      %parallel_loop3A_178 = arith.constant 8 : i32
      scf.yield %parallel_loop3A_149 : i32
    } {sc.loop_unroll_factor = 2 : i64, sc.parallel_access}
    %dma_start3A_80 = arith.constant 0 : i32
    %dma_start3A_81 = tpu.memref_slice %arg11[%dma_start3A_80] : memref<39936xf32, #tpu.memory_space<vmem>> -> memref<39296xf32, #tpu.memory_space<vmem>>
    %dma_start3A_82 = tpu.memref_slice %arg8[%mul3A_2] : memref<2514944xf32, #tpu.memory_space<hbm>> -> memref<39296xf32, #tpu.memory_space<hbm>>
    %dma_start3A_83 = tpu.memref_slice %arg8[%mul3A_2] : memref<2514944xf32, #tpu.memory_space<hbm>> -> memref<39296xf32, #tpu.memory_space<hbm>>
    %dma_start3A_84 = arith.constant 0 : i32
    %dma_start3A_85 = tpu.memref_slice %arg11[%dma_start3A_84] : memref<39936xf32, #tpu.memory_space<vmem>> -> memref<39296xf32, #tpu.memory_space<vmem>>
    tpu.enqueue_dma source(%dma_start3A_85 : memref<39296xf32, #tpu.memory_space<vmem>>) target(%dma_start3A_83 : memref<39296xf32, #tpu.memory_space<hbm>>) target_semaphore(%arg18 : memref<!tpu.dma_semaphore, #tpu.memory_space<semaphore_mem>>)
    %dma_start3A_86 = arith.constant 0 : i32
    %dma_start3A_87 = tpu.memref_slice %arg9[%dma_start3A_86] : memref<39936xf32, #tpu.memory_space<vmem>> -> memref<39296xf32, #tpu.memory_space<vmem>>
    %dma_start3A_88 = tpu.memref_slice %arg2[%mul3A_6] : memref<2514944xf32, #tpu.memory_space<hbm>> -> memref<39296xf32, #tpu.memory_space<hbm>>
    %dma_start3A_89 = arith.constant 0 : i32
    %dma_start3A_90 = tpu.memref_slice %arg9[%dma_start3A_89] : memref<39936xf32, #tpu.memory_space<vmem>> -> memref<39296xf32, #tpu.memory_space<vmem>>
    %dma_start3A_91 = tpu.memref_slice %arg2[%mul3A_6] : memref<2514944xf32, #tpu.memory_space<hbm>> -> memref<39296xf32, #tpu.memory_space<hbm>>
    tpu.enqueue_dma source(%dma_start3A_91 : memref<39296xf32, #tpu.memory_space<hbm>>) target(%dma_start3A_90 : memref<39296xf32, #tpu.memory_space<vmem>>) target_semaphore(%arg18 : memref<!tpu.dma_semaphore, #tpu.memory_space<semaphore_mem>>)
    %dma_start3A_92 = arith.constant 0 : i32
    %dma_start3A_93 = tpu.memref_slice %arg10[%dma_start3A_92] : memref<39936xf32, #tpu.memory_space<vmem>> -> memref<39296xf32, #tpu.memory_space<vmem>>
    %dma_start3A_94 = tpu.memref_slice %arg3[%mul3A_6] : memref<2514944xf32, #tpu.memory_space<hbm>> -> memref<39296xf32, #tpu.memory_space<hbm>>
    %dma_start3A_95 = arith.constant 0 : i32
    %dma_start3A_96 = tpu.memref_slice %arg10[%dma_start3A_95] : memref<39936xf32, #tpu.memory_space<vmem>> -> memref<39296xf32, #tpu.memory_space<vmem>>
    %dma_start3A_97 = tpu.memref_slice %arg3[%mul3A_6] : memref<2514944xf32, #tpu.memory_space<hbm>> -> memref<39296xf32, #tpu.memory_space<hbm>>
    tpu.enqueue_dma source(%dma_start3A_97 : memref<39296xf32, #tpu.memory_space<hbm>>) target(%dma_start3A_96 : memref<39296xf32, #tpu.memory_space<vmem>>) target_semaphore(%arg18 : memref<!tpu.dma_semaphore, #tpu.memory_space<semaphore_mem>>)
    %scan3A_98 = arith.constant 0 : i32
    %scan3A_99 = arith.constant 0 : i32
    %scan3A_100 = arith.constant 20 : i32
    %scan3A_101 = arith.addi %scan3A_99, %scan3A_100 : i32
    %scan3A_102 = arith.constant 1 : i32
    scf.for %scan3A_148 = %scan3A_99 to %scan3A_101 step %scan3A_102  : i32 {
      %mul3A_149 = arith.constant 16 : i32
      %mul3A_150 = arith.muli %scan3A_148, %mul3A_149 : i32
      %swap3A = arith.index_cast %mul3A_150 : i32 to index
      %swap3A_151 = tpu.vector_load %arg15[%swap3A] {strides = array<i32>} : memref<320xf32, #tpu.memory_space<vmem>>, vector<16xf32>,
      tpu.vector_store %arg15[%swap3A], %broadcast_in_dim3A_18 {strides = array<i32>} : memref<320xf32, #tpu.memory_space<vmem>>, vector<16xf32>,
    }
    %scan3A_103 = arith.constant 20 : i32
    %dma_wait3A_104 = arith.constant 0 : i32
    %dma_wait3A_105 = tpu.memref_slice %arg11[%dma_wait3A_104] : memref<39936xf32, #tpu.memory_space<vmem>> -> memref<39296xf32, #tpu.memory_space<vmem>>
    %dma_wait3A_106 = tpu.memref_slice %arg8[%mul3A_2] : memref<2514944xf32, #tpu.memory_space<hbm>> -> memref<39296xf32, #tpu.memory_space<hbm>>
    %dma_wait3A_107 = tpu.memref_slice %arg8[%mul3A_2] : memref<2514944xf32, #tpu.memory_space<hbm>> -> memref<39296xf32, #tpu.memory_space<hbm>>
    %dma_wait3A_108 = arith.constant 0 : i32
    %dma_wait3A_109 = tpu.memref_slice %arg11[%dma_wait3A_108] : memref<39936xf32, #tpu.memory_space<vmem>> -> memref<39296xf32, #tpu.memory_space<vmem>>
    tpu.wait_dma2 semaphore(%arg18 : memref<!tpu.dma_semaphore, #tpu.memory_space<semaphore_mem>>) src(%dma_wait3A_109 : memref<39296xf32, #tpu.memory_space<vmem>>) dst(%dma_wait3A_107 : memref<39296xf32, #tpu.memory_space<hbm>>)
    %scan3A_110 = arith.constant 0 : i32
    %scan3A_111 = arith.constant 0 : i32
    %scan3A_112 = arith.constant 312 : i32
    %scan3A_113 = arith.addi %scan3A_111, %scan3A_112 : i32
    %scan3A_114 = arith.constant 1 : i32
    scf.for %scan3A_148 = %scan3A_111 to %scan3A_113 step %scan3A_114  : i32 {
      %mul3A_149 = arith.constant 128 : i32
      %mul3A_150 = arith.muli %scan3A_148, %mul3A_149 : i32
      %add3A_151 = arith.constant 0 : i32
      %add3A_152 = arith.addi %mul3A_150, %add3A_151 : i32
      %swap3A = arith.index_cast %add3A_152 : i32 to index
      %swap3A_153 = tpu.vector_load %arg11[%swap3A] {strides = array<i32>} : memref<39936xf32, #tpu.memory_space<vmem>>, vector<16xf32>,
      tpu.vector_store %arg11[%swap3A], %get3A_24 {strides = array<i32>} : memref<39936xf32, #tpu.memory_space<vmem>>, vector<16xf32>,
      %mul3A_154 = arith.constant 128 : i32
      %mul3A_155 = arith.muli %scan3A_148, %mul3A_154 : i32
      %add3A_156 = arith.constant 16 : i32
      %add3A_157 = arith.addi %mul3A_155, %add3A_156 : i32
      %swap3A_158 = arith.index_cast %add3A_157 : i32 to index
      %swap3A_159 = tpu.vector_load %arg11[%swap3A_158] {strides = array<i32>} : memref<39936xf32, #tpu.memory_space<vmem>>, vector<16xf32>,
      tpu.vector_store %arg11[%swap3A_158], %get3A_26 {strides = array<i32>} : memref<39936xf32, #tpu.memory_space<vmem>>, vector<16xf32>,
      %mul3A_160 = arith.constant 128 : i32
      %mul3A_161 = arith.muli %scan3A_148, %mul3A_160 : i32
      %add3A_162 = arith.constant 32 : i32
      %add3A_163 = arith.addi %mul3A_161, %add3A_162 : i32
      %swap3A_164 = arith.index_cast %add3A_163 : i32 to index
      %swap3A_165 = tpu.vector_load %arg11[%swap3A_164] {strides = array<i32>} : memref<39936xf32, #tpu.memory_space<vmem>>, vector<16xf32>,
      tpu.vector_store %arg11[%swap3A_164], %get3A_28 {strides = array<i32>} : memref<39936xf32, #tpu.memory_space<vmem>>, vector<16xf32>,
      %mul3A_166 = arith.constant 128 : i32
      %mul3A_167 = arith.muli %scan3A_148, %mul3A_166 : i32
      %add3A_168 = arith.constant 48 : i32
      %add3A_169 = arith.addi %mul3A_167, %add3A_168 : i32
      %swap3A_170 = arith.index_cast %add3A_169 : i32 to index
      %swap3A_171 = tpu.vector_load %arg11[%swap3A_170] {strides = array<i32>} : memref<39936xf32, #tpu.memory_space<vmem>>, vector<16xf32>,
      tpu.vector_store %arg11[%swap3A_170], %get3A_30 {strides = array<i32>} : memref<39936xf32, #tpu.memory_space<vmem>>, vector<16xf32>,
      %mul3A_172 = arith.constant 128 : i32
      %mul3A_173 = arith.muli %scan3A_148, %mul3A_172 : i32
      %add3A_174 = arith.constant 64 : i32
      %add3A_175 = arith.addi %mul3A_173, %add3A_174 : i32
      %swap3A_176 = arith.index_cast %add3A_175 : i32 to index
      %swap3A_177 = tpu.vector_load %arg11[%swap3A_176] {strides = array<i32>} : memref<39936xf32, #tpu.memory_space<vmem>>, vector<16xf32>,
      tpu.vector_store %arg11[%swap3A_176], %get3A_32 {strides = array<i32>} : memref<39936xf32, #tpu.memory_space<vmem>>, vector<16xf32>,
      %mul3A_178 = arith.constant 128 : i32
      %mul3A_179 = arith.muli %scan3A_148, %mul3A_178 : i32
      %add3A_180 = arith.constant 80 : i32
      %add3A_181 = arith.addi %mul3A_179, %add3A_180 : i32
      %swap3A_182 = arith.index_cast %add3A_181 : i32 to index
      %swap3A_183 = tpu.vector_load %arg11[%swap3A_182] {strides = array<i32>} : memref<39936xf32, #tpu.memory_space<vmem>>, vector<16xf32>,
      tpu.vector_store %arg11[%swap3A_182], %get3A_34 {strides = array<i32>} : memref<39936xf32, #tpu.memory_space<vmem>>, vector<16xf32>,
      %mul3A_184 = arith.constant 128 : i32
      %mul3A_185 = arith.muli %scan3A_148, %mul3A_184 : i32
      %add3A_186 = arith.constant 96 : i32
      %add3A_187 = arith.addi %mul3A_185, %add3A_186 : i32
      %swap3A_188 = arith.index_cast %add3A_187 : i32 to index
      %swap3A_189 = tpu.vector_load %arg11[%swap3A_188] {strides = array<i32>} : memref<39936xf32, #tpu.memory_space<vmem>>, vector<16xf32>,
      tpu.vector_store %arg11[%swap3A_188], %get3A_36 {strides = array<i32>} : memref<39936xf32, #tpu.memory_space<vmem>>, vector<16xf32>,
      %mul3A_190 = arith.constant 128 : i32
      %mul3A_191 = arith.muli %scan3A_148, %mul3A_190 : i32
      %add3A_192 = arith.constant 112 : i32
      %add3A_193 = arith.addi %mul3A_191, %add3A_192 : i32
      %swap3A_194 = arith.index_cast %add3A_193 : i32 to index
      %swap3A_195 = tpu.vector_load %arg11[%swap3A_194] {strides = array<i32>} : memref<39936xf32, #tpu.memory_space<vmem>>, vector<16xf32>,
      tpu.vector_store %arg11[%swap3A_194], %get3A_38 {strides = array<i32>} : memref<39936xf32, #tpu.memory_space<vmem>>, vector<16xf32>,
    }
    %scan3A_115 = arith.constant 312 : i32
    %dma_wait3A_116 = arith.constant 0 : i32
    %dma_wait3A_117 = tpu.memref_slice %arg9[%dma_wait3A_116] : memref<39936xf32, #tpu.memory_space<vmem>> -> memref<39296xf32, #tpu.memory_space<vmem>>
    %dma_wait3A_118 = tpu.memref_slice %arg2[%mul3A_6] : memref<2514944xf32, #tpu.memory_space<hbm>> -> memref<39296xf32, #tpu.memory_space<hbm>>
    %dma_wait3A_119 = arith.constant 0 : i32
    %dma_wait3A_120 = tpu.memref_slice %arg9[%dma_wait3A_119] : memref<39936xf32, #tpu.memory_space<vmem>> -> memref<39296xf32, #tpu.memory_space<vmem>>
    %dma_wait3A_121 = tpu.memref_slice %arg2[%mul3A_6] : memref<2514944xf32, #tpu.memory_space<hbm>> -> memref<39296xf32, #tpu.memory_space<hbm>>
    tpu.wait_dma2 semaphore(%arg18 : memref<!tpu.dma_semaphore, #tpu.memory_space<semaphore_mem>>) src(%dma_wait3A_121 : memref<39296xf32, #tpu.memory_space<hbm>>) dst(%dma_wait3A_120 : memref<39296xf32, #tpu.memory_space<vmem>>)
    %dma_wait3A_122 = arith.constant 0 : i32
    %dma_wait3A_123 = tpu.memref_slice %arg10[%dma_wait3A_122] : memref<39936xf32, #tpu.memory_space<vmem>> -> memref<39296xf32, #tpu.memory_space<vmem>>
    %dma_wait3A_124 = tpu.memref_slice %arg3[%mul3A_6] : memref<2514944xf32, #tpu.memory_space<hbm>> -> memref<39296xf32, #tpu.memory_space<hbm>>
    %dma_wait3A_125 = arith.constant 0 : i32
    %dma_wait3A_126 = tpu.memref_slice %arg10[%dma_wait3A_125] : memref<39936xf32, #tpu.memory_space<vmem>> -> memref<39296xf32, #tpu.memory_space<vmem>>
    %dma_wait3A_127 = tpu.memref_slice %arg3[%mul3A_6] : memref<2514944xf32, #tpu.memory_space<hbm>> -> memref<39296xf32, #tpu.memory_space<hbm>>
    tpu.wait_dma2 semaphore(%arg18 : memref<!tpu.dma_semaphore, #tpu.memory_space<semaphore_mem>>) src(%dma_wait3A_127 : memref<39296xf32, #tpu.memory_space<hbm>>) dst(%dma_wait3A_126 : memref<39296xf32, #tpu.memory_space<vmem>>)
    %broadcast_in_dim3A_128 = arith.constant -1.000000e+30 : f32
    %broadcast_in_dim3A_129 = vector.broadcast %broadcast_in_dim3A_128 : f32 to vector<16xf32>
    %parallel_loop3A_130 = arith.constant 0 : i32
    %parallel_loop3A_131 = arith.constant 62 : i32
    %parallel_loop3A_132 = arith.constant 1 : i32
    %parallel_loop3A_133 = scf.for %parallel_loop3A_148 = %parallel_loop3A_130 to %parallel_loop3A_131 step %parallel_loop3A_132 iter_args(%parallel_loop3A_149 = %broadcast_in_dim3A_129) -> (vector<16xf32>)  : i32 {
      %parallel_loop3A_150 = arith.constant 16 : i32
      %parallel_loop3A_151 = arith.muli %parallel_loop3A_148, %parallel_loop3A_150 : i32
      %parallel_loop3A_152 = arith.index_cast %parallel_loop3A_151 : i32 to index
      %parallel_loop3A_153 = tpu.vector_load %arg12[%parallel_loop3A_152] {strides = array<i32>} : memref<992xi32, #tpu.memory_space<vmem>>, vector<16xi32>,
      %parallel_loop3A_154 = arith.constant 16 : i32
      %parallel_loop3A_155 = arith.muli %parallel_loop3A_148, %parallel_loop3A_154 : i32
      %parallel_loop3A_156 = arith.index_cast %parallel_loop3A_155 : i32 to index
      %parallel_loop3A_157 = tpu.vector_load %arg13[%parallel_loop3A_156] {strides = array<i32>} : memref<992xi32, #tpu.memory_space<vmem>>, vector<16xi32>,
      %parallel_loop3A_158 = arith.constant 128 : i32
      %parallel_loop3A_159 = vector.broadcast %parallel_loop3A_158 : i32 to vector<16xi32>
      %parallel_loop3A_160 = arith.muli %parallel_loop3A_153, %parallel_loop3A_159 : vector<16xi32>
      %parallel_loop3A_161 = arith.constant 128 : i32
      %parallel_loop3A_162 = vector.broadcast %parallel_loop3A_161 : i32 to vector<16xi32>
      %parallel_loop3A_163 = arith.muli %parallel_loop3A_157, %parallel_loop3A_162 : vector<16xi32>
      %parallel_loop3A_164 = arith.constant 0 : i32
      %parallel_loop3A_165 = arith.constant 8 : i32
      %parallel_loop3A_166 = arith.addi %parallel_loop3A_164, %parallel_loop3A_165 : i32
      %parallel_loop3A_167 = arith.constant 1 : i32
      %parallel_loop3A_168:4 = scf.for %scan3A_178 = %parallel_loop3A_164 to %parallel_loop3A_166 step %parallel_loop3A_167 iter_args(%scan3A_179 = %broadcast_in_dim3A_18, %scan3A_180 = %broadcast_in_dim3A_18, %scan3A_181 = %broadcast_in_dim3A_18, %scan3A_182 = %broadcast_in_dim3A_18) -> (vector<16xf32>, vector<16xf32>, vector<16xf32>, vector<16xf32>)  : i32 {
        %parallel_loop3A_183 = arith.constant 16 : i32
        %parallel_loop3A_184 = arith.muli %scan3A_178, %parallel_loop3A_183 : i32
        %parallel_loop3A_185 = arith.constant 0 : i32
        %parallel_loop3A_186 = arith.addi %parallel_loop3A_184, %parallel_loop3A_185 : i32
        %parallel_loop3A_187 = vector.broadcast %parallel_loop3A_186 : i32 to vector<16xi32>
        %parallel_loop3A_188 = arith.xori %iota3A, %parallel_loop3A_187 : vector<16xi32>
        %parallel_loop3A_189 = arith.constant 0 : i32
        %parallel_loop3A_190 = arith.addi %parallel_loop3A_184, %parallel_loop3A_189 : i32
        %parallel_loop3A_191 = arith.constant 16 : i32
        %parallel_loop3A_192 = arith.muli %parallel_loop3A_190, %parallel_loop3A_191 : i32
        %parallel_loop3A_193 = arith.index_cast %parallel_loop3A_192 : i32 to index
        %parallel_loop3A_194 = tpu.vector_load %arg16[%parallel_loop3A_193] {strides = array<i32>} : memref<2048xf32, #tpu.memory_space<vmem>>, vector<16xf32>,
        %parallel_loop3A_195 = arith.addi %parallel_loop3A_160, %parallel_loop3A_188 : vector<16xi32>
        %parallel_loop3A_196 = tpu.vector_load_idx %arg9[%parallel_loop3A_195] : memref<39936xf32, #tpu.memory_space<vmem>>[vector<16xi32>], vector<16xf32>,
        %parallel_loop3A_197 = arith.addi %parallel_loop3A_163, %parallel_loop3A_188 : vector<16xi32>
        %parallel_loop3A_198 = tpu.vector_load_idx %arg10[%parallel_loop3A_197] : memref<39936xf32, #tpu.memory_space<vmem>>[vector<16xi32>], vector<16xf32>,
        %parallel_loop3A_199 = arith.addf %parallel_loop3A_196, %parallel_loop3A_198 : vector<16xf32>
        %parallel_loop3A_200 = arith.constant 0.000000e+00 : f32
        %parallel_loop3A_201 = vector.broadcast %parallel_loop3A_200 : f32 to vector<16xf32>
        %parallel_loop3A_202 = arith.cmpf oge, %parallel_loop3A_199, %parallel_loop3A_201 : vector<16xf32>
        %parallel_loop3A_203 = arith.constant 2.000000e-01 : f32
        %parallel_loop3A_204 = vector.broadcast %parallel_loop3A_203 : f32 to vector<16xf32>
        %parallel_loop3A_205 = arith.mulf %parallel_loop3A_204, %parallel_loop3A_199 : vector<16xf32>
        %parallel_loop3A_206 = arith.select %parallel_loop3A_202, %parallel_loop3A_199, %parallel_loop3A_205 : vector<16xi1>, vector<16xf32>
        %parallel_loop3A_207 = arith.mulf %parallel_loop3A_194, %parallel_loop3A_206 : vector<16xf32>
        %parallel_loop3A_208 = arith.addf %scan3A_179, %parallel_loop3A_207 : vector<16xf32>
        %parallel_loop3A_209 = arith.constant 1 : i32
        %parallel_loop3A_210 = arith.addi %parallel_loop3A_184, %parallel_loop3A_209 : i32
        %parallel_loop3A_211 = vector.broadcast %parallel_loop3A_210 : i32 to vector<16xi32>
        %parallel_loop3A_212 = arith.xori %iota3A, %parallel_loop3A_211 : vector<16xi32>
        %parallel_loop3A_213 = arith.constant 1 : i32
        %parallel_loop3A_214 = arith.addi %parallel_loop3A_184, %parallel_loop3A_213 : i32
        %parallel_loop3A_215 = arith.constant 16 : i32
        %parallel_loop3A_216 = arith.muli %parallel_loop3A_214, %parallel_loop3A_215 : i32
        %parallel_loop3A_217 = arith.index_cast %parallel_loop3A_216 : i32 to index
        %parallel_loop3A_218 = tpu.vector_load %arg16[%parallel_loop3A_217] {strides = array<i32>} : memref<2048xf32, #tpu.memory_space<vmem>>, vector<16xf32>,
        %parallel_loop3A_219 = arith.addi %parallel_loop3A_160, %parallel_loop3A_212 : vector<16xi32>
        %parallel_loop3A_220 = tpu.vector_load_idx %arg9[%parallel_loop3A_219] : memref<39936xf32, #tpu.memory_space<vmem>>[vector<16xi32>], vector<16xf32>,
        %parallel_loop3A_221 = arith.addi %parallel_loop3A_163, %parallel_loop3A_212 : vector<16xi32>
        %parallel_loop3A_222 = tpu.vector_load_idx %arg10[%parallel_loop3A_221] : memref<39936xf32, #tpu.memory_space<vmem>>[vector<16xi32>], vector<16xf32>,
        %parallel_loop3A_223 = arith.addf %parallel_loop3A_220, %parallel_loop3A_222 : vector<16xf32>
        %parallel_loop3A_224 = arith.constant 0.000000e+00 : f32
        %parallel_loop3A_225 = vector.broadcast %parallel_loop3A_224 : f32 to vector<16xf32>
        %parallel_loop3A_226 = arith.cmpf oge, %parallel_loop3A_223, %parallel_loop3A_225 : vector<16xf32>
        %parallel_loop3A_227 = arith.constant 2.000000e-01 : f32
        %parallel_loop3A_228 = vector.broadcast %parallel_loop3A_227 : f32 to vector<16xf32>
        %parallel_loop3A_229 = arith.mulf %parallel_loop3A_228, %parallel_loop3A_223 : vector<16xf32>
        %parallel_loop3A_230 = arith.select %parallel_loop3A_226, %parallel_loop3A_223, %parallel_loop3A_229 : vector<16xi1>, vector<16xf32>
        %parallel_loop3A_231 = arith.mulf %parallel_loop3A_218, %parallel_loop3A_230 : vector<16xf32>
        %parallel_loop3A_232 = arith.addf %scan3A_180, %parallel_loop3A_231 : vector<16xf32>
        %parallel_loop3A_233 = arith.constant 2 : i32
        %parallel_loop3A_234 = arith.addi %parallel_loop3A_184, %parallel_loop3A_233 : i32
        %parallel_loop3A_235 = vector.broadcast %parallel_loop3A_234 : i32 to vector<16xi32>
        %parallel_loop3A_236 = arith.xori %iota3A, %parallel_loop3A_235 : vector<16xi32>
        %parallel_loop3A_237 = arith.constant 2 : i32
        %parallel_loop3A_238 = arith.addi %parallel_loop3A_184, %parallel_loop3A_237 : i32
        %parallel_loop3A_239 = arith.constant 16 : i32
        %parallel_loop3A_240 = arith.muli %parallel_loop3A_238, %parallel_loop3A_239 : i32
        %parallel_loop3A_241 = arith.index_cast %parallel_loop3A_240 : i32 to index
        %parallel_loop3A_242 = tpu.vector_load %arg16[%parallel_loop3A_241] {strides = array<i32>} : memref<2048xf32, #tpu.memory_space<vmem>>, vector<16xf32>,
        %parallel_loop3A_243 = arith.addi %parallel_loop3A_160, %parallel_loop3A_236 : vector<16xi32>
        %parallel_loop3A_244 = tpu.vector_load_idx %arg9[%parallel_loop3A_243] : memref<39936xf32, #tpu.memory_space<vmem>>[vector<16xi32>], vector<16xf32>,
        %parallel_loop3A_245 = arith.addi %parallel_loop3A_163, %parallel_loop3A_236 : vector<16xi32>
        %parallel_loop3A_246 = tpu.vector_load_idx %arg10[%parallel_loop3A_245] : memref<39936xf32, #tpu.memory_space<vmem>>[vector<16xi32>], vector<16xf32>,
        %parallel_loop3A_247 = arith.addf %parallel_loop3A_244, %parallel_loop3A_246 : vector<16xf32>
        %parallel_loop3A_248 = arith.constant 0.000000e+00 : f32
        %parallel_loop3A_249 = vector.broadcast %parallel_loop3A_248 : f32 to vector<16xf32>
        %parallel_loop3A_250 = arith.cmpf oge, %parallel_loop3A_247, %parallel_loop3A_249 : vector<16xf32>
        %parallel_loop3A_251 = arith.constant 2.000000e-01 : f32
        %parallel_loop3A_252 = vector.broadcast %parallel_loop3A_251 : f32 to vector<16xf32>
        %parallel_loop3A_253 = arith.mulf %parallel_loop3A_252, %parallel_loop3A_247 : vector<16xf32>
        %parallel_loop3A_254 = arith.select %parallel_loop3A_250, %parallel_loop3A_247, %parallel_loop3A_253 : vector<16xi1>, vector<16xf32>
        %parallel_loop3A_255 = arith.mulf %parallel_loop3A_242, %parallel_loop3A_254 : vector<16xf32>
        %parallel_loop3A_256 = arith.addf %scan3A_181, %parallel_loop3A_255 : vector<16xf32>
        %parallel_loop3A_257 = arith.constant 3 : i32
        %parallel_loop3A_258 = arith.addi %parallel_loop3A_184, %parallel_loop3A_257 : i32
        %parallel_loop3A_259 = vector.broadcast %parallel_loop3A_258 : i32 to vector<16xi32>
        %parallel_loop3A_260 = arith.xori %iota3A, %parallel_loop3A_259 : vector<16xi32>
        %parallel_loop3A_261 = arith.constant 3 : i32
        %parallel_loop3A_262 = arith.addi %parallel_loop3A_184, %parallel_loop3A_261 : i32
        %parallel_loop3A_263 = arith.constant 16 : i32
        %parallel_loop3A_264 = arith.muli %parallel_loop3A_262, %parallel_loop3A_263 : i32
        %parallel_loop3A_265 = arith.index_cast %parallel_loop3A_264 : i32 to index
        %parallel_loop3A_266 = tpu.vector_load %arg16[%parallel_loop3A_265] {strides = array<i32>} : memref<2048xf32, #tpu.memory_space<vmem>>, vector<16xf32>,
        %parallel_loop3A_267 = arith.addi %parallel_loop3A_160, %parallel_loop3A_260 : vector<16xi32>
        %parallel_loop3A_268 = tpu.vector_load_idx %arg9[%parallel_loop3A_267] : memref<39936xf32, #tpu.memory_space<vmem>>[vector<16xi32>], vector<16xf32>,
        %parallel_loop3A_269 = arith.addi %parallel_loop3A_163, %parallel_loop3A_260 : vector<16xi32>
        %parallel_loop3A_270 = tpu.vector_load_idx %arg10[%parallel_loop3A_269] : memref<39936xf32, #tpu.memory_space<vmem>>[vector<16xi32>], vector<16xf32>,
        %parallel_loop3A_271 = arith.addf %parallel_loop3A_268, %parallel_loop3A_270 : vector<16xf32>
        %parallel_loop3A_272 = arith.constant 0.000000e+00 : f32
        %parallel_loop3A_273 = vector.broadcast %parallel_loop3A_272 : f32 to vector<16xf32>
        %parallel_loop3A_274 = arith.cmpf oge, %parallel_loop3A_271, %parallel_loop3A_273 : vector<16xf32>
        %parallel_loop3A_275 = arith.constant 2.000000e-01 : f32
        %parallel_loop3A_276 = vector.broadcast %parallel_loop3A_275 : f32 to vector<16xf32>
        %parallel_loop3A_277 = arith.mulf %parallel_loop3A_276, %parallel_loop3A_271 : vector<16xf32>
        %parallel_loop3A_278 = arith.select %parallel_loop3A_274, %parallel_loop3A_271, %parallel_loop3A_277 : vector<16xi1>, vector<16xf32>
        %parallel_loop3A_279 = arith.mulf %parallel_loop3A_266, %parallel_loop3A_278 : vector<16xf32>
        %parallel_loop3A_280 = arith.addf %scan3A_182, %parallel_loop3A_279 : vector<16xf32>
        %parallel_loop3A_281 = arith.constant 4 : i32
        %parallel_loop3A_282 = arith.addi %parallel_loop3A_184, %parallel_loop3A_281 : i32
        %parallel_loop3A_283 = vector.broadcast %parallel_loop3A_282 : i32 to vector<16xi32>
        %parallel_loop3A_284 = arith.xori %iota3A, %parallel_loop3A_283 : vector<16xi32>
        %parallel_loop3A_285 = arith.constant 4 : i32
        %parallel_loop3A_286 = arith.addi %parallel_loop3A_184, %parallel_loop3A_285 : i32
        %parallel_loop3A_287 = arith.constant 16 : i32
        %parallel_loop3A_288 = arith.muli %parallel_loop3A_286, %parallel_loop3A_287 : i32
        %parallel_loop3A_289 = arith.index_cast %parallel_loop3A_288 : i32 to index
        %parallel_loop3A_290 = tpu.vector_load %arg16[%parallel_loop3A_289] {strides = array<i32>} : memref<2048xf32, #tpu.memory_space<vmem>>, vector<16xf32>,
        %parallel_loop3A_291 = arith.addi %parallel_loop3A_160, %parallel_loop3A_284 : vector<16xi32>
        %parallel_loop3A_292 = tpu.vector_load_idx %arg9[%parallel_loop3A_291] : memref<39936xf32, #tpu.memory_space<vmem>>[vector<16xi32>], vector<16xf32>,
        %parallel_loop3A_293 = arith.addi %parallel_loop3A_163, %parallel_loop3A_284 : vector<16xi32>
        %parallel_loop3A_294 = tpu.vector_load_idx %arg10[%parallel_loop3A_293] : memref<39936xf32, #tpu.memory_space<vmem>>[vector<16xi32>], vector<16xf32>,
        %parallel_loop3A_295 = arith.addf %parallel_loop3A_292, %parallel_loop3A_294 : vector<16xf32>
        %parallel_loop3A_296 = arith.constant 0.000000e+00 : f32
        %parallel_loop3A_297 = vector.broadcast %parallel_loop3A_296 : f32 to vector<16xf32>
        %parallel_loop3A_298 = arith.cmpf oge, %parallel_loop3A_295, %parallel_loop3A_297 : vector<16xf32>
        %parallel_loop3A_299 = arith.constant 2.000000e-01 : f32
        %parallel_loop3A_300 = vector.broadcast %parallel_loop3A_299 : f32 to vector<16xf32>
        %parallel_loop3A_301 = arith.mulf %parallel_loop3A_300, %parallel_loop3A_295 : vector<16xf32>
        %parallel_loop3A_302 = arith.select %parallel_loop3A_298, %parallel_loop3A_295, %parallel_loop3A_301 : vector<16xi1>, vector<16xf32>
        %parallel_loop3A_303 = arith.mulf %parallel_loop3A_290, %parallel_loop3A_302 : vector<16xf32>
        %parallel_loop3A_304 = arith.addf %parallel_loop3A_208, %parallel_loop3A_303 : vector<16xf32>
        %parallel_loop3A_305 = arith.constant 5 : i32
        %parallel_loop3A_306 = arith.addi %parallel_loop3A_184, %parallel_loop3A_305 : i32
        %parallel_loop3A_307 = vector.broadcast %parallel_loop3A_306 : i32 to vector<16xi32>
        %parallel_loop3A_308 = arith.xori %iota3A, %parallel_loop3A_307 : vector<16xi32>
        %parallel_loop3A_309 = arith.constant 5 : i32
        %parallel_loop3A_310 = arith.addi %parallel_loop3A_184, %parallel_loop3A_309 : i32
        %parallel_loop3A_311 = arith.constant 16 : i32
        %parallel_loop3A_312 = arith.muli %parallel_loop3A_310, %parallel_loop3A_311 : i32
        %parallel_loop3A_313 = arith.index_cast %parallel_loop3A_312 : i32 to index
        %parallel_loop3A_314 = tpu.vector_load %arg16[%parallel_loop3A_313] {strides = array<i32>} : memref<2048xf32, #tpu.memory_space<vmem>>, vector<16xf32>,
        %parallel_loop3A_315 = arith.addi %parallel_loop3A_160, %parallel_loop3A_308 : vector<16xi32>
        %parallel_loop3A_316 = tpu.vector_load_idx %arg9[%parallel_loop3A_315] : memref<39936xf32, #tpu.memory_space<vmem>>[vector<16xi32>], vector<16xf32>,
        %parallel_loop3A_317 = arith.addi %parallel_loop3A_163, %parallel_loop3A_308 : vector<16xi32>
        %parallel_loop3A_318 = tpu.vector_load_idx %arg10[%parallel_loop3A_317] : memref<39936xf32, #tpu.memory_space<vmem>>[vector<16xi32>], vector<16xf32>,
        %parallel_loop3A_319 = arith.addf %parallel_loop3A_316, %parallel_loop3A_318 : vector<16xf32>
        %parallel_loop3A_320 = arith.constant 0.000000e+00 : f32
        %parallel_loop3A_321 = vector.broadcast %parallel_loop3A_320 : f32 to vector<16xf32>
        %parallel_loop3A_322 = arith.cmpf oge, %parallel_loop3A_319, %parallel_loop3A_321 : vector<16xf32>
        %parallel_loop3A_323 = arith.constant 2.000000e-01 : f32
        %parallel_loop3A_324 = vector.broadcast %parallel_loop3A_323 : f32 to vector<16xf32>
        %parallel_loop3A_325 = arith.mulf %parallel_loop3A_324, %parallel_loop3A_319 : vector<16xf32>
        %parallel_loop3A_326 = arith.select %parallel_loop3A_322, %parallel_loop3A_319, %parallel_loop3A_325 : vector<16xi1>, vector<16xf32>
        %parallel_loop3A_327 = arith.mulf %parallel_loop3A_314, %parallel_loop3A_326 : vector<16xf32>
        %parallel_loop3A_328 = arith.addf %parallel_loop3A_232, %parallel_loop3A_327 : vector<16xf32>
        %parallel_loop3A_329 = arith.constant 6 : i32
        %parallel_loop3A_330 = arith.addi %parallel_loop3A_184, %parallel_loop3A_329 : i32
        %parallel_loop3A_331 = vector.broadcast %parallel_loop3A_330 : i32 to vector<16xi32>
        %parallel_loop3A_332 = arith.xori %iota3A, %parallel_loop3A_331 : vector<16xi32>
        %parallel_loop3A_333 = arith.constant 6 : i32
        %parallel_loop3A_334 = arith.addi %parallel_loop3A_184, %parallel_loop3A_333 : i32
        %parallel_loop3A_335 = arith.constant 16 : i32
        %parallel_loop3A_336 = arith.muli %parallel_loop3A_334, %parallel_loop3A_335 : i32
        %parallel_loop3A_337 = arith.index_cast %parallel_loop3A_336 : i32 to index
        %parallel_loop3A_338 = tpu.vector_load %arg16[%parallel_loop3A_337] {strides = array<i32>} : memref<2048xf32, #tpu.memory_space<vmem>>, vector<16xf32>,
        %parallel_loop3A_339 = arith.addi %parallel_loop3A_160, %parallel_loop3A_332 : vector<16xi32>
        %parallel_loop3A_340 = tpu.vector_load_idx %arg9[%parallel_loop3A_339] : memref<39936xf32, #tpu.memory_space<vmem>>[vector<16xi32>], vector<16xf32>,
        %parallel_loop3A_341 = arith.addi %parallel_loop3A_163, %parallel_loop3A_332 : vector<16xi32>
        %parallel_loop3A_342 = tpu.vector_load_idx %arg10[%parallel_loop3A_341] : memref<39936xf32, #tpu.memory_space<vmem>>[vector<16xi32>], vector<16xf32>,
        %parallel_loop3A_343 = arith.addf %parallel_loop3A_340, %parallel_loop3A_342 : vector<16xf32>
        %parallel_loop3A_344 = arith.constant 0.000000e+00 : f32
        %parallel_loop3A_345 = vector.broadcast %parallel_loop3A_344 : f32 to vector<16xf32>
        %parallel_loop3A_346 = arith.cmpf oge, %parallel_loop3A_343, %parallel_loop3A_345 : vector<16xf32>
        %parallel_loop3A_347 = arith.constant 2.000000e-01 : f32
        %parallel_loop3A_348 = vector.broadcast %parallel_loop3A_347 : f32 to vector<16xf32>
        %parallel_loop3A_349 = arith.mulf %parallel_loop3A_348, %parallel_loop3A_343 : vector<16xf32>
        %parallel_loop3A_350 = arith.select %parallel_loop3A_346, %parallel_loop3A_343, %parallel_loop3A_349 : vector<16xi1>, vector<16xf32>
        %parallel_loop3A_351 = arith.mulf %parallel_loop3A_338, %parallel_loop3A_350 : vector<16xf32>
        %parallel_loop3A_352 = arith.addf %parallel_loop3A_256, %parallel_loop3A_351 : vector<16xf32>
        %parallel_loop3A_353 = arith.constant 7 : i32
        %parallel_loop3A_354 = arith.addi %parallel_loop3A_184, %parallel_loop3A_353 : i32
        %parallel_loop3A_355 = vector.broadcast %parallel_loop3A_354 : i32 to vector<16xi32>
        %parallel_loop3A_356 = arith.xori %iota3A, %parallel_loop3A_355 : vector<16xi32>
        %parallel_loop3A_357 = arith.constant 7 : i32
        %parallel_loop3A_358 = arith.addi %parallel_loop3A_184, %parallel_loop3A_357 : i32
        %parallel_loop3A_359 = arith.constant 16 : i32
        %parallel_loop3A_360 = arith.muli %parallel_loop3A_358, %parallel_loop3A_359 : i32
        %parallel_loop3A_361 = arith.index_cast %parallel_loop3A_360 : i32 to index
        %parallel_loop3A_362 = tpu.vector_load %arg16[%parallel_loop3A_361] {strides = array<i32>} : memref<2048xf32, #tpu.memory_space<vmem>>, vector<16xf32>,
        %parallel_loop3A_363 = arith.addi %parallel_loop3A_160, %parallel_loop3A_356 : vector<16xi32>
        %parallel_loop3A_364 = tpu.vector_load_idx %arg9[%parallel_loop3A_363] : memref<39936xf32, #tpu.memory_space<vmem>>[vector<16xi32>], vector<16xf32>,
        %parallel_loop3A_365 = arith.addi %parallel_loop3A_163, %parallel_loop3A_356 : vector<16xi32>
        %parallel_loop3A_366 = tpu.vector_load_idx %arg10[%parallel_loop3A_365] : memref<39936xf32, #tpu.memory_space<vmem>>[vector<16xi32>], vector<16xf32>,
        %parallel_loop3A_367 = arith.addf %parallel_loop3A_364, %parallel_loop3A_366 : vector<16xf32>
        %parallel_loop3A_368 = arith.constant 0.000000e+00 : f32
        %parallel_loop3A_369 = vector.broadcast %parallel_loop3A_368 : f32 to vector<16xf32>
        %parallel_loop3A_370 = arith.cmpf oge, %parallel_loop3A_367, %parallel_loop3A_369 : vector<16xf32>
        %parallel_loop3A_371 = arith.constant 2.000000e-01 : f32
        %parallel_loop3A_372 = vector.broadcast %parallel_loop3A_371 : f32 to vector<16xf32>
        %parallel_loop3A_373 = arith.mulf %parallel_loop3A_372, %parallel_loop3A_367 : vector<16xf32>
        %parallel_loop3A_374 = arith.select %parallel_loop3A_370, %parallel_loop3A_367, %parallel_loop3A_373 : vector<16xi1>, vector<16xf32>
        %parallel_loop3A_375 = arith.mulf %parallel_loop3A_362, %parallel_loop3A_374 : vector<16xf32>
        %parallel_loop3A_376 = arith.addf %parallel_loop3A_280, %parallel_loop3A_375 : vector<16xf32>
        %parallel_loop3A_377 = arith.constant 8 : i32
        %parallel_loop3A_378 = arith.addi %parallel_loop3A_184, %parallel_loop3A_377 : i32
        %parallel_loop3A_379 = vector.broadcast %parallel_loop3A_378 : i32 to vector<16xi32>
        %parallel_loop3A_380 = arith.xori %iota3A, %parallel_loop3A_379 : vector<16xi32>
        %parallel_loop3A_381 = arith.constant 8 : i32
        %parallel_loop3A_382 = arith.addi %parallel_loop3A_184, %parallel_loop3A_381 : i32
        %parallel_loop3A_383 = arith.constant 16 : i32
        %parallel_loop3A_384 = arith.muli %parallel_loop3A_382, %parallel_loop3A_383 : i32
        %parallel_loop3A_385 = arith.index_cast %parallel_loop3A_384 : i32 to index
        %parallel_loop3A_386 = tpu.vector_load %arg16[%parallel_loop3A_385] {strides = array<i32>} : memref<2048xf32, #tpu.memory_space<vmem>>, vector<16xf32>,
        %parallel_loop3A_387 = arith.addi %parallel_loop3A_160, %parallel_loop3A_380 : vector<16xi32>
        %parallel_loop3A_388 = tpu.vector_load_idx %arg9[%parallel_loop3A_387] : memref<39936xf32, #tpu.memory_space<vmem>>[vector<16xi32>], vector<16xf32>,
        %parallel_loop3A_389 = arith.addi %parallel_loop3A_163, %parallel_loop3A_380 : vector<16xi32>
        %parallel_loop3A_390 = tpu.vector_load_idx %arg10[%parallel_loop3A_389] : memref<39936xf32, #tpu.memory_space<vmem>>[vector<16xi32>], vector<16xf32>,
        %parallel_loop3A_391 = arith.addf %parallel_loop3A_388, %parallel_loop3A_390 : vector<16xf32>
        %parallel_loop3A_392 = arith.constant 0.000000e+00 : f32
        %parallel_loop3A_393 = vector.broadcast %parallel_loop3A_392 : f32 to vector<16xf32>
        %parallel_loop3A_394 = arith.cmpf oge, %parallel_loop3A_391, %parallel_loop3A_393 : vector<16xf32>
        %parallel_loop3A_395 = arith.constant 2.000000e-01 : f32
        %parallel_loop3A_396 = vector.broadcast %parallel_loop3A_395 : f32 to vector<16xf32>
        %parallel_loop3A_397 = arith.mulf %parallel_loop3A_396, %parallel_loop3A_391 : vector<16xf32>
        %parallel_loop3A_398 = arith.select %parallel_loop3A_394, %parallel_loop3A_391, %parallel_loop3A_397 : vector<16xi1>, vector<16xf32>
        %parallel_loop3A_399 = arith.mulf %parallel_loop3A_386, %parallel_loop3A_398 : vector<16xf32>
        %parallel_loop3A_400 = arith.addf %parallel_loop3A_304, %parallel_loop3A_399 : vector<16xf32>
        %parallel_loop3A_401 = arith.constant 9 : i32
        %parallel_loop3A_402 = arith.addi %parallel_loop3A_184, %parallel_loop3A_401 : i32
        %parallel_loop3A_403 = vector.broadcast %parallel_loop3A_402 : i32 to vector<16xi32>
        %parallel_loop3A_404 = arith.xori %iota3A, %parallel_loop3A_403 : vector<16xi32>
        %parallel_loop3A_405 = arith.constant 9 : i32
        %parallel_loop3A_406 = arith.addi %parallel_loop3A_184, %parallel_loop3A_405 : i32
        %parallel_loop3A_407 = arith.constant 16 : i32
        %parallel_loop3A_408 = arith.muli %parallel_loop3A_406, %parallel_loop3A_407 : i32
        %parallel_loop3A_409 = arith.index_cast %parallel_loop3A_408 : i32 to index
        %parallel_loop3A_410 = tpu.vector_load %arg16[%parallel_loop3A_409] {strides = array<i32>} : memref<2048xf32, #tpu.memory_space<vmem>>, vector<16xf32>,
        %parallel_loop3A_411 = arith.addi %parallel_loop3A_160, %parallel_loop3A_404 : vector<16xi32>
        %parallel_loop3A_412 = tpu.vector_load_idx %arg9[%parallel_loop3A_411] : memref<39936xf32, #tpu.memory_space<vmem>>[vector<16xi32>], vector<16xf32>,
        %parallel_loop3A_413 = arith.addi %parallel_loop3A_163, %parallel_loop3A_404 : vector<16xi32>
        %parallel_loop3A_414 = tpu.vector_load_idx %arg10[%parallel_loop3A_413] : memref<39936xf32, #tpu.memory_space<vmem>>[vector<16xi32>], vector<16xf32>,
        %parallel_loop3A_415 = arith.addf %parallel_loop3A_412, %parallel_loop3A_414 : vector<16xf32>
        %parallel_loop3A_416 = arith.constant 0.000000e+00 : f32
        %parallel_loop3A_417 = vector.broadcast %parallel_loop3A_416 : f32 to vector<16xf32>
        %parallel_loop3A_418 = arith.cmpf oge, %parallel_loop3A_415, %parallel_loop3A_417 : vector<16xf32>
        %parallel_loop3A_419 = arith.constant 2.000000e-01 : f32
        %parallel_loop3A_420 = vector.broadcast %parallel_loop3A_419 : f32 to vector<16xf32>
        %parallel_loop3A_421 = arith.mulf %parallel_loop3A_420, %parallel_loop3A_415 : vector<16xf32>
        %parallel_loop3A_422 = arith.select %parallel_loop3A_418, %parallel_loop3A_415, %parallel_loop3A_421 : vector<16xi1>, vector<16xf32>
        %parallel_loop3A_423 = arith.mulf %parallel_loop3A_410, %parallel_loop3A_422 : vector<16xf32>
        %parallel_loop3A_424 = arith.addf %parallel_loop3A_328, %parallel_loop3A_423 : vector<16xf32>
        %parallel_loop3A_425 = arith.constant 10 : i32
        %parallel_loop3A_426 = arith.addi %parallel_loop3A_184, %parallel_loop3A_425 : i32
        %parallel_loop3A_427 = vector.broadcast %parallel_loop3A_426 : i32 to vector<16xi32>
        %parallel_loop3A_428 = arith.xori %iota3A, %parallel_loop3A_427 : vector<16xi32>
        %parallel_loop3A_429 = arith.constant 10 : i32
        %parallel_loop3A_430 = arith.addi %parallel_loop3A_184, %parallel_loop3A_429 : i32
        %parallel_loop3A_431 = arith.constant 16 : i32
        %parallel_loop3A_432 = arith.muli %parallel_loop3A_430, %parallel_loop3A_431 : i32
        %parallel_loop3A_433 = arith.index_cast %parallel_loop3A_432 : i32 to index
        %parallel_loop3A_434 = tpu.vector_load %arg16[%parallel_loop3A_433] {strides = array<i32>} : memref<2048xf32, #tpu.memory_space<vmem>>, vector<16xf32>,
        %parallel_loop3A_435 = arith.addi %parallel_loop3A_160, %parallel_loop3A_428 : vector<16xi32>
        %parallel_loop3A_436 = tpu.vector_load_idx %arg9[%parallel_loop3A_435] : memref<39936xf32, #tpu.memory_space<vmem>>[vector<16xi32>], vector<16xf32>,
        %parallel_loop3A_437 = arith.addi %parallel_loop3A_163, %parallel_loop3A_428 : vector<16xi32>
        %parallel_loop3A_438 = tpu.vector_load_idx %arg10[%parallel_loop3A_437] : memref<39936xf32, #tpu.memory_space<vmem>>[vector<16xi32>], vector<16xf32>,
        %parallel_loop3A_439 = arith.addf %parallel_loop3A_436, %parallel_loop3A_438 : vector<16xf32>
        %parallel_loop3A_440 = arith.constant 0.000000e+00 : f32
        %parallel_loop3A_441 = vector.broadcast %parallel_loop3A_440 : f32 to vector<16xf32>
        %parallel_loop3A_442 = arith.cmpf oge, %parallel_loop3A_439, %parallel_loop3A_441 : vector<16xf32>
        %parallel_loop3A_443 = arith.constant 2.000000e-01 : f32
        %parallel_loop3A_444 = vector.broadcast %parallel_loop3A_443 : f32 to vector<16xf32>
        %parallel_loop3A_445 = arith.mulf %parallel_loop3A_444, %parallel_loop3A_439 : vector<16xf32>
        %parallel_loop3A_446 = arith.select %parallel_loop3A_442, %parallel_loop3A_439, %parallel_loop3A_445 : vector<16xi1>, vector<16xf32>
        %parallel_loop3A_447 = arith.mulf %parallel_loop3A_434, %parallel_loop3A_446 : vector<16xf32>
        %parallel_loop3A_448 = arith.addf %parallel_loop3A_352, %parallel_loop3A_447 : vector<16xf32>
        %parallel_loop3A_449 = arith.constant 11 : i32
        %parallel_loop3A_450 = arith.addi %parallel_loop3A_184, %parallel_loop3A_449 : i32
        %parallel_loop3A_451 = vector.broadcast %parallel_loop3A_450 : i32 to vector<16xi32>
        %parallel_loop3A_452 = arith.xori %iota3A, %parallel_loop3A_451 : vector<16xi32>
        %parallel_loop3A_453 = arith.constant 11 : i32
        %parallel_loop3A_454 = arith.addi %parallel_loop3A_184, %parallel_loop3A_453 : i32
        %parallel_loop3A_455 = arith.constant 16 : i32
        %parallel_loop3A_456 = arith.muli %parallel_loop3A_454, %parallel_loop3A_455 : i32
        %parallel_loop3A_457 = arith.index_cast %parallel_loop3A_456 : i32 to index
        %parallel_loop3A_458 = tpu.vector_load %arg16[%parallel_loop3A_457] {strides = array<i32>} : memref<2048xf32, #tpu.memory_space<vmem>>, vector<16xf32>,
        %parallel_loop3A_459 = arith.addi %parallel_loop3A_160, %parallel_loop3A_452 : vector<16xi32>
        %parallel_loop3A_460 = tpu.vector_load_idx %arg9[%parallel_loop3A_459] : memref<39936xf32, #tpu.memory_space<vmem>>[vector<16xi32>], vector<16xf32>,
        %parallel_loop3A_461 = arith.addi %parallel_loop3A_163, %parallel_loop3A_452 : vector<16xi32>
        %parallel_loop3A_462 = tpu.vector_load_idx %arg10[%parallel_loop3A_461] : memref<39936xf32, #tpu.memory_space<vmem>>[vector<16xi32>], vector<16xf32>,
        %parallel_loop3A_463 = arith.addf %parallel_loop3A_460, %parallel_loop3A_462 : vector<16xf32>
        %parallel_loop3A_464 = arith.constant 0.000000e+00 : f32
        %parallel_loop3A_465 = vector.broadcast %parallel_loop3A_464 : f32 to vector<16xf32>
        %parallel_loop3A_466 = arith.cmpf oge, %parallel_loop3A_463, %parallel_loop3A_465 : vector<16xf32>
        %parallel_loop3A_467 = arith.constant 2.000000e-01 : f32
        %parallel_loop3A_468 = vector.broadcast %parallel_loop3A_467 : f32 to vector<16xf32>
        %parallel_loop3A_469 = arith.mulf %parallel_loop3A_468, %parallel_loop3A_463 : vector<16xf32>
        %parallel_loop3A_470 = arith.select %parallel_loop3A_466, %parallel_loop3A_463, %parallel_loop3A_469 : vector<16xi1>, vector<16xf32>
        %parallel_loop3A_471 = arith.mulf %parallel_loop3A_458, %parallel_loop3A_470 : vector<16xf32>
        %parallel_loop3A_472 = arith.addf %parallel_loop3A_376, %parallel_loop3A_471 : vector<16xf32>
        %parallel_loop3A_473 = arith.constant 12 : i32
        %parallel_loop3A_474 = arith.addi %parallel_loop3A_184, %parallel_loop3A_473 : i32
        %parallel_loop3A_475 = vector.broadcast %parallel_loop3A_474 : i32 to vector<16xi32>
        %parallel_loop3A_476 = arith.xori %iota3A, %parallel_loop3A_475 : vector<16xi32>
        %parallel_loop3A_477 = arith.constant 12 : i32
        %parallel_loop3A_478 = arith.addi %parallel_loop3A_184, %parallel_loop3A_477 : i32
        %parallel_loop3A_479 = arith.constant 16 : i32
        %parallel_loop3A_480 = arith.muli %parallel_loop3A_478, %parallel_loop3A_479 : i32
        %parallel_loop3A_481 = arith.index_cast %parallel_loop3A_480 : i32 to index
        %parallel_loop3A_482 = tpu.vector_load %arg16[%parallel_loop3A_481] {strides = array<i32>} : memref<2048xf32, #tpu.memory_space<vmem>>, vector<16xf32>,
        %parallel_loop3A_483 = arith.addi %parallel_loop3A_160, %parallel_loop3A_476 : vector<16xi32>
        %parallel_loop3A_484 = tpu.vector_load_idx %arg9[%parallel_loop3A_483] : memref<39936xf32, #tpu.memory_space<vmem>>[vector<16xi32>], vector<16xf32>,
        %parallel_loop3A_485 = arith.addi %parallel_loop3A_163, %parallel_loop3A_476 : vector<16xi32>
        %parallel_loop3A_486 = tpu.vector_load_idx %arg10[%parallel_loop3A_485] : memref<39936xf32, #tpu.memory_space<vmem>>[vector<16xi32>], vector<16xf32>,
        %parallel_loop3A_487 = arith.addf %parallel_loop3A_484, %parallel_loop3A_486 : vector<16xf32>
        %parallel_loop3A_488 = arith.constant 0.000000e+00 : f32
        %parallel_loop3A_489 = vector.broadcast %parallel_loop3A_488 : f32 to vector<16xf32>
        %parallel_loop3A_490 = arith.cmpf oge, %parallel_loop3A_487, %parallel_loop3A_489 : vector<16xf32>
        %parallel_loop3A_491 = arith.constant 2.000000e-01 : f32
        %parallel_loop3A_492 = vector.broadcast %parallel_loop3A_491 : f32 to vector<16xf32>
        %parallel_loop3A_493 = arith.mulf %parallel_loop3A_492, %parallel_loop3A_487 : vector<16xf32>
        %parallel_loop3A_494 = arith.select %parallel_loop3A_490, %parallel_loop3A_487, %parallel_loop3A_493 : vector<16xi1>, vector<16xf32>
        %parallel_loop3A_495 = arith.mulf %parallel_loop3A_482, %parallel_loop3A_494 : vector<16xf32>
        %parallel_loop3A_496 = arith.addf %parallel_loop3A_400, %parallel_loop3A_495 : vector<16xf32>
        %parallel_loop3A_497 = arith.constant 13 : i32
        %parallel_loop3A_498 = arith.addi %parallel_loop3A_184, %parallel_loop3A_497 : i32
        %parallel_loop3A_499 = vector.broadcast %parallel_loop3A_498 : i32 to vector<16xi32>
        %parallel_loop3A_500 = arith.xori %iota3A, %parallel_loop3A_499 : vector<16xi32>
        %parallel_loop3A_501 = arith.constant 13 : i32
        %parallel_loop3A_502 = arith.addi %parallel_loop3A_184, %parallel_loop3A_501 : i32
        %parallel_loop3A_503 = arith.constant 16 : i32
        %parallel_loop3A_504 = arith.muli %parallel_loop3A_502, %parallel_loop3A_503 : i32
        %parallel_loop3A_505 = arith.index_cast %parallel_loop3A_504 : i32 to index
        %parallel_loop3A_506 = tpu.vector_load %arg16[%parallel_loop3A_505] {strides = array<i32>} : memref<2048xf32, #tpu.memory_space<vmem>>, vector<16xf32>,
        %parallel_loop3A_507 = arith.addi %parallel_loop3A_160, %parallel_loop3A_500 : vector<16xi32>
        %parallel_loop3A_508 = tpu.vector_load_idx %arg9[%parallel_loop3A_507] : memref<39936xf32, #tpu.memory_space<vmem>>[vector<16xi32>], vector<16xf32>,
        %parallel_loop3A_509 = arith.addi %parallel_loop3A_163, %parallel_loop3A_500 : vector<16xi32>
        %parallel_loop3A_510 = tpu.vector_load_idx %arg10[%parallel_loop3A_509] : memref<39936xf32, #tpu.memory_space<vmem>>[vector<16xi32>], vector<16xf32>,
        %parallel_loop3A_511 = arith.addf %parallel_loop3A_508, %parallel_loop3A_510 : vector<16xf32>
        %parallel_loop3A_512 = arith.constant 0.000000e+00 : f32
        %parallel_loop3A_513 = vector.broadcast %parallel_loop3A_512 : f32 to vector<16xf32>
        %parallel_loop3A_514 = arith.cmpf oge, %parallel_loop3A_511, %parallel_loop3A_513 : vector<16xf32>
        %parallel_loop3A_515 = arith.constant 2.000000e-01 : f32
        %parallel_loop3A_516 = vector.broadcast %parallel_loop3A_515 : f32 to vector<16xf32>
        %parallel_loop3A_517 = arith.mulf %parallel_loop3A_516, %parallel_loop3A_511 : vector<16xf32>
        %parallel_loop3A_518 = arith.select %parallel_loop3A_514, %parallel_loop3A_511, %parallel_loop3A_517 : vector<16xi1>, vector<16xf32>
        %parallel_loop3A_519 = arith.mulf %parallel_loop3A_506, %parallel_loop3A_518 : vector<16xf32>
        %parallel_loop3A_520 = arith.addf %parallel_loop3A_424, %parallel_loop3A_519 : vector<16xf32>
        %parallel_loop3A_521 = arith.constant 14 : i32
        %parallel_loop3A_522 = arith.addi %parallel_loop3A_184, %parallel_loop3A_521 : i32
        %parallel_loop3A_523 = vector.broadcast %parallel_loop3A_522 : i32 to vector<16xi32>
        %parallel_loop3A_524 = arith.xori %iota3A, %parallel_loop3A_523 : vector<16xi32>
        %parallel_loop3A_525 = arith.constant 14 : i32
        %parallel_loop3A_526 = arith.addi %parallel_loop3A_184, %parallel_loop3A_525 : i32
        %parallel_loop3A_527 = arith.constant 16 : i32
        %parallel_loop3A_528 = arith.muli %parallel_loop3A_526, %parallel_loop3A_527 : i32
        %parallel_loop3A_529 = arith.index_cast %parallel_loop3A_528 : i32 to index
        %parallel_loop3A_530 = tpu.vector_load %arg16[%parallel_loop3A_529] {strides = array<i32>} : memref<2048xf32, #tpu.memory_space<vmem>>, vector<16xf32>,
        %parallel_loop3A_531 = arith.addi %parallel_loop3A_160, %parallel_loop3A_524 : vector<16xi32>
        %parallel_loop3A_532 = tpu.vector_load_idx %arg9[%parallel_loop3A_531] : memref<39936xf32, #tpu.memory_space<vmem>>[vector<16xi32>], vector<16xf32>,
        %parallel_loop3A_533 = arith.addi %parallel_loop3A_163, %parallel_loop3A_524 : vector<16xi32>
        %parallel_loop3A_534 = tpu.vector_load_idx %arg10[%parallel_loop3A_533] : memref<39936xf32, #tpu.memory_space<vmem>>[vector<16xi32>], vector<16xf32>,
        %parallel_loop3A_535 = arith.addf %parallel_loop3A_532, %parallel_loop3A_534 : vector<16xf32>
        %parallel_loop3A_536 = arith.constant 0.000000e+00 : f32
        %parallel_loop3A_537 = vector.broadcast %parallel_loop3A_536 : f32 to vector<16xf32>
        %parallel_loop3A_538 = arith.cmpf oge, %parallel_loop3A_535, %parallel_loop3A_537 : vector<16xf32>
        %parallel_loop3A_539 = arith.constant 2.000000e-01 : f32
        %parallel_loop3A_540 = vector.broadcast %parallel_loop3A_539 : f32 to vector<16xf32>
        %parallel_loop3A_541 = arith.mulf %parallel_loop3A_540, %parallel_loop3A_535 : vector<16xf32>
        %parallel_loop3A_542 = arith.select %parallel_loop3A_538, %parallel_loop3A_535, %parallel_loop3A_541 : vector<16xi1>, vector<16xf32>
        %parallel_loop3A_543 = arith.mulf %parallel_loop3A_530, %parallel_loop3A_542 : vector<16xf32>
        %parallel_loop3A_544 = arith.addf %parallel_loop3A_448, %parallel_loop3A_543 : vector<16xf32>
        %parallel_loop3A_545 = arith.constant 15 : i32
        %parallel_loop3A_546 = arith.addi %parallel_loop3A_184, %parallel_loop3A_545 : i32
        %parallel_loop3A_547 = vector.broadcast %parallel_loop3A_546 : i32 to vector<16xi32>
        %parallel_loop3A_548 = arith.xori %iota3A, %parallel_loop3A_547 : vector<16xi32>
        %parallel_loop3A_549 = arith.constant 15 : i32
        %parallel_loop3A_550 = arith.addi %parallel_loop3A_184, %parallel_loop3A_549 : i32
        %parallel_loop3A_551 = arith.constant 16 : i32
        %parallel_loop3A_552 = arith.muli %parallel_loop3A_550, %parallel_loop3A_551 : i32
        %parallel_loop3A_553 = arith.index_cast %parallel_loop3A_552 : i32 to index
        %parallel_loop3A_554 = tpu.vector_load %arg16[%parallel_loop3A_553] {strides = array<i32>} : memref<2048xf32, #tpu.memory_space<vmem>>, vector<16xf32>,
        %parallel_loop3A_555 = arith.addi %parallel_loop3A_160, %parallel_loop3A_548 : vector<16xi32>
        %parallel_loop3A_556 = tpu.vector_load_idx %arg9[%parallel_loop3A_555] : memref<39936xf32, #tpu.memory_space<vmem>>[vector<16xi32>], vector<16xf32>,
        %parallel_loop3A_557 = arith.addi %parallel_loop3A_163, %parallel_loop3A_548 : vector<16xi32>
        %parallel_loop3A_558 = tpu.vector_load_idx %arg10[%parallel_loop3A_557] : memref<39936xf32, #tpu.memory_space<vmem>>[vector<16xi32>], vector<16xf32>,
        %parallel_loop3A_559 = arith.addf %parallel_loop3A_556, %parallel_loop3A_558 : vector<16xf32>
        %parallel_loop3A_560 = arith.constant 0.000000e+00 : f32
        %parallel_loop3A_561 = vector.broadcast %parallel_loop3A_560 : f32 to vector<16xf32>
        %parallel_loop3A_562 = arith.cmpf oge, %parallel_loop3A_559, %parallel_loop3A_561 : vector<16xf32>
        %parallel_loop3A_563 = arith.constant 2.000000e-01 : f32
        %parallel_loop3A_564 = vector.broadcast %parallel_loop3A_563 : f32 to vector<16xf32>
        %parallel_loop3A_565 = arith.mulf %parallel_loop3A_564, %parallel_loop3A_559 : vector<16xf32>
        %parallel_loop3A_566 = arith.select %parallel_loop3A_562, %parallel_loop3A_559, %parallel_loop3A_565 : vector<16xi1>, vector<16xf32>
        %parallel_loop3A_567 = arith.mulf %parallel_loop3A_554, %parallel_loop3A_566 : vector<16xf32>
        %parallel_loop3A_568 = arith.addf %parallel_loop3A_472, %parallel_loop3A_567 : vector<16xf32>
        scf.yield %parallel_loop3A_496, %parallel_loop3A_520, %parallel_loop3A_544, %parallel_loop3A_568 : vector<16xf32>, vector<16xf32>, vector<16xf32>, vector<16xf32>
      }
      %parallel_loop3A_169 = arith.constant 8 : i32
      %parallel_loop3A_170 = arith.addf %parallel_loop3A_168#0, %parallel_loop3A_168#1 : vector<16xf32>
      %parallel_loop3A_171 = arith.addf %parallel_loop3A_168#2, %parallel_loop3A_168#3 : vector<16xf32>
      %parallel_loop3A_172 = arith.addf %parallel_loop3A_170, %parallel_loop3A_171 : vector<16xf32>
      %parallel_loop3A_173 = arith.constant 16 : i32
      %parallel_loop3A_174 = arith.muli %parallel_loop3A_148, %parallel_loop3A_173 : i32
      %parallel_loop3A_175 = arith.index_cast %parallel_loop3A_174 : i32 to index
      %parallel_loop3A_176 = tpu.vector_load %arg14[%parallel_loop3A_175] {strides = array<i32>} : memref<992xf32, #tpu.memory_space<vmem>>, vector<16xf32>,
      tpu.vector_store %arg14[%parallel_loop3A_175], %parallel_loop3A_172 {strides = array<i32>} : memref<992xf32, #tpu.memory_space<vmem>>, vector<16xf32>,
      %parallel_loop3A_177 = arith.maximumf %parallel_loop3A_149, %parallel_loop3A_172 : vector<16xf32>
      scf.yield %parallel_loop3A_177 : vector<16xf32>
    } {sc.loop_unroll_factor = 2 : i64, sc.parallel_access}
    %reduce_max3A_134 = arith.constant true
    %reduce_max3A_135 = vector.broadcast %reduce_max3A_134 : i1 to vector<16xi1>
    %reduce_max3A_136 = tpu.scan <max>, %parallel_loop3A_133 masked %reduce_max3A_135 : vector<16xf32>, vector<16xi1> -> vector<16xf32>
    %reduce_max3A_137 = vector.extract %reduce_max3A_136[15] : f32 from vector<16xf32>
    %parallel_loop3A_138 = arith.constant 0 : i32
    %parallel_loop3A_139 = arith.constant 62 : i32
    %parallel_loop3A_140 = arith.constant 1 : i32
    %parallel_loop3A_141 = arith.constant 0 : i32
    %parallel_loop3A_142 = scf.for %parallel_loop3A_148 = %parallel_loop3A_138 to %parallel_loop3A_139 step %parallel_loop3A_140 iter_args(%parallel_loop3A_149 = %parallel_loop3A_141) -> (i32)  : i32 {
      %parallel_loop3A_150 = arith.constant 16 : i32
      %parallel_loop3A_151 = arith.muli %parallel_loop3A_148, %parallel_loop3A_150 : i32
      %parallel_loop3A_152 = arith.index_cast %parallel_loop3A_151 : i32 to index
      %parallel_loop3A_153 = tpu.vector_load %arg13[%parallel_loop3A_152] {strides = array<i32>} : memref<992xi32, #tpu.memory_space<vmem>>, vector<16xi32>,
      %parallel_loop3A_154 = arith.constant 16 : i32
      %parallel_loop3A_155 = arith.muli %parallel_loop3A_148, %parallel_loop3A_154 : i32
      %parallel_loop3A_156 = arith.index_cast %parallel_loop3A_155 : i32 to index
      %parallel_loop3A_157 = tpu.vector_load %arg14[%parallel_loop3A_156] {strides = array<i32>} : memref<992xf32, #tpu.memory_space<vmem>>, vector<16xf32>,
      %parallel_loop3A_158 = vector.broadcast %reduce_max3A_137 : f32 to vector<16xf32>
      %parallel_loop3A_159 = arith.subf %parallel_loop3A_157, %parallel_loop3A_158 : vector<16xf32>
      %parallel_loop3A_160 = math.exp %parallel_loop3A_159 : vector<16xf32>
      %parallel_loop3A_161 = arith.constant 16 : i32
      %parallel_loop3A_162 = arith.muli %parallel_loop3A_148, %parallel_loop3A_161 : i32
      %parallel_loop3A_163 = arith.index_cast %parallel_loop3A_162 : i32 to index
      %parallel_loop3A_164 = tpu.vector_load %arg14[%parallel_loop3A_163] {strides = array<i32>} : memref<992xf32, #tpu.memory_space<vmem>>, vector<16xf32>,
      tpu.vector_store %arg14[%parallel_loop3A_163], %parallel_loop3A_160 {strides = array<i32>} : memref<992xf32, #tpu.memory_space<vmem>>, vector<16xf32>,
      tpu.vector_store_idx %arg15[%parallel_loop3A_153], %parallel_loop3A_160 {add = true} : memref<320xf32, #tpu.memory_space<vmem>>[vector<16xi32>], vector<16xf32>,
      scf.yield %parallel_loop3A_149 : i32
    } {sc.loop_unroll_factor = 1 : i64, sc.parallel_access}
    %parallel_loop3A_143 = arith.constant 0 : i32
    %parallel_loop3A_144 = arith.constant 62 : i32
    %parallel_loop3A_145 = arith.constant 1 : i32
    %parallel_loop3A_146 = arith.constant 0 : i32
    %parallel_loop3A_147 = scf.for %parallel_loop3A_148 = %parallel_loop3A_143 to %parallel_loop3A_144 step %parallel_loop3A_145 iter_args(%parallel_loop3A_149 = %parallel_loop3A_146) -> (i32)  : i32 {
      %parallel_loop3A_150 = arith.constant 16 : i32
      %parallel_loop3A_151 = arith.muli %parallel_loop3A_148, %parallel_loop3A_150 : i32
      %parallel_loop3A_152 = arith.index_cast %parallel_loop3A_151 : i32 to index
      %parallel_loop3A_153 = tpu.vector_load %arg12[%parallel_loop3A_152] {strides = array<i32>} : memref<992xi32, #tpu.memory_space<vmem>>, vector<16xi32>,
      %parallel_loop3A_154 = arith.constant 16 : i32
      %parallel_loop3A_155 = arith.muli %parallel_loop3A_148, %parallel_loop3A_154 : i32
      %parallel_loop3A_156 = arith.index_cast %parallel_loop3A_155 : i32 to index
      %parallel_loop3A_157 = tpu.vector_load %arg13[%parallel_loop3A_156] {strides = array<i32>} : memref<992xi32, #tpu.memory_space<vmem>>, vector<16xi32>,
      %parallel_loop3A_158 = arith.constant 128 : i32
      %parallel_loop3A_159 = vector.broadcast %parallel_loop3A_158 : i32 to vector<16xi32>
      %parallel_loop3A_160 = arith.muli %parallel_loop3A_153, %parallel_loop3A_159 : vector<16xi32>
      %parallel_loop3A_161 = arith.constant 128 : i32
      %parallel_loop3A_162 = vector.broadcast %parallel_loop3A_161 : i32 to vector<16xi32>
      %parallel_loop3A_163 = arith.muli %parallel_loop3A_157, %parallel_loop3A_162 : vector<16xi32>
      %parallel_loop3A_164 = arith.constant 16 : i32
      %parallel_loop3A_165 = arith.muli %parallel_loop3A_148, %parallel_loop3A_164 : i32
      %parallel_loop3A_166 = arith.index_cast %parallel_loop3A_165 : i32 to index
      %parallel_loop3A_167 = tpu.vector_load %arg14[%parallel_loop3A_166] {strides = array<i32>} : memref<992xf32, #tpu.memory_space<vmem>>, vector<16xf32>,
      %parallel_loop3A_168 = tpu.vector_load_idx %arg15[%parallel_loop3A_157] : memref<320xf32, #tpu.memory_space<vmem>>[vector<16xi32>], vector<16xf32>,
      %parallel_loop3A_169 = arith.constant 1.000000e-16 : f32
      %parallel_loop3A_170 = vector.broadcast %parallel_loop3A_169 : f32 to vector<16xf32>
      %parallel_loop3A_171 = arith.addf %parallel_loop3A_168, %parallel_loop3A_170 : vector<16xf32>
      %parallel_loop3A_172 = arith.divf %parallel_loop3A_167, %parallel_loop3A_171 : vector<16xf32>
      %parallel_loop3A_173 = arith.constant 0 : i32
      %parallel_loop3A_174 = arith.constant 0 : i32
      %parallel_loop3A_175 = arith.constant 8 : i32
      %parallel_loop3A_176 = arith.addi %parallel_loop3A_174, %parallel_loop3A_175 : i32
      %parallel_loop3A_177 = arith.constant 1 : i32
      scf.for %scan3A_179 = %parallel_loop3A_174 to %parallel_loop3A_176 step %parallel_loop3A_177  : i32 {
        %parallel_loop3A_180 = arith.constant 16 : i32
        %parallel_loop3A_181 = arith.muli %scan3A_179, %parallel_loop3A_180 : i32
        %parallel_loop3A_182 = arith.constant 0 : i32
        %parallel_loop3A_183 = arith.addi %parallel_loop3A_181, %parallel_loop3A_182 : i32
        %parallel_loop3A_184 = vector.broadcast %parallel_loop3A_183 : i32 to vector<16xi32>
        %parallel_loop3A_185 = arith.xori %iota3A, %parallel_loop3A_184 : vector<16xi32>
        %parallel_loop3A_186 = arith.addi %parallel_loop3A_160, %parallel_loop3A_185 : vector<16xi32>
        %parallel_loop3A_187 = tpu.vector_load_idx %arg9[%parallel_loop3A_186] : memref<39936xf32, #tpu.memory_space<vmem>>[vector<16xi32>], vector<16xf32>,
        %parallel_loop3A_188 = arith.addi %parallel_loop3A_163, %parallel_loop3A_185 : vector<16xi32>
        %parallel_loop3A_189 = arith.mulf %parallel_loop3A_172, %parallel_loop3A_187 : vector<16xf32>
        tpu.vector_store_idx %arg11[%parallel_loop3A_188], %parallel_loop3A_189 {add = true} : memref<39936xf32, #tpu.memory_space<vmem>>[vector<16xi32>], vector<16xf32>,
        %parallel_loop3A_190 = arith.constant 1 : i32
        %parallel_loop3A_191 = arith.addi %parallel_loop3A_181, %parallel_loop3A_190 : i32
        %parallel_loop3A_192 = vector.broadcast %parallel_loop3A_191 : i32 to vector<16xi32>
        %parallel_loop3A_193 = arith.xori %iota3A, %parallel_loop3A_192 : vector<16xi32>
        %parallel_loop3A_194 = arith.addi %parallel_loop3A_160, %parallel_loop3A_193 : vector<16xi32>
        %parallel_loop3A_195 = tpu.vector_load_idx %arg9[%parallel_loop3A_194] : memref<39936xf32, #tpu.memory_space<vmem>>[vector<16xi32>], vector<16xf32>,
        %parallel_loop3A_196 = arith.addi %parallel_loop3A_163, %parallel_loop3A_193 : vector<16xi32>
        %parallel_loop3A_197 = arith.mulf %parallel_loop3A_172, %parallel_loop3A_195 : vector<16xf32>
        tpu.vector_store_idx %arg11[%parallel_loop3A_196], %parallel_loop3A_197 {add = true} : memref<39936xf32, #tpu.memory_space<vmem>>[vector<16xi32>], vector<16xf32>,
        %parallel_loop3A_198 = arith.constant 2 : i32
        %parallel_loop3A_199 = arith.addi %parallel_loop3A_181, %parallel_loop3A_198 : i32
        %parallel_loop3A_200 = vector.broadcast %parallel_loop3A_199 : i32 to vector<16xi32>
        %parallel_loop3A_201 = arith.xori %iota3A, %parallel_loop3A_200 : vector<16xi32>
        %parallel_loop3A_202 = arith.addi %parallel_loop3A_160, %parallel_loop3A_201 : vector<16xi32>
        %parallel_loop3A_203 = tpu.vector_load_idx %arg9[%parallel_loop3A_202] : memref<39936xf32, #tpu.memory_space<vmem>>[vector<16xi32>], vector<16xf32>,
        %parallel_loop3A_204 = arith.addi %parallel_loop3A_163, %parallel_loop3A_201 : vector<16xi32>
        %parallel_loop3A_205 = arith.mulf %parallel_loop3A_172, %parallel_loop3A_203 : vector<16xf32>
        tpu.vector_store_idx %arg11[%parallel_loop3A_204], %parallel_loop3A_205 {add = true} : memref<39936xf32, #tpu.memory_space<vmem>>[vector<16xi32>], vector<16xf32>,
        %parallel_loop3A_206 = arith.constant 3 : i32
        %parallel_loop3A_207 = arith.addi %parallel_loop3A_181, %parallel_loop3A_206 : i32
        %parallel_loop3A_208 = vector.broadcast %parallel_loop3A_207 : i32 to vector<16xi32>
        %parallel_loop3A_209 = arith.xori %iota3A, %parallel_loop3A_208 : vector<16xi32>
        %parallel_loop3A_210 = arith.addi %parallel_loop3A_160, %parallel_loop3A_209 : vector<16xi32>
        %parallel_loop3A_211 = tpu.vector_load_idx %arg9[%parallel_loop3A_210] : memref<39936xf32, #tpu.memory_space<vmem>>[vector<16xi32>], vector<16xf32>,
        %parallel_loop3A_212 = arith.addi %parallel_loop3A_163, %parallel_loop3A_209 : vector<16xi32>
        %parallel_loop3A_213 = arith.mulf %parallel_loop3A_172, %parallel_loop3A_211 : vector<16xf32>
        tpu.vector_store_idx %arg11[%parallel_loop3A_212], %parallel_loop3A_213 {add = true} : memref<39936xf32, #tpu.memory_space<vmem>>[vector<16xi32>], vector<16xf32>,
        %parallel_loop3A_214 = arith.constant 4 : i32
        %parallel_loop3A_215 = arith.addi %parallel_loop3A_181, %parallel_loop3A_214 : i32
        %parallel_loop3A_216 = vector.broadcast %parallel_loop3A_215 : i32 to vector<16xi32>
        %parallel_loop3A_217 = arith.xori %iota3A, %parallel_loop3A_216 : vector<16xi32>
        %parallel_loop3A_218 = arith.addi %parallel_loop3A_160, %parallel_loop3A_217 : vector<16xi32>
        %parallel_loop3A_219 = tpu.vector_load_idx %arg9[%parallel_loop3A_218] : memref<39936xf32, #tpu.memory_space<vmem>>[vector<16xi32>], vector<16xf32>,
        %parallel_loop3A_220 = arith.addi %parallel_loop3A_163, %parallel_loop3A_217 : vector<16xi32>
        %parallel_loop3A_221 = arith.mulf %parallel_loop3A_172, %parallel_loop3A_219 : vector<16xf32>
        tpu.vector_store_idx %arg11[%parallel_loop3A_220], %parallel_loop3A_221 {add = true} : memref<39936xf32, #tpu.memory_space<vmem>>[vector<16xi32>], vector<16xf32>,
        %parallel_loop3A_222 = arith.constant 5 : i32
        %parallel_loop3A_223 = arith.addi %parallel_loop3A_181, %parallel_loop3A_222 : i32
        %parallel_loop3A_224 = vector.broadcast %parallel_loop3A_223 : i32 to vector<16xi32>
        %parallel_loop3A_225 = arith.xori %iota3A, %parallel_loop3A_224 : vector<16xi32>
        %parallel_loop3A_226 = arith.addi %parallel_loop3A_160, %parallel_loop3A_225 : vector<16xi32>
        %parallel_loop3A_227 = tpu.vector_load_idx %arg9[%parallel_loop3A_226] : memref<39936xf32, #tpu.memory_space<vmem>>[vector<16xi32>], vector<16xf32>,
        %parallel_loop3A_228 = arith.addi %parallel_loop3A_163, %parallel_loop3A_225 : vector<16xi32>
        %parallel_loop3A_229 = arith.mulf %parallel_loop3A_172, %parallel_loop3A_227 : vector<16xf32>
        tpu.vector_store_idx %arg11[%parallel_loop3A_228], %parallel_loop3A_229 {add = true} : memref<39936xf32, #tpu.memory_space<vmem>>[vector<16xi32>], vector<16xf32>,
        %parallel_loop3A_230 = arith.constant 6 : i32
        %parallel_loop3A_231 = arith.addi %parallel_loop3A_181, %parallel_loop3A_230 : i32
        %parallel_loop3A_232 = vector.broadcast %parallel_loop3A_231 : i32 to vector<16xi32>
        %parallel_loop3A_233 = arith.xori %iota3A, %parallel_loop3A_232 : vector<16xi32>
        %parallel_loop3A_234 = arith.addi %parallel_loop3A_160, %parallel_loop3A_233 : vector<16xi32>
        %parallel_loop3A_235 = tpu.vector_load_idx %arg9[%parallel_loop3A_234] : memref<39936xf32, #tpu.memory_space<vmem>>[vector<16xi32>], vector<16xf32>,
        %parallel_loop3A_236 = arith.addi %parallel_loop3A_163, %parallel_loop3A_233 : vector<16xi32>
        %parallel_loop3A_237 = arith.mulf %parallel_loop3A_172, %parallel_loop3A_235 : vector<16xf32>
        tpu.vector_store_idx %arg11[%parallel_loop3A_236], %parallel_loop3A_237 {add = true} : memref<39936xf32, #tpu.memory_space<vmem>>[vector<16xi32>], vector<16xf32>,
        %parallel_loop3A_238 = arith.constant 7 : i32
        %parallel_loop3A_239 = arith.addi %parallel_loop3A_181, %parallel_loop3A_238 : i32
        %parallel_loop3A_240 = vector.broadcast %parallel_loop3A_239 : i32 to vector<16xi32>
        %parallel_loop3A_241 = arith.xori %iota3A, %parallel_loop3A_240 : vector<16xi32>
        %parallel_loop3A_242 = arith.addi %parallel_loop3A_160, %parallel_loop3A_241 : vector<16xi32>
        %parallel_loop3A_243 = tpu.vector_load_idx %arg9[%parallel_loop3A_242] : memref<39936xf32, #tpu.memory_space<vmem>>[vector<16xi32>], vector<16xf32>,
        %parallel_loop3A_244 = arith.addi %parallel_loop3A_163, %parallel_loop3A_241 : vector<16xi32>
        %parallel_loop3A_245 = arith.mulf %parallel_loop3A_172, %parallel_loop3A_243 : vector<16xf32>
        tpu.vector_store_idx %arg11[%parallel_loop3A_244], %parallel_loop3A_245 {add = true} : memref<39936xf32, #tpu.memory_space<vmem>>[vector<16xi32>], vector<16xf32>,
        %parallel_loop3A_246 = arith.constant 8 : i32
        %parallel_loop3A_247 = arith.addi %parallel_loop3A_181, %parallel_loop3A_246 : i32
        %parallel_loop3A_248 = vector.broadcast %parallel_loop3A_247 : i32 to vector<16xi32>
        %parallel_loop3A_249 = arith.xori %iota3A, %parallel_loop3A_248 : vector<16xi32>
        %parallel_loop3A_250 = arith.addi %parallel_loop3A_160, %parallel_loop3A_249 : vector<16xi32>
        %parallel_loop3A_251 = tpu.vector_load_idx %arg9[%parallel_loop3A_250] : memref<39936xf32, #tpu.memory_space<vmem>>[vector<16xi32>], vector<16xf32>,
        %parallel_loop3A_252 = arith.addi %parallel_loop3A_163, %parallel_loop3A_249 : vector<16xi32>
        %parallel_loop3A_253 = arith.mulf %parallel_loop3A_172, %parallel_loop3A_251 : vector<16xf32>
        tpu.vector_store_idx %arg11[%parallel_loop3A_252], %parallel_loop3A_253 {add = true} : memref<39936xf32, #tpu.memory_space<vmem>>[vector<16xi32>], vector<16xf32>,
        %parallel_loop3A_254 = arith.constant 9 : i32
        %parallel_loop3A_255 = arith.addi %parallel_loop3A_181, %parallel_loop3A_254 : i32
        %parallel_loop3A_256 = vector.broadcast %parallel_loop3A_255 : i32 to vector<16xi32>
        %parallel_loop3A_257 = arith.xori %iota3A, %parallel_loop3A_256 : vector<16xi32>
        %parallel_loop3A_258 = arith.addi %parallel_loop3A_160, %parallel_loop3A_257 : vector<16xi32>
        %parallel_loop3A_259 = tpu.vector_load_idx %arg9[%parallel_loop3A_258] : memref<39936xf32, #tpu.memory_space<vmem>>[vector<16xi32>], vector<16xf32>,
        %parallel_loop3A_260 = arith.addi %parallel_loop3A_163, %parallel_loop3A_257 : vector<16xi32>
        %parallel_loop3A_261 = arith.mulf %parallel_loop3A_172, %parallel_loop3A_259 : vector<16xf32>
        tpu.vector_store_idx %arg11[%parallel_loop3A_260], %parallel_loop3A_261 {add = true} : memref<39936xf32, #tpu.memory_space<vmem>>[vector<16xi32>], vector<16xf32>,
        %parallel_loop3A_262 = arith.constant 10 : i32
        %parallel_loop3A_263 = arith.addi %parallel_loop3A_181, %parallel_loop3A_262 : i32
        %parallel_loop3A_264 = vector.broadcast %parallel_loop3A_263 : i32 to vector<16xi32>
        %parallel_loop3A_265 = arith.xori %iota3A, %parallel_loop3A_264 : vector<16xi32>
        %parallel_loop3A_266 = arith.addi %parallel_loop3A_160, %parallel_loop3A_265 : vector<16xi32>
        %parallel_loop3A_267 = tpu.vector_load_idx %arg9[%parallel_loop3A_266] : memref<39936xf32, #tpu.memory_space<vmem>>[vector<16xi32>], vector<16xf32>,
        %parallel_loop3A_268 = arith.addi %parallel_loop3A_163, %parallel_loop3A_265 : vector<16xi32>
        %parallel_loop3A_269 = arith.mulf %parallel_loop3A_172, %parallel_loop3A_267 : vector<16xf32>
        tpu.vector_store_idx %arg11[%parallel_loop3A_268], %parallel_loop3A_269 {add = true} : memref<39936xf32, #tpu.memory_space<vmem>>[vector<16xi32>], vector<16xf32>,
        %parallel_loop3A_270 = arith.constant 11 : i32
        %parallel_loop3A_271 = arith.addi %parallel_loop3A_181, %parallel_loop3A_270 : i32
        %parallel_loop3A_272 = vector.broadcast %parallel_loop3A_271 : i32 to vector<16xi32>
        %parallel_loop3A_273 = arith.xori %iota3A, %parallel_loop3A_272 : vector<16xi32>
        %parallel_loop3A_274 = arith.addi %parallel_loop3A_160, %parallel_loop3A_273 : vector<16xi32>
        %parallel_loop3A_275 = tpu.vector_load_idx %arg9[%parallel_loop3A_274] : memref<39936xf32, #tpu.memory_space<vmem>>[vector<16xi32>], vector<16xf32>,
        %parallel_loop3A_276 = arith.addi %parallel_loop3A_163, %parallel_loop3A_273 : vector<16xi32>
        %parallel_loop3A_277 = arith.mulf %parallel_loop3A_172, %parallel_loop3A_275 : vector<16xf32>
        tpu.vector_store_idx %arg11[%parallel_loop3A_276], %parallel_loop3A_277 {add = true} : memref<39936xf32, #tpu.memory_space<vmem>>[vector<16xi32>], vector<16xf32>,
        %parallel_loop3A_278 = arith.constant 12 : i32
        %parallel_loop3A_279 = arith.addi %parallel_loop3A_181, %parallel_loop3A_278 : i32
        %parallel_loop3A_280 = vector.broadcast %parallel_loop3A_279 : i32 to vector<16xi32>
        %parallel_loop3A_281 = arith.xori %iota3A, %parallel_loop3A_280 : vector<16xi32>
        %parallel_loop3A_282 = arith.addi %parallel_loop3A_160, %parallel_loop3A_281 : vector<16xi32>
        %parallel_loop3A_283 = tpu.vector_load_idx %arg9[%parallel_loop3A_282] : memref<39936xf32, #tpu.memory_space<vmem>>[vector<16xi32>], vector<16xf32>,
        %parallel_loop3A_284 = arith.addi %parallel_loop3A_163, %parallel_loop3A_281 : vector<16xi32>
        %parallel_loop3A_285 = arith.mulf %parallel_loop3A_172, %parallel_loop3A_283 : vector<16xf32>
        tpu.vector_store_idx %arg11[%parallel_loop3A_284], %parallel_loop3A_285 {add = true} : memref<39936xf32, #tpu.memory_space<vmem>>[vector<16xi32>], vector<16xf32>,
        %parallel_loop3A_286 = arith.constant 13 : i32
        %parallel_loop3A_287 = arith.addi %parallel_loop3A_181, %parallel_loop3A_286 : i32
        %parallel_loop3A_288 = vector.broadcast %parallel_loop3A_287 : i32 to vector<16xi32>
        %parallel_loop3A_289 = arith.xori %iota3A, %parallel_loop3A_288 : vector<16xi32>
        %parallel_loop3A_290 = arith.addi %parallel_loop3A_160, %parallel_loop3A_289 : vector<16xi32>
        %parallel_loop3A_291 = tpu.vector_load_idx %arg9[%parallel_loop3A_290] : memref<39936xf32, #tpu.memory_space<vmem>>[vector<16xi32>], vector<16xf32>,
        %parallel_loop3A_292 = arith.addi %parallel_loop3A_163, %parallel_loop3A_289 : vector<16xi32>
        %parallel_loop3A_293 = arith.mulf %parallel_loop3A_172, %parallel_loop3A_291 : vector<16xf32>
        tpu.vector_store_idx %arg11[%parallel_loop3A_292], %parallel_loop3A_293 {add = true} : memref<39936xf32, #tpu.memory_space<vmem>>[vector<16xi32>], vector<16xf32>,
        %parallel_loop3A_294 = arith.constant 14 : i32
        %parallel_loop3A_295 = arith.addi %parallel_loop3A_181, %parallel_loop3A_294 : i32
        %parallel_loop3A_296 = vector.broadcast %parallel_loop3A_295 : i32 to vector<16xi32>
        %parallel_loop3A_297 = arith.xori %iota3A, %parallel_loop3A_296 : vector<16xi32>
        %parallel_loop3A_298 = arith.addi %parallel_loop3A_160, %parallel_loop3A_297 : vector<16xi32>
        %parallel_loop3A_299 = tpu.vector_load_idx %arg9[%parallel_loop3A_298] : memref<39936xf32, #tpu.memory_space<vmem>>[vector<16xi32>], vector<16xf32>,
        %parallel_loop3A_300 = arith.addi %parallel_loop3A_163, %parallel_loop3A_297 : vector<16xi32>
        %parallel_loop3A_301 = arith.mulf %parallel_loop3A_172, %parallel_loop3A_299 : vector<16xf32>
        tpu.vector_store_idx %arg11[%parallel_loop3A_300], %parallel_loop3A_301 {add = true} : memref<39936xf32, #tpu.memory_space<vmem>>[vector<16xi32>], vector<16xf32>,
        %parallel_loop3A_302 = arith.constant 15 : i32
        %parallel_loop3A_303 = arith.addi %parallel_loop3A_181, %parallel_loop3A_302 : i32
        %parallel_loop3A_304 = vector.broadcast %parallel_loop3A_303 : i32 to vector<16xi32>
        %parallel_loop3A_305 = arith.xori %iota3A, %parallel_loop3A_304 : vector<16xi32>
        %parallel_loop3A_306 = arith.addi %parallel_loop3A_160, %parallel_loop3A_305 : vector<16xi32>
        %parallel_loop3A_307 = tpu.vector_load_idx %arg9[%parallel_loop3A_306] : memref<39936xf32, #tpu.memory_space<vmem>>[vector<16xi32>], vector<16xf32>,
        %parallel_loop3A_308 = arith.addi %parallel_loop3A_163, %parallel_loop3A_305 : vector<16xi32>
        %parallel_loop3A_309 = arith.mulf %parallel_loop3A_172, %parallel_loop3A_307 : vector<16xf32>
        tpu.vector_store_idx %arg11[%parallel_loop3A_308], %parallel_loop3A_309 {add = true} : memref<39936xf32, #tpu.memory_space<vmem>>[vector<16xi32>], vector<16xf32>,
      }
      %parallel_loop3A_178 = arith.constant 8 : i32
      scf.yield %parallel_loop3A_149 : i32
    } {sc.loop_unroll_factor = 2 : i64, sc.parallel_access}
    "tpu.region"() ({
      %run_scoped3A = tpu.sem_alloc : memref<!tpu.dma_semaphore, #tpu.memory_space<semaphore_mem>>
      %dma_start3A_148 = arith.constant 0 : i32
      %dma_start3A_149 = tpu.memref_slice %arg11[%dma_start3A_148] : memref<39936xf32, #tpu.memory_space<vmem>> -> memref<39296xf32, #tpu.memory_space<vmem>>
      %dma_start3A_150 = tpu.memref_slice %arg8[%mul3A_6] : memref<2514944xf32, #tpu.memory_space<hbm>> -> memref<39296xf32, #tpu.memory_space<hbm>>
      %dma_start3A_151 = tpu.memref_slice %arg8[%mul3A_6] : memref<2514944xf32, #tpu.memory_space<hbm>> -> memref<39296xf32, #tpu.memory_space<hbm>>
      %dma_start3A_152 = arith.constant 0 : i32
      %dma_start3A_153 = tpu.memref_slice %arg11[%dma_start3A_152] : memref<39936xf32, #tpu.memory_space<vmem>> -> memref<39296xf32, #tpu.memory_space<vmem>>
      tpu.enqueue_dma source(%dma_start3A_153 : memref<39296xf32, #tpu.memory_space<vmem>>) target(%dma_start3A_151 : memref<39296xf32, #tpu.memory_space<hbm>>) target_semaphore(%run_scoped3A : memref<!tpu.dma_semaphore, #tpu.memory_space<semaphore_mem>>)
      %dma_wait3A_154 = arith.constant 0 : i32
      %dma_wait3A_155 = tpu.memref_slice %arg11[%dma_wait3A_154] : memref<39936xf32, #tpu.memory_space<vmem>> -> memref<39296xf32, #tpu.memory_space<vmem>>
      %dma_wait3A_156 = tpu.memref_slice %arg8[%mul3A_6] : memref<2514944xf32, #tpu.memory_space<hbm>> -> memref<39296xf32, #tpu.memory_space<hbm>>
      %dma_wait3A_157 = tpu.memref_slice %arg8[%mul3A_6] : memref<2514944xf32, #tpu.memory_space<hbm>> -> memref<39296xf32, #tpu.memory_space<hbm>>
      %dma_wait3A_158 = arith.constant 0 : i32
      %dma_wait3A_159 = tpu.memref_slice %arg11[%dma_wait3A_158] : memref<39936xf32, #tpu.memory_space<vmem>> -> memref<39296xf32, #tpu.memory_space<vmem>>
      tpu.wait_dma2 semaphore(%run_scoped3A : memref<!tpu.dma_semaphore, #tpu.memory_space<semaphore_mem>>) src(%dma_wait3A_159 : memref<39296xf32, #tpu.memory_space<vmem>>) dst(%dma_wait3A_157 : memref<39296xf32, #tpu.memory_space<hbm>>)
      tpu.yield
    }) : () -> ()
    return
  }
}

module attributes {stable_mosaic.version = 14 : i64} {
  func.func @_proj_body(%arg0: i32, %arg1: memref<2456x128xf32, #tpu.memory_space<vmem>>, %arg2: memref<128x128xf32, #tpu.memory_space<vmem>>, %arg3: memref<128x128xf32, #tpu.memory_space<vmem>>, %arg4: memref<2456x128xf32, #tpu.memory_space<vmem>>, %arg5: memref<2456x128xf32, #tpu.memory_space<vmem>>) attributes {dimension_semantics = [#tpu.dimension_semantics<arbitrary>], iteration_bounds = array<i64: 8>, scalar_prefetch = 0 : i64, scratch_operands = 0 : i64, tpu.core_type = #tpu.core_type<tc>, window_params = [{transform_indices = @transform_0, window_bounds = array<i64: 2456, 128>}, {pipeline_mode = #tpu.pipeline_mode<synchronous>, transform_indices = @transform_1, window_bounds = array<i64: 128, 128>}, {pipeline_mode = #tpu.pipeline_mode<synchronous>, transform_indices = @transform_2, window_bounds = array<i64: 128, 128>}, {transform_indices = @transform_3, window_bounds = array<i64: 2456, 128>}, {transform_indices = @transform_4, window_bounds = array<i64: 2456, 128>}]} {
    %get3A = arith.constant 0 : index
    %get3A_0 = arith.constant 0 : index
    %get3A_1 = vector.load %arg1[%get3A, %get3A_0] : memref<2456x128xf32, #tpu.memory_space<vmem>>, vector<2456x128xf32>
    %get3A_2 = arith.constant 0 : index
    %get3A_3 = arith.constant 0 : index
    %get3A_4 = vector.load %arg2[%get3A_2, %get3A_3] : memref<128x128xf32, #tpu.memory_space<vmem>>, vector<128x128xf32>
    %dot_general3A = arith.constant dense<0.000000e+00> : vector<2456x128xf32>
    %dot_general3A_5 = tpu.matmul %get3A_1, %get3A_4, %dot_general3A {dimension_numbers = #tpu.dot_dimension_numbers<[1], [1], [0], [0], [0, 0, 1, 0], [], []>, transpose_lhs_hint = false} : vector<2456x128xf32>, vector<128x128xf32>, vector<2456x128xf32> -> vector<2456x128xf32>
    %swap3A = arith.constant 0 : index
    %swap3A_6 = arith.constant 0 : index
    %swap3A_7 = vector.load %arg4[%swap3A, %swap3A_6] : memref<2456x128xf32, #tpu.memory_space<vmem>>, vector<2456x128xf32>
    tpu.vector_store %arg4[%swap3A, %swap3A_6], %dot_general3A_5 {strides = array<i32>} : memref<2456x128xf32, #tpu.memory_space<vmem>>, vector<2456x128xf32>,
    %get3A_8 = arith.constant 0 : index
    %get3A_9 = arith.constant 0 : index
    %get3A_10 = vector.load %arg3[%get3A_8, %get3A_9] : memref<128x128xf32, #tpu.memory_space<vmem>>, vector<128x128xf32>
    %dot_general3A_11 = arith.constant dense<0.000000e+00> : vector<2456x128xf32>
    %dot_general3A_12 = tpu.matmul %get3A_1, %get3A_10, %dot_general3A_11 {dimension_numbers = #tpu.dot_dimension_numbers<[1], [1], [0], [0], [0, 0, 1, 0], [], []>, transpose_lhs_hint = false} : vector<2456x128xf32>, vector<128x128xf32>, vector<2456x128xf32> -> vector<2456x128xf32>
    %swap3A_13 = arith.constant 0 : index
    %swap3A_14 = arith.constant 0 : index
    %swap3A_15 = vector.load %arg5[%swap3A_13, %swap3A_14] : memref<2456x128xf32, #tpu.memory_space<vmem>>, vector<2456x128xf32>
    tpu.vector_store %arg5[%swap3A_13, %swap3A_14], %dot_general3A_12 {strides = array<i32>} : memref<2456x128xf32, #tpu.memory_space<vmem>>, vector<2456x128xf32>,
    return
  }
  func.func @transform_0(%arg0: i32) -> (i32, i32) {
    %c0_i32 = arith.constant 0 : i32
    %c0_i32_0 = arith.constant 0 : i32
    return %arg0, %c0_i32 : i32, i32
  }
  func.func @transform_1(%arg0: i32) -> (i32, i32) {
    %c0_i32 = arith.constant 0 : i32
    %c0_i32_0 = arith.constant 0 : i32
    %c0_i32_1 = arith.constant 0 : i32
    return %c0_i32, %c0_i32_0 : i32, i32
  }
  func.func @transform_2(%arg0: i32) -> (i32, i32) {
    %c0_i32 = arith.constant 0 : i32
    %c0_i32_0 = arith.constant 0 : i32
    %c0_i32_1 = arith.constant 0 : i32
    return %c0_i32, %c0_i32_0 : i32, i32
  }
  func.func @transform_3(%arg0: i32) -> (i32, i32) {
    %c0_i32 = arith.constant 0 : i32
    %c0_i32_0 = arith.constant 0 : i32
    return %arg0, %c0_i32 : i32, i32
  }
  func.func @transform_4(%arg0: i32) -> (i32, i32) {
    %c0_i32 = arith.constant 0 : i32
    %c0_i32_0 = arith.constant 0 : i32
    return %arg0, %c0_i32 : i32, i32
  }
}

</mosaic_0001>

<sc_bundles>
// kernel: kernel.4.cloned.1.call-start
scs
__scs_entry_jumppad:
0x0: {  	(pc) =	sbr.rel $0x88, $3  }
0x1: {  	(tag) =	ssettag $0x0;
	lr =	simm.s32 $0x1  }
0x2: {  	[smem:$0x3F9B] =	sst lr;
	_ =	strace $0xD0000000  }
0x3: {  	_ = 	snop  }
0x4: {  	_ = 	snop  }
0x5: {  	_ = 	snop  }
0x6: {  	_ = 	snop  }
0x7: {  	_ = 	snop  }
__scs_overlays_trampoline_lowered:
0x8: {  	[smem:$0x3FAA] =	sst s0  }
0x9: {  	[smem:$0x3FAB] =	sst s1  }
0xa: {  	[smem:$0x3FAC] =	sst s2  }
0xb: {  	[smem:$0x3FAD] =	sst s3  }
0xc: {  	[smem:$0x3FAE] =	sst s4  }
0xd: {  	[smem:$0x3FAF] =	sst s5  }
0xe: {  	[smem:$0x3FB0] =	sst s6  }
0xf: {  	[smem:$0x3FB1] =	sst s7  }
0x10: {  	[smem:$0x3FB2] =	sst s8  }
0x11: {  	[smem:$0x3FB3] =	sst s9;
	s0 =	simm.s32 @!p0 $0x0  }
0x12: {  	s1 =	sld [smem:$0x3F99];
	s0 =	simm.s32 @p0 $0x1  }
0x13: {  	[smem:$0x3FB4] =	sst s0;
	s0 =	simm.s32 @!p1 $0x0  }
0x14: {  	s2 =	sld [smem:$0x3F98];
	s0 =	simm.s32 @p1 $0x1  }
0x15: {  	[smem:$0x3FB5] =	sst s0;
	s0 =	simm.s32 @!p2 $0x0  }
0x16: {  	s3 =	sld [smem:$0x3FDB];
	s0 =	simm.s32 @p2 $0x1  }
0x17: {  	s4 =	simm.s32 $0x1BF5;
	[smem:$0x3FB7] =	sst s0  }
0x18: {  	s0 =	sld [smem:$0x3F9A];
	_ =	swait.ge [sflag:s4], $0x0  }
0x19: {  	s7 =	sld [smem:$0x3F9B]  }
0x1a: {  	s8 =	sadd.s32 $0xFFFFE003, lr  }
0x1b: {  	s9 =	sadd.s32 $0xFFFFFEF7, lr;
	s5 =	simm.s32 $0xFFFFFFFF;
	p2 =	slt.u32 s8, $0xFFFFF086  }
0x1c: {  	p1 =	slt.u32 s9, $0xF7A;
	s5 =	simm.s32 @!p2 $0x0  }
0x1d: {  	s5 =	simm.s32 @p1 $0x1;
	p0 =	seq.s32 s7, s2  }
0x1e: {  	s7 =	smul.u32 @!p0 $0xF7A, s2;
	p2 =	seq.s32 @!p0 s5, $0x0  }
0x1f: {  	s9 =	smul.u32 $0xF7A, s1;
	s8 =	simm.s32 @!p0 $0x1BF5;
	p2 =	por !p2, p0  }
0x20: {  	[sflag:s8] =	ssyncset.s32 @!p0 $0xFFFFF086;
	s6 =	sadd.s32 @!p0 s3, s7;
	s7 =	simm.s32 @!p0 $0x108  }
0x21: {  	s3 =	sadd.s32 s3, s9;
	s6 =	sadd.s32 @!p0 $0x88, s6;
	s7 =	simm.s32 @p2 $0x1082  }
0x22: {  	[simem:s7], [sflag:s8] =	dma.local @!p0 [hbm:s6], $0xF7A  }
0x23: {  	s9 =	sor.u32 $0xD0000000, s2;
	s6 =	simm.s32 $0x108;
	_ =	swait.ge @!p0 [sflag:s8], $0x0  }
0x24: {  	s3 =	sadd.s32 $0x88, s3;
	s6 =	simm.s32 @!p1 $0x1082;
	[sflag:s4] =	ssyncset.s32 $0xFFFFF086  }
0x25: {  	[simem:s6], [sflag:s4] =	dma.local [hbm:s3], $0xF7A  }
0x26: {  	[smem:$0x3F9B] =	sst s1;
	(tag) =	ssettag s2;
	_ =	strace s9  }
0x27: {  	s1 =	sld [smem:$0x3FAB]  }
0x28: {  	s2 =	sld [smem:$0x3FAC]  }
0x29: {  	s4 =	sld [smem:$0x3FAE]  }
0x2a: {  	p0 =	seq.s32 s5, $0x0;
	s5 =	sld [smem:$0x3FAF]  }
0x2b: {  	s6 =	sld [smem:$0x3FB0]  }
0x2c: {  	s7 =	sld [smem:$0x3FB1]  }
0x2d: {  	s3 =	simm.s32 $0x108;
	s8 =	sld [smem:$0x3FB2]  }
0x2e: {  	s3 =	simm.s32 @!p0 $0x1082;
	s9 =	sld [smem:$0x3FB3]  }
0x2f: {  	lr =	sadd.s32 s0, s3;
	s0 =	sld [smem:$0x3FAA]  }
0x30: {  	s3 =	sld [smem:$0x3FAD]  }
0x31: {  	[smem:$0x3FB6] =	sst s10  }
0x32: {  	s10 =	sld [smem:$0x3FB4];
	_ =	sdelay $0x3  }
0x33: {  	p0 =	seq.s32 s10, $0x1;
	s10 =	sld [smem:$0x3FB6];
	_ =	sdelay $0x3  }
0x34: {  	[smem:$0x3FB6] =	sst s10  }
0x35: {  	s10 =	sld [smem:$0x3FB5];
	_ =	sdelay $0x3  }
0x36: {  	p1 =	seq.s32 s10, $0x1;
	s10 =	sld [smem:$0x3FB6];
	_ =	sdelay $0x3  }
0x37: {  	[smem:$0x3FB6] =	sst s10  }
0x38: {  	s10 =	sld [smem:$0x3FB7]  }
0x39: {  	_ = 	snop;
	(pc) =	sbr.ind lr, $3  }
0x3a: {  	_ = 	snop  }
0x3b: {  	_ = 	snop  }
0x3c: {  	p2 =	seq.s32 s10, $0x1;
	s10 =	sld [smem:$0x3FB6]  }
0x3d: {  	_ =	shalt  }
0x3e: {  	_ =	shalt  }
0x3f: {  	_ =	shalt  }
0x40: {  	_ =	shalt  }
0x41: {  	_ =	shalt  }
0x42: {  	_ =	shalt  }
0x43: {  	_ =	shalt  }
0x44: {  	_ =	shalt  }
0x45: {  	_ =	shalt  }
0x46: {  	_ =	shalt  }
0x47: {  	_ =	shalt  }
0x48: {  	_ =	shalt  }
0x49: {  	_ =	shalt  }
0x4a: {  	_ =	shalt  }
0x4b: {  	_ =	shalt  }
0x4c: {  	_ =	shalt  }
0x4d: {  	_ =	shalt  }
0x4e: {  	_ =	shalt  }
0x4f: {  	_ =	shalt  }
0x50: {  	_ =	shalt  }
0x51: {  	_ =	shalt  }
0x52: {  	_ =	shalt  }
0x53: {  	_ =	shalt  }
0x54: {  	_ =	shalt  }
0x55: {  	_ =	shalt  }
0x56: {  	_ =	shalt  }
0x57: {  	_ =	shalt  }
0x58: {  	_ =	shalt  }
0x59: {  	_ =	shalt  }
0x5a: {  	_ =	shalt  }
0x5b: {  	_ =	shalt  }
0x5c: {  	_ =	shalt  }
0x5d: {  	_ =	shalt  }
0x5e: {  	_ =	shalt  }
0x5f: {  	_ =	shalt  }
0x60: {  	_ =	shalt  }
0x61: {  	_ =	shalt  }
0x62: {  	_ =	shalt  }
0x63: {  	_ =	shalt  }
0x64: {  	_ =	shalt  }
0x65: {  	_ =	shalt  }
0x66: {  	_ =	shalt  }
0x67: {  	_ =	shalt  }
0x68: {  	_ =	shalt  }
0x69: {  	_ =	shalt  }
0x6a: {  	_ =	shalt  }
0x6b: {  	_ =	shalt  }
0x6c: {  	_ =	shalt  }
0x6d: {  	_ =	shalt  }
0x6e: {  	_ =	shalt  }
0x6f: {  	_ =	shalt  }
0x70: {  	_ =	shalt  }
0x71: {  	_ =	shalt  }
0x72: {  	_ =	shalt  }
0x73: {  	_ =	shalt  }
0x74: {  	_ =	shalt  }
0x75: {  	_ =	shalt  }
0x76: {  	_ =	shalt  }
0x77: {  	_ =	shalt  }
0x78: {  	_ =	shalt  }
0x79: {  	_ =	shalt  }
0x7a: {  	_ =	shalt  }
0x7b: {  	_ =	shalt  }
0x7c: {  	_ =	shalt  }
0x7d: {  	_ =	shalt  }
0x7e: {  	_ =	shalt  }
0x7f: {  	_ =	shalt  }
0x80: {  	_ =	shalt  }
0x81: {  	_ =	shalt  }
0x82: {  	_ =	shalt  }
0x83: {  	_ =	shalt  }
0x84: {  	_ =	shalt  }
0x85: {  	_ =	shalt  }
0x86: {  	_ =	shalt  }
0x87: {  	_ =	shalt  }
.Lfunc_end0:
.L_simem_size_0:
called_computation_lowered:
.L_overlay_start_0:
0x88: {  	s2 =	sld [smem:$0x3FD9]  }
0x89: {  	s3 =	sld [smem:$0x3FFE];
	_ =	sdelay $0x1  }
0x8a: {  	s1 =	srdreg.scid  }
0x8b: {  	s0 =	sand.u32 $0x1, s1  }
0x8c: {  	s17 =	sshll.u32 s0, $0xA;
	s2 =	sadd.s32 s3, s2  }
0x8d: {  	s2 =	sadd.s32 s2, s17  }
0x8e: {  	[smem:$0x3FC2] =	sst s2  }
0x8f: {  	_ = 	snop  }
0x90: {  	s2 =	sld [smem:$0x3FC4]  }
0x91: {  	s18 =	sld [smem:$0x3FD0];
	(tm) =	ssettm $0x1  }
0x92: {  	s4 =	sld [smem:$0x3FFB];
	_ =	sdelay $0x3  }
0x93: {  	_ =	strace s4  }
0x94: {  	s4 =	sld [smem:$0x3FFC];
	_ =	sdelay $0x3  }
0x95: {  	_ =	strace s4  }
0x96: {  	s4 =	sld [smem:$0x3FFD];
	_ =	sdelay $0x3  }
0x97: {  	_ =	strace s4  }
0x98: {  	_ =	strace $0x8FFFFFFF  }
0x99: {  	s19 =	sld [smem:$0x3FDB];
	_ =	sdelay $0x1  }
0x9a: {  	s5 =	simm.s32 $_scs_section_size  }
0x9b: {  	s6 =	simm.s32 $_size__tile_overlayer_lowered;
	s7 =	simm.s32 $_tile_overlayer_lowered  }
0x9c: {  	s22 =	simm.s32 $0x1BFF;
	s21 =	sshll.u32 s7, $0x1;
	s4 =	sadd.s32 s5, s19  }
0x9d: {  	s8 =	simm.s32 $0x0;
	s20 =	sshll.u32 s6, $0x1;
	s6 =	sadd.s32 s21, s4  }
0x9e: {  	[timem:s8], [sflag:s22] =	dma.local [hbm:s6], s20  }
0x9f: {  	_ =	swait.ge [sflag:s22], s20  }
0xa0: {  	s5 =	ssub.s32 $0x0, s20;
	[sflag:s22] =	ssyncset.done $0x0  }
0xa1: {  	[sflag:s22] =	ssyncadd.s32 s5;
	_ =	sdelay $0x1  }
0xa2: {  	s23 =	simm.s32 $0x1B8B  }
0xa3: {  	_ =	swait.ge [sflag:s23], $0x1  }
0xa4: {  	[sflag:s23] =	ssyncset.done $0x0  }
0xa5: {  	s25 =	simm.s32 $0x1B8E;
	s24 =	sld [smem:$0x3FFE];
	[sflag:s23] =	ssyncadd.s32 $0xFFFFFFFF  }
0xa6: {  	s26 =	simm.s32 $execute0_lowered;
	[smem:$0x3FD2] =	sst s25  }
0xa7: {  	s6 =	sshll.u32 s26, $0x1;
	_ =	strace $0x80000046;
	[dreg:$0x1] =	wrdreg $0xFFFFFFFF  }
0xa8: {  	s28 =	simm.s32 $_size_execute0_lowered;
	s4 =	sadd.s32 s4, s6;
	[dreg:$0x0] =	wrdreg $0x0  }
0xa9: {  	s6 =	sshll.u32 s28, $0x1;
	[dreg:$0x2] =	wrdreg s4  }
0xaa: {  	[dreg:$0x3] =	wrdreg s6  }
0xab: {  	[dreg:$0x4] =	wrdreg $0xC0  }
0xac: {  	_ =	task [dreg:s8], $0x5FFFF  }
0xad: {  	[dreg:$0x1] =	wrdreg $0xFFFFFFFF  }
0xae: {  	[dreg:$0x0] =	wrdreg $0x60  }
0xaf: {  	[dreg:$0x2] =	wrdreg s24  }
0xb0: {  	[dreg:$0x3] =	wrdreg s2  }
0xb1: {  	[dreg:$0x4] =	wrdreg s18  }
0xb2: {  	[dreg:$0x5] =	wrdreg $0x9  }
0xb3: {  	_ =	task.clear_ibuf [dreg:s8], $0x6FFFF;
	_ =	strace $0x90000046  }
0xb4: {  	s29 =	simm.s32 $0x9;
	_ =	strace $0x80000048  }
0xb5: {  	_ =	swait.ge [sflag:s29], $0x1  }
0xb6: {  	[sflag:s29] =	ssyncadd.s32 $0xFFFFFFFF  }
0xb7: {  	_ =	strace $0x90000048  }
0xb8: {  	_ =	sfence  }
0xb9: {  	s30 =	sld [smem:$0x0];
	_ =	sdelay $0x2  }
0xba: {  	s31 =	sshll.u32 s1, $0xD;
	s1 =	sshrl.u32 s1, $0x2  }
0xbb: {  	s3 =	sand.u32 $0x4000, s31;
	s1 =	sadd.s32 s1, s30  }
0xbc: {  	s0 =	sor.u32 s3, s0;
	s1 =	sshll.u32 s1, $0x11  }
0xbd: {  	s0 =	sor.u32 s1, s0  }
0xbe: {  	s0 =	sadd.s32 $0x8F2B, s0  }
0xbf: {  	[sflag:s0] =	ssyncadd.remote.s32 $0x1  }
0xc0: {  	_ =	sfence.sel $0xFFFF  }
0xc1: {  	[dreg:$0x0] =	wrdreg $0xFFFFFFFF;
	(pc) =	sbr.abs _section_cstart, $3  }
0xc2: {  	[dreg:$0x1] =	wrdreg $0xFFFFFFFF  }
0xc3: {  	_ =	task.clear_ibuf [dreg:s8], $0x2FFFF;
	_ =	strace $0x9FFFFFFF  }
0xc4: {  	(tm) =	ssettm $0x7FFFFFFF  }
0xc5: {  	_ =	shalt  }
tec
execute0_lowered:
.L_overlay_start_1:
0x0: {  	(tag) =	ssettag $0x1  }
0x1: {  	s0 =	rddreg [dreg:$0x0]  }
0x2: {  	s12 =	rddreg [dreg:$0x2];
	s3 =	simm.s32 $0x0  }
0x3: {  	s4 =	srdreg.scid;
	s1 =	stileid.u32;
	s15 =	simm.s32 $0x1D800  }
0x4: {  	s16 =	simm.s32 $0x1E180;
	s17 =	simm.s32 $0x1E980;
	s18 =	simm.s32 $0x9C00  }
0x5: {  	s19 =	simm.s32 $0x1;
	s20 =	simm.s32 $0x1E000;
	s21 =	simm.s32 $0x13800  }
0x6: {  	s22 =	simm.s32 $0x2;
	s23 =	simm.s32 $0x0;
	[smem:$0x7FF] =	sst s3  }
0x7: {  	s5 =	sand.u32 $0x1, s4;
	s29 =	sshll.u32 s1, $0x1;
	s10 =	sadd.s32 $0xC00, s0  }
0x8: {  	s11 =	sadd.s32 $0x4D800, s0;
	s4 =	sadd.s32 $0x9A600, s0;
	s6 =	sor.u32 s5, s29  }
0x9: {  	_ =	strace $0x80000047;
	s7 =	ssub.s32 $0x2, s5;
	s8 =	smul.u32 $0x9980, s6  }
0xa: {  	s5 =	sadd.s32 $0x9A400, s0;
	s9 =	sshrl.u32 s7, $0x1;
	s13 =	smul.u32 $0x1330, s6  }
0xb: {  	s6 =	sadd.s32 $0xA00, s0;
	s30 =	ssub.s32 s7, s9;
	s31 =	sshrl.u32 s8, $0x3  }
0xc: {  	s7 =	sadd.s32 s10, s13;
	s8 =	sadd.s32 s11, s13;
	s14 =	sadd.s32 $0x26600, s31  }
0xd: {  	s9 =	sadd.s32 s12, s13;
	s13 =	smax.u32 s30, $0x1;
	s10 =	sadd.s32 s10, s14  }
0xe: {  	v0 =	vimm.f32 $0.0e+00;
	v1 =	vlaneseq.u32;
	s11 =	sadd.s32 s11, s14;
	s12 =	sadd.s32 s12, s14;
	s14 =	simm.s32 $0x1D400  }
.LBB2_1:
0xf: {  	[tilespmem:s14], [sflag:$0x1] =	stream.linear.gather [hbm4b:s4+s3], $0x400, $0x38;
	[tilespmem:$0x1EA00] =	vst v63  }
0x10: {  	_ = 	snop  }
0x11: {  	[tilespmem:s15], [sflag:$0x1] =	stream.linear.gather [hbm4b:s5+s3], $0x400, $0x38;
	[tilespmem:$0x1EA00] =	vst v63  }
0x12: {  	_ = 	snop  }
0x13: {  	[tilespmem:s16], [sflag:$0x1] =	stream.linear.gather [hbm4b:s6+s3], $0x800, $0x38;
	[tilespmem:$0x1EA00] =	vst v63  }
0x14: {  	s0 =	rddreg [dreg:$0x1]  }
0x15: {  	[tilespmem:s17], [sflag:$0x1] =	stream.linear.gather [hbm4b:s0+s3], $0x80, $0x38;
	[tilespmem:$0x1EA00] =	vst v63  }
0x16: {  	_ = 	snop  }
0x17: {  	[tilespmem:s3], [sflag:$0x1] =	stream.linear.gather [hbm4b:s7+s3], $0x9980, $0x38;
	[tilespmem:$0x1EA00] =	vst v63  }
0x18: {  	s25 =	sand.u32 $0x3F0, s3  }
0x19: {  	[tilespmem:s18], [sflag:$0x1] =	stream.linear.gather [hbm4b:s8+s3], $0x9980, $0x38;
	[tilespmem:$0x1EA00] =	vst v63  }
0x1a: {  	s24 =	sadd.s32 $0x9980, s25;
	s0 =	simm.s32 $0x10;
	[tilespmem:s25+$0x9980] =	vst v0  }
.LBB2_2:
0x1b: {  	p0 =	sne.s32 s0, $0x270;
	[tilespmem:s24+$0x9C00] =	vst v0;
	s24 =	smov.u32 s0;
	s0 =	sadd.s32 $0x10, s0  }
.Ltmp0:
0x1c: {  	(pc) =	sbr.rel @p0 .LBB2_2-.Ltmp0, $3  }
0x1d: {  	_ =	sdelay $0x1  }
0x1e: {  	s25 =	sand.u32 $0x3F0, s24  }
0x1f: {  	s24 =	sadd.s32 $0x9980, s25;
	[tilespmem:s25+$0x9980] =	vst v0  }
0x20: {  	[tilespmem:s24+$0x9C00] =	vst v0  }
0x21: {  	_ =	swait.ge [sflag:s19], $0x400  }
0x22: {  	[sflag:s19] =	ssyncset.done $0x0  }
0x23: {  	[sflag:s19] =	ssyncadd.s32 $0xFFFFFC00  }
0x24: {  	_ =	swait.ge [sflag:s19], $0x400  }
0x25: {  	[sflag:s19] =	ssyncset.done $0x0  }
0x26: {  	[sflag:s19] =	ssyncadd.s32 $0xFFFFFC00  }
0x27: {  	_ =	swait.ge [sflag:s19], $0x800  }
0x28: {  	[sflag:s19] =	ssyncset.done $0x0  }
0x29: {  	[sflag:s19] =	ssyncadd.s32 $0xFFFFF800  }
0x2a: {  	_ =	swait.ge [sflag:s19], $0x80  }
0x2b: {  	[sflag:s19] =	ssyncset.done $0x0  }
0x2c: {  	[sflag:s19] =	ssyncadd.s32 $0xFFFFFF80  }
0x2d: {  	v2 =	vld [tilespmem:$0x1E980]  }
0x2e: {  	v3 =	vld [tilespmem:$0x1E990]  }
0x2f: {  	v4 =	vld [tilespmem:$0x1E9A0]  }
0x30: {  	v9 =	vld [tilespmem:$0x1E9F0]  }
0x31: {  	v5 =	vld [tilespmem:$0x1E9B0]  }
0x32: {  	v6 =	vld [tilespmem:$0x1E9C0]  }
0x33: {  	v7 =	vld [tilespmem:$0x1E9D0]  }
0x34: {  	s0 =	simm.s32 $0x0;
	s24 =	simm.s32 $0x200;
	v8 =	vld [tilespmem:$0x1E9E0]  }
.LBB2_4:
0x35: {  	p0 =	sne.s32 s24, $0x26E00;
	[tilespmem:s0+$0x13870] =	vst v9  }
0x36: {  	[tilespmem:s0+$0x13800] =	vst v2  }
0x37: {  	[tilespmem:s0+$0x13810] =	vst v3  }
.Ltmp1:
0x38: {  	[tilespmem:s0+$0x13820] =	vst v4;
	(pc) =	sbr.rel @p0 .LBB2_4-.Ltmp1, $4  }
0x39: {  	[tilespmem:s0+$0x13830] =	vst v5  }
0x3a: {  	[tilespmem:s0+$0x13840] =	vst v6  }
0x3b: {  	[tilespmem:s0+$0x13850] =	vst v7  }
0x3c: {  	[tilespmem:s0+$0x13860] =	vst v8;
	s0 =	sshra.s32 s24, $0x2;
	s24 =	sadd.s32 $0x200, s24  }
0x3d: {  	[tilespmem:$0x1FF80] =	vst v9  }
0x3e: {  	[tilespmem:s0+$0x13870] =	vst v9  }
0x3f: {  	[tilespmem:$0x1FF90] =	vst v2  }
0x40: {  	[tilespmem:s0+$0x13800] =	vst v2  }
0x41: {  	[tilespmem:$0x1FFA0] =	vst v3  }
0x42: {  	[tilespmem:s0+$0x13810] =	vst v3  }
0x43: {  	[tilespmem:$0x1FFB0] =	vst v4  }
0x44: {  	[tilespmem:s0+$0x13820] =	vst v4  }
0x45: {  	[tilespmem:$0x1FFC0] =	vst v5  }
0x46: {  	[tilespmem:s0+$0x13830] =	vst v5  }
0x47: {  	[tilespmem:$0x1FFD0] =	vst v6  }
0x48: {  	[tilespmem:s0+$0x13840] =	vst v6  }
0x49: {  	[tilespmem:$0x1FFE0] =	vst v7  }
0x4a: {  	[tilespmem:s0+$0x13850] =	vst v7  }
0x4b: {  	[tilespmem:$0x1FFF0] =	vst v8  }
0x4c: {  	[tilespmem:s0+$0x13860] =	vst v8  }
0x4d: {  	[tilespmem:$0x1E000] =	vst v0  }
0x4e: {  	[tilespmem:$0x1E010] =	vst v0  }
0x4f: {  	[tilespmem:$0x1E020] =	vst v0  }
0x50: {  	[tilespmem:$0x1E030] =	vst v0  }
0x51: {  	[tilespmem:$0x1E040] =	vst v0  }
0x52: {  	[tilespmem:$0x1E050] =	vst v0  }
0x53: {  	[tilespmem:$0x1E060] =	vst v0  }
0x54: {  	[tilespmem:$0x1E070] =	vst v0  }
0x55: {  	[tilespmem:$0x1E080] =	vst v0  }
0x56: {  	[tilespmem:$0x1E090] =	vst v0  }
0x57: {  	[tilespmem:$0x1E0A0] =	vst v0  }
0x58: {  	[tilespmem:$0x1E0B0] =	vst v0  }
0x59: {  	[tilespmem:$0x1E0C0] =	vst v0  }
0x5a: {  	[tilespmem:$0x1E0D0] =	vst v0  }
0x5b: {  	[tilespmem:$0x1E0E0] =	vst v0  }
0x5c: {  	[tilespmem:$0x1E0F0] =	vst v0  }
0x5d: {  	[tilespmem:$0x1E100] =	vst v0  }
0x5e: {  	[tilespmem:$0x1E110] =	vst v0  }
0x5f: {  	[tilespmem:$0x1E120] =	vst v0  }
0x60: {  	[tilespmem:$0x1E130] =	vst v0  }
0x61: {  	_ =	swait.ge [sflag:s19], $0x9980  }
0x62: {  	[sflag:s19] =	ssyncset.done $0x0  }
0x63: {  	[sflag:s19] =	ssyncadd.s32 $0xFFFF6680  }
0x64: {  	_ =	swait.ge [sflag:s19], $0x9980  }
0x65: {  	[sflag:s19] =	ssyncset.done $0x0  }
0x66: {  	s24 =	simm.s32 $0x0;
	v0 =	vimm.f32 $-1.000000020e+30;
	[sflag:s19] =	ssyncadd.s32 $0xFFFF6680  }
.LBB2_6:
0x67: {  	s25 =	sshll.u32 s24, $0x4  }
0x68: {  	v12 =	vld [tilespmem:s25+$0x1D800];
	_ =	sdelay $0x1  }
0x69: {  	v11 =	vld [tilespmem:s25+$0x1D400]  }
0x6a: {  	s26 =	simm.s32 $0x1E200  }
0x6b: {  	s28 =	simm.s32 $0x1;
	v20 =	vld [tilespmem:s26+$0x70]  }
0x6c: {  	s1 =	simm.s32 $0xB;
	v22 =	vld [tilespmem:s26+$0xFFFFFFA0];
	v21 =	vxor.u32 s28, v1;
	v14 =	vshll.u32 v12, $0x7  }
0x6d: {  	v23 =	vld [tilespmem:s26+$0x20];
	s28 =	simm.s32 $0x2;
	v24 =	vxor.u32 s1, v1;
	v19 =	vor.u32 v14, v21  }
0x6e: {  	s2 =	simm.s32 $0xF;
	v26 =	vld [tilespmem:s26+$0x30];
	s1 =	simm.s32 $0x9;
	v25 =	vxor.u32 s28, v1;
	v13 =	vshll.u32 v11, $0x7;
	v27 =	vor.u32 v14, v24  }
0x6f: {  	v28 =	vxor.u32 s2, v1;
	v32 =	vld [tilespmem:s26+$0xFFFFFF90];
	s2 =	simm.s32 $0x8;
	v36 =	vxor.u32 s1, v1;
	v29 =	vor.u32 v13, v25  }
0x70: {  	v62 =	vxor.u32 s2, v1;
	s1 =	simm.s32 $0x6;
	v11 =	vld [tilespmem:s26+$0xFFFFFFF0];
	v37 =	vor.u32 v14, v36  }
0x71: {  	v63 =	vxor.u32 s1, v1;
	v12 =	vld [tilespmem:s26+$0xFFFFFFB0];
	v39 =	vor.u32 v13, v62  }
0x72: {  	[tilespmem:$0x1FF60] =	vst v0;
	s0 =	simm.s32 $0x0;
	v0 =	vor.u32 v1, v13;
	v46 =	vor.u32 v14, v63;
	v34 =	vld.idx.msk [tilespmem:v19+s18+$0x0], $0xffff  }
0x73: {  	v2 =	vor.u32 v1, v14;
	v17 =	vor.u32 s0, v0;
	v27 =	vld.idx.msk [tilespmem:v27+s18+$0x0], $0xffff  }
0x74: {  	s2 =	simm.s32 $0xD;
	v18 =	vor.u32 s0, v2;
	v29 =	vld.idx.msk [tilespmem:v29+s3+$0x0], $0xffff  }
0x75: {  	v47 =	vxor.u32 s2, v1;
	v25 =	vor.u32 v14, v25;
	v44 =	vld.idx.msk [tilespmem:v37+s18+$0x0], $0xffff  }
0x76: {  	v48 =	vor.u32 v14, v47;
	v39 =	vld.idx.msk [tilespmem:v39+s3+$0x0], $0xffff  }
0x77: {  	v21 =	vor.u32 v13, v21;
	v46 =	vld.idx.msk [tilespmem:v46+s18+$0x0], $0xffff  }
0x78: {  	s31 =	simm.s32 $0x5;
	v30 =	vld.idx.msk [tilespmem:v17+s3+$0x0], $0xffff;
	v17 =	vor.u32 v13, v28  }
0x79: {  	v19 =	vxor.u32 s31, v1;
	v31 =	vld.idx.msk [tilespmem:v18+s18+$0x0], $0xffff;
	v18 =	vor.u32 v13, v24  }
0x7a: {  	s30 =	simm.s32 $0xA;
	v25 =	vld.idx.msk [tilespmem:v25+s18+$0x0], $0xffff;
	v35 =	vor.u32 v14, v19  }
0x7b: {  	v48 =	vld.idx.msk [tilespmem:v48+s18+$0x0], $0xffff;
	v24 =	vxor.u32 s30, v1;
	v19 =	vor.u32 v13, v19  }
0x7c: {  	v54 =	vld.idx.msk [tilespmem:v21+s3+$0x0], $0xffff;
	s30 =	simm.s32 $0x4;
	v33 =	vor.u32 v14, v24  }
0x7d: {  	v24 =	vor.u32 v13, v24;
	v40 =	vxor.u32 s30, v1;
	v38 =	vld.idx.msk [tilespmem:v17+s3+$0x0], $0xffff  }
0x7e: {  	v41 =	vor.u32 v14, v40;
	v18 =	vld.idx.msk [tilespmem:v18+s3+$0x0], $0xffff  }
0x7f: {  	v40 =	vor.u32 v13, v40;
	v35 =	vld.idx.msk [tilespmem:v35+s18+$0x0], $0xffff  }
0x80: {  	s31 =	simm.s32 $0x7;
	v17 =	vor.u32 v13, v36;
	v42 =	vld.idx.msk [tilespmem:v19+s3+$0x0], $0xffff  }
0x81: {  	v43 =	vxor.u32 s31, v1;
	v19 =	vor.u32 v14, v28;
	v33 =	vld.idx.msk [tilespmem:v33+s18+$0x0], $0xffff  }
0x82: {  	v47 =	vor.u32 v13, v47;
	s31 =	simm.s32 $0xC;
	s30 =	simm.s32 $0xE;
	v25 =	vadd.f32 v25, v29;
	v28 =	vor.u32 v14, v43;
	v24 =	vld.idx.msk [tilespmem:v24+s3+$0x0], $0xffff  }
0x83: {  	v37 =	vor.u32 v13, v63;
	v52 =	vxor.u32 s31, v1;
	v50 =	vxor.u32 s30, v1;
	v41 =	vld.idx.msk [tilespmem:v41+s18+$0x0], $0xffff  }
0x84: {  	v53 =	vor.u32 v13, v52;
	v51 =	vor.u32 v13, v50;
	v57 =	vmul.f32 $2.000000030e-01, v25;
	v40 =	vld.idx.msk [tilespmem:v40+s3+$0x0], $0xffff  }
0x85: {  	v50 =	vor.u32 v14, v50;
	v36 =	vor.u32 v14, v62;
	vm2 =	vge.f32 v25, $0.0e+00;
	v45 =	vld.idx.msk [tilespmem:v17+s3+$0x0], $0xffff  }
0x86: {  	s28 =	simm.s32 $0x3;
	v34 =	vadd.f32 v34, v54;
	v43 =	vor.u32 v13, v43;
	v25 =	vsel vm2, v25, v57;
	v49 =	vld.idx.msk [tilespmem:v19+s18+$0x0], $0xffff  }
0x87: {  	v22 =	vmul.f32 v25, v22;
	v17 =	vld.idx.msk [tilespmem:v28+s18+$0x0], $0xffff;
	v28 =	vxor.u32 s28, v1;
	v18 =	vadd.f32 v27, v18  }
0x88: {  	v19 =	vimm.f32 $0.0e+00;
	v27 =	vld.idx.msk [tilespmem:v37+s3+$0x0], $0xffff;
	v4 =	vor.u32 v14, v28;
	v24 =	vadd.f32 v33, v24  }
0x89: {  	v62 =	vld [tilespmem:s26+$0xFFFFFFC0];
	v5 =	vor.u32 v13, v28;
	v28 =	vor.u32 v14, v52;
	v6 =	vmul.f32 $2.000000030e-01, v18  }
0x8a: {  	v7 =	vld.idx.msk [tilespmem:v36+s18+$0x0], $0xffff;
	v36 =	vadd.f32 v31, v30;
	vm0 =	vge.f32 v18, $0.0e+00;
	v21 =	vmul.f32 $2.000000030e-01, v24  }
0x8b: {  	v60 =	vadd.f32 v35, v42;
	v31 =	vld.idx.msk [tilespmem:v47+s3+$0x0], $0xffff;
	v18 =	vsel vm0, v18, v6;
	vm0 =	vge.f32 v24, $0.0e+00  }
0x8c: {  	v56 =	vld.idx.msk [tilespmem:v50+s18+$0x0], $0xffff;
	v41 =	vadd.f32 v41, v40;
	v37 =	vmul.f32 $2.000000030e-01, v36;
	v21 =	vsel vm0, v24, v21  }
0x8d: {  	v18 =	vmul.f32 v18, v26;
	v26 =	vadd.f32 v46, v27;
	v21 =	vmul.f32 v21, v23;
	v23 =	vld.idx.msk [tilespmem:v53+s3+$0x0], $0xffff  }
0x8e: {  	vm2 =	vge.f32 v60, $0.0e+00;
	v63 =	vmul.f32 $2.000000030e-01, v41;
	v24 =	vadd.f32 v49, v38;
	v27 =	vld.idx.msk [tilespmem:v28+s18+$0x0], $0xffff  }
0x8f: {  	v38 =	vadd.f32 v7, v39;
	v44 =	vadd.f32 v44, v45;
	v59 =	vld.idx.msk [tilespmem:v4+s18+$0x0], $0xffff;
	v28 =	vmul.f32 $2.000000030e-01, v26  }
0x90: {  	v33 =	vadd.f32 v48, v31;
	v61 =	vld.idx.msk [tilespmem:v5+s3+$0x0], $0xffff;
	v29 =	vmul.f32 $2.000000030e-01, v24;
	vm1 =	vge.f32 v26, $0.0e+00  }
0x91: {  	v58 =	vld.idx.msk [tilespmem:v51+s3+$0x0], $0xffff;
	vm0 =	vge.f32 v24, $0.0e+00;
	v45 =	vmul.f32 $2.000000030e-01, v44;
	v28 =	vsel vm1, v26, v28  }
0x92: {  	v24 =	vsel vm0, v24, v29;
	v26 =	vmul.f32 $2.000000030e-01, v34;
	v29 =	vld [tilespmem:s26+$0xFFFFFFD0];
	vm1 =	vge.f32 v41, $0.0e+00  }
0x93: {  	v35 =	vld [tilespmem:s26+$0xFFFFFFE0];
	vm0 =	vge.f32 v34, $0.0e+00;
	v20 =	vmul.f32 v24, v20;
	v24 =	vmul.f32 $2.000000030e-01, v60  }
0x94: {  	v25 =	vsel vm0, v34, v26;
	vm0 =	vge.f32 v36, $0.0e+00;
	v42 =	vadd.f32 v27, v23;
	v27 =	vld [tilespmem:s26+$0x60]  }
0x95: {  	v26 =	vadd.f32 v22, v19;
	v31 =	vadd.f32 v59, v61;
	v22 =	vmul.f32 v25, v32;
	v25 =	vld [tilespmem:s26+$0x40]  }
0x96: {  	v30 =	vsel vm2, v60, v24;
	v24 =	vadd.f32 v56, v58;
	v32 =	vld [tilespmem:s26+$0x50];
	vm2 =	vge.f32 v38, $0.0e+00  }
0x97: {  	v40 =	vmul.f32 v30, v29;
	v30 =	vld.idx.msk [tilespmem:v43+s3+$0x0], $0xffff;
	v34 =	vadd.f32 v22, v19;
	v22 =	vsel vm1, v41, v63  }
0x98: {  	v29 =	vld [tilespmem:s26+$0x10];
	v43 =	vmul.f32 $2.000000030e-01, v38;
	vm1 =	vge.f32 v44, $0.0e+00;
	v23 =	vmul.f32 v22, v62  }
0x99: {  	s29 =	simm.s32 $0x1E300;
	[tilespmem:$0x1FF70] =	vst v0;
	v16 =	vmovc v2;
	s28 =	simm.s32 $0x1F;
	v41 =	vld [tilespmem:s26+$0xFFFFFF80];
	v39 =	vsel vm1, v44, v45;
	vm1 =	vge.f32 v42, $0.0e+00;
	v22 =	vimm.f32 $0.0e+00  }
.LBB2_7:
0x9a: {  	s0 =	sadd.s32 $0xFFFFFFF2, s28;
	v45 =	vld [tilespmem:s26+$0x0]  }
0x9b: {  	s30 =	sadd.s32 $0xFFFFFFF3, s28;
	v44 =	vxor.u32 s28, v1;
	v46 =	vmul.f32 $2.000000030e-01, v42;
	s26 =	sadd.s32 $0xFFFFFFF1, s28;
	v0 =	vld [tilespmem:$0x1FF70]  }
0x9c: {  	v51 =	vld [tilespmem:s29+$0xFFFFFFF0];
	v47 =	vxor.u32 s0, v1;
	v48 =	vxor.u32 s30, v1;
	v50 =	vor.u32 s26, v16  }
0x9d: {  	v55 =	vld [tilespmem:s29+$0xFFFFFFB0];
	v43 =	vsel vm2, v38, v43;
	v54 =	vsel vm0, v36, v37;
	vm0 =	vge.f32 v33, $0.0e+00  }
0x9e: {  	s31 =	sadd.s32 $0xFFFFFFFA, s28;
	s1 =	sadd.s32 $0xFFFFFFFF, s28;
	v57 =	vld [tilespmem:s29+$0x30];
	v60 =	vadd.f32 v40, v34;
	v5 =	vor.u32 v13, v44;
	v44 =	vor.u32 v14, v44  }
0x9f: {  	v38 =	vld [tilespmem:s29+$0x20];
	v61 =	vxor.u32 s1, v1;
	vm2 =	vge.f32 v31, $0.0e+00;
	v10 =	vxor.u32 s31, v1  }
0xa0: {  	s2 =	sadd.s32 $0xFFFFFFF4, s28;
	v34 =	vld [tilespmem:s29+$0xFFFFFF90];
	v3 =	vmul.f32 $2.000000030e-01, v31;
	v52 =	vor.u32 v14, v47;
	v53 =	vor.u32 v13, v48  }
0xa1: {  	s30 =	smov.u32 s28;
	v42 =	vsel vm1, v42, v46;
	v46 =	vxor.u32 s2, v1;
	v39 =	vmul.f32 v39, v29;
	v29 =	vld [tilespmem:s29+$0x70]  }
0xa2: {  	s0 =	sadd.s32 $0xFFFFFFF8, s30;
	s2 =	sadd.s32 $0xFFFFFFFC, s30;
	v2 =	vor.u32 v13, v61;
	v48 =	vor.u32 v14, v48;
	v17 =	vadd.f32 v17, v30;
	v30 =	vld [tilespmem:s29+$0xFFFFFFA0]  }
0xa3: {  	v56 =	vxor.u32 s0, v1;
	v4 =	vxor.u32 s2, v1;
	v41 =	vmul.f32 v54, v41;
	v37 =	vld.idx.msk [tilespmem:v50+s18+$0x0], $0xffff  }
0xa4: {  	v3 =	vsel vm2, v31, v3;
	v58 =	vor.u32 v13, v4;
	v49 =	vor.u32 s26, v0;
	s26 =	smov.u32 s29;
	v44 =	vld.idx.msk [tilespmem:v44+s18+$0x0], $0xffff  }
0xa5: {  	s2 =	sadd.s32 $0xFFFFFFFB, s30;
	v59 =	vor.u32 v14, v4;
	v28 =	vmul.f32 v28, v35;
	v19 =	vadd.f32 v41, v19;
	v41 =	vld [tilespmem:s26+$0xFFFFFF80]  }
0xa6: {  	v7 =	vxor.u32 s2, v1;
	v35 =	vor.u32 v13, v10;
	v10 =	vor.u32 v14, v10;
	v40 =	vld.idx.msk [tilespmem:v52+s18+$0x0], $0xffff  }
0xa7: {  	v4 =	vor.u32 v14, v56;
	v56 =	vor.u32 v13, v56;
	v26 =	vadd.f32 v28, v26;
	v53 =	vld.idx.msk [tilespmem:v53+s3+$0x0], $0xffff  }
0xa8: {  	s31 =	sadd.s32 $0xFFFFFFF9, s30;
	s2 =	sadd.s32 $0xFFFFFFF6, s30;
	v3 =	vmul.f32 v3, v12;
	v25 =	vmul.f32 v42, v25;
	v54 =	vor.u32 v13, v7;
	v2 =	vld.idx.msk [tilespmem:v2+s3+$0x0], $0xffff  }
0xa9: {  	v62 =	vxor.u32 s2, v1;
	v0 =	vxor.u32 s31, v1;
	v21 =	vadd.f32 v21, v26;
	v26 =	vld.idx.msk [tilespmem:v48+s18+$0x0], $0xffff  }
0xaa: {  	v43 =	vmul.f32 v43, v45;
	v45 =	vor.u32 v13, v46;
	v6 =	vmul.f32 $2.000000030e-01, v17;
	v59 =	vld.idx.msk [tilespmem:v59+s18+$0x0], $0xffff  }
0xab: {  	vm1 =	vge.f32 v17, $0.0e+00;
	v50 =	vor.u32 v14, v7;
	v7 =	vor.u32 v14, v46;
	v58 =	vld.idx.msk [tilespmem:v58+s3+$0x0], $0xffff  }
0xac: {  	v3 =	vadd.f32 v3, v22;
	v22 =	vadd.f32 v39, v60;
	v17 =	vsel vm1, v17, v6;
	v15 =	vld.idx.msk [tilespmem:v35+s3+$0x0], $0xffff  }
0xad: {  	s1 =	sadd.s32 $0xFFFFFFF5, s30;
	v6 =	vmul.f32 $2.000000030e-01, v33;
	v63 =	vmul.f32 v17, v11;
	v17 =	vor.u32 v13, v62;
	v36 =	vld.idx.msk [tilespmem:v49+s3+$0x0], $0xffff  }
0xae: {  	v60 =	vor.u32 v14, v61;
	v52 =	vxor.u32 s1, v1;
	v11 =	vmovc v51;
	v51 =	vor.u32 v14, v62;
	v49 =	vld.idx.msk [tilespmem:v5+s3+$0x0], $0xffff  }
0xaf: {  	vm1 =	vge.f32 v24, $0.0e+00;
	v62 =	vor.u32 v14, v52;
	v6 =	vsel vm0, v33, v6;
	v33 =	vld.idx.msk [tilespmem:v10+s18+$0x0], $0xffff  }
0xb0: {  	s31 =	sadd.s32 $0xFFFFFFFD, s30;
	v19 =	vadd.f32 v23, v19;
	v5 =	vor.u32 v13, v0;
	v10 =	vmul.f32 $2.000000030e-01, v24;
	v28 =	vld.idx.msk [tilespmem:v54+s3+$0x0], $0xffff  }
0xb1: {  	s0 =	sadd.s32 $0xFFFFFFF7, s30;
	v35 =	vor.u32 v13, v47;
	v0 =	vor.u32 v14, v0;
	v54 =	vxor.u32 s31, v1;
	v50 =	vld.idx.msk [tilespmem:v50+s18+$0x0], $0xffff  }
0xb2: {  	v12 =	vmovc v55;
	v10 =	vsel vm1, v24, v10;
	v24 =	vor.u32 v13, v52;
	v46 =	vld.idx.msk [tilespmem:v17+s3+$0x0], $0xffff;
	v17 =	vxor.u32 s0, v1  }
0xb3: {  	v19 =	vadd.f32 v43, v19;
	v6 =	vmul.f32 v6, v32;
	v51 =	vld.idx.msk [tilespmem:v51+s18+$0x0], $0xffff;
	v9 =	vor.u32 v14, v17  }
0xb4: {  	v55 =	vor.u32 v13, v54;
	v3 =	vadd.f32 v63, v3;
	v47 =	vld.idx.msk [tilespmem:v62+s18+$0x0], $0xffff;
	v8 =	vor.u32 v13, v17  }
0xb5: {  	v19 =	vadd.f32 v25, v19;
	v10 =	vmul.f32 v10, v27;
	v62 =	vadd.f32 v59, v58;
	v5 =	vld.idx.msk [tilespmem:v5+s3+$0x0], $0xffff  }
0xb6: {  	s2 =	sadd.s32 $0xFFFFFFFE, s30;
	v27 =	vor.u32 v14, v54;
	v6 =	vadd.f32 v6, v22;
	v3 =	vadd.f32 v18, v3;
	v0 =	vld.idx.msk [tilespmem:v0+s18+$0x0], $0xffff  }
0xb7: {  	v17 =	vxor.u32 s2, v1;
	v58 =	vmul.f32 $2.000000030e-01, v62;
	v28 =	vadd.f32 v50, v28;
	v24 =	vld.idx.msk [tilespmem:v24+s3+$0x0], $0xffff  }
0xb8: {  	v10 =	vadd.f32 v10, v21;
	v36 =	vadd.f32 v37, v36;
	vm0 =	vge.f32 v62, $0.0e+00;
	v9 =	vld.idx.msk [tilespmem:v9+s18+$0x0], $0xffff  }
0xb9: {  	v31 =	vor.u32 v13, v17;
	v59 =	vsel vm0, v62, v58;
	v22 =	vmul.f32 $2.000000030e-01, v28;
	v8 =	vld.idx.msk [tilespmem:v8+s3+$0x0], $0xffff  }
0xba: {  	v7 =	vld.idx.msk [tilespmem:v7+s18+$0x0], $0xffff;
	v32 =	vor.u32 v14, v17;
	vm0 =	vge.f32 v28, $0.0e+00;
	v23 =	vmul.f32 v59, v57  }
0xbb: {  	v35 =	vld.idx.msk [tilespmem:v35+s3+$0x0], $0xffff;
	v21 =	vsel vm0, v28, v22;
	v22 =	vadd.f32 v20, v3;
	v3 =	vadd.f32 v26, v53  }
0xbc: {  	v63 =	vld [tilespmem:s29+$0xFFFFFFC0];
	v37 =	vmul.f32 $2.000000030e-01, v36;
	v18 =	vmovc v23;
	v23 =	vadd.f32 v44, v49;
	v21 =	vmul.f32 v21, v38  }
0xbd: {  	v17 =	vld.idx.msk [tilespmem:v4+s18+$0x0], $0xffff;
	v38 =	vadd.f32 v0, v5;
	vm2 =	vge.f32 v3, $0.0e+00;
	v62 =	vadd.f32 v47, v24  }
0xbe: {  	v4 =	vld.idx.msk [tilespmem:v55+s3+$0x0], $0xffff;
	v61 =	vmul.f32 $2.000000030e-01, v3;
	v24 =	vadd.f32 v51, v46;
	v8 =	vadd.f32 v9, v8  }
0xbf: {  	vm0 =	vge.f32 v23, $0.0e+00;
	v20 =	vmul.f32 $2.000000030e-01, v23;
	v43 =	vmul.f32 $2.000000030e-01, v38;
	v9 =	vld.idx.msk [tilespmem:v27+s18+$0x0], $0xffff  }
0xc0: {  	v26 =	vld.idx.msk [tilespmem:v60+s18+$0x0], $0xffff;
	v3 =	vsel vm2, v3, v61;
	v27 =	vadd.f32 v40, v35;
	v25 =	vmul.f32 $2.000000030e-01, v8  }
0xc1: {  	v32 =	vld.idx.msk [tilespmem:v32+s18+$0x0], $0xffff;
	vm2 =	vge.f32 v24, $0.0e+00;
	v0 =	vmul.f32 v3, v30;
	vm1 =	vge.f32 v8, $0.0e+00  }
0xc2: {  	v31 =	vld.idx.msk [tilespmem:v31+s3+$0x0], $0xffff;
	v28 =	vsel vm1, v8, v25;
	v8 =	vsel vm0, v23, v20;
	v23 =	vmul.f32 $2.000000030e-01, v27  }
0xc3: {  	v25 =	vld [tilespmem:s29+$0xFFFFFFD0];
	vm0 =	vge.f32 v27, $0.0e+00;
	v20 =	vmul.f32 v8, v29;
	v29 =	vmul.f32 $2.000000030e-01, v24  }
0xc4: {  	vm1 =	vge.f32 v62, $0.0e+00;
	v8 =	vld.idx.msk [tilespmem:v45+s3+$0x0], $0xffff;
	v42 =	vadd.f32 v9, v4;
	v3 =	vsel vm0, v27, v23  }
0xc5: {  	p0 =	sne.s32 s28, $0x7F;
	v35 =	vld [tilespmem:s29+$0xFFFFFFE0];
	v23 =	vsel vm2, v24, v29;
	v24 =	vadd.f32 v26, v2;
	v26 =	vadd.f32 v0, v10  }
.Ltmp2:
0xc6: {  	v30 =	vld.idx.msk [tilespmem:v56+s3+$0x0], $0xffff;
	v0 =	vmul.f32 v3, v34;
	v2 =	vmul.f32 $2.000000030e-01, v62;
	v3 =	vadd.f32 v33, v15;
	(pc) =	sbr.rel @p0 .LBB2_7-.Ltmp2, $4  }
0xc7: {  	vm0 =	vge.f32 v36, $0.0e+00;
	v27 =	vld [tilespmem:s29+$0x60];
	v33 =	vadd.f32 v32, v31;
	vm2 =	vge.f32 v38, $0.0e+00  }
0xc8: {  	v29 =	vld [tilespmem:s29+$0x10];
	v34 =	vadd.f32 v0, v6;
	v0 =	vsel vm1, v62, v2;
	v2 =	vmul.f32 $2.000000030e-01, v3  }
0xc9: {  	v32 =	vld [tilespmem:s29+$0x50];
	v40 =	vmul.f32 v23, v25;
	vm1 =	vge.f32 v3, $0.0e+00;
	v31 =	vadd.f32 v7, v8  }
0xca: {  	s28 =	sadd.s32 $0x10, s28;
	v25 =	vld [tilespmem:s29+$0x40];
	s29 =	sadd.s32 $0x100, s29;
	v23 =	vmul.f32 v0, v63;
	v39 =	vsel vm1, v3, v2;
	vm1 =	vge.f32 v42, $0.0e+00  }
0xcb: {  	v0 =	vmul.f32 $2.000000030e-01, v42;
	v2 =	vadd.f32 v17, v30;
	v5 =	vld [tilespmem:s25+$0x1D810]  }
0xcc: {  	v6 =	vsel vm2, v38, v43;
	v8 =	vsel vm0, v36, v37;
	v9 =	vld [tilespmem:s26+$0x0];
	v46 =	vmul.f32 $2.000000030e-01, v33  }
0xcd: {  	vm2 =	vge.f32 v24, $0.0e+00;
	v30 =	vmul.f32 $2.000000030e-01, v31;
	s2 =	simm.s32 $0xB;
	v49 =	vmul.f32 $2.000000030e-01, v24;
	s30 =	simm.s32 $0x2  }
0xce: {  	v3 =	vld [tilespmem:s25+$0x1D410];
	v8 =	vmul.f32 v8, v41;
	v51 =	vxor.u32 s2, v1;
	v52 =	vxor.u32 s30, v1  }
0xcf: {  	s26 =	simm.s32 $0x1E200;
	v4 =	vmul.f32 v39, v29;
	v0 =	vsel vm1, v42, v0;
	v7 =	vmul.f32 $2.000000030e-01, v2  }
0xd0: {  	s1 =	simm.s32 $0x1;
	v17 =	vld [tilespmem:s26+$0xFFFFFFB0];
	vm0 =	vge.f32 v2, $0.0e+00;
	vm1 =	vge.f32 v33, $0.0e+00;
	v24 =	vsel vm2, v24, v49  }
0xd1: {  	v38 =	vld [tilespmem:s26+$0x30];
	v14 =	vshll.u32 v5, $0x7;
	v6 =	vmul.f32 v6, v9;
	v9 =	vxor.u32 s1, v1  }
0xd2: {  	v29 =	vld [tilespmem:s26+$0xFFFFFFA0];
	v2 =	vsel vm0, v2, v7;
	vm0 =	vge.f32 v31, $0.0e+00;
	v50 =	vor.u32 v14, v9  }
0xd3: {  	s31 =	simm.s32 $0xF;
	v42 =	vld [tilespmem:s26+$0xFFFFFF80];
	v13 =	vshll.u32 v3, $0x7;
	v3 =	vmul.f32 v28, v35;
	v53 =	vor.u32 v14, v51  }
0xd4: {  	v28 =	vld [tilespmem:s26+$0x70];
	v30 =	vsel vm0, v31, v30;
	v31 =	vxor.u32 s31, v1;
	v54 =	vor.u32 v13, v52  }
0xd5: {  	s2 =	simm.s32 $0xA;
	v2 =	vmul.f32 v2, v11;
	v11 =	vld [tilespmem:s26+$0xFFFFFFF0];
	v12 =	vmul.f32 v30, v12;
	v30 =	vor.u32 v13, v31  }
0xd6: {  	s30 =	simm.s32 $0x5;
	v56 =	vxor.u32 s2, v1;
	v5 =	vsel vm1, v33, v46;
	v33 =	vld [tilespmem:s26+$0x20];
	v55 =	vor.u32 v13, v51  }
0xd7: {  	v57 =	vxor.u32 s30, v1;
	v24 =	vmul.f32 v24, v27;
	v27 =	vor.u32 v14, v56;
	v36 =	vld.idx.msk [tilespmem:v50+s18+$0x0], $0xffff  }
0xd8: {  	v8 =	vadd.f32 v8, v19;
	v0 =	vmul.f32 v0, v25;
	v19 =	vor.u32 v14, v57;
	v25 =	vld.idx.msk [tilespmem:v53+s18+$0x0], $0xffff  }
0xd9: {  	v10 =	vadd.f32 v40, v34;
	s0 =	simm.s32 $0x0;
	v15 =	vor.u32 v1, v13;
	v9 =	vor.u32 v13, v9;
	v58 =	vld.idx.msk [tilespmem:v54+s3+$0x0], $0xffff  }
0xda: {  	s31 =	simm.s32 $0x9;
	v16 =	vor.u32 v1, v14;
	v47 =	vor.u32 s0, v15;
	v12 =	vadd.f32 v12, v22;
	v22 =	vld.idx.msk [tilespmem:v30+s3+$0x0], $0xffff  }
0xdb: {  	v59 =	vxor.u32 s31, v1;
	v48 =	vor.u32 s0, v16;
	v35 =	vld.idx.msk [tilespmem:v55+s3+$0x0], $0xffff  }
0xdc: {  	v4 =	vadd.f32 v4, v10;
	v8 =	vadd.f32 v23, v8;
	v10 =	vor.u32 v14, v59;
	v27 =	vld.idx.msk [tilespmem:v27+s18+$0x0], $0xffff  }
0xdd: {  	v3 =	vadd.f32 v3, v26;
	v23 =	vor.u32 v13, v59;
	v62 =	vld.idx.msk [tilespmem:v19+s18+$0x0], $0xffff  }
0xde: {  	s2 =	simm.s32 $0x4;
	v6 =	vadd.f32 v6, v8;
	v8 =	vor.u32 v13, v56;
	v9 =	vld.idx.msk [tilespmem:v9+s3+$0x0], $0xffff  }
0xdf: {  	v61 =	vxor.u32 s2, v1;
	s1 =	simm.s32 $0x8;
	v3 =	vadd.f32 v21, v3;
	v21 =	vor.u32 v13, v57;
	v7 =	vld.idx.msk [tilespmem:v47+s3+$0x0], $0xffff  }
0xe0: {  	s30 =	simm.s32 $0x7;
	s31 =	simm.s32 $0x6;
	v2 =	vadd.f32 v2, v12;
	v12 =	vor.u32 v14, v61;
	v30 =	vxor.u32 s1, v1;
	v34 =	vld.idx.msk [tilespmem:v48+s18+$0x0], $0xffff  }
0xe1: {  	v63 =	vxor.u32 s30, v1;
	v19 =	vxor.u32 s31, v1;
	v60 =	vor.u32 v13, v30;
	v10 =	vld.idx.msk [tilespmem:v10+s18+$0x0], $0xffff  }
0xe2: {  	v5 =	vmul.f32 v5, v32;
	v3 =	vadd.f32 v24, v3;
	v48 =	vld.idx.msk [tilespmem:v23+s3+$0x0], $0xffff;
	v24 =	vor.u32 v14, v19  }
0xe3: {  	v37 =	vor.u32 v13, v61;
	v2 =	vadd.f32 v18, v2;
	v49 =	vld.idx.msk [tilespmem:v8+s3+$0x0], $0xffff;
	v8 =	vor.u32 v14, v52  }
0xe4: {  	v4 =	vadd.f32 v5, v4;
	v0 =	vadd.f32 v0, v6;
	v30 =	vor.u32 v14, v30;
	v21 =	vld.idx.msk [tilespmem:v21+s3+$0x0], $0xffff  }
0xe5: {  	v6 =	vor.u32 v13, v63;
	s31 =	simm.s32 $0xC;
	v18 =	vor.u32 v14, v31;
	v2 =	vadd.f32 v20, v2;
	v50 =	vld.idx.msk [tilespmem:v12+s18+$0x0], $0xffff  }
0xe6: {  	v0 =	vadd.f32 v4, v0;
	s1 =	simm.s32 $0xD;
	v52 =	vxor.u32 s31, v1;
	v20 =	vor.u32 v14, v63;
	v5 =	vld.idx.msk [tilespmem:v60+s3+$0x0], $0xffff  }
0xe7: {  	v31 =	vxor.u32 s1, v1;
	v44 =	vor.u32 v13, v52;
	v2 =	vadd.f32 v2, v3;
	v24 =	vld.idx.msk [tilespmem:v24+s18+$0x0], $0xffff  }
0xe8: {  	v3 =	vor.u32 v13, v19;
	v19 =	vimm.f32 $0.0e+00;
	v25 =	vadd.f32 v25, v35;
	v8 =	vld.idx.msk [tilespmem:v8+s18+$0x0], $0xffff  }
0xe9: {  	v9 =	vadd.f32 v36, v9;
	v4 =	vadd.f32 v27, v49;
	v27 =	vor.u32 v14, v52;
	v30 =	vld.idx.msk [tilespmem:v30+s18+$0x0], $0xffff  }
0xea: {  	s2 =	simm.s32 $0xE;
	s30 =	simm.s32 $0x3;
	v63 =	vadd.f32 v10, v48;
	v12 =	vadd.f32 v2, v0;
	v0 =	vor.u32 v14, v31;
	v2 =	vld.idx.msk [tilespmem:v18+s18+$0x0], $0xffff  }
0xeb: {  	v18 =	vxor.u32 s2, v1;
	v31 =	vor.u32 v13, v31;
	v23 =	vld.idx.msk [tilespmem:v20+s18+$0x0], $0xffff;
	v20 =	vxor.u32 s30, v1  }
0xec: {  	v55 =	vld.idx.msk [tilespmem:v44+s3+$0x0], $0xffff;
	v53 =	vor.u32 v14, v20;
	v45 =	vor.u32 v13, v20;
	v20 =	vmul.f32 $2.000000030e-01, v25  }
0xed: {  	vm0 =	vge.f32 v25, $0.0e+00;
	v51 =	vor.u32 v13, v18;
	v54 =	vmul.f32 $2.000000030e-01, v4;
	v3 =	vld.idx.msk [tilespmem:v3+s3+$0x0], $0xffff  }
0xee: {  	v46 =	vor.u32 v14, v18;
	v18 =	vsel vm0, v25, v20;
	v25 =	vld.idx.msk [tilespmem:v37+s3+$0x0], $0xffff;
	v8 =	vadd.f32 v8, v58  }
0xef: {  	vm0 =	vge.f32 v4, $0.0e+00;
	v37 =	vadd.f32 v34, v7;
	v39 =	vadd.f32 v30, v5;
	v0 =	vld.idx.msk [tilespmem:v0+s18+$0x0], $0xffff  }
0xf0: {  	v4 =	vsel vm0, v4, v54;
	v2 =	vadd.f32 v2, v22;
	v18 =	vmul.f32 v18, v38;
	v22 =	vld.idx.msk [tilespmem:v27+s18+$0x0], $0xffff  }
0xf1: {  	v60 =	vld.idx.msk [tilespmem:v31+s3+$0x0], $0xffff;
	v20 =	vmul.f32 v4, v33;
	vm2 =	vge.f32 v8, $0.0e+00;
	v57 =	vmul.f32 $2.000000030e-01, v8  }
0xf2: {  	v26 =	vld [tilespmem:s26+$0xFFFFFF90];
	v41 =	vmul.f32 $2.000000030e-01, v37;
	v44 =	vmul.f32 $2.000000030e-01, v39;
	v3 =	vadd.f32 v24, v3  }
0xf3: {  	v30 =	vld [tilespmem:s26+$0x60];
	vm0 =	vge.f32 v2, $0.0e+00;
	v24 =	vmul.f32 $2.000000030e-01, v2;
	v8 =	vsel vm2, v8, v57  }
0xf4: {  	v56 =	vld.idx.msk [tilespmem:v46+s18+$0x0], $0xffff;
	v59 =	vadd.f32 v50, v25;
	v61 =	vmul.f32 v8, v29;
	vm1 =	vge.f32 v3, $0.0e+00  }
0xf5: {  	v58 =	vld.idx.msk [tilespmem:v51+s3+$0x0], $0xffff;
	v27 =	vmul.f32 $2.000000030e-01, v3;
	v2 =	vsel vm0, v2, v24;
	v24 =	vadd.f32 v62, v21  }
0xf6: {  	v35 =	vld.idx.msk [tilespmem:v53+s18+$0x0], $0xffff;
	vm0 =	vge.f32 v9, $0.0e+00;
	v43 =	vadd.f32 v22, v55;
	v34 =	vadd.f32 v0, v60  }
0xf7: {  	v25 =	vld [tilespmem:s26+$0xFFFFFFD0];
	v22 =	vimm.f32 $0.0e+00;
	v27 =	vsel vm1, v3, v27;
	v3 =	vmul.f32 $2.000000030e-01, v9  }
0xf8: {  	v8 =	vld [tilespmem:s26+$0xFFFFFFC0];
	v21 =	vmul.f32 v2, v28;
	v62 =	vmul.f32 $2.000000030e-01, v59;
	vm1 =	vge.f32 v59, $0.0e+00  }
0xf9: {  	v2 =	vld.idx.msk [tilespmem:v45+s3+$0x0], $0xffff;
	v28 =	vmul.f32 $2.000000030e-01, v24;
	vm2 =	vge.f32 v24, $0.0e+00;
	v3 =	vsel vm0, v9, v3  }
0xfa: {  	v29 =	vld [tilespmem:s26+$0x10];
	v0 =	vsel vm1, v59, v62;
	vm1 =	vge.f32 v63, $0.0e+00;
	v3 =	vmul.f32 v3, v26  }
0xfb: {  	v31 =	vld.idx.msk [tilespmem:v6+s3+$0x0], $0xffff;
	v9 =	vsel vm2, v24, v28;
	v24 =	vadd.f32 v56, v58;
	vm0 =	vge.f32 v37, $0.0e+00  }
0xfc: {  	v33 =	vld [tilespmem:s26+$0xFFFFFFE0];
	v28 =	vadd.f32 v61, v19;
	v32 =	vadd.f32 v3, v19;
	v3 =	vmul.f32 $2.000000030e-01, v63  }
0xfd: {  	[tilespmem:$0x1FF50] =	vst v12;
	vm2 =	vge.f32 v39, $0.0e+00;
	v38 =	vmul.f32 v9, v25;
	v25 =	vld [tilespmem:s26+$0x40];
	v26 =	vmul.f32 v0, v8  }
0xfe: {  	s28 =	simm.s32 $0x1F;
	s29 =	simm.s32 $0x1E300;
	[tilespmem:s25+$0x1DC00] =	vst v12;
	s25 =	sor.u32 $0x10, s25;
	v36 =	vadd.f32 v35, v2;
	v35 =	vld [tilespmem:s26+$0x50];
	v40 =	vsel vm1, v63, v3;
	vm1 =	vge.f32 v43, $0.0e+00  }
.LBB2_9:
0xff: {  	s0 =	sadd.s32 $0xFFFFFFF2, s28;
	s1 =	sadd.s32 $0xFFFFFFF3, s28;
	s2 =	sadd.s32 $0xFFFFFFF4, s28;
	v0 =	vxor.u32 s28, v1;
	v2 =	vld [tilespmem:s26+$0x0];
	v40 =	vmul.f32 v40, v29;
	v3 =	vmul.f32 $2.000000030e-01, v43  }
0x100: {  	s26 =	sadd.s32 $0xFFFFFFF1, s28;
	s31 =	sadd.s32 $0xFFFFFFFA, s28;
	v6 =	vadd.f32 v23, v31;
	v4 =	vxor.u32 s0, v1;
	v5 =	vxor.u32 s1, v1;
	s1 =	sadd.s32 $0xFFFFFFFF, s28;
	v29 =	vld [tilespmem:s29+$0x70]  }
0x101: {  	p0 =	sne.s32 s28, $0x7F;
	v10 =	vsel vm2, v39, v44;
	s30 =	smov.u32 s28;
	v7 =	vor.u32 s26, v15;
	v8 =	vor.u32 s26, v16;
	s28 =	sadd.s32 $0x10, s28;
	v9 =	vld [tilespmem:s29+$0xFFFFFFF0]  }
0x102: {  	s0 =	sadd.s32 $0xFFFFFFF8, s30;
	s26 =	smov.u32 s29;
	v23 =	vor.u32 v14, v4;
	v44 =	vor.u32 v13, v5;
	v3 =	vsel vm1, v43, v3;
	v31 =	vld [tilespmem:s29+$0xFFFFFFA0]  }
0x103: {  	v41 =	vsel vm0, v37, v41;
	v43 =	vxor.u32 s2, v1;
	s2 =	sadd.s32 $0xFFFFFFFC, s30;
	vm1 =	vge.f32 v6, $0.0e+00;
	v39 =	vld [tilespmem:s29+$0x20]  }
0x104: {  	vm0 =	vge.f32 v34, $0.0e+00;
	v46 =	vxor.u32 s0, v1;
	v37 =	vxor.u32 s2, v1;
	v45 =	vld [tilespmem:s29+$0xFFFFFFB0]  }
0x105: {  	v50 =	vadd.f32 v38, v32;
	s0 =	sadd.s32 $0xFFFFFFF7, s30;
	v48 =	vor.u32 v13, v37;
	v49 =	vor.u32 v14, v37;
	v47 =	vld [tilespmem:s29+$0x30]  }
0x106: {  	v51 =	vmul.f32 $2.000000030e-01, v6;
	s2 =	sadd.s32 $0xFFFFFFFB, s30;
	v37 =	vld.idx.msk [tilespmem:v7+s3+$0x0], $0xffff;
	v7 =	vor.u32 v13, v0;
	v0 =	vor.u32 v14, v0  }
0x107: {  	v52 =	vxor.u32 s1, v1;
	v42 =	vmul.f32 v41, v42;
	v38 =	vld.idx.msk [tilespmem:v8+s18+$0x0], $0xffff;
	v8 =	vxor.u32 s2, v1  }
0x108: {  	s1 =	sadd.s32 $0xFFFFFFF5, s30;
	v6 =	vsel vm1, v6, v51;
	s2 =	sadd.s32 $0xFFFFFFF6, s30;
	v32 =	vld [tilespmem:s29+$0xFFFFFF90];
	v53 =	vor.u32 v13, v8;
	v8 =	vor.u32 v14, v8  }
0x109: {  	v6 =	vmul.f32 v6, v11;
	v11 =	vmovc v9;
	v51 =	vxor.u32 s2, v1;
	v41 =	vld.idx.msk [tilespmem:v23+s18+$0x0], $0xffff;
	v23 =	vxor.u32 s1, v1  }
0x10a: {  	vm2 =	vge.f32 v36, $0.0e+00;
	v9 =	vor.u32 v13, v51;
	v51 =	vor.u32 v14, v51;
	v49 =	vld.idx.msk [tilespmem:v49+s18+$0x0], $0xffff  }
0x10b: {  	v27 =	vmul.f32 v27, v33;
	v55 =	vxor.u32 s31, v1;
	v54 =	vor.u32 v14, v23;
	v44 =	vld.idx.msk [tilespmem:v44+s3+$0x0], $0xffff  }
0x10c: {  	v33 =	vor.u32 v13, v55;
	v55 =	vor.u32 v14, v55;
	vm1 =	vge.f32 v24, $0.0e+00;
	s1 =	sadd.s32 $0xFFFFFFF9, s30;
	v7 =	vld.idx.msk [tilespmem:v7+s3+$0x0], $0xffff  }
0x10d: {  	v58 =	vmul.f32 $2.000000030e-01, v36;
	v57 =	vor.u32 v13, v52;
	v56 =	vxor.u32 s1, v1;
	v48 =	vld.idx.msk [tilespmem:v48+s3+$0x0], $0xffff  }
0x10e: {  	v61 =	vmul.f32 $2.000000030e-01, v34;
	v59 =	vor.u32 v14, v46;
	v60 =	vor.u32 v13, v56;
	v8 =	vld.idx.msk [tilespmem:v8+s18+$0x0], $0xffff  }
0x10f: {  	v5 =	vor.u32 v14, v5;
	v62 =	vor.u32 v14, v43;
	v2 =	vmul.f32 v10, v2;
	v51 =	vld.idx.msk [tilespmem:v51+s18+$0x0], $0xffff  }
0x110: {  	v61 =	vsel vm0, v34, v61;
	v10 =	vor.u32 v13, v43;
	v43 =	vxor.u32 s0, v1;
	v9 =	vld.idx.msk [tilespmem:v9+s3+$0x0], $0xffff  }
0x111: {  	v63 =	vor.u32 v13, v43;
	v43 =	vor.u32 v14, v43;
	v34 =	vld.idx.msk [tilespmem:v55+s18+$0x0], $0xffff;
	v55 =	vmul.f32 $2.000000030e-01, v24  }
0x112: {  	v46 =	vor.u32 v13, v46;
	s0 =	sadd.s32 $0xFFFFFFFE, s30;
	v56 =	vor.u32 v14, v56;
	v12 =	vld.idx.msk [tilespmem:v33+s3+$0x0], $0xffff;
	v33 =	vmul.f32 v61, v35  }
0x113: {  	v36 =	vsel vm2, v36, v58;
	v27 =	vadd.f32 v27, v28;
	v35 =	vld.idx.msk [tilespmem:v60+s3+$0x0], $0xffff;
	v60 =	vxor.u32 s0, v1  }
0x114: {  	v36 =	vmul.f32 v36, v17;
	s0 =	sadd.s32 $0xFFFFFFFD, s30;
	v28 =	vld.idx.msk [tilespmem:v53+s3+$0x0], $0xffff;
	v53 =	vor.u32 v13, v60;
	v58 =	vor.u32 v14, v60  }
0x115: {  	v4 =	vor.u32 v13, v4;
	v17 =	vmovc v45;
	v24 =	vsel vm1, v24, v55;
	v60 =	vxor.u32 s0, v1;
	v54 =	vld.idx.msk [tilespmem:v54+s18+$0x0], $0xffff  }
0x116: {  	v45 =	vor.u32 v13, v23;
	v48 =	vadd.f32 v49, v48;
	v24 =	vmul.f32 v24, v30;
	v0 =	vld.idx.msk [tilespmem:v0+s18+$0x0], $0xffff  }
0x117: {  	v3 =	vmul.f32 v3, v25;
	v30 =	vor.u32 v13, v60;
	v49 =	vor.u32 v14, v60;
	v23 =	vld.idx.msk [tilespmem:v59+s18+$0x0], $0xffff  }
0x118: {  	v20 =	vadd.f32 v20, v27;
	v19 =	vadd.f32 v42, v19;
	v25 =	vld.idx.msk [tilespmem:v43+s18+$0x0], $0xffff;
	v43 =	vmul.f32 $2.000000030e-01, v48  }
0x119: {  	v22 =	vadd.f32 v36, v22;
	v36 =	vadd.f32 v40, v50;
	vm0 =	vge.f32 v48, $0.0e+00;
	v27 =	vld.idx.msk [tilespmem:v63+s3+$0x0], $0xffff  }
0x11a: {  	v19 =	vadd.f32 v26, v19;
	v8 =	vadd.f32 v8, v28;
	v5 =	vld.idx.msk [tilespmem:v5+s18+$0x0], $0xffff;
	v28 =	vsel vm0, v48, v43  }
0x11b: {  	v6 =	vadd.f32 v6, v22;
	v36 =	vadd.f32 v33, v36;
	v26 =	vmul.f32 v28, v47;
	v40 =	vld.idx.msk [tilespmem:v58+s18+$0x0], $0xffff  }
0x11c: {  	v2 =	vadd.f32 v2, v19;
	v22 =	vmul.f32 $2.000000030e-01, v8;
	v28 =	vor.u32 v14, v52;
	v4 =	vld.idx.msk [tilespmem:v4+s3+$0x0], $0xffff  }
0x11d: {  	v6 =	vadd.f32 v18, v6;
	v42 =	vadd.f32 v24, v20;
	vm0 =	vge.f32 v8, $0.0e+00;
	v33 =	vld.idx.msk [tilespmem:v45+s3+$0x0], $0xffff;
	v18 =	vmovc v26  }
0x11e: {  	v19 =	vadd.f32 v3, v2;
	v0 =	vadd.f32 v0, v7;
	v8 =	vsel vm0, v8, v22;
	v24 =	vld.idx.msk [tilespmem:v56+s18+$0x0], $0xffff  }
0x11f: {  	v22 =	vadd.f32 v21, v6;
	v2 =	vadd.f32 v25, v27;
	v20 =	vmul.f32 v8, v39;
	v3 =	vld.idx.msk [tilespmem:v30+s3+$0x0], $0xffff  }
0x120: {  	vm0 =	vge.f32 v0, $0.0e+00;
	v7 =	vmul.f32 $2.000000030e-01, v0;
	v5 =	vadd.f32 v5, v44;
	v6 =	vld.idx.msk [tilespmem:v49+s18+$0x0], $0xffff  }
0x121: {  	vm1 =	vge.f32 v2, $0.0e+00;
	v8 =	vmul.f32 $2.000000030e-01, v2;
	v25 =	vld.idx.msk [tilespmem:v28+s18+$0x0], $0xffff  }
0x122: {  	v4 =	vadd.f32 v41, v4;
	vm2 =	vge.f32 v5, $0.0e+00;
	v21 =	vmul.f32 $2.000000030e-01, v5;
	v26 =	vld.idx.msk [tilespmem:v57+s3+$0x0], $0xffff  }
0x123: {  	v0 =	vsel vm0, v0, v7;
	v30 =	vadd.f32 v54, v33;
	v27 =	vsel vm1, v2, v8;
	v45 =	vld.idx.msk [tilespmem:v62+s18+$0x0], $0xffff  }
0x124: {  	v8 =	vadd.f32 v51, v9;
	v2 =	vmul.f32 $2.000000030e-01, v4;
	v5 =	vsel vm2, v5, v21;
	v7 =	vld [tilespmem:s29+$0xFFFFFFD0]  }
0x125: {  	v37 =	vadd.f32 v38, v37;
	v21 =	vmul.f32 v0, v29;
	vm1 =	vge.f32 v30, $0.0e+00;
	v9 =	vld.idx.msk [tilespmem:v53+s3+$0x0], $0xffff  }
0x126: {  	vm0 =	vge.f32 v4, $0.0e+00;
	v39 =	vadd.f32 v24, v35;
	v0 =	vld.idx.msk [tilespmem:v10+s3+$0x0], $0xffff;
	v10 =	vmul.f32 $2.000000030e-01, v8  }
0x127: {  	v41 =	vmul.f32 $2.000000030e-01, v37;
	v5 =	vmul.f32 v5, v31;
	vm2 =	vge.f32 v8, $0.0e+00;
	v33 =	vld [tilespmem:s29+$0xFFFFFFE0]  }
0x128: {  	v2 =	vsel vm0, v4, v2;
	v24 =	vadd.f32 v25, v26;
	v4 =	vld [tilespmem:s29+$0xFFFFFFC0];
	v8 =	vsel vm2, v8, v10  }
0x129: {  	vm0 =	vge.f32 v37, $0.0e+00;
	v28 =	vadd.f32 v5, v42;
	v38 =	vmul.f32 v8, v7;
	v31 =	vld.idx.msk [tilespmem:v46+s3+$0x0], $0xffff  }
.Ltmp3:
0x12a: {  	v2 =	vmul.f32 v2, v32;
	v5 =	vmul.f32 $2.000000030e-01, v30;
	v7 =	vadd.f32 v34, v12;
	v29 =	vld [tilespmem:s29+$0x10];
	(pc) =	sbr.rel @p0 .LBB2_9-.Ltmp3, $4  }
0x12b: {  	v44 =	vmul.f32 $2.000000030e-01, v39;
	v43 =	vadd.f32 v6, v3;
	v34 =	vadd.f32 v40, v9;
	v25 =	vld [tilespmem:s29+$0x40]  }
0x12c: {  	v32 =	vadd.f32 v2, v36;
	v2 =	vsel vm1, v30, v5;
	v3 =	vmul.f32 $2.000000030e-01, v7;
	v30 =	vld [tilespmem:s29+$0x60]  }
0x12d: {  	v36 =	vadd.f32 v45, v0;
	vm1 =	vge.f32 v7, $0.0e+00;
	v26 =	vmul.f32 v2, v4;
	v35 =	vld [tilespmem:s29+$0x50]  }
0x12e: {  	vm2 =	vge.f32 v39, $0.0e+00;
	v40 =	vsel vm1, v7, v3;
	vm1 =	vge.f32 v43, $0.0e+00;
	s29 =	sadd.s32 $0x100, s29;
	v42 =	vld [tilespmem:s26+$0xFFFFFF80]  }
0x12f: {  	v0 =	vmul.f32 $2.000000030e-01, v43;
	v2 =	vmul.f32 v40, v29;
	v3 =	vadd.f32 v23, v31  }
0x130: {  	v4 =	vsel vm2, v39, v44;
	v5 =	vsel vm0, v37, v41;
	v7 =	vmul.f32 $2.000000030e-01, v36  }
0x131: {  	vm13 =	vge.f32 v34, $0.0e+00;
	vm14 =	vge.f32 v36, $0.0e+00;
	v58 =	vmul.f32 $2.000000030e-01, v34  }
0x132: {  	v9 =	vadd.f32 v38, v32;
	v10 =	vmul.f32 v27, v33;
	vm15 =	vge.f32 v24, $0.0e+00  }
0x133: {  	v8 =	vld [tilespmem:s26+$0x0];
	v59 =	vmul.f32 $2.000000030e-01, v24;
	v6 =	vmul.f32 $2.000000030e-01, v3;
	v7 =	vsel vm14, v36, v7  }
0x134: {  	vm12 =	vge.f32 v3, $0.0e+00;
	v7 =	vmul.f32 v7, v17;
	v5 =	vmul.f32 v5, v42  }
0x135: {  	v0 =	vsel vm1, v43, v0;
	v60 =	vadd.f32 v10, v28;
	v3 =	vsel vm12, v3, v6  }
0x136: {  	v3 =	vmul.f32 v3, v11;
	v7 =	vadd.f32 v7, v22;
	v5 =	vadd.f32 v5, v19  }
0x137: {  	v61 =	vsel vm15, v24, v59;
	v2 =	vadd.f32 v2, v9;
	v6 =	vsel vm13, v34, v58  }
0x138: {  	v4 =	vmul.f32 v4, v8;
	v3 =	vadd.f32 v3, v7;
	v5 =	vadd.f32 v26, v5  }
0x139: {  	v62 =	vmul.f32 v61, v30;
	v6 =	vmul.f32 v6, v35;
	v8 =	vadd.f32 v20, v60  }
0x13a: {  	v0 =	vmul.f32 v0, v25;
	v3 =	vadd.f32 v18, v3;
	v4 =	vadd.f32 v4, v5  }
0x13b: {  	v2 =	vadd.f32 v6, v2;
	v63 =	vadd.f32 v62, v8  }
0x13c: {  	v3 =	vadd.f32 v21, v3;
	v0 =	vadd.f32 v0, v4;
	_ =	sdelay $0x1  }
0x13d: {  	v0 =	vadd.f32 v2, v0;
	v2 =	vadd.f32 v3, v63  }
0x13e: {  	v3 =	vld [tilespmem:$0x1FF50]  }
0x13f: {  	v0 =	vadd.f32 v2, v0;
	v2 =	vld [tilespmem:$0x1FF60]  }
0x140: {  	p0 =	slt.u32 s24, $0x3C  }
.Ltmp4:
0x141: {  	_ = 	snop;
	(pc) =	sbr.rel @p0 .LBB2_6-.Ltmp4, $3  }
0x142: {  	_ =	sdelay $0x1  }
0x143: {  	s0 =	sadd.s32 $0x2, s24;
	v2 =	vmax.f32 v2, v3  }
0x144: {  	s24 =	smov.u32 s0;
	[tilespmem:s25+$0x1DC00] =	vst v0;
	v0 =	vmax.f32 v2, v0  }
0x145: {  	(xrf0) =	vmax.scan.msk.f32 $0xffff, v0;
	_ =	sdelay $0x2  }
0x146: {  	s1 =	simm.s32 $0x0  }
0x147: {  	v0 =	vld [tilespmem:s1+$0x1DC00];
	_ =	sdelay $0x1  }
0x148: {  	v2, _, _ =	vpop (xrf0)  }
0x149: {  	v10 =	vbroadcast v2, $0xF;
	_ =	sdelay $0x1  }
0x14a: {  	v0 =	vsub.f32 v0, v10;
	_ =	sdelay $0x1  }
0x14b: {  	v0 =	vmul.f32 $1.442695020e+00, v0  }
0x14c: {  	s0 =	simm.s32 $0x10  }
0x14d: {  	(erf) = vpow2.f32 v0;
	v0 =	vld [tilespmem:s0+$0x1DC00];
	_ =	sdelay $0x3  }
0x14e: {  	v11 =	vld [tilespmem:s1+$0x1D800]  }
0x14f: {  	v0 =	vsub.f32 v0, v10;
	_ =	sdelay $0x1  }
0x150: {  	s25 =	simm.s32 $0x20;
	v12 =	vld [tilespmem:s0+$0x1D800];
	v0 =	vmul.f32 $1.442695020e+00, v0  }
0x151: {  	v14 =	vld [tilespmem:s25+$0x1DC00]  }
0x152: {  	v13 =	vld [tilespmem:s25+$0x1D800];
	v15 =	vpop (erf);
	(erf) = vpow2.f32 v0;
	_ =	sdelay $0x1  }
0x153: {  	s24 =	simm.s32 $0x0;
	s26 =	simm.s32 $0xC0;
	[tilespmem:s1+$0x1DC00] =	vst v15  }
.LBB2_12:
0x154: {  	p0 =	sne.s32 s26, $0xF40;
	[tilespmem:v11+s20+$0x0] =	vst.idx.add.f32.msk $0xffff, v15;
	v11 =	vmov v12;
	s1 =	smov.u32 s26;
	s26 =	sadd.s32 $0x40, s26  }
0x155: {  	v0 =	vsub.f32 v14, v10  }
0x156: {  	v12 =	vmov v13  }
.Ltmp5:
0x157: {  	s1 =	sshra.s32 s1, $0x2;
	v0 =	vmul.f32 $1.442695020e+00, v0;
	(pc) =	sbr.rel @p0 .LBB2_12-.Ltmp5, $4  }
0x158: {  	v14 =	vld [tilespmem:s1+$0x1DC00]  }
0x159: {  	v13 =	vld [tilespmem:s1+$0x1D800];
	(erf) = vpow2.f32 v0  }
0x15a: {  	v15 =	vpop (erf)  }
0x15b: {  	[tilespmem:s0+$0x1DC00] =	vst v15;
	s0 =	smov.u32 s25;
	s25 =	smov.u32 s1  }
0x15c: {  	_ = 	snop  }
0x15d: {  	v0 =	vsub.f32 v14, v10;
	_ =	sdelay $0x1  }
0x15e: {  	v0 =	vmul.f32 $1.442695020e+00, v0;
	_ =	sdelay $0x1  }
0x15f: {  	(erf) = vpow2.f32 v0;
	_ =	sdelay $0x6  }
0x160: {  	[tilespmem:v11+s20+$0x0] =	vst.idx.add.f32.msk $0xffff, v15;
	v0 =	vpop (erf)  }
0x161: {  	[tilespmem:s0+$0x1DC00] =	vst v0  }
0x162: {  	[tilespmem:v12+s20+$0x0] =	vst.idx.add.f32.msk $0xffff, v0;
	v0 =	vpop (erf)  }
0x163: {  	[tilespmem:s25+$0x1DC00] =	vst v0  }
0x164: {  	[tilespmem:v13+s20+$0x0] =	vst.idx.add.f32.msk $0xffff, v0  }
.LBB2_14:
0x165: {  	s26 =	sshll.u32 s24, $0x4  }
0x166: {  	v0 =	vld [tilespmem:s26+$0x1D800];
	_ =	sdelay $0x7  }
0x167: {  	v2 =	vld.idx.msk [tilespmem:v0+s20+$0x0], $0xffff;
	_ =	sdelay $0x1  }
0x168: {  	v3 =	vld [tilespmem:s26+$0x1D400];
	_ =	sdelay $0x2  }
0x169: {  	v2 =	vadd.f32 $1.000000020e-16, v2;
	_ =	sdelay $0x1  }
0x16a: {  	v11 =	vshll.u32 v3, $0x7;
	(erf) = vrcp.f32 v2  }
0x16b: {  	s0 =	simm.s32 $0x0;
	v13 =	vor.u32 v1, v11  }
0x16c: {  	v2 =	vor.u32 s0, v13;
	_ =	sdelay $0x2  }
0x16d: {  	v3 =	vld [tilespmem:s26+$0x1DC00];
	_ =	sdelay $0x1  }
0x16e: {  	v10 =	vshll.u32 v0, $0x7;
	v0 =	vld.idx.msk [tilespmem:v2+s3+$0x0], $0xffff  }
0x16f: {  	s1 =	simm.s32 $0x1;
	v14 =	vor.u32 v1, v10  }
0x170: {  	v5 =	vxor.u32 s1, v1;
	v4 =	vor.u32 s0, v14;
	v2 =	vpop (erf)  }
0x171: {  	v12 =	vmul.f32 v2, v3;
	v2 =	vor.u32 v11, v5;
	_ =	sdelay $0x1  }
0x172: {  	v0 =	vmul.f32 v0, v12;
	_ =	sdelay $0x1  }
0x173: {  	[tilespmem:v4+s21+$0x0] =	vst.idx.add.f32.msk $0xffff, v0  }
0x174: {  	v0 =	vld.idx.msk [tilespmem:v2+s3+$0x0], $0xffff  }
0x175: {  	s30 =	simm.s32 $0x2  }
0x176: {  	v3 =	vxor.u32 s30, v1;
	v2 =	vor.u32 v10, v5  }
0x177: {  	v50 =	vor.u32 v11, v3;
	_ =	sdelay $0x1  }
0x178: {  	v0 =	vmul.f32 v0, v12;
	_ =	sdelay $0x1  }
0x179: {  	[tilespmem:v2+s21+$0x0] =	vst.idx.add.f32.msk $0xffff, v0  }
0x17a: {  	v0 =	vld.idx.msk [tilespmem:v50+s3+$0x0], $0xffff  }
0x17b: {  	s31 =	simm.s32 $0x3  }
0x17c: {  	v2 =	vor.u32 v10, v3;
	v3 =	vxor.u32 s31, v1  }
0x17d: {  	v51 =	vor.u32 v11, v3;
	_ =	sdelay $0x1  }
0x17e: {  	v0 =	vmul.f32 v0, v12;
	_ =	sdelay $0x1  }
0x17f: {  	[tilespmem:v2+s21+$0x0] =	vst.idx.add.f32.msk $0xffff, v0  }
0x180: {  	v0 =	vld.idx.msk [tilespmem:v51+s3+$0x0], $0xffff  }
0x181: {  	s1 =	simm.s32 $0x4  }
0x182: {  	v2 =	vor.u32 v10, v3;
	v3 =	vxor.u32 s1, v1  }
0x183: {  	v52 =	vor.u32 v11, v3;
	_ =	sdelay $0x1  }
0x184: {  	v0 =	vmul.f32 v0, v12;
	_ =	sdelay $0x1  }
0x185: {  	[tilespmem:v2+s21+$0x0] =	vst.idx.add.f32.msk $0xffff, v0  }
0x186: {  	v0 =	vld.idx.msk [tilespmem:v52+s3+$0x0], $0xffff  }
0x187: {  	s2 =	simm.s32 $0x5  }
0x188: {  	v2 =	vor.u32 v10, v3;
	v3 =	vxor.u32 s2, v1  }
0x189: {  	v53 =	vor.u32 v11, v3;
	_ =	sdelay $0x1  }
0x18a: {  	v0 =	vmul.f32 v0, v12;
	_ =	sdelay $0x1  }
0x18b: {  	[tilespmem:v2+s21+$0x0] =	vst.idx.add.f32.msk $0xffff, v0  }
0x18c: {  	v0 =	vld.idx.msk [tilespmem:v53+s3+$0x0], $0xffff  }
0x18d: {  	s25 =	simm.s32 $0x6  }
0x18e: {  	v2 =	vor.u32 v10, v3;
	v3 =	vxor.u32 s25, v1  }
0x18f: {  	v54 =	vor.u32 v11, v3;
	_ =	sdelay $0x1  }
0x190: {  	v0 =	vmul.f32 v0, v12;
	_ =	sdelay $0x1  }
0x191: {  	[tilespmem:v2+s21+$0x0] =	vst.idx.add.f32.msk $0xffff, v0  }
0x192: {  	v0 =	vld.idx.msk [tilespmem:v54+s3+$0x0], $0xffff  }
0x193: {  	s29 =	simm.s32 $0x7  }
0x194: {  	v2 =	vor.u32 v10, v3;
	v3 =	vxor.u32 s29, v1  }
0x195: {  	v55 =	vor.u32 v11, v3;
	_ =	sdelay $0x1  }
0x196: {  	v0 =	vmul.f32 v0, v12;
	_ =	sdelay $0x1  }
0x197: {  	[tilespmem:v2+s21+$0x0] =	vst.idx.add.f32.msk $0xffff, v0  }
0x198: {  	v0 =	vld.idx.msk [tilespmem:v55+s3+$0x0], $0xffff  }
0x199: {  	s30 =	simm.s32 $0x8  }
0x19a: {  	v2 =	vor.u32 v10, v3;
	v3 =	vxor.u32 s30, v1  }
0x19b: {  	v56 =	vor.u32 v11, v3;
	_ =	sdelay $0x1  }
0x19c: {  	v0 =	vmul.f32 v0, v12;
	_ =	sdelay $0x1  }
0x19d: {  	[tilespmem:v2+s21+$0x0] =	vst.idx.add.f32.msk $0xffff, v0  }
0x19e: {  	v0 =	vld.idx.msk [tilespmem:v56+s3+$0x0], $0xffff  }
0x19f: {  	s31 =	simm.s32 $0x9  }
0x1a0: {  	v2 =	vor.u32 v10, v3;
	v3 =	vxor.u32 s31, v1  }
0x1a1: {  	v57 =	vor.u32 v11, v3;
	_ =	sdelay $0x1  }
0x1a2: {  	v0 =	vmul.f32 v0, v12;
	_ =	sdelay $0x1  }
0x1a3: {  	[tilespmem:v2+s21+$0x0] =	vst.idx.add.f32.msk $0xffff, v0  }
0x1a4: {  	v0 =	vld.idx.msk [tilespmem:v57+s3+$0x0], $0xffff  }
0x1a5: {  	s1 =	simm.s32 $0xA  }
0x1a6: {  	v2 =	vor.u32 v10, v3;
	v3 =	vxor.u32 s1, v1  }
0x1a7: {  	v58 =	vor.u32 v11, v3;
	_ =	sdelay $0x1  }
0x1a8: {  	v0 =	vmul.f32 v0, v12;
	_ =	sdelay $0x1  }
0x1a9: {  	[tilespmem:v2+s21+$0x0] =	vst.idx.add.f32.msk $0xffff, v0  }
0x1aa: {  	v0 =	vld.idx.msk [tilespmem:v58+s3+$0x0], $0xffff  }
0x1ab: {  	s2 =	simm.s32 $0xB  }
0x1ac: {  	v2 =	vor.u32 v10, v3;
	v3 =	vxor.u32 s2, v1  }
0x1ad: {  	v59 =	vor.u32 v11, v3;
	_ =	sdelay $0x1  }
0x1ae: {  	v0 =	vmul.f32 v0, v12;
	_ =	sdelay $0x1  }
0x1af: {  	[tilespmem:v2+s21+$0x0] =	vst.idx.add.f32.msk $0xffff, v0  }
0x1b0: {  	v0 =	vld.idx.msk [tilespmem:v59+s3+$0x0], $0xffff  }
0x1b1: {  	s25 =	simm.s32 $0xC  }
0x1b2: {  	v2 =	vor.u32 v10, v3;
	v3 =	vxor.u32 s25, v1  }
0x1b3: {  	v60 =	vor.u32 v11, v3;
	_ =	sdelay $0x1  }
0x1b4: {  	v0 =	vmul.f32 v0, v12;
	_ =	sdelay $0x1  }
0x1b5: {  	[tilespmem:v2+s21+$0x0] =	vst.idx.add.f32.msk $0xffff, v0  }
0x1b6: {  	v0 =	vld.idx.msk [tilespmem:v60+s3+$0x0], $0xffff  }
0x1b7: {  	s29 =	simm.s32 $0xD  }
0x1b8: {  	v2 =	vor.u32 v10, v3;
	v3 =	vxor.u32 s29, v1  }
0x1b9: {  	v61 =	vor.u32 v11, v3;
	_ =	sdelay $0x1  }
0x1ba: {  	v0 =	vmul.f32 v0, v12;
	_ =	sdelay $0x1  }
0x1bb: {  	[tilespmem:v2+s21+$0x0] =	vst.idx.add.f32.msk $0xffff, v0  }
0x1bc: {  	v0 =	vld.idx.msk [tilespmem:v61+s3+$0x0], $0xffff  }
0x1bd: {  	s30 =	simm.s32 $0xE  }
0x1be: {  	v2 =	vor.u32 v10, v3;
	v3 =	vxor.u32 s30, v1  }
0x1bf: {  	v62 =	vor.u32 v11, v3;
	_ =	sdelay $0x1  }
0x1c0: {  	v0 =	vmul.f32 v0, v12;
	_ =	sdelay $0x1  }
0x1c1: {  	[tilespmem:v2+s21+$0x0] =	vst.idx.add.f32.msk $0xffff, v0  }
0x1c2: {  	v0 =	vld.idx.msk [tilespmem:v62+s3+$0x0], $0xffff  }
0x1c3: {  	s31 =	simm.s32 $0xF  }
0x1c4: {  	v2 =	vor.u32 v10, v3;
	v3 =	vxor.u32 s31, v1  }
0x1c5: {  	v63 =	vor.u32 v11, v3;
	_ =	sdelay $0x1  }
0x1c6: {  	v0 =	vmul.f32 v0, v12;
	_ =	sdelay $0x1  }
0x1c7: {  	[tilespmem:v2+s21+$0x0] =	vst.idx.add.f32.msk $0xffff, v0  }
0x1c8: {  	v0 =	vld.idx.msk [tilespmem:v63+s3+$0x0], $0xffff;
	_ =	sdelay $0x1  }
0x1c9: {  	s0 =	simm.s32 $0x10;
	v17 =	vor.u32 v10, v3  }
0x1ca: {  	v15 =	vor.u32 s0, v13;
	_ =	sdelay $0x1  }
0x1cb: {  	s28 =	simm.s32 $0x2F;
	s25 =	simm.s32 $0x1F;
	v18 =	vmul.f32 v0, v12  }
.LBB2_15:
0x1cc: {  	_ = 	snop  }
0x1cd: {  	p0 =	sne.s32 s28, $0x7F;
	s29 =	smov.u32 s28;
	s28 =	sadd.s32 $0x10, s28;
	[tilespmem:v17+s21+$0x0] =	vst.idx.add.f32.msk $0xffff, v18  }
0x1ce: {  	v0 =	vld.idx.msk [tilespmem:v15+s3+$0x0], $0xffff;
	_ =	sdelay $0x1  }
0x1cf: {  	s1 =	sadd.s32 $0xFFFFFFF2, s25  }
0x1d0: {  	v2 =	vor.u32 s0, v14;
	v3 =	vxor.u32 s1, v1  }
0x1d1: {  	v4 =	vor.u32 v11, v3;
	_ =	sdelay $0x1  }
0x1d2: {  	v0 =	vmul.f32 v0, v12;
	_ =	sdelay $0x1  }
0x1d3: {  	[tilespmem:v2+s21+$0x0] =	vst.idx.add.f32.msk $0xffff, v0  }
0x1d4: {  	v0 =	vld.idx.msk [tilespmem:v4+s3+$0x0], $0xffff;
	_ =	sdelay $0x1  }
0x1d5: {  	s0 =	sadd.s32 $0xFFFFFFF3, s25  }
0x1d6: {  	v2 =	vor.u32 v10, v3;
	v3 =	vxor.u32 s0, v1  }
0x1d7: {  	v4 =	vor.u32 v11, v3;
	_ =	sdelay $0x1  }
0x1d8: {  	v0 =	vmul.f32 v0, v12;
	_ =	sdelay $0x1  }
0x1d9: {  	[tilespmem:v2+s21+$0x0] =	vst.idx.add.f32.msk $0xffff, v0  }
0x1da: {  	v0 =	vld.idx.msk [tilespmem:v4+s3+$0x0], $0xffff;
	_ =	sdelay $0x1  }
0x1db: {  	s0 =	sadd.s32 $0xFFFFFFF4, s25  }
0x1dc: {  	v2 =	vor.u32 v10, v3;
	v3 =	vxor.u32 s0, v1  }
0x1dd: {  	v4 =	vor.u32 v11, v3;
	_ =	sdelay $0x1  }
0x1de: {  	v0 =	vmul.f32 v0, v12;
	_ =	sdelay $0x1  }
0x1df: {  	[tilespmem:v2+s21+$0x0] =	vst.idx.add.f32.msk $0xffff, v0  }
0x1e0: {  	v0 =	vld.idx.msk [tilespmem:v4+s3+$0x0], $0xffff;
	_ =	sdelay $0x1  }
0x1e1: {  	s0 =	sadd.s32 $0xFFFFFFF5, s25  }
0x1e2: {  	v2 =	vor.u32 v10, v3;
	v3 =	vxor.u32 s0, v1  }
0x1e3: {  	v4 =	vor.u32 v11, v3;
	_ =	sdelay $0x1  }
0x1e4: {  	v0 =	vmul.f32 v0, v12;
	_ =	sdelay $0x1  }
0x1e5: {  	[tilespmem:v2+s21+$0x0] =	vst.idx.add.f32.msk $0xffff, v0  }
0x1e6: {  	v0 =	vld.idx.msk [tilespmem:v4+s3+$0x0], $0xffff;
	_ =	sdelay $0x1  }
0x1e7: {  	s0 =	sadd.s32 $0xFFFFFFF6, s25  }
0x1e8: {  	v2 =	vor.u32 v10, v3;
	v3 =	vxor.u32 s0, v1  }
0x1e9: {  	v4 =	vor.u32 v11, v3;
	_ =	sdelay $0x1  }
0x1ea: {  	v0 =	vmul.f32 v0, v12;
	_ =	sdelay $0x1  }
0x1eb: {  	[tilespmem:v2+s21+$0x0] =	vst.idx.add.f32.msk $0xffff, v0  }
0x1ec: {  	v0 =	vld.idx.msk [tilespmem:v4+s3+$0x0], $0xffff;
	_ =	sdelay $0x1  }
0x1ed: {  	s0 =	sadd.s32 $0xFFFFFFF7, s25  }
0x1ee: {  	v2 =	vor.u32 v10, v3;
	v3 =	vxor.u32 s0, v1  }
0x1ef: {  	v4 =	vor.u32 v11, v3;
	_ =	sdelay $0x1  }
0x1f0: {  	v0 =	vmul.f32 v0, v12;
	_ =	sdelay $0x1  }
0x1f1: {  	[tilespmem:v2+s21+$0x0] =	vst.idx.add.f32.msk $0xffff, v0  }
0x1f2: {  	v0 =	vld.idx.msk [tilespmem:v4+s3+$0x0], $0xffff;
	_ =	sdelay $0x1  }
0x1f3: {  	s0 =	sadd.s32 $0xFFFFFFF8, s25  }
0x1f4: {  	v2 =	vor.u32 v10, v3;
	v3 =	vxor.u32 s0, v1  }
0x1f5: {  	v4 =	vor.u32 v11, v3;
	_ =	sdelay $0x1  }
0x1f6: {  	v0 =	vmul.f32 v0, v12;
	_ =	sdelay $0x1  }
0x1f7: {  	[tilespmem:v2+s21+$0x0] =	vst.idx.add.f32.msk $0xffff, v0  }
0x1f8: {  	v0 =	vld.idx.msk [tilespmem:v4+s3+$0x0], $0xffff;
	_ =	sdelay $0x1  }
0x1f9: {  	s0 =	sadd.s32 $0xFFFFFFF9, s25  }
0x1fa: {  	v2 =	vor.u32 v10, v3;
	v3 =	vxor.u32 s0, v1  }
0x1fb: {  	v4 =	vor.u32 v11, v3;
	_ =	sdelay $0x1  }
0x1fc: {  	v0 =	vmul.f32 v0, v12;
	_ =	sdelay $0x1  }
0x1fd: {  	[tilespmem:v2+s21+$0x0] =	vst.idx.add.f32.msk $0xffff, v0  }
0x1fe: {  	v0 =	vld.idx.msk [tilespmem:v4+s3+$0x0], $0xffff;
	_ =	sdelay $0x1  }
0x1ff: {  	s0 =	sadd.s32 $0xFFFFFFFA, s25  }
0x200: {  	v2 =	vor.u32 v10, v3;
	v3 =	vxor.u32 s0, v1  }
0x201: {  	v4 =	vor.u32 v11, v3;
	_ =	sdelay $0x1  }
0x202: {  	v0 =	vmul.f32 v0, v12;
	_ =	sdelay $0x1  }
0x203: {  	[tilespmem:v2+s21+$0x0] =	vst.idx.add.f32.msk $0xffff, v0  }
0x204: {  	v0 =	vld.idx.msk [tilespmem:v4+s3+$0x0], $0xffff;
	_ =	sdelay $0x1  }
0x205: {  	s0 =	sadd.s32 $0xFFFFFFFB, s25  }
0x206: {  	v2 =	vor.u32 v10, v3;
	v3 =	vxor.u32 s0, v1  }
0x207: {  	v4 =	vor.u32 v11, v3;
	_ =	sdelay $0x1  }
0x208: {  	v0 =	vmul.f32 v0, v12;
	_ =	sdelay $0x1  }
0x209: {  	[tilespmem:v2+s21+$0x0] =	vst.idx.add.f32.msk $0xffff, v0  }
0x20a: {  	v0 =	vld.idx.msk [tilespmem:v4+s3+$0x0], $0xffff;
	_ =	sdelay $0x1  }
0x20b: {  	s0 =	sadd.s32 $0xFFFFFFFC, s25  }
0x20c: {  	v2 =	vor.u32 v10, v3;
	v3 =	vxor.u32 s0, v1  }
0x20d: {  	v4 =	vor.u32 v11, v3;
	_ =	sdelay $0x1  }
0x20e: {  	v0 =	vmul.f32 v0, v12;
	_ =	sdelay $0x1  }
0x20f: {  	[tilespmem:v2+s21+$0x0] =	vst.idx.add.f32.msk $0xffff, v0  }
0x210: {  	v0 =	vld.idx.msk [tilespmem:v4+s3+$0x0], $0xffff;
	_ =	sdelay $0x1  }
0x211: {  	s0 =	sadd.s32 $0xFFFFFFFD, s25  }
0x212: {  	v2 =	vor.u32 v10, v3;
	v3 =	vxor.u32 s0, v1  }
0x213: {  	v4 =	vor.u32 v11, v3;
	_ =	sdelay $0x1  }
0x214: {  	v0 =	vmul.f32 v0, v12;
	_ =	sdelay $0x1  }
0x215: {  	[tilespmem:v2+s21+$0x0] =	vst.idx.add.f32.msk $0xffff, v0  }
0x216: {  	v0 =	vld.idx.msk [tilespmem:v4+s3+$0x0], $0xffff;
	_ =	sdelay $0x1  }
0x217: {  	s0 =	sadd.s32 $0xFFFFFFFE, s25  }
0x218: {  	v2 =	vor.u32 v10, v3;
	v3 =	vxor.u32 s0, v1  }
0x219: {  	v4 =	vor.u32 v11, v3;
	_ =	sdelay $0x1  }
0x21a: {  	v0 =	vmul.f32 v0, v12;
	_ =	sdelay $0x1  }
0x21b: {  	[tilespmem:v2+s21+$0x0] =	vst.idx.add.f32.msk $0xffff, v0  }
0x21c: {  	v0 =	vld.idx.msk [tilespmem:v4+s3+$0x0], $0xffff;
	_ =	sdelay $0x1  }
0x21d: {  	s0 =	sadd.s32 $0xFFFFFFFF, s25  }
0x21e: {  	v2 =	vor.u32 v10, v3;
	v3 =	vxor.u32 s0, v1  }
0x21f: {  	v4 =	vor.u32 v11, v3;
	_ =	sdelay $0x1  }
0x220: {  	v0 =	vmul.f32 v0, v12;
	_ =	sdelay $0x1  }
0x221: {  	[tilespmem:v2+s21+$0x0] =	vst.idx.add.f32.msk $0xffff, v0  }
0x222: {  	v0 =	vld.idx.msk [tilespmem:v4+s3+$0x0], $0xffff;
	_ =	sdelay $0x2  }
0x223: {  	v2 =	vor.u32 v10, v3;
	v3 =	vxor.u32 s25, v1;
	s25 =	smov.u32 s29  }
0x224: {  	v4 =	vor.u32 v11, v3;
	_ =	sdelay $0x1  }
0x225: {  	v0 =	vmul.f32 v0, v12;
	_ =	sdelay $0x1  }
0x226: {  	[tilespmem:v2+s21+$0x0] =	vst.idx.add.f32.msk $0xffff, v0  }
0x227: {  	v0 =	vld.idx.msk [tilespmem:v4+s3+$0x0], $0xffff;
	_ =	sdelay $0x1  }
.Ltmp6:
0x228: {  	(pc) =	sbr.rel @p0 .LBB2_15-.Ltmp6, $3  }
0x229: {  	s0 =	sadd.s32 $0xFFFFFFF1, s25;
	v17 =	vor.u32 v10, v3  }
0x22a: {  	v15 =	vor.u32 s0, v13;
	_ =	sdelay $0x1  }
0x22b: {  	v18 =	vmul.f32 v0, v12  }
0x22c: {  	v0 =	vld [tilespmem:s26+$0x1D810];
	_ =	sdelay $0x7  }
0x22d: {  	v2 =	vld.idx.msk [tilespmem:v0+s20+$0x0], $0xffff;
	_ =	sdelay $0x1  }
0x22e: {  	v3 =	vld [tilespmem:s26+$0x1D410];
	_ =	sdelay $0x2  }
0x22f: {  	v2 =	vadd.f32 $1.000000020e-16, v2;
	_ =	sdelay $0x1  }
0x230: {  	v13 =	vshll.u32 v3, $0x7;
	(erf) = vrcp.f32 v2  }
0x231: {  	s1 =	simm.s32 $0x0;
	v16 =	vor.u32 v1, v13  }
0x232: {  	v2 =	vor.u32 s1, v16  }
0x233: {  	v4 =	vld [tilespmem:s26+$0x1DC10]  }
0x234: {  	[tilespmem:v17+s21+$0x0] =	vst.idx.add.f32.msk $0xffff, v18  }
0x235: {  	v3 =	vld.idx.msk [tilespmem:v15+s3+$0x0], $0xffff  }
0x236: {  	s2 =	sadd.s32 $0xFFFFFFF2, s25  }
0x237: {  	v5 =	vor.u32 s0, v14;
	v6 =	vxor.u32 s2, v1;
	v14 =	vshll.u32 v0, $0x7;
	v0 =	vld.idx.msk [tilespmem:v2+s3+$0x0], $0xffff  }
0x238: {  	s31 =	simm.s32 $0x1;
	v17 =	vor.u32 v1, v14;
	v2 =	vor.u32 v11, v6  }
0x239: {  	v9 =	vxor.u32 s31, v1;
	v8 =	vor.u32 s1, v17;
	v7 =	vpop (erf)  }
0x23a: {  	v52 =	vor.u32 v13, v9;
	v3 =	vmul.f32 v3, v12;
	v15 =	vmul.f32 v7, v4;
	_ =	sdelay $0x1  }
0x23b: {  	[tilespmem:v5+s21+$0x0] =	vst.idx.add.f32.msk $0xffff, v3;
	v0 =	vmul.f32 v0, v15  }
0x23c: {  	v2 =	vld.idx.msk [tilespmem:v2+s3+$0x0], $0xffff  }
0x23d: {  	s2 =	sadd.s32 $0xFFFFFFF3, s25;
	[tilespmem:v8+s21+$0x0] =	vst.idx.add.f32.msk $0xffff, v0  }
0x23e: {  	v3 =	vxor.u32 s2, v1;
	v0 =	vor.u32 v10, v6;
	v4 =	vld.idx.msk [tilespmem:v52+s3+$0x0], $0xffff  }
0x23f: {  	s26 =	simm.s32 $0x2;
	v53 =	vor.u32 v11, v3  }
0x240: {  	v55 =	vxor.u32 s26, v1;
	v54 =	vor.u32 v14, v9  }
0x241: {  	v8 =	vor.u32 v13, v55;
	v2 =	vmul.f32 v2, v12;
	_ =	sdelay $0x1  }
0x242: {  	[tilespmem:v0+s21+$0x0] =	vst.idx.add.f32.msk $0xffff, v2;
	v0 =	vmul.f32 v4, v15  }
0x243: {  	v2 =	vld.idx.msk [tilespmem:v53+s3+$0x0], $0xffff  }
0x244: {  	s28 =	sadd.s32 $0xFFFFFFF4, s25;
	[tilespmem:v54+s21+$0x0] =	vst.idx.add.f32.msk $0xffff, v0  }
0x245: {  	v0 =	vor.u32 v10, v3;
	v3 =	vxor.u32 s28, v1;
	v56 =	vld.idx.msk [tilespmem:v8+s3+$0x0], $0xffff  }
0x246: {  	s29 =	simm.s32 $0x3;
	v57 =	vor.u32 v11, v3  }
0x247: {  	v59 =	vxor.u32 s29, v1;
	v58 =	vor.u32 v14, v55  }
0x248: {  	v8 =	vor.u32 v13, v59;
	v2 =	vmul.f32 v2, v12;
	_ =	sdelay $0x1  }
0x249: {  	[tilespmem:v0+s21+$0x0] =	vst.idx.add.f32.msk $0xffff, v2;
	v0 =	vmul.f32 v56, v15  }
0x24a: {  	v2 =	vld.idx.msk [tilespmem:v57+s3+$0x0], $0xffff  }
0x24b: {  	s30 =	sadd.s32 $0xFFFFFFF5, s25;
	[tilespmem:v58+s21+$0x0] =	vst.idx.add.f32.msk $0xffff, v0  }
0x24c: {  	v0 =	vor.u32 v10, v3;
	v3 =	vxor.u32 s30, v1;
	v60 =	vld.idx.msk [tilespmem:v8+s3+$0x0], $0xffff  }
0x24d: {  	s31 =	simm.s32 $0x4;
	v61 =	vor.u32 v11, v3  }
0x24e: {  	v63 =	vxor.u32 s31, v1;
	v62 =	vor.u32 v14, v59  }
0x24f: {  	v8 =	vor.u32 v13, v63;
	v2 =	vmul.f32 v2, v12;
	_ =	sdelay $0x1  }
0x250: {  	[tilespmem:v0+s21+$0x0] =	vst.idx.add.f32.msk $0xffff, v2;
	v0 =	vmul.f32 v60, v15  }
0x251: {  	v2 =	vld.idx.msk [tilespmem:v61+s3+$0x0], $0xffff  }
0x252: {  	s1 =	sadd.s32 $0xFFFFFFF6, s25;
	[tilespmem:v62+s21+$0x0] =	vst.idx.add.f32.msk $0xffff, v0  }
0x253: {  	v0 =	vor.u32 v10, v3;
	v3 =	vxor.u32 s1, v1;
	v20 =	vld.idx.msk [tilespmem:v8+s3+$0x0], $0xffff  }
0x254: {  	s2 =	simm.s32 $0x5;
	v21 =	vor.u32 v11, v3  }
0x255: {  	v22 =	vor.u32 v14, v63;
	v23 =	vxor.u32 s2, v1  }
0x256: {  	v8 =	vor.u32 v13, v23;
	v2 =	vmul.f32 v2, v12;
	_ =	sdelay $0x1  }
0x257: {  	[tilespmem:v0+s21+$0x0] =	vst.idx.add.f32.msk $0xffff, v2;
	v0 =	vmul.f32 v20, v15  }
0x258: {  	v2 =	vld.idx.msk [tilespmem:v21+s3+$0x0], $0xffff  }
0x259: {  	s26 =	sadd.s32 $0xFFFFFFF7, s25;
	[tilespmem:v22+s21+$0x0] =	vst.idx.add.f32.msk $0xffff, v0  }
0x25a: {  	v0 =	vor.u32 v10, v3;
	v3 =	vxor.u32 s26, v1;
	v24 =	vld.idx.msk [tilespmem:v8+s3+$0x0], $0xffff  }
0x25b: {  	s28 =	simm.s32 $0x6;
	v25 =	vor.u32 v11, v3  }
0x25c: {  	v26 =	vor.u32 v14, v23;
	v27 =	vxor.u32 s28, v1  }
0x25d: {  	v8 =	vor.u32 v13, v27;
	v2 =	vmul.f32 v2, v12;
	_ =	sdelay $0x1  }
0x25e: {  	[tilespmem:v0+s21+$0x0] =	vst.idx.add.f32.msk $0xffff, v2;
	v0 =	vmul.f32 v24, v15  }
0x25f: {  	v2 =	vld.idx.msk [tilespmem:v25+s3+$0x0], $0xffff  }
0x260: {  	s29 =	sadd.s32 $0xFFFFFFF8, s25;
	[tilespmem:v26+s21+$0x0] =	vst.idx.add.f32.msk $0xffff, v0  }
0x261: {  	v0 =	vor.u32 v10, v3;
	v3 =	vxor.u32 s29, v1;
	v28 =	vld.idx.msk [tilespmem:v8+s3+$0x0], $0xffff  }
0x262: {  	s30 =	simm.s32 $0x7;
	v29 =	vor.u32 v11, v3  }
0x263: {  	v30 =	vor.u32 v14, v27;
	v31 =	vxor.u32 s30, v1  }
0x264: {  	v8 =	vor.u32 v13, v31;
	v2 =	vmul.f32 v2, v12;
	_ =	sdelay $0x1  }
0x265: {  	[tilespmem:v0+s21+$0x0] =	vst.idx.add.f32.msk $0xffff, v2;
	v0 =	vmul.f32 v28, v15  }
0x266: {  	v2 =	vld.idx.msk [tilespmem:v29+s3+$0x0], $0xffff  }
0x267: {  	s31 =	sadd.s32 $0xFFFFFFF9, s25;
	[tilespmem:v30+s21+$0x0] =	vst.idx.add.f32.msk $0xffff, v0  }
0x268: {  	v0 =	vor.u32 v10, v3;
	v3 =	vxor.u32 s31, v1;
	v32 =	vld.idx.msk [tilespmem:v8+s3+$0x0], $0xffff  }
0x269: {  	s1 =	simm.s32 $0x8;
	v33 =	vor.u32 v11, v3  }
0x26a: {  	v34 =	vor.u32 v14, v31;
	v35 =	vxor.u32 s1, v1  }
0x26b: {  	v8 =	vor.u32 v13, v35;
	v2 =	vmul.f32 v2, v12;
	_ =	sdelay $0x1  }
0x26c: {  	[tilespmem:v0+s21+$0x0] =	vst.idx.add.f32.msk $0xffff, v2;
	v0 =	vmul.f32 v32, v15  }
0x26d: {  	v2 =	vld.idx.msk [tilespmem:v33+s3+$0x0], $0xffff  }
0x26e: {  	s2 =	sadd.s32 $0xFFFFFFFA, s25;
	[tilespmem:v34+s21+$0x0] =	vst.idx.add.f32.msk $0xffff, v0  }
0x26f: {  	v0 =	vor.u32 v10, v3;
	v3 =	vxor.u32 s2, v1;
	v36 =	vld.idx.msk [tilespmem:v8+s3+$0x0], $0xffff  }
0x270: {  	s26 =	simm.s32 $0x9;
	v37 =	vor.u32 v11, v3  }
0x271: {  	v38 =	vor.u32 v14, v35;
	v39 =	vxor.u32 s26, v1  }
0x272: {  	v8 =	vor.u32 v13, v39;
	v2 =	vmul.f32 v2, v12;
	_ =	sdelay $0x1  }
0x273: {  	[tilespmem:v0+s21+$0x0] =	vst.idx.add.f32.msk $0xffff, v2;
	v0 =	vmul.f32 v36, v15  }
0x274: {  	v2 =	vld.idx.msk [tilespmem:v37+s3+$0x0], $0xffff  }
0x275: {  	s28 =	sadd.s32 $0xFFFFFFFB, s25;
	[tilespmem:v38+s21+$0x0] =	vst.idx.add.f32.msk $0xffff, v0  }
0x276: {  	v0 =	vor.u32 v10, v3;
	v3 =	vxor.u32 s28, v1;
	v40 =	vld.idx.msk [tilespmem:v8+s3+$0x0], $0xffff  }
0x277: {  	s29 =	simm.s32 $0xA;
	v41 =	vor.u32 v11, v3  }
0x278: {  	v42 =	vor.u32 v14, v39;
	v43 =	vxor.u32 s29, v1  }
0x279: {  	v8 =	vor.u32 v13, v43;
	v2 =	vmul.f32 v2, v12;
	_ =	sdelay $0x1  }
0x27a: {  	[tilespmem:v0+s21+$0x0] =	vst.idx.add.f32.msk $0xffff, v2;
	v0 =	vmul.f32 v40, v15  }
0x27b: {  	v2 =	vld.idx.msk [tilespmem:v41+s3+$0x0], $0xffff  }
0x27c: {  	s30 =	sadd.s32 $0xFFFFFFFC, s25;
	[tilespmem:v42+s21+$0x0] =	vst.idx.add.f32.msk $0xffff, v0  }
0x27d: {  	v0 =	vor.u32 v10, v3;
	v3 =	vxor.u32 s30, v1;
	v44 =	vld.idx.msk [tilespmem:v8+s3+$0x0], $0xffff  }
0x27e: {  	s31 =	simm.s32 $0xB;
	v45 =	vor.u32 v11, v3  }
0x27f: {  	v46 =	vor.u32 v14, v43;
	v47 =	vxor.u32 s31, v1  }
0x280: {  	v8 =	vor.u32 v13, v47;
	v2 =	vmul.f32 v2, v12;
	_ =	sdelay $0x1  }
0x281: {  	[tilespmem:v0+s21+$0x0] =	vst.idx.add.f32.msk $0xffff, v2;
	v0 =	vmul.f32 v44, v15  }
0x282: {  	v2 =	vld.idx.msk [tilespmem:v45+s3+$0x0], $0xffff  }
0x283: {  	s1 =	sadd.s32 $0xFFFFFFFD, s25;
	[tilespmem:v46+s21+$0x0] =	vst.idx.add.f32.msk $0xffff, v0  }
0x284: {  	v0 =	vor.u32 v10, v3;
	v3 =	vxor.u32 s1, v1;
	v48 =	vld.idx.msk [tilespmem:v8+s3+$0x0], $0xffff  }
0x285: {  	s2 =	simm.s32 $0xC;
	v49 =	vor.u32 v11, v3  }
0x286: {  	v50 =	vor.u32 v14, v47;
	v51 =	vxor.u32 s2, v1  }
0x287: {  	v8 =	vor.u32 v13, v51;
	v2 =	vmul.f32 v2, v12;
	_ =	sdelay $0x1  }
0x288: {  	[tilespmem:v0+s21+$0x0] =	vst.idx.add.f32.msk $0xffff, v2;
	v0 =	vmul.f32 v48, v15  }
0x289: {  	v2 =	vld.idx.msk [tilespmem:v49+s3+$0x0], $0xffff  }
0x28a: {  	s26 =	sadd.s32 $0xFFFFFFFE, s25;
	[tilespmem:v50+s21+$0x0] =	vst.idx.add.f32.msk $0xffff, v0  }
0x28b: {  	v0 =	vor.u32 v10, v3;
	v3 =	vxor.u32 s26, v1;
	v52 =	vld.idx.msk [tilespmem:v8+s3+$0x0], $0xffff  }
0x28c: {  	s28 =	simm.s32 $0xD;
	v53 =	vor.u32 v11, v3  }
0x28d: {  	v54 =	vor.u32 v14, v51;
	v55 =	vxor.u32 s28, v1  }
0x28e: {  	v8 =	vor.u32 v13, v55;
	v2 =	vmul.f32 v2, v12;
	_ =	sdelay $0x1  }
0x28f: {  	[tilespmem:v0+s21+$0x0] =	vst.idx.add.f32.msk $0xffff, v2;
	v0 =	vmul.f32 v52, v15  }
0x290: {  	v2 =	vld.idx.msk [tilespmem:v53+s3+$0x0], $0xffff  }
0x291: {  	s29 =	sadd.s32 $0xFFFFFFFF, s25;
	[tilespmem:v54+s21+$0x0] =	vst.idx.add.f32.msk $0xffff, v0  }
0x292: {  	v0 =	vor.u32 v10, v3;
	v3 =	vxor.u32 s29, v1;
	v56 =	vld.idx.msk [tilespmem:v8+s3+$0x0], $0xffff  }
0x293: {  	s30 =	simm.s32 $0xE;
	v57 =	vor.u32 v11, v3  }
0x294: {  	v58 =	vor.u32 v14, v55;
	v59 =	vxor.u32 s30, v1  }
0x295: {  	v8 =	vor.u32 v13, v59;
	v2 =	vmul.f32 v2, v12;
	_ =	sdelay $0x1  }
0x296: {  	[tilespmem:v0+s21+$0x0] =	vst.idx.add.f32.msk $0xffff, v2;
	v0 =	vmul.f32 v56, v15  }
0x297: {  	v2 =	vld.idx.msk [tilespmem:v57+s3+$0x0], $0xffff  }
0x298: {  	[tilespmem:v58+s21+$0x0] =	vst.idx.add.f32.msk $0xffff, v0  }
0x299: {  	v0 =	vor.u32 v10, v3;
	v3 =	vxor.u32 s25, v1;
	v60 =	vld.idx.msk [tilespmem:v8+s3+$0x0], $0xffff  }
0x29a: {  	s31 =	simm.s32 $0xF;
	v61 =	vor.u32 v11, v3  }
0x29b: {  	v63 =	vxor.u32 s31, v1;
	v62 =	vor.u32 v14, v59  }
0x29c: {  	v8 =	vor.u32 v13, v63;
	v2 =	vmul.f32 v2, v12;
	_ =	sdelay $0x1  }
0x29d: {  	[tilespmem:v0+s21+$0x0] =	vst.idx.add.f32.msk $0xffff, v2;
	v0 =	vmul.f32 v60, v15  }
0x29e: {  	v2 =	vld.idx.msk [tilespmem:v61+s3+$0x0], $0xffff  }
0x29f: {  	[tilespmem:v62+s21+$0x0] =	vst.idx.add.f32.msk $0xffff, v0  }
0x2a0: {  	v0 =	vor.u32 v10, v3;
	v3 =	vld.idx.msk [tilespmem:v8+s3+$0x0], $0xffff;
	_ =	sdelay $0x1  }
0x2a1: {  	s0 =	simm.s32 $0x10;
	v11 =	vor.u32 v14, v63  }
0x2a2: {  	v10 =	vor.u32 s0, v16;
	v2 =	vmul.f32 v2, v12;
	_ =	sdelay $0x1  }
0x2a3: {  	s26 =	simm.s32 $0x2F;
	s25 =	simm.s32 $0x1F;
	[tilespmem:v0+s21+$0x0] =	vst.idx.add.f32.msk $0xffff, v2;
	v12 =	vmul.f32 v3, v15  }
.LBB2_17:
0x2a4: {  	_ = 	snop  }
0x2a5: {  	p0 =	sne.s32 s26, $0x7F;
	s28 =	smov.u32 s26;
	s26 =	sadd.s32 $0x10, s26;
	[tilespmem:v11+s21+$0x0] =	vst.idx.add.f32.msk $0xffff, v12  }
0x2a6: {  	v0 =	vld.idx.msk [tilespmem:v10+s3+$0x0], $0xffff;
	_ =	sdelay $0x1  }
0x2a7: {  	s1 =	sadd.s32 $0xFFFFFFF2, s25  }
0x2a8: {  	v2 =	vor.u32 s0, v17;
	v3 =	vxor.u32 s1, v1  }
0x2a9: {  	v4 =	vor.u32 v13, v3;
	_ =	sdelay $0x1  }
0x2aa: {  	v0 =	vmul.f32 v0, v15;
	_ =	sdelay $0x1  }
0x2ab: {  	[tilespmem:v2+s21+$0x0] =	vst.idx.add.f32.msk $0xffff, v0  }
0x2ac: {  	v0 =	vld.idx.msk [tilespmem:v4+s3+$0x0], $0xffff;
	_ =	sdelay $0x1  }
0x2ad: {  	s0 =	sadd.s32 $0xFFFFFFF3, s25  }
0x2ae: {  	v2 =	vor.u32 v14, v3;
	v3 =	vxor.u32 s0, v1  }
0x2af: {  	v4 =	vor.u32 v13, v3;
	_ =	sdelay $0x1  }
0x2b0: {  	v0 =	vmul.f32 v0, v15;
	_ =	sdelay $0x1  }
0x2b1: {  	[tilespmem:v2+s21+$0x0] =	vst.idx.add.f32.msk $0xffff, v0  }
0x2b2: {  	v0 =	vld.idx.msk [tilespmem:v4+s3+$0x0], $0xffff;
	_ =	sdelay $0x1  }
0x2b3: {  	s0 =	sadd.s32 $0xFFFFFFF4, s25  }
0x2b4: {  	v2 =	vor.u32 v14, v3;
	v3 =	vxor.u32 s0, v1  }
0x2b5: {  	v4 =	vor.u32 v13, v3;
	_ =	sdelay $0x1  }
0x2b6: {  	v0 =	vmul.f32 v0, v15;
	_ =	sdelay $0x1  }
0x2b7: {  	[tilespmem:v2+s21+$0x0] =	vst.idx.add.f32.msk $0xffff, v0  }
0x2b8: {  	v0 =	vld.idx.msk [tilespmem:v4+s3+$0x0], $0xffff;
	_ =	sdelay $0x1  }
0x2b9: {  	s0 =	sadd.s32 $0xFFFFFFF5, s25  }
0x2ba: {  	v2 =	vor.u32 v14, v3;
	v3 =	vxor.u32 s0, v1  }
0x2bb: {  	v4 =	vor.u32 v13, v3;
	_ =	sdelay $0x1  }
0x2bc: {  	v0 =	vmul.f32 v0, v15;
	_ =	sdelay $0x1  }
0x2bd: {  	[tilespmem:v2+s21+$0x0] =	vst.idx.add.f32.msk $0xffff, v0  }
0x2be: {  	v0 =	vld.idx.msk [tilespmem:v4+s3+$0x0], $0xffff;
	_ =	sdelay $0x1  }
0x2bf: {  	s0 =	sadd.s32 $0xFFFFFFF6, s25  }
0x2c0: {  	v2 =	vor.u32 v14, v3;
	v3 =	vxor.u32 s0, v1  }
0x2c1: {  	v4 =	vor.u32 v13, v3;
	_ =	sdelay $0x1  }
0x2c2: {  	v0 =	vmul.f32 v0, v15;
	_ =	sdelay $0x1  }
0x2c3: {  	[tilespmem:v2+s21+$0x0] =	vst.idx.add.f32.msk $0xffff, v0  }
0x2c4: {  	v0 =	vld.idx.msk [tilespmem:v4+s3+$0x0], $0xffff;
	_ =	sdelay $0x1  }
0x2c5: {  	s0 =	sadd.s32 $0xFFFFFFF7, s25  }
0x2c6: {  	v2 =	vor.u32 v14, v3;
	v3 =	vxor.u32 s0, v1  }
0x2c7: {  	v4 =	vor.u32 v13, v3;
	_ =	sdelay $0x1  }
0x2c8: {  	v0 =	vmul.f32 v0, v15;
	_ =	sdelay $0x1  }
0x2c9: {  	[tilespmem:v2+s21+$0x0] =	vst.idx.add.f32.msk $0xffff, v0  }
0x2ca: {  	v0 =	vld.idx.msk [tilespmem:v4+s3+$0x0], $0xffff;
	_ =	sdelay $0x1  }
0x2cb: {  	s0 =	sadd.s32 $0xFFFFFFF8, s25  }
0x2cc: {  	v2 =	vor.u32 v14, v3;
	v3 =	vxor.u32 s0, v1  }
0x2cd: {  	v4 =	vor.u32 v13, v3;
	_ =	sdelay $0x1  }
0x2ce: {  	v0 =	vmul.f32 v0, v15;
	_ =	sdelay $0x1  }
0x2cf: {  	[tilespmem:v2+s21+$0x0] =	vst.idx.add.f32.msk $0xffff, v0  }
0x2d0: {  	v0 =	vld.idx.msk [tilespmem:v4+s3+$0x0], $0xffff;
	_ =	sdelay $0x1  }
0x2d1: {  	s0 =	sadd.s32 $0xFFFFFFF9, s25  }
0x2d2: {  	v2 =	vor.u32 v14, v3;
	v3 =	vxor.u32 s0, v1  }
0x2d3: {  	v4 =	vor.u32 v13, v3;
	_ =	sdelay $0x1  }
0x2d4: {  	v0 =	vmul.f32 v0, v15;
	_ =	sdelay $0x1  }
0x2d5: {  	[tilespmem:v2+s21+$0x0] =	vst.idx.add.f32.msk $0xffff, v0  }
0x2d6: {  	v0 =	vld.idx.msk [tilespmem:v4+s3+$0x0], $0xffff;
	_ =	sdelay $0x1  }
0x2d7: {  	s0 =	sadd.s32 $0xFFFFFFFA, s25  }
0x2d8: {  	v2 =	vor.u32 v14, v3;
	v3 =	vxor.u32 s0, v1  }
0x2d9: {  	v4 =	vor.u32 v13, v3;
	_ =	sdelay $0x1  }
0x2da: {  	v0 =	vmul.f32 v0, v15;
	_ =	sdelay $0x1  }
0x2db: {  	[tilespmem:v2+s21+$0x0] =	vst.idx.add.f32.msk $0xffff, v0  }
0x2dc: {  	v0 =	vld.idx.msk [tilespmem:v4+s3+$0x0], $0xffff;
	_ =	sdelay $0x1  }
0x2dd: {  	s0 =	sadd.s32 $0xFFFFFFFB, s25  }
0x2de: {  	v2 =	vor.u32 v14, v3;
	v3 =	vxor.u32 s0, v1  }
0x2df: {  	v4 =	vor.u32 v13, v3;
	_ =	sdelay $0x1  }
0x2e0: {  	v0 =	vmul.f32 v0, v15;
	_ =	sdelay $0x1  }
0x2e1: {  	[tilespmem:v2+s21+$0x0] =	vst.idx.add.f32.msk $0xffff, v0  }
0x2e2: {  	v0 =	vld.idx.msk [tilespmem:v4+s3+$0x0], $0xffff;
	_ =	sdelay $0x1  }
0x2e3: {  	s0 =	sadd.s32 $0xFFFFFFFC, s25  }
0x2e4: {  	v2 =	vor.u32 v14, v3;
	v3 =	vxor.u32 s0, v1  }
0x2e5: {  	v4 =	vor.u32 v13, v3;
	_ =	sdelay $0x1  }
0x2e6: {  	v0 =	vmul.f32 v0, v15;
	_ =	sdelay $0x1  }
0x2e7: {  	[tilespmem:v2+s21+$0x0] =	vst.idx.add.f32.msk $0xffff, v0  }
0x2e8: {  	v0 =	vld.idx.msk [tilespmem:v4+s3+$0x0], $0xffff;
	_ =	sdelay $0x1  }
0x2e9: {  	s0 =	sadd.s32 $0xFFFFFFFD, s25  }
0x2ea: {  	v2 =	vor.u32 v14, v3;
	v3 =	vxor.u32 s0, v1  }
0x2eb: {  	v4 =	vor.u32 v13, v3;
	_ =	sdelay $0x1  }
0x2ec: {  	v0 =	vmul.f32 v0, v15;
	_ =	sdelay $0x1  }
0x2ed: {  	[tilespmem:v2+s21+$0x0] =	vst.idx.add.f32.msk $0xffff, v0  }
0x2ee: {  	v0 =	vld.idx.msk [tilespmem:v4+s3+$0x0], $0xffff;
	_ =	sdelay $0x1  }
0x2ef: {  	s0 =	sadd.s32 $0xFFFFFFFE, s25  }
0x2f0: {  	v2 =	vor.u32 v14, v3;
	v3 =	vxor.u32 s0, v1  }
0x2f1: {  	v4 =	vor.u32 v13, v3;
	_ =	sdelay $0x1  }
0x2f2: {  	v0 =	vmul.f32 v0, v15;
	_ =	sdelay $0x1  }
0x2f3: {  	[tilespmem:v2+s21+$0x0] =	vst.idx.add.f32.msk $0xffff, v0  }
0x2f4: {  	v0 =	vld.idx.msk [tilespmem:v4+s3+$0x0], $0xffff;
	_ =	sdelay $0x1  }
0x2f5: {  	s0 =	sadd.s32 $0xFFFFFFFF, s25  }
0x2f6: {  	v2 =	vor.u32 v14, v3;
	v3 =	vxor.u32 s0, v1  }
0x2f7: {  	v4 =	vor.u32 v13, v3;
	_ =	sdelay $0x1  }
0x2f8: {  	v0 =	vmul.f32 v0, v15;
	_ =	sdelay $0x1  }
0x2f9: {  	[tilespmem:v2+s21+$0x0] =	vst.idx.add.f32.msk $0xffff, v0  }
0x2fa: {  	v0 =	vld.idx.msk [tilespmem:v4+s3+$0x0], $0xffff;
	_ =	sdelay $0x2  }
0x2fb: {  	v2 =	vor.u32 v14, v3;
	v3 =	vxor.u32 s25, v1;
	s25 =	smov.u32 s28  }
0x2fc: {  	v4 =	vor.u32 v13, v3;
	_ =	sdelay $0x1  }
0x2fd: {  	v0 =	vmul.f32 v0, v15;
	_ =	sdelay $0x1  }
0x2fe: {  	[tilespmem:v2+s21+$0x0] =	vst.idx.add.f32.msk $0xffff, v0  }
0x2ff: {  	v0 =	vld.idx.msk [tilespmem:v4+s3+$0x0], $0xffff;
	_ =	sdelay $0x1  }
.Ltmp7:
0x300: {  	(pc) =	sbr.rel @p0 .LBB2_17-.Ltmp7, $3  }
0x301: {  	s0 =	sadd.s32 $0xFFFFFFF1, s25;
	v11 =	vor.u32 v14, v3  }
0x302: {  	v10 =	vor.u32 s0, v16;
	_ =	sdelay $0x1  }
0x303: {  	v12 =	vmul.f32 v0, v15  }
0x304: {  	_ =	sdelay $0x3  }
0x305: {  	[tilespmem:v11+s21+$0x0] =	vst.idx.add.f32.msk $0xffff, v12  }
0x306: {  	v0 =	vld.idx.msk [tilespmem:v10+s3+$0x0], $0xffff  }
0x307: {  	s1 =	sadd.s32 $0xFFFFFFF2, s25  }
0x308: {  	v2 =	vor.u32 s0, v17;
	v3 =	vxor.u32 s1, v1  }
0x309: {  	v4 =	vor.u32 v13, v3;
	_ =	sdelay $0x1  }
0x30a: {  	v0 =	vmul.f32 v0, v15;
	_ =	sdelay $0x1  }
0x30b: {  	[tilespmem:v2+s21+$0x0] =	vst.idx.add.f32.msk $0xffff, v0  }
0x30c: {  	v0 =	vld.idx.msk [tilespmem:v4+s3+$0x0], $0xffff  }
0x30d: {  	s1 =	sadd.s32 $0xFFFFFFF3, s25  }
0x30e: {  	v2 =	vor.u32 v14, v3;
	v3 =	vxor.u32 s1, v1  }
0x30f: {  	v50 =	vor.u32 v13, v3;
	_ =	sdelay $0x1  }
0x310: {  	v0 =	vmul.f32 v0, v15;
	_ =	sdelay $0x1  }
0x311: {  	[tilespmem:v2+s21+$0x0] =	vst.idx.add.f32.msk $0xffff, v0  }
0x312: {  	v0 =	vld.idx.msk [tilespmem:v50+s3+$0x0], $0xffff  }
0x313: {  	s2 =	sadd.s32 $0xFFFFFFF4, s25  }
0x314: {  	v2 =	vor.u32 v14, v3;
	v3 =	vxor.u32 s2, v1  }
0x315: {  	v51 =	vor.u32 v13, v3;
	_ =	sdelay $0x1  }
0x316: {  	v0 =	vmul.f32 v0, v15;
	_ =	sdelay $0x1  }
0x317: {  	[tilespmem:v2+s21+$0x0] =	vst.idx.add.f32.msk $0xffff, v0  }
0x318: {  	v0 =	vld.idx.msk [tilespmem:v51+s3+$0x0], $0xffff  }
0x319: {  	s26 =	sadd.s32 $0xFFFFFFF5, s25  }
0x31a: {  	v2 =	vor.u32 v14, v3;
	v3 =	vxor.u32 s26, v1  }
0x31b: {  	v52 =	vor.u32 v13, v3;
	_ =	sdelay $0x1  }
0x31c: {  	v0 =	vmul.f32 v0, v15;
	_ =	sdelay $0x1  }
0x31d: {  	[tilespmem:v2+s21+$0x0] =	vst.idx.add.f32.msk $0xffff, v0  }
0x31e: {  	v0 =	vld.idx.msk [tilespmem:v52+s3+$0x0], $0xffff  }
0x31f: {  	s28 =	sadd.s32 $0xFFFFFFF6, s25  }
0x320: {  	v2 =	vor.u32 v14, v3;
	v3 =	vxor.u32 s28, v1  }
0x321: {  	v53 =	vor.u32 v13, v3;
	_ =	sdelay $0x1  }
0x322: {  	v0 =	vmul.f32 v0, v15;
	_ =	sdelay $0x1  }
0x323: {  	[tilespmem:v2+s21+$0x0] =	vst.idx.add.f32.msk $0xffff, v0  }
0x324: {  	v0 =	vld.idx.msk [tilespmem:v53+s3+$0x0], $0xffff  }
0x325: {  	s29 =	sadd.s32 $0xFFFFFFF7, s25  }
0x326: {  	v2 =	vor.u32 v14, v3;
	v3 =	vxor.u32 s29, v1  }
0x327: {  	v54 =	vor.u32 v13, v3;
	_ =	sdelay $0x1  }
0x328: {  	v0 =	vmul.f32 v0, v15;
	_ =	sdelay $0x1  }
0x329: {  	[tilespmem:v2+s21+$0x0] =	vst.idx.add.f32.msk $0xffff, v0  }
0x32a: {  	v0 =	vld.idx.msk [tilespmem:v54+s3+$0x0], $0xffff  }
0x32b: {  	s30 =	sadd.s32 $0xFFFFFFF8, s25  }
0x32c: {  	v2 =	vor.u32 v14, v3;
	v3 =	vxor.u32 s30, v1  }
0x32d: {  	v55 =	vor.u32 v13, v3;
	_ =	sdelay $0x1  }
0x32e: {  	v0 =	vmul.f32 v0, v15;
	_ =	sdelay $0x1  }
0x32f: {  	[tilespmem:v2+s21+$0x0] =	vst.idx.add.f32.msk $0xffff, v0  }
0x330: {  	v0 =	vld.idx.msk [tilespmem:v55+s3+$0x0], $0xffff  }
0x331: {  	s31 =	sadd.s32 $0xFFFFFFF9, s25  }
0x332: {  	v2 =	vor.u32 v14, v3;
	v3 =	vxor.u32 s31, v1  }
0x333: {  	v56 =	vor.u32 v13, v3;
	_ =	sdelay $0x1  }
0x334: {  	v0 =	vmul.f32 v0, v15;
	_ =	sdelay $0x1  }
0x335: {  	[tilespmem:v2+s21+$0x0] =	vst.idx.add.f32.msk $0xffff, v0  }
0x336: {  	v0 =	vld.idx.msk [tilespmem:v56+s3+$0x0], $0xffff  }
0x337: {  	s1 =	sadd.s32 $0xFFFFFFFA, s25  }
0x338: {  	v2 =	vor.u32 v14, v3;
	v3 =	vxor.u32 s1, v1  }
0x339: {  	v57 =	vor.u32 v13, v3;
	_ =	sdelay $0x1  }
0x33a: {  	v0 =	vmul.f32 v0, v15;
	_ =	sdelay $0x1  }
0x33b: {  	[tilespmem:v2+s21+$0x0] =	vst.idx.add.f32.msk $0xffff, v0  }
0x33c: {  	v0 =	vld.idx.msk [tilespmem:v57+s3+$0x0], $0xffff  }
0x33d: {  	s2 =	sadd.s32 $0xFFFFFFFB, s25  }
0x33e: {  	v2 =	vor.u32 v14, v3;
	v3 =	vxor.u32 s2, v1  }
0x33f: {  	v58 =	vor.u32 v13, v3;
	_ =	sdelay $0x1  }
0x340: {  	v0 =	vmul.f32 v0, v15;
	_ =	sdelay $0x1  }
0x341: {  	[tilespmem:v2+s21+$0x0] =	vst.idx.add.f32.msk $0xffff, v0  }
0x342: {  	v0 =	vld.idx.msk [tilespmem:v58+s3+$0x0], $0xffff  }
0x343: {  	s26 =	sadd.s32 $0xFFFFFFFC, s25  }
0x344: {  	v2 =	vor.u32 v14, v3;
	v3 =	vxor.u32 s26, v1  }
0x345: {  	v59 =	vor.u32 v13, v3;
	_ =	sdelay $0x1  }
0x346: {  	v0 =	vmul.f32 v0, v15;
	_ =	sdelay $0x1  }
0x347: {  	[tilespmem:v2+s21+$0x0] =	vst.idx.add.f32.msk $0xffff, v0  }
0x348: {  	v0 =	vld.idx.msk [tilespmem:v59+s3+$0x0], $0xffff  }
0x349: {  	s28 =	sadd.s32 $0xFFFFFFFD, s25  }
0x34a: {  	v2 =	vor.u32 v14, v3;
	v3 =	vxor.u32 s28, v1  }
0x34b: {  	v60 =	vor.u32 v13, v3;
	_ =	sdelay $0x1  }
0x34c: {  	v0 =	vmul.f32 v0, v15;
	_ =	sdelay $0x1  }
0x34d: {  	[tilespmem:v2+s21+$0x0] =	vst.idx.add.f32.msk $0xffff, v0  }
0x34e: {  	v0 =	vld.idx.msk [tilespmem:v60+s3+$0x0], $0xffff  }
0x34f: {  	s29 =	sadd.s32 $0xFFFFFFFE, s25  }
0x350: {  	v2 =	vor.u32 v14, v3;
	v3 =	vxor.u32 s29, v1  }
0x351: {  	v61 =	vor.u32 v13, v3;
	_ =	sdelay $0x1  }
0x352: {  	v0 =	vmul.f32 v0, v15;
	_ =	sdelay $0x1  }
0x353: {  	[tilespmem:v2+s21+$0x0] =	vst.idx.add.f32.msk $0xffff, v0  }
0x354: {  	v0 =	vld.idx.msk [tilespmem:v61+s3+$0x0], $0xffff  }
0x355: {  	s30 =	sadd.s32 $0xFFFFFFFF, s25  }
0x356: {  	v2 =	vor.u32 v14, v3;
	v3 =	vxor.u32 s30, v1  }
0x357: {  	v62 =	vor.u32 v13, v3;
	_ =	sdelay $0x1  }
0x358: {  	v0 =	vmul.f32 v0, v15;
	_ =	sdelay $0x1  }
0x359: {  	[tilespmem:v2+s21+$0x0] =	vst.idx.add.f32.msk $0xffff, v0  }
0x35a: {  	v0 =	vld.idx.msk [tilespmem:v62+s3+$0x0], $0xffff;
	_ =	sdelay $0x1  }
0x35b: {  	v2 =	vor.u32 v14, v3;
	v3 =	vxor.u32 s25, v1  }
0x35c: {  	v63 =	vor.u32 v13, v3;
	_ =	sdelay $0x1  }
0x35d: {  	v0 =	vmul.f32 v0, v15;
	_ =	sdelay $0x1  }
0x35e: {  	[tilespmem:v2+s21+$0x0] =	vst.idx.add.f32.msk $0xffff, v0  }
0x35f: {  	v0 =	vld.idx.msk [tilespmem:v63+s3+$0x0], $0xffff;
	_ =	sdelay $0x1  }
0x360: {  	p0 =	slt.u32 s24, $0x3C;
	v2 =	vor.u32 v14, v3  }
.Ltmp8:
0x361: {  	_ = 	snop;
	(pc) =	sbr.rel @p0 .LBB2_14-.Ltmp8, $4  }
0x362: {  	_ = 	snop  }
0x363: {  	v0 =	vmul.f32 v0, v15  }
0x364: {  	s31 =	sadd.s32 $0x2, s24  }
0x365: {  	s24 =	smov.u32 s31;
	[tilespmem:v2+s21+$0x0] =	vst.idx.add.f32.msk $0xffff, v0  }
0x366: {  	s0 =	simm.s32 $0x0  }
0x367: {  	[hbm4b:s9+s0] =	stream.linear.scatter [tilespmem:s21], [sflag:$0x1], $0x9980, $0x38;
	[tilespmem:$0x1EA00] =	vst v63  }
0x368: {  	_ = 	snop  }
0x369: {  	[tilespmem:s0], [sflag:$0x1] =	stream.linear.gather [hbm4b:s10+s0], $0x9980, $0x38;
	[tilespmem:$0x1EA00] =	vst v63  }
0x36a: {  	_ = 	snop  }
0x36b: {  	v0 =	vimm.f32 $0.0e+00;
	[tilespmem:s18], [sflag:$0x1] =	stream.linear.gather [hbm4b:s11+s0], $0x9980, $0x38;
	[tilespmem:$0x1EA00] =	vst v63  }
0x36c: {  	[tilespmem:$0x1E000] =	vst v0  }
0x36d: {  	[tilespmem:$0x1E010] =	vst v0  }
0x36e: {  	[tilespmem:$0x1E020] =	vst v0  }
0x36f: {  	[tilespmem:$0x1E030] =	vst v0  }
0x370: {  	[tilespmem:$0x1E040] =	vst v0  }
0x371: {  	[tilespmem:$0x1E050] =	vst v0  }
0x372: {  	[tilespmem:$0x1E060] =	vst v0  }
0x373: {  	[tilespmem:$0x1E070] =	vst v0  }
0x374: {  	[tilespmem:$0x1E080] =	vst v0  }
0x375: {  	[tilespmem:$0x1E090] =	vst v0  }
0x376: {  	[tilespmem:$0x1E0A0] =	vst v0  }
0x377: {  	[tilespmem:$0x1E0B0] =	vst v0  }
0x378: {  	[tilespmem:$0x1E0C0] =	vst v0  }
0x379: {  	[tilespmem:$0x1E0D0] =	vst v0  }
0x37a: {  	[tilespmem:$0x1E0E0] =	vst v0  }
0x37b: {  	[tilespmem:$0x1E0F0] =	vst v0  }
0x37c: {  	[tilespmem:$0x1E100] =	vst v0  }
0x37d: {  	[tilespmem:$0x1E110] =	vst v0  }
0x37e: {  	[tilespmem:$0x1E120] =	vst v0  }
0x37f: {  	[tilespmem:$0x1E130] =	vst v0  }
0x380: {  	_ =	swait.ge [sflag:s19], $0x9980  }
0x381: {  	v0 =	vld [tilespmem:$0x1FF90]  }
0x382: {  	v2 =	vld [tilespmem:$0x1FFA0]  }
0x383: {  	v3 =	vld [tilespmem:$0x1FFB0]  }
0x384: {  	v8 =	vld [tilespmem:$0x1FF80]  }
0x385: {  	v4 =	vld [tilespmem:$0x1FFC0]  }
0x386: {  	v5 =	vld [tilespmem:$0x1FFD0]  }
0x387: {  	[sflag:s19] =	ssyncset.done $0x0;
	v6 =	vld [tilespmem:$0x1FFE0]  }
0x388: {  	s24 =	simm.s32 $0x200;
	s0 =	simm.s32 $0x0;
	v7 =	vld [tilespmem:$0x1FFF0];
	[sflag:s19] =	ssyncadd.s32 $0xFFFF6680  }
.LBB2_20:
0x389: {  	p0 =	sne.s32 s24, $0x26E00;
	[tilespmem:s0+$0x13870] =	vst v8  }
0x38a: {  	[tilespmem:s0+$0x13800] =	vst v0  }
0x38b: {  	[tilespmem:s0+$0x13810] =	vst v2  }
.Ltmp9:
0x38c: {  	[tilespmem:s0+$0x13820] =	vst v3;
	(pc) =	sbr.rel @p0 .LBB2_20-.Ltmp9, $4  }
0x38d: {  	[tilespmem:s0+$0x13830] =	vst v4  }
0x38e: {  	[tilespmem:s0+$0x13840] =	vst v5  }
0x38f: {  	[tilespmem:s0+$0x13850] =	vst v6  }
0x390: {  	[tilespmem:s0+$0x13860] =	vst v7;
	s0 =	sshra.s32 s24, $0x2;
	s24 =	sadd.s32 $0x200, s24  }
0x391: {  	[tilespmem:s0+$0x13870] =	vst v8  }
0x392: {  	[tilespmem:s0+$0x13800] =	vst v0  }
0x393: {  	[tilespmem:s0+$0x13810] =	vst v2  }
0x394: {  	[tilespmem:s0+$0x13820] =	vst v3  }
0x395: {  	[tilespmem:s0+$0x13830] =	vst v4  }
0x396: {  	[tilespmem:s0+$0x13840] =	vst v5  }
0x397: {  	[tilespmem:s0+$0x13850] =	vst v6  }
0x398: {  	[tilespmem:s0+$0x13860] =	vst v7  }
0x399: {  	_ =	swait.ge [sflag:s19], $0x9980  }
0x39a: {  	[sflag:s19] =	ssyncset.done $0x0  }
0x39b: {  	[sflag:s19] =	ssyncadd.s32 $0xFFFF6680  }
0x39c: {  	_ =	swait.ge [sflag:s19], $0x9980  }
0x39d: {  	[sflag:s19] =	ssyncset.done $0x0  }
0x39e: {  	s24 =	simm.s32 $0x0;
	v0 =	vimm.f32 $-1.000000020e+30;
	[sflag:s19] =	ssyncadd.s32 $0xFFFF6680  }
.LBB2_22:
0x39f: {  	s25 =	sshll.u32 s24, $0x4  }
0x3a0: {  	v3 =	vld [tilespmem:s25+$0x1D800];
	_ =	sdelay $0x1  }
0x3a1: {  	[tilespmem:$0x1FF40] =	vst v0;
	v0 =	vld [tilespmem:s25+$0x1D400]  }
0x3a2: {  	s26 =	simm.s32 $0x1E200  }
0x3a3: {  	s1 =	simm.s32 $0x1;
	v12 =	vld [tilespmem:s26+$0x70]  }
0x3a4: {  	s2 =	simm.s32 $0xB;
	v14 =	vld [tilespmem:s26+$0xFFFFFFA0];
	v10 =	vxor.u32 s1, v1;
	v6 =	vshll.u32 v3, $0x7  }
0x3a5: {  	s30 =	simm.s32 $0x2;
	v13 =	vld [tilespmem:s26+$0x20];
	v15 =	vxor.u32 s2, v1;
	v11 =	vor.u32 v6, v10  }
0x3a6: {  	s31 =	simm.s32 $0xF;
	v4 =	vld [tilespmem:s26+$0xFFFFFFB0];
	v16 =	vxor.u32 s30, v1;
	v5 =	vshll.u32 v0, $0x7;
	v18 =	vor.u32 v6, v15  }
0x3a7: {  	v17 =	vld [tilespmem:s26+$0x30];
	v19 =	vxor.u32 s31, v1;
	s31 =	simm.s32 $0x9;
	v20 =	vor.u32 v5, v16  }
0x3a8: {  	v23 =	vld [tilespmem:s26+$0xFFFFFF90];
	v27 =	vxor.u32 s31, v1;
	v21 =	vor.u32 v5, v19  }
0x3a9: {  	s0 =	simm.s32 $0x0;
	v63 =	vld [tilespmem:s26+$0xFFFFFFC0];
	v8 =	vor.u32 v1, v6;
	v28 =	vor.u32 v6, v27;
	v27 =	vor.u32 v5, v27  }
0x3aa: {  	v9 =	vor.u32 s0, v8;
	v25 =	vld.idx.msk [tilespmem:v11+s18+$0x0], $0xffff  }
0x3ab: {  	v16 =	vor.u32 v6, v16;
	v18 =	vld.idx.msk [tilespmem:v18+s18+$0x0], $0xffff  }
0x3ac: {  	s31 =	simm.s32 $0x6;
	v7 =	vor.u32 v1, v5;
	v10 =	vor.u32 v5, v10;
	v20 =	vld.idx.msk [tilespmem:v20+s3+$0x0], $0xffff  }
0x3ad: {  	v35 =	vxor.u32 s31, v1;
	v0 =	vor.u32 s0, v7;
	v21 =	vld.idx.msk [tilespmem:v21+s3+$0x0], $0xffff  }
0x3ae: {  	s30 =	simm.s32 $0x5;
	v36 =	vld.idx.msk [tilespmem:v27+s3+$0x0], $0xffff;
	v27 =	vor.u32 v6, v35  }
0x3af: {  	v11 =	vxor.u32 s30, v1;
	v22 =	vld.idx.msk [tilespmem:v9+s18+$0x0], $0xffff;
	v9 =	vor.u32 v5, v15  }
0x3b0: {  	v16 =	vld.idx.msk [tilespmem:v16+s18+$0x0], $0xffff;
	v26 =	vor.u32 v6, v11  }
0x3b1: {  	s2 =	simm.s32 $0xA;
	v45 =	vld.idx.msk [tilespmem:v10+s3+$0x0], $0xffff;
	v11 =	vor.u32 v5, v11  }
0x3b2: {  	v0 =	vld.idx.msk [tilespmem:v0+s3+$0x0], $0xffff;
	v15 =	vxor.u32 s2, v1  }
0x3b3: {  	s2 =	simm.s32 $0x4;
	v24 =	vor.u32 v6, v15;
	v27 =	vld.idx.msk [tilespmem:v27+s18+$0x0], $0xffff  }
0x3b4: {  	v15 =	vor.u32 v5, v15;
	v31 =	vxor.u32 s2, v1;
	v30 =	vld.idx.msk [tilespmem:v9+s3+$0x0], $0xffff  }
0x3b5: {  	s1 =	simm.s32 $0x8;
	v32 =	vor.u32 v6, v31;
	v26 =	vld.idx.msk [tilespmem:v26+s18+$0x0], $0xffff  }
0x3b6: {  	v29 =	vxor.u32 s1, v1;
	v31 =	vor.u32 v5, v31;
	v33 =	vld.idx.msk [tilespmem:v11+s3+$0x0], $0xffff  }
0x3b7: {  	s30 =	simm.s32 $0x7;
	v9 =	vor.u32 v5, v29;
	v11 =	vor.u32 v6, v19;
	v19 =	vld.idx.msk [tilespmem:v28+s18+$0x0], $0xffff  }
0x3b8: {  	s1 =	simm.s32 $0xD;
	v34 =	vxor.u32 s30, v1;
	v24 =	vld.idx.msk [tilespmem:v24+s18+$0x0], $0xffff  }
0x3b9: {  	v38 =	vxor.u32 s1, v1;
	s31 =	simm.s32 $0xC;
	v28 =	vor.u32 v6, v34;
	v15 =	vld.idx.msk [tilespmem:v15+s3+$0x0], $0xffff  }
0x3ba: {  	v43 =	vxor.u32 s31, v1;
	v39 =	vor.u32 v6, v38;
	v35 =	vor.u32 v5, v35;
	s2 =	simm.s32 $0xE;
	v32 =	vld.idx.msk [tilespmem:v32+s18+$0x0], $0xffff  }
0x3bb: {  	v44 =	vor.u32 v5, v43;
	v41 =	vxor.u32 s2, v1;
	v29 =	vor.u32 v6, v29;
	v31 =	vld.idx.msk [tilespmem:v31+s3+$0x0], $0xffff  }
0x3bc: {  	v38 =	vor.u32 v5, v38;
	v42 =	vor.u32 v5, v41;
	v16 =	vadd.f32 v16, v20;
	v37 =	vld.idx.msk [tilespmem:v9+s3+$0x0], $0xffff  }
0x3bd: {  	s30 =	simm.s32 $0x3;
	v41 =	vor.u32 v6, v41;
	v25 =	vadd.f32 v25, v45;
	v34 =	vor.u32 v5, v34;
	v40 =	vld.idx.msk [tilespmem:v11+s18+$0x0], $0xffff  }
0x3be: {  	vm2 =	vge.f32 v16, $0.0e+00;
	v9 =	vld.idx.msk [tilespmem:v28+s18+$0x0], $0xffff;
	v28 =	vxor.u32 s30, v1;
	v18 =	vadd.f32 v18, v30  }
0x3bf: {  	v11 =	vimm.f32 $0.0e+00;
	v30 =	vld.idx.msk [tilespmem:v35+s3+$0x0], $0xffff;
	v59 =	vor.u32 v6, v28;
	v15 =	vadd.f32 v24, v15  }
0x3c0: {  	v29 =	vld.idx.msk [tilespmem:v29+s18+$0x0], $0xffff;
	v24 =	vor.u32 v5, v28;
	v28 =	vor.u32 v6, v43;
	v60 =	vmul.f32 $2.000000030e-01, v18  }
0x3c1: {  	v3 =	vld [tilespmem:s26+$0xFFFFFFF0];
	v26 =	vadd.f32 v26, v33;
	vm0 =	vge.f32 v18, $0.0e+00;
	v10 =	vmul.f32 $2.000000030e-01, v15  }
0x3c2: {  	v39 =	vld.idx.msk [tilespmem:v39+s18+$0x0], $0xffff;
	v36 =	vadd.f32 v19, v36;
	v18 =	vsel vm0, v18, v60;
	vm0 =	vge.f32 v15, $0.0e+00  }
0x3c3: {  	v41 =	vld.idx.msk [tilespmem:v41+s18+$0x0], $0xffff;
	v31 =	vadd.f32 v32, v31;
	v15 =	vsel vm0, v15, v10;
	v21 =	vadd.f32 v40, v21  }
0x3c4: {  	v42 =	vld.idx.msk [tilespmem:v42+s3+$0x0], $0xffff;
	v10 =	vmul.f32 v18, v17;
	v17 =	vadd.f32 v27, v30;
	v27 =	vmul.f32 $2.000000030e-01, v16  }
0x3c5: {  	v30 =	vadd.f32 v29, v37;
	v13 =	vmul.f32 v15, v13;
	v61 =	vld.idx.msk [tilespmem:v28+s18+$0x0], $0xffff;
	v28 =	vadd.f32 v22, v0  }
0x3c6: {  	v19 =	vld [tilespmem:s26+$0x60];
	vm0 =	vge.f32 v21, $0.0e+00;
	v18 =	vmul.f32 $2.000000030e-01, v21;
	v20 =	vmul.f32 $2.000000030e-01, v17  }
0x3c7: {  	v15 =	vld.idx.msk [tilespmem:v44+s3+$0x0], $0xffff;
	vm1 =	vge.f32 v17, $0.0e+00;
	v16 =	vsel vm2, v16, v27;
	v35 =	vmul.f32 $2.000000030e-01, v30  }
0x3c8: {  	v29 =	vmul.f32 $2.000000030e-01, v28;
	v20 =	vsel vm1, v17, v20;
	v17 =	vsel vm0, v21, v18;
	v21 =	vld [tilespmem:s26+$0xFFFFFFD0]  }
0x3c9: {  	v0 =	vld.idx.msk [tilespmem:v38+s3+$0x0], $0xffff;
	vm2 =	vge.f32 v26, $0.0e+00;
	v14 =	vmul.f32 v16, v14;
	v18 =	vmul.f32 $2.000000030e-01, v25  }
0x3ca: {  	v62 =	vld.idx.msk [tilespmem:v59+s18+$0x0], $0xffff;
	vm0 =	vge.f32 v25, $0.0e+00;
	v12 =	vmul.f32 v17, v12;
	v17 =	vmul.f32 $2.000000030e-01, v26  }
0x3cb: {  	v24 =	vld.idx.msk [tilespmem:v24+s3+$0x0], $0xffff;
	v16 =	vadd.f32 v41, v42;
	vm1 =	vge.f32 v31, $0.0e+00;
	v25 =	vsel vm0, v25, v18  }
0x3cc: {  	v33 =	vld [tilespmem:s26+$0xFFFFFF80];
	v18 =	vadd.f32 v14, v11;
	v17 =	vsel vm2, v26, v17;
	v14 =	vmul.f32 v25, v23  }
0x3cd: {  	vm0 =	vge.f32 v28, $0.0e+00;
	v23 =	vmul.f32 $2.000000030e-01, v31;
	v32 =	vmul.f32 v17, v21;
	v21 =	vld [tilespmem:s26+$0x10]  }
0x3ce: {  	v22 =	vld.idx.msk [tilespmem:v34+s3+$0x0], $0xffff;
	v34 =	vadd.f32 v61, v15;
	v25 =	vadd.f32 v39, v0;
	vm2 =	vge.f32 v30, $0.0e+00  }
0x3cf: {  	v27 =	vld [tilespmem:s26+$0xFFFFFFE0];
	v26 =	vadd.f32 v14, v11;
	v0 =	vsel vm1, v31, v23;
	v14 =	vmul.f32 $2.000000030e-01, v36  }
0x3d0: {  	v17 =	vld [tilespmem:s26+$0x40];
	v23 =	vadd.f32 v62, v24;
	vm1 =	vge.f32 v36, $0.0e+00;
	v15 =	vmul.f32 v0, v63  }
0x3d1: {  	s28 =	simm.s32 $0x1F;
	s29 =	simm.s32 $0x1E300;
	v24 =	vld [tilespmem:s26+$0x50];
	v31 =	vsel vm1, v36, v14;
	vm1 =	vge.f32 v34, $0.0e+00;
	v14 =	vimm.f32 $0.0e+00  }
.LBB2_23:
0x3d2: {  	s0 =	sadd.s32 $0xFFFFFFF2, s28;
	s1 =	sadd.s32 $0xFFFFFFF3, s28;
	s2 =	sadd.s32 $0xFFFFFFF4, s28;
	v0 =	vxor.u32 s28, v1;
	v36 =	vld [tilespmem:s26+$0x0];
	v31 =	vmul.f32 v31, v21;
	v37 =	vmul.f32 $2.000000030e-01, v34  }
0x3d3: {  	s26 =	sadd.s32 $0xFFFFFFF1, s28;
	s31 =	sadd.s32 $0xFFFFFFFA, s28;
	v9 =	vadd.f32 v9, v22;
	v38 =	vxor.u32 s0, v1;
	v39 =	vxor.u32 s1, v1;
	s1 =	sadd.s32 $0xFFFFFFFF, s28;
	v21 =	vld [tilespmem:s29+$0x70]  }
0x3d4: {  	p0 =	sne.s32 s28, $0x7F;
	v35 =	vsel vm2, v30, v35;
	s30 =	smov.u32 s28;
	v40 =	vor.u32 s26, v7;
	v41 =	vor.u32 s26, v8;
	s28 =	sadd.s32 $0x10, s28;
	v42 =	vld [tilespmem:s29+$0xFFFFFFF0]  }
0x3d5: {  	s0 =	sadd.s32 $0xFFFFFFF8, s30;
	s26 =	smov.u32 s29;
	v43 =	vor.u32 v6, v38;
	v44 =	vor.u32 v5, v39;
	v34 =	vsel vm1, v34, v37;
	v22 =	vld [tilespmem:s29+$0xFFFFFFA0]  }
0x3d6: {  	v45 =	vsel vm0, v28, v29;
	v37 =	vxor.u32 s2, v1;
	s2 =	sadd.s32 $0xFFFFFFFC, s30;
	vm1 =	vge.f32 v9, $0.0e+00;
	v30 =	vld [tilespmem:s29+$0x20]  }
0x3d7: {  	vm0 =	vge.f32 v25, $0.0e+00;
	v47 =	vxor.u32 s0, v1;
	v28 =	vxor.u32 s2, v1;
	v46 =	vld [tilespmem:s29+$0xFFFFFFB0]  }
0x3d8: {  	v51 =	vadd.f32 v32, v26;
	s0 =	sadd.s32 $0xFFFFFFF7, s30;
	v49 =	vor.u32 v5, v28;
	v50 =	vor.u32 v6, v28;
	v48 =	vld [tilespmem:s29+$0x30]  }
0x3d9: {  	v32 =	vmul.f32 $2.000000030e-01, v9;
	s2 =	sadd.s32 $0xFFFFFFFB, s30;
	v28 =	vld.idx.msk [tilespmem:v40+s3+$0x0], $0xffff;
	v40 =	vor.u32 v5, v0;
	v0 =	vor.u32 v6, v0  }
0x3da: {  	v52 =	vxor.u32 s1, v1;
	v33 =	vmul.f32 v45, v33;
	v29 =	vld.idx.msk [tilespmem:v41+s18+$0x0], $0xffff;
	v41 =	vxor.u32 s2, v1  }
0x3db: {  	s1 =	sadd.s32 $0xFFFFFFF5, s30;
	v9 =	vsel vm1, v9, v32;
	s2 =	sadd.s32 $0xFFFFFFF6, s30;
	v26 =	vld [tilespmem:s29+$0xFFFFFF90];
	v45 =	vor.u32 v5, v41;
	v41 =	vor.u32 v6, v41  }
0x3dc: {  	v54 =	vmul.f32 v9, v3;
	v3 =	vmovc v42;
	v53 =	vxor.u32 s2, v1;
	v32 =	vld.idx.msk [tilespmem:v43+s18+$0x0], $0xffff;
	v43 =	vxor.u32 s1, v1  }
0x3dd: {  	vm2 =	vge.f32 v23, $0.0e+00;
	v9 =	vor.u32 v5, v53;
	v42 =	vor.u32 v6, v53;
	v50 =	vld.idx.msk [tilespmem:v50+s18+$0x0], $0xffff  }
0x3de: {  	v20 =	vmul.f32 v20, v27;
	v55 =	vxor.u32 s31, v1;
	v53 =	vor.u32 v6, v43;
	v44 =	vld.idx.msk [tilespmem:v44+s3+$0x0], $0xffff  }
0x3df: {  	v27 =	vor.u32 v5, v55;
	v55 =	vor.u32 v6, v55;
	vm1 =	vge.f32 v16, $0.0e+00;
	s1 =	sadd.s32 $0xFFFFFFF9, s30;
	v40 =	vld.idx.msk [tilespmem:v40+s3+$0x0], $0xffff  }
0x3e0: {  	v58 =	vmul.f32 $2.000000030e-01, v23;
	v57 =	vor.u32 v5, v52;
	v56 =	vxor.u32 s1, v1;
	v49 =	vld.idx.msk [tilespmem:v49+s3+$0x0], $0xffff  }
0x3e1: {  	v61 =	vmul.f32 $2.000000030e-01, v25;
	v59 =	vor.u32 v6, v47;
	v60 =	vor.u32 v5, v56;
	v41 =	vld.idx.msk [tilespmem:v41+s18+$0x0], $0xffff  }
0x3e2: {  	v39 =	vor.u32 v6, v39;
	v62 =	vor.u32 v6, v37;
	v35 =	vmul.f32 v35, v36;
	v42 =	vld.idx.msk [tilespmem:v42+s18+$0x0], $0xffff  }
0x3e3: {  	v61 =	vsel vm0, v25, v61;
	v36 =	vor.u32 v5, v37;
	v37 =	vld.idx.msk [tilespmem:v9+s3+$0x0], $0xffff;
	v9 =	vxor.u32 s0, v1  }
0x3e4: {  	v63 =	vor.u32 v5, v9;
	v2 =	vor.u32 v6, v9;
	v25 =	vld.idx.msk [tilespmem:v55+s18+$0x0], $0xffff;
	v9 =	vmul.f32 $2.000000030e-01, v16  }
0x3e5: {  	v47 =	vor.u32 v5, v47;
	v24 =	vmul.f32 v61, v24;
	s0 =	sadd.s32 $0xFFFFFFFE, s30;
	v55 =	vor.u32 v6, v56;
	v56 =	vld.idx.msk [tilespmem:v27+s3+$0x0], $0xffff  }
0x3e6: {  	v23 =	vsel vm2, v23, v58;
	v18 =	vadd.f32 v20, v18;
	v27 =	vld.idx.msk [tilespmem:v60+s3+$0x0], $0xffff;
	v60 =	vxor.u32 s0, v1  }
0x3e7: {  	v23 =	vmul.f32 v23, v4;
	s0 =	sadd.s32 $0xFFFFFFFD, s30;
	v20 =	vld.idx.msk [tilespmem:v45+s3+$0x0], $0xffff;
	v45 =	vor.u32 v5, v60;
	v58 =	vor.u32 v6, v60  }
0x3e8: {  	v38 =	vor.u32 v5, v38;
	v4 =	vmovc v46;
	v9 =	vsel vm1, v16, v9;
	v60 =	vxor.u32 s0, v1;
	v53 =	vld.idx.msk [tilespmem:v53+s18+$0x0], $0xffff  }
0x3e9: {  	v16 =	vor.u32 v5, v43;
	v43 =	vadd.f32 v50, v49;
	v19 =	vmul.f32 v9, v19;
	v0 =	vld.idx.msk [tilespmem:v0+s18+$0x0], $0xffff  }
0x3ea: {  	v17 =	vmul.f32 v34, v17;
	v46 =	vor.u32 v5, v60;
	v49 =	vor.u32 v6, v60;
	v9 =	vld.idx.msk [tilespmem:v59+s18+$0x0], $0xffff  }
0x3eb: {  	v13 =	vadd.f32 v13, v18;
	v11 =	vadd.f32 v33, v11;
	v34 =	vmul.f32 $2.000000030e-01, v43;
	v2 =	vld.idx.msk [tilespmem:v2+s18+$0x0], $0xffff  }
0x3ec: {  	v14 =	vadd.f32 v23, v14;
	v23 =	vadd.f32 v31, v51;
	vm0 =	vge.f32 v43, $0.0e+00;
	v18 =	vld.idx.msk [tilespmem:v63+s3+$0x0], $0xffff  }
0x3ed: {  	v11 =	vadd.f32 v15, v11;
	v33 =	vsel vm0, v43, v34;
	v20 =	vadd.f32 v41, v20;
	v31 =	vld.idx.msk [tilespmem:v39+s18+$0x0], $0xffff  }
0x3ee: {  	v14 =	vadd.f32 v54, v14;
	v23 =	vadd.f32 v24, v23;
	v15 =	vmul.f32 v33, v48;
	v33 =	vld.idx.msk [tilespmem:v58+s18+$0x0], $0xffff  }
0x3ef: {  	v11 =	vadd.f32 v35, v11;
	v34 =	vmul.f32 $2.000000030e-01, v20;
	v24 =	vld.idx.msk [tilespmem:v38+s3+$0x0], $0xffff;
	v38 =	vor.u32 v6, v52  }
0x3f0: {  	v14 =	vadd.f32 v10, v14;
	v19 =	vadd.f32 v19, v13;
	v10 =	vmovc v15;
	vm0 =	vge.f32 v20, $0.0e+00;
	v16 =	vld.idx.msk [tilespmem:v16+s3+$0x0], $0xffff  }
0x3f1: {  	v11 =	vadd.f32 v17, v11;
	v0 =	vadd.f32 v0, v40;
	v13 =	vsel vm0, v20, v34;
	v15 =	vld.idx.msk [tilespmem:v55+s18+$0x0], $0xffff  }
0x3f2: {  	v14 =	vadd.f32 v12, v14;
	v2 =	vadd.f32 v2, v18;
	v13 =	vmul.f32 v13, v30;
	v34 =	vld.idx.msk [tilespmem:v46+s3+$0x0], $0xffff  }
0x3f3: {  	vm0 =	vge.f32 v0, $0.0e+00;
	v17 =	vmul.f32 $2.000000030e-01, v0;
	v12 =	vadd.f32 v31, v44;
	v31 =	vld.idx.msk [tilespmem:v49+s18+$0x0], $0xffff  }
0x3f4: {  	vm1 =	vge.f32 v2, $0.0e+00;
	v18 =	vmul.f32 $2.000000030e-01, v2;
	v35 =	vld.idx.msk [tilespmem:v38+s18+$0x0], $0xffff  }
0x3f5: {  	v24 =	vadd.f32 v32, v24;
	vm2 =	vge.f32 v12, $0.0e+00;
	v30 =	vmul.f32 $2.000000030e-01, v12;
	v32 =	vld.idx.msk [tilespmem:v57+s3+$0x0], $0xffff  }
0x3f6: {  	v0 =	vsel vm0, v0, v17;
	v39 =	vadd.f32 v53, v16;
	v20 =	vsel vm1, v2, v18;
	v38 =	vld.idx.msk [tilespmem:v62+s18+$0x0], $0xffff  }
0x3f7: {  	v18 =	vadd.f32 v42, v37;
	v2 =	vmul.f32 $2.000000030e-01, v24;
	v16 =	vsel vm2, v12, v30;
	v17 =	vld [tilespmem:s29+$0xFFFFFFD0]  }
0x3f8: {  	v28 =	vadd.f32 v29, v28;
	v12 =	vmul.f32 v0, v21;
	vm1 =	vge.f32 v39, $0.0e+00;
	v37 =	vld.idx.msk [tilespmem:v45+s3+$0x0], $0xffff  }
0x3f9: {  	vm0 =	vge.f32 v24, $0.0e+00;
	v30 =	vadd.f32 v15, v27;
	v21 =	vmul.f32 $2.000000030e-01, v18;
	v0 =	vld.idx.msk [tilespmem:v36+s3+$0x0], $0xffff  }
0x3fa: {  	v29 =	vmul.f32 $2.000000030e-01, v28;
	v15 =	vmul.f32 v16, v22;
	vm2 =	vge.f32 v18, $0.0e+00;
	v27 =	vld [tilespmem:s29+$0xFFFFFFE0]  }
0x3fb: {  	v2 =	vsel vm0, v24, v2;
	v21 =	vsel vm2, v18, v21;
	v16 =	vadd.f32 v35, v32;
	v24 =	vld [tilespmem:s29+$0xFFFFFFC0]  }
0x3fc: {  	vm0 =	vge.f32 v28, $0.0e+00;
	v18 =	vadd.f32 v15, v19;
	v32 =	vmul.f32 v21, v17;
	v22 =	vld.idx.msk [tilespmem:v47+s3+$0x0], $0xffff  }
.Ltmp10:
0x3fd: {  	v2 =	vmul.f32 v2, v26;
	v15 =	vmul.f32 $2.000000030e-01, v39;
	v36 =	vadd.f32 v25, v56;
	v21 =	vld [tilespmem:s29+$0x10];
	(pc) =	sbr.rel @p0 .LBB2_23-.Ltmp10, $4  }
0x3fe: {  	v34 =	vadd.f32 v31, v34;
	v35 =	vmul.f32 $2.000000030e-01, v30;
	v25 =	vadd.f32 v33, v37;
	v17 =	vld [tilespmem:s29+$0x40]  }
0x3ff: {  	v26 =	vadd.f32 v2, v23;
	v2 =	vsel vm1, v39, v15;
	v31 =	vmul.f32 $2.000000030e-01, v36;
	v19 =	vld [tilespmem:s29+$0x60]  }
0x400: {  	vm1 =	vge.f32 v36, $0.0e+00;
	v23 =	vadd.f32 v38, v0;
	v15 =	vmul.f32 v2, v24;
	v24 =	vld [tilespmem:s29+$0x50]  }
0x401: {  	vm2 =	vge.f32 v30, $0.0e+00;
	v31 =	vsel vm1, v36, v31;
	vm1 =	vge.f32 v34, $0.0e+00;
	s29 =	sadd.s32 $0x100, s29;
	v33 =	vld [tilespmem:s26+$0xFFFFFF80]  }
0x402: {  	v0 =	vmul.f32 $2.000000030e-01, v34;
	v2 =	vadd.f32 v9, v22;
	v22 =	vmul.f32 v31, v21  }
0x403: {  	v9 =	vsel vm2, v30, v35;
	v8 =	vsel vm0, v28, v29;
	v26 =	vadd.f32 v32, v26  }
0x404: {  	v27 =	vmul.f32 v20, v27;
	v30 =	vmul.f32 $2.000000030e-01, v25;
	vm2 =	vge.f32 v16, $0.0e+00;
	s2 =	simm.s32 $0xB  }
0x405: {  	v5 =	vld [tilespmem:s25+$0x1D410];
	v56 =	vmul.f32 $2.000000030e-01, v23;
	v59 =	vmul.f32 $2.000000030e-01, v16;
	s31 =	simm.s32 $0xF;
	v37 =	vxor.u32 s2, v1  }
0x406: {  	v6 =	vld [tilespmem:s25+$0x1D810];
	v60 =	vxor.u32 s31, v1;
	v0 =	vsel vm1, v34, v0;
	v7 =	vmul.f32 $2.000000030e-01, v2  }
0x407: {  	v28 =	vld [tilespmem:s26+$0x0];
	s26 =	simm.s32 $0x1E200;
	s2 =	simm.s32 $0xA;
	vm0 =	vge.f32 v2, $0.0e+00;
	vm1 =	vge.f32 v25, $0.0e+00;
	v27 =	vadd.f32 v27, v18  }
0x408: {  	s1 =	simm.s32 $0x1;
	v20 =	vld [tilespmem:s26+$0x70];
	v16 =	vsel vm2, v16, v59;
	v62 =	vxor.u32 s2, v1;
	v25 =	vsel vm1, v25, v30  }
0x409: {  	v21 =	vld [tilespmem:s26+$0xFFFFFFA0];
	v30 =	vxor.u32 s1, v1;
	v16 =	vmul.f32 v16, v19;
	v29 =	vmul.f32 v8, v33  }
0x40a: {  	s30 =	simm.s32 $0x2;
	v58 =	vld [tilespmem:s26+$0x20];
	v2 =	vsel vm0, v2, v7;
	vm0 =	vge.f32 v23, $0.0e+00;
	v24 =	vmul.f32 v25, v24  }
0x40b: {  	v38 =	vld [tilespmem:s26+$0x30];
	v25 =	vxor.u32 s30, v1;
	v6 =	vshll.u32 v6, $0x7;
	v23 =	vsel vm0, v23, v56  }
0x40c: {  	v18 =	vld [tilespmem:s26+$0xFFFFFF90];
	v2 =	vmul.f32 v2, v3;
	v36 =	vor.u32 v6, v30;
	v4 =	vmul.f32 v23, v4  }
0x40d: {  	v34 =	vld [tilespmem:s26+$0xFFFFFF80];
	v5 =	vshll.u32 v5, $0x7;
	v28 =	vmul.f32 v9, v28;
	v39 =	vor.u32 v6, v37  }
0x40e: {  	v3 =	vld [tilespmem:s26+$0xFFFFFFF0];
	v40 =	vor.u32 v5, v25;
	v4 =	vadd.f32 v4, v14;
	v14 =	vadd.f32 v22, v26  }
0x40f: {  	v9 =	vld [tilespmem:s26+$0xFFFFFFB0];
	v23 =	vor.u32 v5, v60;
	v61 =	vor.u32 v5, v37;
	v19 =	vor.u32 v6, v62  }
0x410: {  	s31 =	simm.s32 $0x9;
	s30 =	simm.s32 $0x5;
	v2 =	vadd.f32 v2, v4;
	v4 =	vadd.f32 v24, v14;
	v24 =	vor.u32 v5, v62;
	v62 =	vld [tilespmem:s26+$0xFFFFFFD0]  }
0x411: {  	v48 =	vxor.u32 s31, v1;
	s31 =	simm.s32 $0x6;
	v0 =	vmul.f32 v0, v17;
	v41 =	vxor.u32 s30, v1;
	v36 =	vld.idx.msk [tilespmem:v36+s18+$0x0], $0xffff  }
0x412: {  	v49 =	vxor.u32 s31, v1;
	v11 =	vadd.f32 v29, v11;
	v17 =	vor.u32 v6, v41;
	v29 =	vld.idx.msk [tilespmem:v39+s18+$0x0], $0xffff  }
0x413: {  	v51 =	vor.u32 v6, v49;
	v63 =	vld.idx.msk [tilespmem:v40+s3+$0x0], $0xffff  }
0x414: {  	v25 =	vor.u32 v6, v25;
	v23 =	vld.idx.msk [tilespmem:v23+s3+$0x0], $0xffff  }
0x415: {  	s0 =	simm.s32 $0x0;
	v7 =	vor.u32 v1, v5;
	v30 =	vor.u32 v5, v30;
	v35 =	vld.idx.msk [tilespmem:v61+s3+$0x0], $0xffff  }
0x416: {  	s31 =	simm.s32 $0xC;
	v8 =	vor.u32 v1, v6;
	v31 =	vor.u32 s0, v7;
	v19 =	vld.idx.msk [tilespmem:v19+s18+$0x0], $0xffff  }
0x417: {  	v43 =	vxor.u32 s31, v1;
	v57 =	vor.u32 s0, v8;
	v17 =	vld.idx.msk [tilespmem:v17+s18+$0x0], $0xffff  }
0x418: {  	s1 =	simm.s32 $0x8;
	v13 =	vadd.f32 v13, v27;
	v27 =	vor.u32 v5, v41;
	v45 =	vor.u32 v5, v43;
	v40 =	vld.idx.msk [tilespmem:v51+s18+$0x0], $0xffff  }
0x419: {  	v22 =	vor.u32 v6, v48;
	v11 =	vadd.f32 v15, v11;
	v26 =	vxor.u32 s1, v1;
	s1 =	simm.s32 $0xD;
	v25 =	vld.idx.msk [tilespmem:v25+s18+$0x0], $0xffff  }
0x41a: {  	s2 =	simm.s32 $0x4;
	v15 =	vor.u32 v5, v48;
	v52 =	vxor.u32 s1, v1;
	v14 =	vor.u32 v5, v26;
	v30 =	vld.idx.msk [tilespmem:v30+s3+$0x0], $0xffff  }
0x41b: {  	v11 =	vadd.f32 v28, v11;
	v28 =	vxor.u32 s2, v1;
	s2 =	simm.s32 $0xE;
	v26 =	vor.u32 v6, v26;
	v31 =	vld.idx.msk [tilespmem:v31+s3+$0x0], $0xffff  }
0x41c: {  	v32 =	vor.u32 v5, v52;
	v53 =	vxor.u32 s2, v1;
	v33 =	vld.idx.msk [tilespmem:v57+s18+$0x0], $0xffff;
	v2 =	vadd.f32 v10, v2  }
0x41d: {  	s30 =	simm.s32 $0x7;
	v10 =	vadd.f32 v16, v13;
	v13 =	vor.u32 v6, v28;
	v16 =	vld.idx.msk [tilespmem:v27+s3+$0x0], $0xffff;
	v0 =	vadd.f32 v0, v11  }
0x41e: {  	v27 =	vxor.u32 s30, v1;
	v11 =	vor.u32 v6, v60;
	v22 =	vld.idx.msk [tilespmem:v22+s18+$0x0], $0xffff;
	v2 =	vadd.f32 v12, v2  }
0x41f: {  	v42 =	vor.u32 v5, v53;
	v28 =	vor.u32 v5, v28;
	v50 =	vld.idx.msk [tilespmem:v15+s3+$0x0], $0xffff;
	v12 =	vor.u32 v6, v27  }
0x420: {  	v0 =	vadd.f32 v4, v0;
	v14 =	vld.idx.msk [tilespmem:v14+s3+$0x0], $0xffff;
	v2 =	vadd.f32 v2, v10;
	v10 =	vor.u32 v5, v49  }
0x421: {  	v41 =	vor.u32 v6, v53;
	v24 =	vld.idx.msk [tilespmem:v24+s3+$0x0], $0xffff;
	v29 =	vadd.f32 v29, v35;
	v25 =	vadd.f32 v25, v63  }
0x422: {  	v27 =	vor.u32 v5, v27;
	v30 =	vadd.f32 v36, v30;
	v13 =	vld.idx.msk [tilespmem:v13+s18+$0x0], $0xffff;
	v16 =	vadd.f32 v17, v16  }
0x423: {  	s30 =	simm.s32 $0x3;
	v4 =	vadd.f32 v2, v0;
	v0 =	vor.u32 v6, v52;
	v2 =	vld.idx.msk [tilespmem:v11+s18+$0x0], $0xffff;
	v11 =	vimm.f32 $0.0e+00  }
0x424: {  	vm0 =	vge.f32 v29, $0.0e+00;
	v59 =	vmul.f32 $2.000000030e-01, v25;
	v15 =	vld.idx.msk [tilespmem:v12+s18+$0x0], $0xffff;
	v12 =	vxor.u32 s30, v1  }
0x425: {  	vm2 =	vge.f32 v25, $0.0e+00;
	v17 =	vmul.f32 $2.000000030e-01, v16;
	v44 =	vor.u32 v6, v12;
	v54 =	vld.idx.msk [tilespmem:v10+s3+$0x0], $0xffff  }
0x426: {  	v28 =	vld.idx.msk [tilespmem:v28+s3+$0x0], $0xffff;
	v25 =	vsel vm2, v25, v59;
	vm2 =	vge.f32 v16, $0.0e+00;
	v10 =	vadd.f32 v19, v24  }
0x427: {  	v26 =	vld.idx.msk [tilespmem:v26+s18+$0x0], $0xffff;
	v24 =	vor.u32 v5, v12;
	v19 =	vor.u32 v6, v43;
	v12 =	vmul.f32 $2.000000030e-01, v29  }
0x428: {  	v32 =	vld.idx.msk [tilespmem:v32+s3+$0x0], $0xffff;
	v37 =	vadd.f32 v22, v50;
	v17 =	vsel vm2, v16, v17;
	v55 =	vmul.f32 $2.000000030e-01, v10  }
0x429: {  	v0 =	vld.idx.msk [tilespmem:v0+s18+$0x0], $0xffff;
	v12 =	vsel vm0, v29, v12;
	vm0 =	vge.f32 v10, $0.0e+00;
	v2 =	vadd.f32 v2, v23  }
0x42a: {  	v56 =	vld.idx.msk [tilespmem:v45+s3+$0x0], $0xffff;
	v29 =	vsel vm0, v10, v55;
	v10 =	vmul.f32 v12, v38;
	v23 =	vadd.f32 v40, v54  }
0x42b: {  	v60 =	vld.idx.msk [tilespmem:v42+s3+$0x0], $0xffff;
	v28 =	vadd.f32 v13, v28;
	v12 =	vmul.f32 v29, v58;
	v29 =	vmul.f32 $2.000000030e-01, v2  }
0x42c: {  	vm0 =	vge.f32 v2, $0.0e+00;
	v57 =	vld.idx.msk [tilespmem:v19+s18+$0x0], $0xffff;
	vm1 =	vge.f32 v23, $0.0e+00;
	v19 =	vmul.f32 $2.000000030e-01, v23  }
0x42d: {  	v58 =	vld.idx.msk [tilespmem:v41+s18+$0x0], $0xffff;
	v2 =	vsel vm0, v2, v29;
	v29 =	vadd.f32 v33, v31;
	vm0 =	vge.f32 v30, $0.0e+00  }
0x42e: {  	v63 =	vld [tilespmem:s26+$0xFFFFFFC0];
	v31 =	vadd.f32 v26, v14;
	v14 =	vmul.f32 v25, v21;
	v26 =	vadd.f32 v0, v32  }
0x42f: {  	v61 =	vld.idx.msk [tilespmem:v44+s18+$0x0], $0xffff;
	v13 =	vmul.f32 v2, v20;
	v19 =	vsel vm1, v23, v19;
	v23 =	vmul.f32 $2.000000030e-01, v30  }
0x430: {  	v2 =	vld.idx.msk [tilespmem:v24+s3+$0x0], $0xffff;
	vm1 =	vge.f32 v28, $0.0e+00;
	v33 =	vmul.f32 $2.000000030e-01, v29;
	v20 =	vadd.f32 v14, v11  }
0x431: {  	v22 =	vld [tilespmem:s26+$0x60];
	v36 =	vmul.f32 $2.000000030e-01, v31;
	vm2 =	vge.f32 v31, $0.0e+00;
	v21 =	vsel vm0, v30, v23  }
0x432: {  	v16 =	vadd.f32 v58, v60;
	v14 =	vmul.f32 v21, v18;
	v18 =	vmul.f32 $2.000000030e-01, v28;
	v21 =	vld [tilespmem:s26+$0x10]  }
0x433: {  	v35 =	vadd.f32 v57, v56;
	vm0 =	vge.f32 v29, $0.0e+00;
	v30 =	vmul.f32 v17, v62;
	v23 =	vld.idx.msk [tilespmem:v27+s3+$0x0], $0xffff  }
0x434: {  	v25 =	vld [tilespmem:s26+$0xFFFFFFE0];
	v24 =	vadd.f32 v14, v11;
	v0 =	vsel vm1, v28, v18;
	v14 =	vmul.f32 $2.000000030e-01, v37  }
0x435: {  	[tilespmem:$0x1FF30] =	vst v4;
	v17 =	vld [tilespmem:s26+$0x40];
	v28 =	vadd.f32 v61, v2;
	vm1 =	vge.f32 v37, $0.0e+00;
	v18 =	vmul.f32 v0, v63  }
0x436: {  	s28 =	simm.s32 $0x1F;
	s29 =	simm.s32 $0x1E300;
	[tilespmem:s25+$0x1DC00] =	vst v4;
	s25 =	sor.u32 $0x10, s25;
	v27 =	vld [tilespmem:s26+$0x50];
	v32 =	vsel vm1, v37, v14;
	vm1 =	vge.f32 v35, $0.0e+00;
	v14 =	vimm.f32 $0.0e+00  }
.LBB2_25:
0x437: {  	s0 =	sadd.s32 $0xFFFFFFF2, s28;
	s1 =	sadd.s32 $0xFFFFFFF3, s28;
	s2 =	sadd.s32 $0xFFFFFFF4, s28;
	v0 =	vxor.u32 s28, v1;
	v2 =	vld [tilespmem:s26+$0x0];
	v32 =	vmul.f32 v32, v21;
	v37 =	vmul.f32 $2.000000030e-01, v35  }
0x438: {  	s26 =	sadd.s32 $0xFFFFFFF1, s28;
	s31 =	sadd.s32 $0xFFFFFFFA, s28;
	v15 =	vadd.f32 v15, v23;
	v38 =	vxor.u32 s0, v1;
	v39 =	vxor.u32 s1, v1;
	s1 =	sadd.s32 $0xFFFFFFFF, s28;
	v21 =	vld [tilespmem:s29+$0x70]  }
0x439: {  	p0 =	sne.s32 s28, $0x7F;
	v36 =	vsel vm2, v31, v36;
	s30 =	smov.u32 s28;
	v40 =	vor.u32 s26, v7;
	v41 =	vor.u32 s26, v8;
	s28 =	sadd.s32 $0x10, s28;
	v42 =	vld [tilespmem:s29+$0xFFFFFFF0]  }
0x43a: {  	s0 =	sadd.s32 $0xFFFFFFF8, s30;
	s26 =	smov.u32 s29;
	v43 =	vor.u32 v6, v38;
	v44 =	vor.u32 v5, v39;
	v35 =	vsel vm1, v35, v37;
	v23 =	vld [tilespmem:s29+$0xFFFFFFA0]  }
0x43b: {  	v33 =	vsel vm0, v29, v33;
	v37 =	vxor.u32 s2, v1;
	s2 =	sadd.s32 $0xFFFFFFFC, s30;
	vm1 =	vge.f32 v15, $0.0e+00;
	v31 =	vld [tilespmem:s29+$0x20]  }
0x43c: {  	vm0 =	vge.f32 v26, $0.0e+00;
	v46 =	vxor.u32 s0, v1;
	v29 =	vxor.u32 s2, v1;
	v45 =	vld [tilespmem:s29+$0xFFFFFFB0]  }
0x43d: {  	v50 =	vadd.f32 v30, v24;
	s0 =	sadd.s32 $0xFFFFFFF7, s30;
	v48 =	vor.u32 v5, v29;
	v49 =	vor.u32 v6, v29;
	v47 =	vld [tilespmem:s29+$0x30]  }
0x43e: {  	v51 =	vmul.f32 $2.000000030e-01, v15;
	s2 =	sadd.s32 $0xFFFFFFFB, s30;
	v29 =	vld.idx.msk [tilespmem:v40+s3+$0x0], $0xffff;
	v40 =	vor.u32 v5, v0;
	v0 =	vor.u32 v6, v0  }
0x43f: {  	v52 =	vxor.u32 s1, v1;
	v34 =	vmul.f32 v33, v34;
	v30 =	vld.idx.msk [tilespmem:v41+s18+$0x0], $0xffff;
	v41 =	vxor.u32 s2, v1  }
0x440: {  	s1 =	sadd.s32 $0xFFFFFFF5, s30;
	v15 =	vsel vm1, v15, v51;
	s2 =	sadd.s32 $0xFFFFFFF6, s30;
	v24 =	vld [tilespmem:s29+$0xFFFFFF90];
	v53 =	vor.u32 v5, v41;
	v41 =	vor.u32 v6, v41  }
0x441: {  	v54 =	vmul.f32 v15, v3;
	v3 =	vmovc v42;
	v51 =	vxor.u32 s2, v1;
	v33 =	vld.idx.msk [tilespmem:v43+s18+$0x0], $0xffff;
	v43 =	vxor.u32 s1, v1  }
0x442: {  	vm2 =	vge.f32 v28, $0.0e+00;
	v15 =	vor.u32 v5, v51;
	v42 =	vor.u32 v6, v51;
	v49 =	vld.idx.msk [tilespmem:v49+s18+$0x0], $0xffff  }
0x443: {  	v19 =	vmul.f32 v19, v25;
	v55 =	vxor.u32 s31, v1;
	v51 =	vor.u32 v6, v43;
	v44 =	vld.idx.msk [tilespmem:v44+s3+$0x0], $0xffff  }
0x444: {  	v25 =	vor.u32 v5, v55;
	v55 =	vor.u32 v6, v55;
	vm1 =	vge.f32 v16, $0.0e+00;
	s1 =	sadd.s32 $0xFFFFFFF9, s30;
	v40 =	vld.idx.msk [tilespmem:v40+s3+$0x0], $0xffff  }
0x445: {  	v58 =	vmul.f32 $2.000000030e-01, v28;
	v57 =	vor.u32 v5, v52;
	v56 =	vxor.u32 s1, v1;
	v48 =	vld.idx.msk [tilespmem:v48+s3+$0x0], $0xffff  }
0x446: {  	v61 =	vmul.f32 $2.000000030e-01, v26;
	v59 =	vor.u32 v6, v46;
	v60 =	vor.u32 v5, v56;
	v41 =	vld.idx.msk [tilespmem:v41+s18+$0x0], $0xffff  }
0x447: {  	v39 =	vor.u32 v6, v39;
	v62 =	vor.u32 v6, v37;
	v2 =	vmul.f32 v36, v2;
	v42 =	vld.idx.msk [tilespmem:v42+s18+$0x0], $0xffff  }
0x448: {  	v61 =	vsel vm0, v26, v61;
	v36 =	vor.u32 v5, v37;
	v37 =	vld.idx.msk [tilespmem:v15+s3+$0x0], $0xffff;
	v15 =	vxor.u32 s0, v1  }
0x449: {  	v63 =	vor.u32 v5, v15;
	v4 =	vor.u32 v6, v15;
	v26 =	vld.idx.msk [tilespmem:v55+s18+$0x0], $0xffff;
	v15 =	vmul.f32 $2.000000030e-01, v16  }
0x44a: {  	v46 =	vor.u32 v5, v46;
	s0 =	sadd.s32 $0xFFFFFFFE, s30;
	v55 =	vor.u32 v6, v56;
	v56 =	vld.idx.msk [tilespmem:v25+s3+$0x0], $0xffff;
	v25 =	vmul.f32 v61, v27  }
0x44b: {  	v28 =	vsel vm2, v28, v58;
	v19 =	vadd.f32 v19, v20;
	v27 =	vld.idx.msk [tilespmem:v60+s3+$0x0], $0xffff;
	v60 =	vxor.u32 s0, v1  }
0x44c: {  	v28 =	vmul.f32 v28, v9;
	s0 =	sadd.s32 $0xFFFFFFFD, s30;
	v20 =	vld.idx.msk [tilespmem:v53+s3+$0x0], $0xffff;
	v53 =	vor.u32 v5, v60;
	v58 =	vor.u32 v6, v60  }
0x44d: {  	v38 =	vor.u32 v5, v38;
	v9 =	vmovc v45;
	v15 =	vsel vm1, v16, v15;
	v60 =	vxor.u32 s0, v1;
	v51 =	vld.idx.msk [tilespmem:v51+s18+$0x0], $0xffff  }
0x44e: {  	v16 =	vor.u32 v5, v43;
	v43 =	vadd.f32 v49, v48;
	v22 =	vmul.f32 v15, v22;
	v0 =	vld.idx.msk [tilespmem:v0+s18+$0x0], $0xffff  }
0x44f: {  	v17 =	vmul.f32 v35, v17;
	v45 =	vor.u32 v5, v60;
	v48 =	vor.u32 v6, v60;
	v15 =	vld.idx.msk [tilespmem:v59+s18+$0x0], $0xffff  }
0x450: {  	v12 =	vadd.f32 v12, v19;
	v11 =	vadd.f32 v34, v11;
	v35 =	vmul.f32 $2.000000030e-01, v43;
	v4 =	vld.idx.msk [tilespmem:v4+s18+$0x0], $0xffff  }
0x451: {  	v14 =	vadd.f32 v28, v14;
	v28 =	vadd.f32 v32, v50;
	vm0 =	vge.f32 v43, $0.0e+00;
	v19 =	vld.idx.msk [tilespmem:v63+s3+$0x0], $0xffff  }
0x452: {  	v11 =	vadd.f32 v18, v11;
	v34 =	vsel vm0, v43, v35;
	v20 =	vadd.f32 v41, v20;
	v32 =	vld.idx.msk [tilespmem:v39+s18+$0x0], $0xffff  }
0x453: {  	v14 =	vadd.f32 v54, v14;
	v28 =	vadd.f32 v25, v28;
	v18 =	vmul.f32 v34, v47;
	v34 =	vld.idx.msk [tilespmem:v58+s18+$0x0], $0xffff  }
0x454: {  	v2 =	vadd.f32 v2, v11;
	v35 =	vmul.f32 $2.000000030e-01, v20;
	v25 =	vld.idx.msk [tilespmem:v38+s3+$0x0], $0xffff;
	v38 =	vor.u32 v6, v52  }
0x455: {  	v14 =	vadd.f32 v10, v14;
	v22 =	vadd.f32 v22, v12;
	v10 =	vmovc v18;
	vm0 =	vge.f32 v20, $0.0e+00;
	v16 =	vld.idx.msk [tilespmem:v16+s3+$0x0], $0xffff  }
0x456: {  	v11 =	vadd.f32 v17, v2;
	v0 =	vadd.f32 v0, v40;
	v12 =	vsel vm0, v20, v35;
	v18 =	vld.idx.msk [tilespmem:v55+s18+$0x0], $0xffff  }
0x457: {  	v14 =	vadd.f32 v13, v14;
	v2 =	vadd.f32 v4, v19;
	v12 =	vmul.f32 v12, v31;
	v4 =	vld.idx.msk [tilespmem:v45+s3+$0x0], $0xffff  }
0x458: {  	vm0 =	vge.f32 v0, $0.0e+00;
	v17 =	vmul.f32 $2.000000030e-01, v0;
	v13 =	vadd.f32 v32, v44;
	v32 =	vld.idx.msk [tilespmem:v48+s18+$0x0], $0xffff  }
0x459: {  	vm1 =	vge.f32 v2, $0.0e+00;
	v19 =	vmul.f32 $2.000000030e-01, v2;
	v20 =	vld.idx.msk [tilespmem:v38+s18+$0x0], $0xffff  }
0x45a: {  	v35 =	vadd.f32 v33, v25;
	vm2 =	vge.f32 v13, $0.0e+00;
	v25 =	vmul.f32 $2.000000030e-01, v13;
	v38 =	vld.idx.msk [tilespmem:v57+s3+$0x0], $0xffff  }
0x45b: {  	v0 =	vsel vm0, v0, v17;
	v40 =	vadd.f32 v51, v16;
	v19 =	vsel vm1, v2, v19;
	v39 =	vld.idx.msk [tilespmem:v62+s18+$0x0], $0xffff  }
0x45c: {  	v37 =	vadd.f32 v42, v37;
	v2 =	vmul.f32 $2.000000030e-01, v35;
	v16 =	vsel vm2, v13, v25;
	v17 =	vld [tilespmem:s29+$0xFFFFFFD0]  }
0x45d: {  	v29 =	vadd.f32 v30, v29;
	v13 =	vmul.f32 v0, v21;
	vm1 =	vge.f32 v40, $0.0e+00;
	v41 =	vld.idx.msk [tilespmem:v53+s3+$0x0], $0xffff  }
0x45e: {  	vm0 =	vge.f32 v35, $0.0e+00;
	v21 =	vmul.f32 $2.000000030e-01, v37;
	v31 =	vadd.f32 v18, v27;
	v0 =	vld.idx.msk [tilespmem:v36+s3+$0x0], $0xffff  }
0x45f: {  	v33 =	vmul.f32 $2.000000030e-01, v29;
	vm2 =	vge.f32 v37, $0.0e+00;
	v18 =	vmul.f32 v16, v23;
	v25 =	vld [tilespmem:s29+$0xFFFFFFE0]  }
0x460: {  	v2 =	vsel vm0, v35, v2;
	v21 =	vsel vm2, v37, v21;
	v16 =	vadd.f32 v20, v38;
	v27 =	vld [tilespmem:s29+$0xFFFFFFC0]  }
0x461: {  	vm0 =	vge.f32 v29, $0.0e+00;
	v20 =	vadd.f32 v18, v22;
	v30 =	vmul.f32 v21, v17;
	v23 =	vld.idx.msk [tilespmem:v46+s3+$0x0], $0xffff  }
.Ltmp11:
0x462: {  	v37 =	vadd.f32 v26, v56;
	v2 =	vmul.f32 v2, v24;
	v18 =	vmul.f32 $2.000000030e-01, v40;
	v21 =	vld [tilespmem:s29+$0x10];
	(pc) =	sbr.rel @p0 .LBB2_25-.Ltmp11, $4  }
0x463: {  	v35 =	vadd.f32 v32, v4;
	v36 =	vmul.f32 $2.000000030e-01, v31;
	v26 =	vadd.f32 v34, v41;
	v17 =	vld [tilespmem:s29+$0x40]  }
0x464: {  	v4 =	vmul.f32 $2.000000030e-01, v37;
	v24 =	vadd.f32 v2, v28;
	v2 =	vsel vm1, v40, v18;
	v22 =	vld [tilespmem:s29+$0x60]  }
0x465: {  	vm1 =	vge.f32 v37, $0.0e+00;
	v28 =	vadd.f32 v39, v0;
	v18 =	vmul.f32 v2, v27;
	v27 =	vld [tilespmem:s29+$0x50]  }
0x466: {  	vm2 =	vge.f32 v31, $0.0e+00;
	v32 =	vsel vm1, v37, v4;
	vm1 =	vge.f32 v35, $0.0e+00;
	s29 =	sadd.s32 $0x100, s29;
	v34 =	vld [tilespmem:s26+$0xFFFFFF80]  }
0x467: {  	v0 =	vmul.f32 $2.000000030e-01, v35;
	v2 =	vmul.f32 v32, v21;
	v4 =	vadd.f32 v15, v23  }
0x468: {  	v5 =	vsel vm2, v31, v36;
	v6 =	vsel vm0, v29, v33;
	v8 =	vmul.f32 $2.000000030e-01, v28  }
0x469: {  	vm13 =	vge.f32 v26, $0.0e+00;
	vm14 =	vge.f32 v28, $0.0e+00;
	v58 =	vmul.f32 $2.000000030e-01, v26  }
0x46a: {  	v59 =	vadd.f32 v30, v24;
	v61 =	vmul.f32 v19, v25;
	vm15 =	vge.f32 v16, $0.0e+00  }
0x46b: {  	v57 =	vld [tilespmem:s26+$0x0];
	v62 =	vmul.f32 $2.000000030e-01, v16;
	v7 =	vmul.f32 $2.000000030e-01, v4;
	v8 =	vsel vm14, v28, v8  }
0x46c: {  	vm12 =	vge.f32 v4, $0.0e+00;
	v60 =	vmul.f32 v8, v9;
	v6 =	vmul.f32 v6, v34  }
0x46d: {  	v0 =	vsel vm1, v35, v0;
	v2 =	vadd.f32 v2, v59;
	v4 =	vsel vm12, v4, v7  }
0x46e: {  	v3 =	vmul.f32 v4, v3;
	v4 =	vadd.f32 v60, v14;
	v6 =	vadd.f32 v6, v11  }
0x46f: {  	v8 =	vadd.f32 v61, v20;
	v9 =	vsel vm15, v16, v62;
	v7 =	vsel vm13, v26, v58  }
0x470: {  	v5 =	vmul.f32 v5, v57;
	v3 =	vadd.f32 v3, v4;
	v6 =	vadd.f32 v18, v6  }
0x471: {  	v63 =	vmul.f32 v9, v22;
	v7 =	vmul.f32 v7, v27;
	v8 =	vadd.f32 v12, v8  }
0x472: {  	v0 =	vmul.f32 v0, v17;
	v3 =	vadd.f32 v10, v3;
	v5 =	vadd.f32 v5, v6  }
0x473: {  	v2 =	vadd.f32 v7, v2;
	v4 =	vadd.f32 v63, v8  }
0x474: {  	v3 =	vadd.f32 v13, v3;
	v0 =	vadd.f32 v0, v5;
	_ =	sdelay $0x1  }
0x475: {  	v0 =	vadd.f32 v2, v0;
	v2 =	vadd.f32 v3, v4  }
0x476: {  	v3 =	vld [tilespmem:$0x1FF30]  }
0x477: {  	v0 =	vadd.f32 v2, v0;
	v2 =	vld [tilespmem:$0x1FF40]  }
0x478: {  	p0 =	slt.u32 s24, $0x3C  }
.Ltmp12:
0x479: {  	_ = 	snop;
	(pc) =	sbr.rel @p0 .LBB2_22-.Ltmp12, $3  }
0x47a: {  	_ =	sdelay $0x1  }
0x47b: {  	s0 =	sadd.s32 $0x2, s24;
	v2 =	vmax.f32 v2, v3  }
0x47c: {  	s24 =	smov.u32 s0;
	[tilespmem:s25+$0x1DC00] =	vst v0;
	v0 =	vmax.f32 v2, v0  }
0x47d: {  	(xrf0) =	vmax.scan.msk.f32 $0xffff, v0;
	_ =	sdelay $0x2  }
0x47e: {  	s1 =	simm.s32 $0x0  }
0x47f: {  	v0 =	vld [tilespmem:s1+$0x1DC00];
	_ =	sdelay $0x1  }
0x480: {  	v2, _, _ =	vpop (xrf0)  }
0x481: {  	v2 =	vbroadcast v2, $0xF;
	_ =	sdelay $0x1  }
0x482: {  	v0 =	vsub.f32 v0, v2;
	_ =	sdelay $0x1  }
0x483: {  	v0 =	vmul.f32 $1.442695020e+00, v0  }
0x484: {  	s0 =	simm.s32 $0x10  }
0x485: {  	(erf) = vpow2.f32 v0;
	v0 =	vld [tilespmem:s0+$0x1DC00];
	_ =	sdelay $0x3  }
0x486: {  	v3 =	vld [tilespmem:s1+$0x1D800]  }
0x487: {  	v0 =	vsub.f32 v0, v2;
	_ =	sdelay $0x1  }
0x488: {  	s25 =	simm.s32 $0x20;
	v4 =	vld [tilespmem:s0+$0x1D800];
	v0 =	vmul.f32 $1.442695020e+00, v0  }
0x489: {  	v6 =	vld [tilespmem:s25+$0x1DC00]  }
0x48a: {  	v5 =	vld [tilespmem:s25+$0x1D800];
	v7 =	vpop (erf);
	(erf) = vpow2.f32 v0;
	_ =	sdelay $0x1  }
0x48b: {  	s24 =	simm.s32 $0x0;
	s26 =	simm.s32 $0xC0;
	[tilespmem:s1+$0x1DC00] =	vst v7  }
.LBB2_28:
0x48c: {  	p0 =	sne.s32 s26, $0xF40;
	[tilespmem:v3+s20+$0x0] =	vst.idx.add.f32.msk $0xffff, v7;
	v3 =	vmov v4;
	s1 =	smov.u32 s26;
	s26 =	sadd.s32 $0x40, s26  }
0x48d: {  	v0 =	vsub.f32 v6, v2  }
0x48e: {  	v4 =	vmov v5  }
.Ltmp13:
0x48f: {  	s1 =	sshra.s32 s1, $0x2;
	v0 =	vmul.f32 $1.442695020e+00, v0;
	(pc) =	sbr.rel @p0 .LBB2_28-.Ltmp13, $4  }
0x490: {  	v6 =	vld [tilespmem:s1+$0x1DC00]  }
0x491: {  	v5 =	vld [tilespmem:s1+$0x1D800];
	(erf) = vpow2.f32 v0  }
0x492: {  	v7 =	vpop (erf)  }
0x493: {  	[tilespmem:s0+$0x1DC00] =	vst v7;
	s0 =	smov.u32 s25;
	s25 =	smov.u32 s1  }
0x494: {  	_ = 	snop  }
0x495: {  	v0 =	vsub.f32 v6, v2;
	_ =	sdelay $0x1  }
0x496: {  	v0 =	vmul.f32 $1.442695020e+00, v0;
	_ =	sdelay $0x1  }
0x497: {  	(erf) = vpow2.f32 v0;
	_ =	sdelay $0x6  }
0x498: {  	[tilespmem:v3+s20+$0x0] =	vst.idx.add.f32.msk $0xffff, v7;
	v0 =	vpop (erf)  }
0x499: {  	[tilespmem:s0+$0x1DC00] =	vst v0  }
0x49a: {  	[tilespmem:v4+s20+$0x0] =	vst.idx.add.f32.msk $0xffff, v0;
	v0 =	vpop (erf)  }
0x49b: {  	[tilespmem:s25+$0x1DC00] =	vst v0  }
0x49c: {  	[tilespmem:v5+s20+$0x0] =	vst.idx.add.f32.msk $0xffff, v0  }
.LBB2_30:
0x49d: {  	s26 =	sshll.u32 s24, $0x4  }
0x49e: {  	v0 =	vld [tilespmem:s26+$0x1D800];
	_ =	sdelay $0x7  }
0x49f: {  	v2 =	vld.idx.msk [tilespmem:v0+s20+$0x0], $0xffff;
	_ =	sdelay $0x1  }
0x4a0: {  	v3 =	vld [tilespmem:s26+$0x1D400];
	_ =	sdelay $0x2  }
0x4a1: {  	v2 =	vadd.f32 $1.000000020e-16, v2;
	_ =	sdelay $0x1  }
0x4a2: {  	v3 =	vshll.u32 v3, $0x7;
	(erf) = vrcp.f32 v2  }
0x4a3: {  	s0 =	simm.s32 $0x0;
	v5 =	vor.u32 v1, v3  }
0x4a4: {  	v4 =	vor.u32 s0, v5;
	_ =	sdelay $0x2  }
0x4a5: {  	v7 =	vld [tilespmem:s26+$0x1DC00];
	_ =	sdelay $0x1  }
0x4a6: {  	v2 =	vshll.u32 v0, $0x7;
	v0 =	vld.idx.msk [tilespmem:v4+s3+$0x0], $0xffff  }
0x4a7: {  	s1 =	simm.s32 $0x1;
	v6 =	vor.u32 v1, v2  }
0x4a8: {  	v9 =	vxor.u32 s1, v1;
	v8 =	vor.u32 s0, v6;
	v4 =	vpop (erf)  }
0x4a9: {  	v4 =	vmul.f32 v4, v7;
	v7 =	vor.u32 v3, v9;
	_ =	sdelay $0x1  }
0x4aa: {  	v0 =	vmul.f32 v0, v4;
	_ =	sdelay $0x1  }
0x4ab: {  	[tilespmem:v8+s21+$0x0] =	vst.idx.add.f32.msk $0xffff, v0  }
0x4ac: {  	v0 =	vld.idx.msk [tilespmem:v7+s3+$0x0], $0xffff  }
0x4ad: {  	s30 =	simm.s32 $0x2  }
0x4ae: {  	v8 =	vxor.u32 s30, v1;
	v7 =	vor.u32 v2, v9  }
0x4af: {  	v9 =	vor.u32 v3, v8;
	_ =	sdelay $0x1  }
0x4b0: {  	v0 =	vmul.f32 v0, v4;
	_ =	sdelay $0x1  }
0x4b1: {  	[tilespmem:v7+s21+$0x0] =	vst.idx.add.f32.msk $0xffff, v0  }
0x4b2: {  	v0 =	vld.idx.msk [tilespmem:v9+s3+$0x0], $0xffff  }
0x4b3: {  	s31 =	simm.s32 $0x3  }
0x4b4: {  	v7 =	vor.u32 v2, v8;
	v8 =	vxor.u32 s31, v1  }
0x4b5: {  	v9 =	vor.u32 v3, v8;
	_ =	sdelay $0x1  }
0x4b6: {  	v0 =	vmul.f32 v0, v4;
	_ =	sdelay $0x1  }
0x4b7: {  	[tilespmem:v7+s21+$0x0] =	vst.idx.add.f32.msk $0xffff, v0  }
0x4b8: {  	v0 =	vld.idx.msk [tilespmem:v9+s3+$0x0], $0xffff  }
0x4b9: {  	s1 =	simm.s32 $0x4  }
0x4ba: {  	v7 =	vor.u32 v2, v8;
	v8 =	vxor.u32 s1, v1  }
0x4bb: {  	v9 =	vor.u32 v3, v8;
	_ =	sdelay $0x1  }
0x4bc: {  	v0 =	vmul.f32 v0, v4;
	_ =	sdelay $0x1  }
0x4bd: {  	[tilespmem:v7+s21+$0x0] =	vst.idx.add.f32.msk $0xffff, v0  }
0x4be: {  	v0 =	vld.idx.msk [tilespmem:v9+s3+$0x0], $0xffff  }
0x4bf: {  	s2 =	simm.s32 $0x5  }
0x4c0: {  	v7 =	vor.u32 v2, v8;
	v8 =	vxor.u32 s2, v1  }
0x4c1: {  	v9 =	vor.u32 v3, v8;
	_ =	sdelay $0x1  }
0x4c2: {  	v0 =	vmul.f32 v0, v4;
	_ =	sdelay $0x1  }
0x4c3: {  	[tilespmem:v7+s21+$0x0] =	vst.idx.add.f32.msk $0xffff, v0  }
0x4c4: {  	v0 =	vld.idx.msk [tilespmem:v9+s3+$0x0], $0xffff  }
0x4c5: {  	s25 =	simm.s32 $0x6  }
0x4c6: {  	v7 =	vor.u32 v2, v8;
	v8 =	vxor.u32 s25, v1  }
0x4c7: {  	v9 =	vor.u32 v3, v8;
	_ =	sdelay $0x1  }
0x4c8: {  	v0 =	vmul.f32 v0, v4;
	_ =	sdelay $0x1  }
0x4c9: {  	[tilespmem:v7+s21+$0x0] =	vst.idx.add.f32.msk $0xffff, v0  }
0x4ca: {  	v0 =	vld.idx.msk [tilespmem:v9+s3+$0x0], $0xffff  }
0x4cb: {  	s29 =	simm.s32 $0x7  }
0x4cc: {  	v7 =	vor.u32 v2, v8;
	v8 =	vxor.u32 s29, v1  }
0x4cd: {  	v9 =	vor.u32 v3, v8;
	_ =	sdelay $0x1  }
0x4ce: {  	v0 =	vmul.f32 v0, v4;
	_ =	sdelay $0x1  }
0x4cf: {  	[tilespmem:v7+s21+$0x0] =	vst.idx.add.f32.msk $0xffff, v0  }
0x4d0: {  	v0 =	vld.idx.msk [tilespmem:v9+s3+$0x0], $0xffff  }
0x4d1: {  	s30 =	simm.s32 $0x8  }
0x4d2: {  	v7 =	vor.u32 v2, v8;
	v8 =	vxor.u32 s30, v1  }
0x4d3: {  	v9 =	vor.u32 v3, v8;
	_ =	sdelay $0x1  }
0x4d4: {  	v0 =	vmul.f32 v0, v4;
	_ =	sdelay $0x1  }
0x4d5: {  	[tilespmem:v7+s21+$0x0] =	vst.idx.add.f32.msk $0xffff, v0  }
0x4d6: {  	v0 =	vld.idx.msk [tilespmem:v9+s3+$0x0], $0xffff  }
0x4d7: {  	s31 =	simm.s32 $0x9  }
0x4d8: {  	v7 =	vor.u32 v2, v8;
	v8 =	vxor.u32 s31, v1  }
0x4d9: {  	v9 =	vor.u32 v3, v8;
	_ =	sdelay $0x1  }
0x4da: {  	v0 =	vmul.f32 v0, v4;
	_ =	sdelay $0x1  }
0x4db: {  	[tilespmem:v7+s21+$0x0] =	vst.idx.add.f32.msk $0xffff, v0  }
0x4dc: {  	v0 =	vld.idx.msk [tilespmem:v9+s3+$0x0], $0xffff  }
0x4dd: {  	s1 =	simm.s32 $0xA  }
0x4de: {  	v7 =	vor.u32 v2, v8;
	v8 =	vxor.u32 s1, v1  }
0x4df: {  	v9 =	vor.u32 v3, v8;
	_ =	sdelay $0x1  }
0x4e0: {  	v0 =	vmul.f32 v0, v4;
	_ =	sdelay $0x1  }
0x4e1: {  	[tilespmem:v7+s21+$0x0] =	vst.idx.add.f32.msk $0xffff, v0  }
0x4e2: {  	v0 =	vld.idx.msk [tilespmem:v9+s3+$0x0], $0xffff  }
0x4e3: {  	s2 =	simm.s32 $0xB  }
0x4e4: {  	v7 =	vor.u32 v2, v8;
	v8 =	vxor.u32 s2, v1  }
0x4e5: {  	v9 =	vor.u32 v3, v8;
	_ =	sdelay $0x1  }
0x4e6: {  	v0 =	vmul.f32 v0, v4;
	_ =	sdelay $0x1  }
0x4e7: {  	[tilespmem:v7+s21+$0x0] =	vst.idx.add.f32.msk $0xffff, v0  }
0x4e8: {  	v0 =	vld.idx.msk [tilespmem:v9+s3+$0x0], $0xffff  }
0x4e9: {  	s25 =	simm.s32 $0xC  }
0x4ea: {  	v7 =	vor.u32 v2, v8;
	v8 =	vxor.u32 s25, v1  }
0x4eb: {  	v9 =	vor.u32 v3, v8;
	_ =	sdelay $0x1  }
0x4ec: {  	v0 =	vmul.f32 v0, v4;
	_ =	sdelay $0x1  }
0x4ed: {  	[tilespmem:v7+s21+$0x0] =	vst.idx.add.f32.msk $0xffff, v0  }
0x4ee: {  	v0 =	vld.idx.msk [tilespmem:v9+s3+$0x0], $0xffff  }
0x4ef: {  	s29 =	simm.s32 $0xD  }
0x4f0: {  	v7 =	vor.u32 v2, v8;
	v8 =	vxor.u32 s29, v1  }
0x4f1: {  	v9 =	vor.u32 v3, v8;
	_ =	sdelay $0x1  }
0x4f2: {  	v0 =	vmul.f32 v0, v4;
	_ =	sdelay $0x1  }
0x4f3: {  	[tilespmem:v7+s21+$0x0] =	vst.idx.add.f32.msk $0xffff, v0  }
0x4f4: {  	v0 =	vld.idx.msk [tilespmem:v9+s3+$0x0], $0xffff  }
0x4f5: {  	s30 =	simm.s32 $0xE  }
0x4f6: {  	v7 =	vor.u32 v2, v8;
	v8 =	vxor.u32 s30, v1  }
0x4f7: {  	v9 =	vor.u32 v3, v8;
	_ =	sdelay $0x1  }
0x4f8: {  	v0 =	vmul.f32 v0, v4;
	_ =	sdelay $0x1  }
0x4f9: {  	[tilespmem:v7+s21+$0x0] =	vst.idx.add.f32.msk $0xffff, v0  }
0x4fa: {  	v0 =	vld.idx.msk [tilespmem:v9+s3+$0x0], $0xffff  }
0x4fb: {  	s31 =	simm.s32 $0xF  }
0x4fc: {  	v7 =	vor.u32 v2, v8;
	v8 =	vxor.u32 s31, v1  }
0x4fd: {  	v9 =	vor.u32 v3, v8;
	_ =	sdelay $0x1  }
0x4fe: {  	v0 =	vmul.f32 v0, v4;
	_ =	sdelay $0x1  }
0x4ff: {  	[tilespmem:v7+s21+$0x0] =	vst.idx.add.f32.msk $0xffff, v0  }
0x500: {  	v0 =	vld.idx.msk [tilespmem:v9+s3+$0x0], $0xffff;
	_ =	sdelay $0x1  }
0x501: {  	s0 =	simm.s32 $0x10;
	v9 =	vor.u32 v2, v8  }
0x502: {  	v7 =	vor.u32 s0, v5;
	_ =	sdelay $0x1  }
0x503: {  	s28 =	simm.s32 $0x2F;
	s25 =	simm.s32 $0x1F;
	v10 =	vmul.f32 v0, v4  }
.LBB2_31:
0x504: {  	_ = 	snop  }
0x505: {  	p0 =	sne.s32 s28, $0x7F;
	s29 =	smov.u32 s28;
	s28 =	sadd.s32 $0x10, s28;
	[tilespmem:v9+s21+$0x0] =	vst.idx.add.f32.msk $0xffff, v10  }
0x506: {  	v0 =	vld.idx.msk [tilespmem:v7+s3+$0x0], $0xffff;
	_ =	sdelay $0x1  }
0x507: {  	s1 =	sadd.s32 $0xFFFFFFF2, s25  }
0x508: {  	v8 =	vxor.u32 s1, v1;
	v7 =	vor.u32 s0, v6  }
0x509: {  	v9 =	vor.u32 v3, v8;
	_ =	sdelay $0x1  }
0x50a: {  	v0 =	vmul.f32 v0, v4;
	_ =	sdelay $0x1  }
0x50b: {  	[tilespmem:v7+s21+$0x0] =	vst.idx.add.f32.msk $0xffff, v0  }
0x50c: {  	v0 =	vld.idx.msk [tilespmem:v9+s3+$0x0], $0xffff;
	_ =	sdelay $0x1  }
0x50d: {  	s0 =	sadd.s32 $0xFFFFFFF3, s25  }
0x50e: {  	v7 =	vor.u32 v2, v8;
	v8 =	vxor.u32 s0, v1  }
0x50f: {  	v9 =	vor.u32 v3, v8;
	_ =	sdelay $0x1  }
0x510: {  	v0 =	vmul.f32 v0, v4;
	_ =	sdelay $0x1  }
0x511: {  	[tilespmem:v7+s21+$0x0] =	vst.idx.add.f32.msk $0xffff, v0  }
0x512: {  	v0 =	vld.idx.msk [tilespmem:v9+s3+$0x0], $0xffff;
	_ =	sdelay $0x1  }
0x513: {  	s0 =	sadd.s32 $0xFFFFFFF4, s25  }
0x514: {  	v7 =	vor.u32 v2, v8;
	v8 =	vxor.u32 s0, v1  }
0x515: {  	v9 =	vor.u32 v3, v8;
	_ =	sdelay $0x1  }
0x516: {  	v0 =	vmul.f32 v0, v4;
	_ =	sdelay $0x1  }
0x517: {  	[tilespmem:v7+s21+$0x0] =	vst.idx.add.f32.msk $0xffff, v0  }
0x518: {  	v0 =	vld.idx.msk [tilespmem:v9+s3+$0x0], $0xffff;
	_ =	sdelay $0x1  }
0x519: {  	s0 =	sadd.s32 $0xFFFFFFF5, s25  }
0x51a: {  	v7 =	vor.u32 v2, v8;
	v8 =	vxor.u32 s0, v1  }
0x51b: {  	v9 =	vor.u32 v3, v8;
	_ =	sdelay $0x1  }
0x51c: {  	v0 =	vmul.f32 v0, v4;
	_ =	sdelay $0x1  }
0x51d: {  	[tilespmem:v7+s21+$0x0] =	vst.idx.add.f32.msk $0xffff, v0  }
0x51e: {  	v0 =	vld.idx.msk [tilespmem:v9+s3+$0x0], $0xffff;
	_ =	sdelay $0x1  }
0x51f: {  	s0 =	sadd.s32 $0xFFFFFFF6, s25  }
0x520: {  	v7 =	vor.u32 v2, v8;
	v8 =	vxor.u32 s0, v1  }
0x521: {  	v9 =	vor.u32 v3, v8;
	_ =	sdelay $0x1  }
0x522: {  	v0 =	vmul.f32 v0, v4;
	_ =	sdelay $0x1  }
0x523: {  	[tilespmem:v7+s21+$0x0] =	vst.idx.add.f32.msk $0xffff, v0  }
0x524: {  	v0 =	vld.idx.msk [tilespmem:v9+s3+$0x0], $0xffff;
	_ =	sdelay $0x1  }
0x525: {  	s0 =	sadd.s32 $0xFFFFFFF7, s25  }
0x526: {  	v7 =	vor.u32 v2, v8;
	v8 =	vxor.u32 s0, v1  }
0x527: {  	v9 =	vor.u32 v3, v8;
	_ =	sdelay $0x1  }
0x528: {  	v0 =	vmul.f32 v0, v4;
	_ =	sdelay $0x1  }
0x529: {  	[tilespmem:v7+s21+$0x0] =	vst.idx.add.f32.msk $0xffff, v0  }
0x52a: {  	v0 =	vld.idx.msk [tilespmem:v9+s3+$0x0], $0xffff;
	_ =	sdelay $0x1  }
0x52b: {  	s0 =	sadd.s32 $0xFFFFFFF8, s25  }
0x52c: {  	v7 =	vor.u32 v2, v8;
	v8 =	vxor.u32 s0, v1  }
0x52d: {  	v9 =	vor.u32 v3, v8;
	_ =	sdelay $0x1  }
0x52e: {  	v0 =	vmul.f32 v0, v4;
	_ =	sdelay $0x1  }
0x52f: {  	[tilespmem:v7+s21+$0x0] =	vst.idx.add.f32.msk $0xffff, v0  }
0x530: {  	v0 =	vld.idx.msk [tilespmem:v9+s3+$0x0], $0xffff;
	_ =	sdelay $0x1  }
0x531: {  	s0 =	sadd.s32 $0xFFFFFFF9, s25  }
0x532: {  	v7 =	vor.u32 v2, v8;
	v8 =	vxor.u32 s0, v1  }
0x533: {  	v9 =	vor.u32 v3, v8;
	_ =	sdelay $0x1  }
0x534: {  	v0 =	vmul.f32 v0, v4;
	_ =	sdelay $0x1  }
0x535: {  	[tilespmem:v7+s21+$0x0] =	vst.idx.add.f32.msk $0xffff, v0  }
0x536: {  	v0 =	vld.idx.msk [tilespmem:v9+s3+$0x0], $0xffff;
	_ =	sdelay $0x1  }
0x537: {  	s0 =	sadd.s32 $0xFFFFFFFA, s25  }
0x538: {  	v7 =	vor.u32 v2, v8;
	v8 =	vxor.u32 s0, v1  }
0x539: {  	v9 =	vor.u32 v3, v8;
	_ =	sdelay $0x1  }
0x53a: {  	v0 =	vmul.f32 v0, v4;
	_ =	sdelay $0x1  }
0x53b: {  	[tilespmem:v7+s21+$0x0] =	vst.idx.add.f32.msk $0xffff, v0  }
0x53c: {  	v0 =	vld.idx.msk [tilespmem:v9+s3+$0x0], $0xffff;
	_ =	sdelay $0x1  }
0x53d: {  	s0 =	sadd.s32 $0xFFFFFFFB, s25  }
0x53e: {  	v7 =	vor.u32 v2, v8;
	v8 =	vxor.u32 s0, v1  }
0x53f: {  	v9 =	vor.u32 v3, v8;
	_ =	sdelay $0x1  }
0x540: {  	v0 =	vmul.f32 v0, v4;
	_ =	sdelay $0x1  }
0x541: {  	[tilespmem:v7+s21+$0x0] =	vst.idx.add.f32.msk $0xffff, v0  }
0x542: {  	v0 =	vld.idx.msk [tilespmem:v9+s3+$0x0], $0xffff;
	_ =	sdelay $0x1  }
0x543: {  	s0 =	sadd.s32 $0xFFFFFFFC, s25  }
0x544: {  	v7 =	vor.u32 v2, v8;
	v8 =	vxor.u32 s0, v1  }
0x545: {  	v9 =	vor.u32 v3, v8;
	_ =	sdelay $0x1  }
0x546: {  	v0 =	vmul.f32 v0, v4;
	_ =	sdelay $0x1  }
0x547: {  	[tilespmem:v7+s21+$0x0] =	vst.idx.add.f32.msk $0xffff, v0  }
0x548: {  	v0 =	vld.idx.msk [tilespmem:v9+s3+$0x0], $0xffff;
	_ =	sdelay $0x1  }
0x549: {  	s0 =	sadd.s32 $0xFFFFFFFD, s25  }
0x54a: {  	v7 =	vor.u32 v2, v8;
	v8 =	vxor.u32 s0, v1  }
0x54b: {  	v9 =	vor.u32 v3, v8;
	_ =	sdelay $0x1  }
0x54c: {  	v0 =	vmul.f32 v0, v4;
	_ =	sdelay $0x1  }
0x54d: {  	[tilespmem:v7+s21+$0x0] =	vst.idx.add.f32.msk $0xffff, v0  }
0x54e: {  	v0 =	vld.idx.msk [tilespmem:v9+s3+$0x0], $0xffff;
	_ =	sdelay $0x1  }
0x54f: {  	s0 =	sadd.s32 $0xFFFFFFFE, s25  }
0x550: {  	v7 =	vor.u32 v2, v8;
	v8 =	vxor.u32 s0, v1  }
0x551: {  	v9 =	vor.u32 v3, v8;
	_ =	sdelay $0x1  }
0x552: {  	v0 =	vmul.f32 v0, v4;
	_ =	sdelay $0x1  }
0x553: {  	[tilespmem:v7+s21+$0x0] =	vst.idx.add.f32.msk $0xffff, v0  }
0x554: {  	v0 =	vld.idx.msk [tilespmem:v9+s3+$0x0], $0xffff;
	_ =	sdelay $0x1  }
0x555: {  	s0 =	sadd.s32 $0xFFFFFFFF, s25  }
0x556: {  	v7 =	vor.u32 v2, v8;
	v8 =	vxor.u32 s0, v1  }
0x557: {  	v9 =	vor.u32 v3, v8;
	_ =	sdelay $0x1  }
0x558: {  	v0 =	vmul.f32 v0, v4;
	_ =	sdelay $0x1  }
0x559: {  	[tilespmem:v7+s21+$0x0] =	vst.idx.add.f32.msk $0xffff, v0  }
0x55a: {  	v0 =	vld.idx.msk [tilespmem:v9+s3+$0x0], $0xffff;
	_ =	sdelay $0x2  }
0x55b: {  	v7 =	vor.u32 v2, v8;
	v8 =	vxor.u32 s25, v1;
	s25 =	smov.u32 s29  }
0x55c: {  	v9 =	vor.u32 v3, v8;
	_ =	sdelay $0x1  }
0x55d: {  	v0 =	vmul.f32 v0, v4;
	_ =	sdelay $0x1  }
0x55e: {  	[tilespmem:v7+s21+$0x0] =	vst.idx.add.f32.msk $0xffff, v0  }
0x55f: {  	v0 =	vld.idx.msk [tilespmem:v9+s3+$0x0], $0xffff;
	_ =	sdelay $0x1  }
.Ltmp14:
0x560: {  	(pc) =	sbr.rel @p0 .LBB2_31-.Ltmp14, $3  }
0x561: {  	s0 =	sadd.s32 $0xFFFFFFF1, s25;
	v9 =	vor.u32 v2, v8  }
0x562: {  	v7 =	vor.u32 s0, v5;
	_ =	sdelay $0x1  }
0x563: {  	v10 =	vmul.f32 v0, v4  }
0x564: {  	v0 =	vld [tilespmem:s26+$0x1D810];
	_ =	sdelay $0x7  }
0x565: {  	v5 =	vld.idx.msk [tilespmem:v0+s20+$0x0], $0xffff;
	_ =	sdelay $0x1  }
0x566: {  	v8 =	vld [tilespmem:s26+$0x1D410];
	_ =	sdelay $0x2  }
0x567: {  	v11 =	vadd.f32 $1.000000020e-16, v5;
	_ =	sdelay $0x1  }
0x568: {  	v5 =	vshll.u32 v8, $0x7;
	(erf) = vrcp.f32 v11  }
0x569: {  	s1 =	simm.s32 $0x0;
	v8 =	vor.u32 v1, v5  }
0x56a: {  	v11 =	vor.u32 s1, v8  }
0x56b: {  	[tilespmem:v9+s21+$0x0] =	vst.idx.add.f32.msk $0xffff, v10  }
0x56c: {  	v7 =	vld.idx.msk [tilespmem:v7+s3+$0x0], $0xffff  }
0x56d: {  	s2 =	sadd.s32 $0xFFFFFFF2, s25;
	v10 =	vld [tilespmem:s26+$0x1DC10]  }
0x56e: {  	v12 =	vor.u32 s0, v6;
	v13 =	vxor.u32 s2, v1  }
0x56f: {  	v6 =	vshll.u32 v0, $0x7;
	v0 =	vld.idx.msk [tilespmem:v11+s3+$0x0], $0xffff;
	v11 =	vor.u32 v3, v13  }
0x570: {  	s31 =	simm.s32 $0x1;
	v9 =	vor.u32 v1, v6  }
0x571: {  	v16 =	vxor.u32 s31, v1;
	v15 =	vor.u32 s1, v9;
	v17 =	vmul.f32 v7, v4;
	v14 =	vpop (erf)  }
0x572: {  	v7 =	vmul.f32 v14, v10;
	v10 =	vor.u32 v5, v16  }
0x573: {  	[tilespmem:v12+s21+$0x0] =	vst.idx.add.f32.msk $0xffff, v17  }
0x574: {  	v11 =	vld.idx.msk [tilespmem:v11+s3+$0x0], $0xffff;
	v0 =	vmul.f32 v0, v7  }
0x575: {  	s2 =	sadd.s32 $0xFFFFFFF3, s25  }
0x576: {  	v39 =	vxor.u32 s2, v1;
	[tilespmem:v15+s21+$0x0] =	vst.idx.add.f32.msk $0xffff, v0;
	v0 =	vor.u32 v2, v13  }
0x577: {  	v40 =	vor.u32 v3, v39;
	v10 =	vld.idx.msk [tilespmem:v10+s3+$0x0], $0xffff  }
0x578: {  	s26 =	simm.s32 $0x2  }
0x579: {  	v42 =	vxor.u32 s26, v1;
	v41 =	vor.u32 v6, v16;
	v11 =	vmul.f32 v11, v4  }
0x57a: {  	v43 =	vor.u32 v5, v42  }
0x57b: {  	[tilespmem:v0+s21+$0x0] =	vst.idx.add.f32.msk $0xffff, v11  }
0x57c: {  	v0 =	vmul.f32 v10, v7;
	v10 =	vld.idx.msk [tilespmem:v40+s3+$0x0], $0xffff  }
0x57d: {  	s28 =	sadd.s32 $0xFFFFFFF4, s25  }
0x57e: {  	v11 =	vxor.u32 s28, v1;
	[tilespmem:v41+s21+$0x0] =	vst.idx.add.f32.msk $0xffff, v0;
	v0 =	vor.u32 v2, v39  }
0x57f: {  	v45 =	vor.u32 v3, v11;
	v44 =	vld.idx.msk [tilespmem:v43+s3+$0x0], $0xffff  }
0x580: {  	s29 =	simm.s32 $0x3  }
0x581: {  	v47 =	vxor.u32 s29, v1;
	v46 =	vor.u32 v6, v42;
	v10 =	vmul.f32 v10, v4  }
0x582: {  	v48 =	vor.u32 v5, v47  }
0x583: {  	[tilespmem:v0+s21+$0x0] =	vst.idx.add.f32.msk $0xffff, v10  }
0x584: {  	v0 =	vmul.f32 v44, v7;
	v10 =	vld.idx.msk [tilespmem:v45+s3+$0x0], $0xffff  }
0x585: {  	s30 =	sadd.s32 $0xFFFFFFF5, s25  }
0x586: {  	[tilespmem:v46+s21+$0x0] =	vst.idx.add.f32.msk $0xffff, v0;
	v0 =	vor.u32 v2, v11;
	v11 =	vxor.u32 s30, v1  }
0x587: {  	v49 =	vld.idx.msk [tilespmem:v48+s3+$0x0], $0xffff;
	v50 =	vor.u32 v3, v11  }
0x588: {  	s31 =	simm.s32 $0x4  }
0x589: {  	v52 =	vxor.u32 s31, v1;
	v51 =	vor.u32 v6, v47;
	v10 =	vmul.f32 v10, v4  }
0x58a: {  	v53 =	vor.u32 v5, v52  }
0x58b: {  	[tilespmem:v0+s21+$0x0] =	vst.idx.add.f32.msk $0xffff, v10  }
0x58c: {  	v0 =	vmul.f32 v49, v7;
	v10 =	vld.idx.msk [tilespmem:v50+s3+$0x0], $0xffff  }
0x58d: {  	s1 =	sadd.s32 $0xFFFFFFF6, s25  }
0x58e: {  	[tilespmem:v51+s21+$0x0] =	vst.idx.add.f32.msk $0xffff, v0;
	v0 =	vor.u32 v2, v11;
	v11 =	vxor.u32 s1, v1  }
0x58f: {  	v54 =	vld.idx.msk [tilespmem:v53+s3+$0x0], $0xffff;
	v55 =	vor.u32 v3, v11  }
0x590: {  	s2 =	simm.s32 $0x5  }
0x591: {  	v57 =	vxor.u32 s2, v1;
	v56 =	vor.u32 v6, v52;
	v10 =	vmul.f32 v10, v4  }
0x592: {  	v58 =	vor.u32 v5, v57  }
0x593: {  	[tilespmem:v0+s21+$0x0] =	vst.idx.add.f32.msk $0xffff, v10  }
0x594: {  	v0 =	vmul.f32 v54, v7;
	v10 =	vld.idx.msk [tilespmem:v55+s3+$0x0], $0xffff  }
0x595: {  	s26 =	sadd.s32 $0xFFFFFFF7, s25  }
0x596: {  	[tilespmem:v56+s21+$0x0] =	vst.idx.add.f32.msk $0xffff, v0;
	v0 =	vor.u32 v2, v11;
	v11 =	vxor.u32 s26, v1  }
0x597: {  	v59 =	vld.idx.msk [tilespmem:v58+s3+$0x0], $0xffff;
	v60 =	vor.u32 v3, v11  }
0x598: {  	s28 =	simm.s32 $0x6  }
0x599: {  	v61 =	vor.u32 v6, v57;
	v62 =	vxor.u32 s28, v1;
	v10 =	vmul.f32 v10, v4  }
0x59a: {  	v63 =	vor.u32 v5, v62  }
0x59b: {  	[tilespmem:v0+s21+$0x0] =	vst.idx.add.f32.msk $0xffff, v10  }
0x59c: {  	v0 =	vmul.f32 v59, v7;
	v10 =	vld.idx.msk [tilespmem:v60+s3+$0x0], $0xffff  }
0x59d: {  	s29 =	sadd.s32 $0xFFFFFFF8, s25  }
0x59e: {  	[tilespmem:v61+s21+$0x0] =	vst.idx.add.f32.msk $0xffff, v0;
	v0 =	vor.u32 v2, v11;
	v11 =	vxor.u32 s29, v1  }
0x59f: {  	v20 =	vld.idx.msk [tilespmem:v63+s3+$0x0], $0xffff;
	v21 =	vor.u32 v3, v11  }
0x5a0: {  	s30 =	simm.s32 $0x7  }
0x5a1: {  	v22 =	vor.u32 v6, v62;
	v23 =	vxor.u32 s30, v1;
	v10 =	vmul.f32 v10, v4  }
0x5a2: {  	v24 =	vor.u32 v5, v23  }
0x5a3: {  	[tilespmem:v0+s21+$0x0] =	vst.idx.add.f32.msk $0xffff, v10  }
0x5a4: {  	v0 =	vmul.f32 v20, v7;
	v10 =	vld.idx.msk [tilespmem:v21+s3+$0x0], $0xffff  }
0x5a5: {  	s31 =	sadd.s32 $0xFFFFFFF9, s25  }
0x5a6: {  	[tilespmem:v22+s21+$0x0] =	vst.idx.add.f32.msk $0xffff, v0;
	v0 =	vor.u32 v2, v11;
	v11 =	vxor.u32 s31, v1  }
0x5a7: {  	v25 =	vld.idx.msk [tilespmem:v24+s3+$0x0], $0xffff;
	v26 =	vor.u32 v3, v11  }
0x5a8: {  	s1 =	simm.s32 $0x8  }
0x5a9: {  	v27 =	vor.u32 v6, v23;
	v28 =	vxor.u32 s1, v1;
	v10 =	vmul.f32 v10, v4  }
0x5aa: {  	v29 =	vor.u32 v5, v28  }
0x5ab: {  	[tilespmem:v0+s21+$0x0] =	vst.idx.add.f32.msk $0xffff, v10  }
0x5ac: {  	v0 =	vmul.f32 v25, v7;
	v10 =	vld.idx.msk [tilespmem:v26+s3+$0x0], $0xffff  }
0x5ad: {  	s2 =	sadd.s32 $0xFFFFFFFA, s25  }
0x5ae: {  	[tilespmem:v27+s21+$0x0] =	vst.idx.add.f32.msk $0xffff, v0;
	v0 =	vor.u32 v2, v11;
	v11 =	vxor.u32 s2, v1  }
0x5af: {  	v30 =	vld.idx.msk [tilespmem:v29+s3+$0x0], $0xffff;
	v31 =	vor.u32 v3, v11  }
0x5b0: {  	s26 =	simm.s32 $0x9  }
0x5b1: {  	v32 =	vor.u32 v6, v28;
	v33 =	vxor.u32 s26, v1;
	v10 =	vmul.f32 v10, v4  }
0x5b2: {  	v34 =	vor.u32 v5, v33  }
0x5b3: {  	[tilespmem:v0+s21+$0x0] =	vst.idx.add.f32.msk $0xffff, v10  }
0x5b4: {  	v0 =	vmul.f32 v30, v7;
	v10 =	vld.idx.msk [tilespmem:v31+s3+$0x0], $0xffff  }
0x5b5: {  	s28 =	sadd.s32 $0xFFFFFFFB, s25  }
0x5b6: {  	[tilespmem:v32+s21+$0x0] =	vst.idx.add.f32.msk $0xffff, v0;
	v0 =	vor.u32 v2, v11;
	v11 =	vxor.u32 s28, v1  }
0x5b7: {  	v35 =	vld.idx.msk [tilespmem:v34+s3+$0x0], $0xffff;
	v36 =	vor.u32 v3, v11  }
0x5b8: {  	s29 =	simm.s32 $0xA  }
0x5b9: {  	v37 =	vor.u32 v6, v33;
	v38 =	vxor.u32 s29, v1;
	v10 =	vmul.f32 v10, v4  }
0x5ba: {  	v39 =	vor.u32 v5, v38  }
0x5bb: {  	[tilespmem:v0+s21+$0x0] =	vst.idx.add.f32.msk $0xffff, v10  }
0x5bc: {  	v0 =	vmul.f32 v35, v7;
	v10 =	vld.idx.msk [tilespmem:v36+s3+$0x0], $0xffff  }
0x5bd: {  	s30 =	sadd.s32 $0xFFFFFFFC, s25  }
0x5be: {  	[tilespmem:v37+s21+$0x0] =	vst.idx.add.f32.msk $0xffff, v0;
	v0 =	vor.u32 v2, v11;
	v11 =	vxor.u32 s30, v1  }
0x5bf: {  	v40 =	vld.idx.msk [tilespmem:v39+s3+$0x0], $0xffff;
	v41 =	vor.u32 v3, v11  }
0x5c0: {  	s31 =	simm.s32 $0xB  }
0x5c1: {  	v42 =	vor.u32 v6, v38;
	v43 =	vxor.u32 s31, v1;
	v10 =	vmul.f32 v10, v4  }
0x5c2: {  	v44 =	vor.u32 v5, v43  }
0x5c3: {  	[tilespmem:v0+s21+$0x0] =	vst.idx.add.f32.msk $0xffff, v10  }
0x5c4: {  	v0 =	vmul.f32 v40, v7;
	v10 =	vld.idx.msk [tilespmem:v41+s3+$0x0], $0xffff  }
0x5c5: {  	s1 =	sadd.s32 $0xFFFFFFFD, s25  }
0x5c6: {  	[tilespmem:v42+s21+$0x0] =	vst.idx.add.f32.msk $0xffff, v0;
	v0 =	vor.u32 v2, v11;
	v11 =	vxor.u32 s1, v1  }
0x5c7: {  	v45 =	vld.idx.msk [tilespmem:v44+s3+$0x0], $0xffff;
	v46 =	vor.u32 v3, v11  }
0x5c8: {  	s2 =	simm.s32 $0xC  }
0x5c9: {  	v47 =	vor.u32 v6, v43;
	v48 =	vxor.u32 s2, v1;
	v10 =	vmul.f32 v10, v4  }
0x5ca: {  	v49 =	vor.u32 v5, v48  }
0x5cb: {  	[tilespmem:v0+s21+$0x0] =	vst.idx.add.f32.msk $0xffff, v10  }
0x5cc: {  	v0 =	vmul.f32 v45, v7;
	v10 =	vld.idx.msk [tilespmem:v46+s3+$0x0], $0xffff  }
0x5cd: {  	s26 =	sadd.s32 $0xFFFFFFFE, s25  }
0x5ce: {  	[tilespmem:v47+s21+$0x0] =	vst.idx.add.f32.msk $0xffff, v0;
	v0 =	vor.u32 v2, v11;
	v11 =	vxor.u32 s26, v1  }
0x5cf: {  	v50 =	vld.idx.msk [tilespmem:v49+s3+$0x0], $0xffff;
	v51 =	vor.u32 v3, v11  }
0x5d0: {  	s28 =	simm.s32 $0xD  }
0x5d1: {  	v52 =	vor.u32 v6, v48;
	v53 =	vxor.u32 s28, v1;
	v10 =	vmul.f32 v10, v4  }
0x5d2: {  	v54 =	vor.u32 v5, v53  }
0x5d3: {  	[tilespmem:v0+s21+$0x0] =	vst.idx.add.f32.msk $0xffff, v10  }
0x5d4: {  	v0 =	vmul.f32 v50, v7;
	v10 =	vld.idx.msk [tilespmem:v51+s3+$0x0], $0xffff  }
0x5d5: {  	s29 =	sadd.s32 $0xFFFFFFFF, s25  }
0x5d6: {  	[tilespmem:v52+s21+$0x0] =	vst.idx.add.f32.msk $0xffff, v0;
	v0 =	vor.u32 v2, v11;
	v11 =	vxor.u32 s29, v1  }
0x5d7: {  	v55 =	vld.idx.msk [tilespmem:v54+s3+$0x0], $0xffff;
	v56 =	vor.u32 v3, v11  }
0x5d8: {  	s30 =	simm.s32 $0xE  }
0x5d9: {  	v57 =	vor.u32 v6, v53;
	v58 =	vxor.u32 s30, v1;
	v10 =	vmul.f32 v10, v4  }
0x5da: {  	v59 =	vor.u32 v5, v58  }
0x5db: {  	[tilespmem:v0+s21+$0x0] =	vst.idx.add.f32.msk $0xffff, v10  }
0x5dc: {  	v0 =	vmul.f32 v55, v7;
	v10 =	vld.idx.msk [tilespmem:v56+s3+$0x0], $0xffff;
	_ =	sdelay $0x1  }
0x5dd: {  	[tilespmem:v57+s21+$0x0] =	vst.idx.add.f32.msk $0xffff, v0;
	v0 =	vor.u32 v2, v11;
	v11 =	vxor.u32 s25, v1  }
0x5de: {  	v60 =	vld.idx.msk [tilespmem:v59+s3+$0x0], $0xffff;
	v3 =	vor.u32 v3, v11;
	_ =	sdelay $0x1  }
0x5df: {  	s31 =	simm.s32 $0xF;
	v61 =	vor.u32 v6, v58;
	v10 =	vmul.f32 v10, v4  }
0x5e0: {  	v62 =	vxor.u32 s31, v1  }
0x5e1: {  	v63 =	vor.u32 v5, v62;
	[tilespmem:v0+s21+$0x0] =	vst.idx.add.f32.msk $0xffff, v10  }
0x5e2: {  	v0 =	vmul.f32 v60, v7;
	v3 =	vld.idx.msk [tilespmem:v3+s3+$0x0], $0xffff;
	_ =	sdelay $0x1  }
0x5e3: {  	[tilespmem:v61+s21+$0x0] =	vst.idx.add.f32.msk $0xffff, v0;
	v0 =	vor.u32 v2, v11;
	_ =	sdelay $0x1  }
0x5e4: {  	v10 =	vld.idx.msk [tilespmem:v63+s3+$0x0], $0xffff  }
0x5e5: {  	v2 =	vmul.f32 v3, v4  }
0x5e6: {  	s0 =	simm.s32 $0x10;
	v3 =	vor.u32 v6, v62  }
0x5e7: {  	[tilespmem:v0+s21+$0x0] =	vst.idx.add.f32.msk $0xffff, v2;
	v2 =	vor.u32 s0, v8;
	_ =	sdelay $0x1  }
0x5e8: {  	s26 =	simm.s32 $0x2F;
	s25 =	simm.s32 $0x1F;
	v4 =	vmul.f32 v10, v7  }
.LBB2_33:
0x5e9: {  	_ = 	snop  }
0x5ea: {  	p0 =	sne.s32 s26, $0x7F;
	s28 =	smov.u32 s26;
	s26 =	sadd.s32 $0x10, s26;
	[tilespmem:v3+s21+$0x0] =	vst.idx.add.f32.msk $0xffff, v4  }
0x5eb: {  	v0 =	vld.idx.msk [tilespmem:v2+s3+$0x0], $0xffff;
	_ =	sdelay $0x1  }
0x5ec: {  	s1 =	sadd.s32 $0xFFFFFFF2, s25  }
0x5ed: {  	v3 =	vxor.u32 s1, v1;
	v2 =	vor.u32 s0, v9  }
0x5ee: {  	v4 =	vor.u32 v5, v3;
	_ =	sdelay $0x1  }
0x5ef: {  	v0 =	vmul.f32 v0, v7;
	_ =	sdelay $0x1  }
0x5f0: {  	[tilespmem:v2+s21+$0x0] =	vst.idx.add.f32.msk $0xffff, v0  }
0x5f1: {  	v0 =	vld.idx.msk [tilespmem:v4+s3+$0x0], $0xffff;
	_ =	sdelay $0x1  }
0x5f2: {  	s0 =	sadd.s32 $0xFFFFFFF3, s25  }
0x5f3: {  	v2 =	vor.u32 v6, v3;
	v3 =	vxor.u32 s0, v1  }
0x5f4: {  	v4 =	vor.u32 v5, v3;
	_ =	sdelay $0x1  }
0x5f5: {  	v0 =	vmul.f32 v0, v7;
	_ =	sdelay $0x1  }
0x5f6: {  	[tilespmem:v2+s21+$0x0] =	vst.idx.add.f32.msk $0xffff, v0  }
0x5f7: {  	v0 =	vld.idx.msk [tilespmem:v4+s3+$0x0], $0xffff;
	_ =	sdelay $0x1  }
0x5f8: {  	s0 =	sadd.s32 $0xFFFFFFF4, s25  }
0x5f9: {  	v2 =	vor.u32 v6, v3;
	v3 =	vxor.u32 s0, v1  }
0x5fa: {  	v4 =	vor.u32 v5, v3;
	_ =	sdelay $0x1  }
0x5fb: {  	v0 =	vmul.f32 v0, v7;
	_ =	sdelay $0x1  }
0x5fc: {  	[tilespmem:v2+s21+$0x0] =	vst.idx.add.f32.msk $0xffff, v0  }
0x5fd: {  	v0 =	vld.idx.msk [tilespmem:v4+s3+$0x0], $0xffff;
	_ =	sdelay $0x1  }
0x5fe: {  	s0 =	sadd.s32 $0xFFFFFFF5, s25  }
0x5ff: {  	v2 =	vor.u32 v6, v3;
	v3 =	vxor.u32 s0, v1  }
0x600: {  	v4 =	vor.u32 v5, v3;
	_ =	sdelay $0x1  }
0x601: {  	v0 =	vmul.f32 v0, v7;
	_ =	sdelay $0x1  }
0x602: {  	[tilespmem:v2+s21+$0x0] =	vst.idx.add.f32.msk $0xffff, v0  }
0x603: {  	v0 =	vld.idx.msk [tilespmem:v4+s3+$0x0], $0xffff;
	_ =	sdelay $0x1  }
0x604: {  	s0 =	sadd.s32 $0xFFFFFFF6, s25  }
0x605: {  	v2 =	vor.u32 v6, v3;
	v3 =	vxor.u32 s0, v1  }
0x606: {  	v4 =	vor.u32 v5, v3;
	_ =	sdelay $0x1  }
0x607: {  	v0 =	vmul.f32 v0, v7;
	_ =	sdelay $0x1  }
0x608: {  	[tilespmem:v2+s21+$0x0] =	vst.idx.add.f32.msk $0xffff, v0  }
0x609: {  	v0 =	vld.idx.msk [tilespmem:v4+s3+$0x0], $0xffff;
	_ =	sdelay $0x1  }
0x60a: {  	s0 =	sadd.s32 $0xFFFFFFF7, s25  }
0x60b: {  	v2 =	vor.u32 v6, v3;
	v3 =	vxor.u32 s0, v1  }
0x60c: {  	v4 =	vor.u32 v5, v3;
	_ =	sdelay $0x1  }
0x60d: {  	v0 =	vmul.f32 v0, v7;
	_ =	sdelay $0x1  }
0x60e: {  	[tilespmem:v2+s21+$0x0] =	vst.idx.add.f32.msk $0xffff, v0  }
0x60f: {  	v0 =	vld.idx.msk [tilespmem:v4+s3+$0x0], $0xffff;
	_ =	sdelay $0x1  }
0x610: {  	s0 =	sadd.s32 $0xFFFFFFF8, s25  }
0x611: {  	v2 =	vor.u32 v6, v3;
	v3 =	vxor.u32 s0, v1  }
0x612: {  	v4 =	vor.u32 v5, v3;
	_ =	sdelay $0x1  }
0x613: {  	v0 =	vmul.f32 v0, v7;
	_ =	sdelay $0x1  }
0x614: {  	[tilespmem:v2+s21+$0x0] =	vst.idx.add.f32.msk $0xffff, v0  }
0x615: {  	v0 =	vld.idx.msk [tilespmem:v4+s3+$0x0], $0xffff;
	_ =	sdelay $0x1  }
0x616: {  	s0 =	sadd.s32 $0xFFFFFFF9, s25  }
0x617: {  	v2 =	vor.u32 v6, v3;
	v3 =	vxor.u32 s0, v1  }
0x618: {  	v4 =	vor.u32 v5, v3;
	_ =	sdelay $0x1  }
0x619: {  	v0 =	vmul.f32 v0, v7;
	_ =	sdelay $0x1  }
0x61a: {  	[tilespmem:v2+s21+$0x0] =	vst.idx.add.f32.msk $0xffff, v0  }
0x61b: {  	v0 =	vld.idx.msk [tilespmem:v4+s3+$0x0], $0xffff;
	_ =	sdelay $0x1  }
0x61c: {  	s0 =	sadd.s32 $0xFFFFFFFA, s25  }
0x61d: {  	v2 =	vor.u32 v6, v3;
	v3 =	vxor.u32 s0, v1  }
0x61e: {  	v4 =	vor.u32 v5, v3;
	_ =	sdelay $0x1  }
0x61f: {  	v0 =	vmul.f32 v0, v7;
	_ =	sdelay $0x1  }
0x620: {  	[tilespmem:v2+s21+$0x0] =	vst.idx.add.f32.msk $0xffff, v0  }
0x621: {  	v0 =	vld.idx.msk [tilespmem:v4+s3+$0x0], $0xffff;
	_ =	sdelay $0x1  }
0x622: {  	s0 =	sadd.s32 $0xFFFFFFFB, s25  }
0x623: {  	v2 =	vor.u32 v6, v3;
	v3 =	vxor.u32 s0, v1  }
0x624: {  	v4 =	vor.u32 v5, v3;
	_ =	sdelay $0x1  }
0x625: {  	v0 =	vmul.f32 v0, v7;
	_ =	sdelay $0x1  }
0x626: {  	[tilespmem:v2+s21+$0x0] =	vst.idx.add.f32.msk $0xffff, v0  }
0x627: {  	v0 =	vld.idx.msk [tilespmem:v4+s3+$0x0], $0xffff;
	_ =	sdelay $0x1  }
0x628: {  	s0 =	sadd.s32 $0xFFFFFFFC, s25  }
0x629: {  	v2 =	vor.u32 v6, v3;
	v3 =	vxor.u32 s0, v1  }
0x62a: {  	v4 =	vor.u32 v5, v3;
	_ =	sdelay $0x1  }
0x62b: {  	v0 =	vmul.f32 v0, v7;
	_ =	sdelay $0x1  }
0x62c: {  	[tilespmem:v2+s21+$0x0] =	vst.idx.add.f32.msk $0xffff, v0  }
0x62d: {  	v0 =	vld.idx.msk [tilespmem:v4+s3+$0x0], $0xffff;
	_ =	sdelay $0x1  }
0x62e: {  	s0 =	sadd.s32 $0xFFFFFFFD, s25  }
0x62f: {  	v2 =	vor.u32 v6, v3;
	v3 =	vxor.u32 s0, v1  }
0x630: {  	v4 =	vor.u32 v5, v3;
	_ =	sdelay $0x1  }
0x631: {  	v0 =	vmul.f32 v0, v7;
	_ =	sdelay $0x1  }
0x632: {  	[tilespmem:v2+s21+$0x0] =	vst.idx.add.f32.msk $0xffff, v0  }
0x633: {  	v0 =	vld.idx.msk [tilespmem:v4+s3+$0x0], $0xffff;
	_ =	sdelay $0x1  }
0x634: {  	s0 =	sadd.s32 $0xFFFFFFFE, s25  }
0x635: {  	v2 =	vor.u32 v6, v3;
	v3 =	vxor.u32 s0, v1  }
0x636: {  	v4 =	vor.u32 v5, v3;
	_ =	sdelay $0x1  }
0x637: {  	v0 =	vmul.f32 v0, v7;
	_ =	sdelay $0x1  }
0x638: {  	[tilespmem:v2+s21+$0x0] =	vst.idx.add.f32.msk $0xffff, v0  }
0x639: {  	v0 =	vld.idx.msk [tilespmem:v4+s3+$0x0], $0xffff;
	_ =	sdelay $0x1  }
0x63a: {  	s0 =	sadd.s32 $0xFFFFFFFF, s25  }
0x63b: {  	v2 =	vor.u32 v6, v3;
	v3 =	vxor.u32 s0, v1  }
0x63c: {  	v4 =	vor.u32 v5, v3;
	_ =	sdelay $0x1  }
0x63d: {  	v0 =	vmul.f32 v0, v7;
	_ =	sdelay $0x1  }
0x63e: {  	[tilespmem:v2+s21+$0x0] =	vst.idx.add.f32.msk $0xffff, v0  }
0x63f: {  	v0 =	vld.idx.msk [tilespmem:v4+s3+$0x0], $0xffff;
	_ =	sdelay $0x2  }
0x640: {  	v2 =	vor.u32 v6, v3;
	v3 =	vxor.u32 s25, v1;
	s25 =	smov.u32 s28  }
0x641: {  	v4 =	vor.u32 v5, v3;
	_ =	sdelay $0x1  }
0x642: {  	v0 =	vmul.f32 v0, v7;
	_ =	sdelay $0x1  }
0x643: {  	[tilespmem:v2+s21+$0x0] =	vst.idx.add.f32.msk $0xffff, v0  }
0x644: {  	v0 =	vld.idx.msk [tilespmem:v4+s3+$0x0], $0xffff;
	_ =	sdelay $0x1  }
.Ltmp15:
0x645: {  	(pc) =	sbr.rel @p0 .LBB2_33-.Ltmp15, $3  }
0x646: {  	s0 =	sadd.s32 $0xFFFFFFF1, s25;
	v3 =	vor.u32 v6, v3  }
0x647: {  	v2 =	vor.u32 s0, v8;
	_ =	sdelay $0x1  }
0x648: {  	v4 =	vmul.f32 v0, v7  }
0x649: {  	_ =	sdelay $0x3  }
0x64a: {  	[tilespmem:v3+s21+$0x0] =	vst.idx.add.f32.msk $0xffff, v4  }
0x64b: {  	v0 =	vld.idx.msk [tilespmem:v2+s3+$0x0], $0xffff  }
0x64c: {  	s1 =	sadd.s32 $0xFFFFFFF2, s25  }
0x64d: {  	v3 =	vxor.u32 s1, v1;
	v2 =	vor.u32 s0, v9  }
0x64e: {  	v49 =	vor.u32 v5, v3;
	_ =	sdelay $0x1  }
0x64f: {  	v0 =	vmul.f32 v0, v7;
	_ =	sdelay $0x1  }
0x650: {  	[tilespmem:v2+s21+$0x0] =	vst.idx.add.f32.msk $0xffff, v0  }
0x651: {  	v0 =	vld.idx.msk [tilespmem:v49+s3+$0x0], $0xffff  }
0x652: {  	s1 =	sadd.s32 $0xFFFFFFF3, s25  }
0x653: {  	v2 =	vor.u32 v6, v3;
	v3 =	vxor.u32 s1, v1  }
0x654: {  	v50 =	vor.u32 v5, v3;
	_ =	sdelay $0x1  }
0x655: {  	v0 =	vmul.f32 v0, v7;
	_ =	sdelay $0x1  }
0x656: {  	[tilespmem:v2+s21+$0x0] =	vst.idx.add.f32.msk $0xffff, v0  }
0x657: {  	v0 =	vld.idx.msk [tilespmem:v50+s3+$0x0], $0xffff  }
0x658: {  	s2 =	sadd.s32 $0xFFFFFFF4, s25  }
0x659: {  	v2 =	vor.u32 v6, v3;
	v3 =	vxor.u32 s2, v1  }
0x65a: {  	v51 =	vor.u32 v5, v3;
	_ =	sdelay $0x1  }
0x65b: {  	v0 =	vmul.f32 v0, v7;
	_ =	sdelay $0x1  }
0x65c: {  	[tilespmem:v2+s21+$0x0] =	vst.idx.add.f32.msk $0xffff, v0  }
0x65d: {  	v0 =	vld.idx.msk [tilespmem:v51+s3+$0x0], $0xffff  }
0x65e: {  	s26 =	sadd.s32 $0xFFFFFFF5, s25  }
0x65f: {  	v2 =	vor.u32 v6, v3;
	v3 =	vxor.u32 s26, v1  }
0x660: {  	v52 =	vor.u32 v5, v3;
	_ =	sdelay $0x1  }
0x661: {  	v0 =	vmul.f32 v0, v7;
	_ =	sdelay $0x1  }
0x662: {  	[tilespmem:v2+s21+$0x0] =	vst.idx.add.f32.msk $0xffff, v0  }
0x663: {  	v0 =	vld.idx.msk [tilespmem:v52+s3+$0x0], $0xffff  }
0x664: {  	s28 =	sadd.s32 $0xFFFFFFF6, s25  }
0x665: {  	v2 =	vor.u32 v6, v3;
	v3 =	vxor.u32 s28, v1  }
0x666: {  	v53 =	vor.u32 v5, v3;
	_ =	sdelay $0x1  }
0x667: {  	v0 =	vmul.f32 v0, v7;
	_ =	sdelay $0x1  }
0x668: {  	[tilespmem:v2+s21+$0x0] =	vst.idx.add.f32.msk $0xffff, v0  }
0x669: {  	v0 =	vld.idx.msk [tilespmem:v53+s3+$0x0], $0xffff  }
0x66a: {  	s29 =	sadd.s32 $0xFFFFFFF7, s25  }
0x66b: {  	v2 =	vor.u32 v6, v3;
	v3 =	vxor.u32 s29, v1  }
0x66c: {  	v54 =	vor.u32 v5, v3;
	_ =	sdelay $0x1  }
0x66d: {  	v0 =	vmul.f32 v0, v7;
	_ =	sdelay $0x1  }
0x66e: {  	[tilespmem:v2+s21+$0x0] =	vst.idx.add.f32.msk $0xffff, v0  }
0x66f: {  	v0 =	vld.idx.msk [tilespmem:v54+s3+$0x0], $0xffff  }
0x670: {  	s30 =	sadd.s32 $0xFFFFFFF8, s25  }
0x671: {  	v2 =	vor.u32 v6, v3;
	v3 =	vxor.u32 s30, v1  }
0x672: {  	v55 =	vor.u32 v5, v3;
	_ =	sdelay $0x1  }
0x673: {  	v0 =	vmul.f32 v0, v7;
	_ =	sdelay $0x1  }
0x674: {  	[tilespmem:v2+s21+$0x0] =	vst.idx.add.f32.msk $0xffff, v0  }
0x675: {  	v0 =	vld.idx.msk [tilespmem:v55+s3+$0x0], $0xffff  }
0x676: {  	s31 =	sadd.s32 $0xFFFFFFF9, s25  }
0x677: {  	v2 =	vor.u32 v6, v3;
	v3 =	vxor.u32 s31, v1  }
0x678: {  	v56 =	vor.u32 v5, v3;
	_ =	sdelay $0x1  }
0x679: {  	v0 =	vmul.f32 v0, v7;
	_ =	sdelay $0x1  }
0x67a: {  	[tilespmem:v2+s21+$0x0] =	vst.idx.add.f32.msk $0xffff, v0  }
0x67b: {  	v0 =	vld.idx.msk [tilespmem:v56+s3+$0x0], $0xffff  }
0x67c: {  	s1 =	sadd.s32 $0xFFFFFFFA, s25  }
0x67d: {  	v2 =	vor.u32 v6, v3;
	v3 =	vxor.u32 s1, v1  }
0x67e: {  	v57 =	vor.u32 v5, v3;
	_ =	sdelay $0x1  }
0x67f: {  	v0 =	vmul.f32 v0, v7;
	_ =	sdelay $0x1  }
0x680: {  	[tilespmem:v2+s21+$0x0] =	vst.idx.add.f32.msk $0xffff, v0  }
0x681: {  	v0 =	vld.idx.msk [tilespmem:v57+s3+$0x0], $0xffff  }
0x682: {  	s2 =	sadd.s32 $0xFFFFFFFB, s25  }
0x683: {  	v2 =	vor.u32 v6, v3;
	v3 =	vxor.u32 s2, v1  }
0x684: {  	v58 =	vor.u32 v5, v3;
	_ =	sdelay $0x1  }
0x685: {  	v0 =	vmul.f32 v0, v7;
	_ =	sdelay $0x1  }
0x686: {  	[tilespmem:v2+s21+$0x0] =	vst.idx.add.f32.msk $0xffff, v0  }
0x687: {  	v0 =	vld.idx.msk [tilespmem:v58+s3+$0x0], $0xffff  }
0x688: {  	s26 =	sadd.s32 $0xFFFFFFFC, s25  }
0x689: {  	v2 =	vor.u32 v6, v3;
	v3 =	vxor.u32 s26, v1  }
0x68a: {  	v59 =	vor.u32 v5, v3;
	_ =	sdelay $0x1  }
0x68b: {  	v0 =	vmul.f32 v0, v7;
	_ =	sdelay $0x1  }
0x68c: {  	[tilespmem:v2+s21+$0x0] =	vst.idx.add.f32.msk $0xffff, v0  }
0x68d: {  	v0 =	vld.idx.msk [tilespmem:v59+s3+$0x0], $0xffff  }
0x68e: {  	s28 =	sadd.s32 $0xFFFFFFFD, s25  }
0x68f: {  	v2 =	vor.u32 v6, v3;
	v3 =	vxor.u32 s28, v1  }
0x690: {  	v60 =	vor.u32 v5, v3;
	_ =	sdelay $0x1  }
0x691: {  	v0 =	vmul.f32 v0, v7;
	_ =	sdelay $0x1  }
0x692: {  	[tilespmem:v2+s21+$0x0] =	vst.idx.add.f32.msk $0xffff, v0  }
0x693: {  	v0 =	vld.idx.msk [tilespmem:v60+s3+$0x0], $0xffff  }
0x694: {  	s29 =	sadd.s32 $0xFFFFFFFE, s25  }
0x695: {  	v2 =	vor.u32 v6, v3;
	v3 =	vxor.u32 s29, v1  }
0x696: {  	v61 =	vor.u32 v5, v3;
	_ =	sdelay $0x1  }
0x697: {  	v0 =	vmul.f32 v0, v7;
	_ =	sdelay $0x1  }
0x698: {  	[tilespmem:v2+s21+$0x0] =	vst.idx.add.f32.msk $0xffff, v0  }
0x699: {  	v0 =	vld.idx.msk [tilespmem:v61+s3+$0x0], $0xffff  }
0x69a: {  	s30 =	sadd.s32 $0xFFFFFFFF, s25  }
0x69b: {  	v2 =	vor.u32 v6, v3;
	v3 =	vxor.u32 s30, v1  }
0x69c: {  	v62 =	vor.u32 v5, v3;
	_ =	sdelay $0x1  }
0x69d: {  	v0 =	vmul.f32 v0, v7;
	_ =	sdelay $0x1  }
0x69e: {  	[tilespmem:v2+s21+$0x0] =	vst.idx.add.f32.msk $0xffff, v0  }
0x69f: {  	v0 =	vld.idx.msk [tilespmem:v62+s3+$0x0], $0xffff;
	_ =	sdelay $0x1  }
0x6a0: {  	v2 =	vor.u32 v6, v3;
	v3 =	vxor.u32 s25, v1  }
0x6a1: {  	v63 =	vor.u32 v5, v3;
	_ =	sdelay $0x1  }
0x6a2: {  	v0 =	vmul.f32 v0, v7;
	_ =	sdelay $0x1  }
0x6a3: {  	[tilespmem:v2+s21+$0x0] =	vst.idx.add.f32.msk $0xffff, v0  }
0x6a4: {  	v0 =	vld.idx.msk [tilespmem:v63+s3+$0x0], $0xffff;
	_ =	sdelay $0x1  }
0x6a5: {  	p0 =	slt.u32 s24, $0x3C;
	v2 =	vor.u32 v6, v3  }
.Ltmp16:
0x6a6: {  	_ = 	snop;
	(pc) =	sbr.rel @p0 .LBB2_30-.Ltmp16, $4  }
0x6a7: {  	_ = 	snop  }
0x6a8: {  	v0 =	vmul.f32 v0, v7  }
0x6a9: {  	s31 =	sadd.s32 $0x2, s24  }
0x6aa: {  	s24 =	smov.u32 s31;
	[tilespmem:v2+s21+$0x0] =	vst.idx.add.f32.msk $0xffff, v0  }
0x6ab: {  	s23 =	sadd.s32 $0x1, s23  }
0x6ac: {  	p0 =	sne.s32 s23, s13  }
.Ltmp17:
0x6ad: {  	_ = 	snop;
	(pc) =	sbr.rel @p0 .LBB2_1-.Ltmp17, $4  }
0x6ae: {  	[hbm4b:s12+s3] =	stream.linear.scatter [tilespmem:s21], [sflag:$0x2], $0x9980, $0x38;
	[tilespmem:$0x1EA00] =	vst v63  }
0x6af: {  	_ =	swait.ge [sflag:s22], $0x9980  }
0x6b0: {  	[sflag:s22] =	ssyncset.done $0x0  }
0x6b1: {  	v0 =	vimm.f32 $0.0e+00;
	[sflag:s22] =	ssyncadd.s32 $0xFFFF6680  }
0x6b2: {  	_ =	sfence.sel $0x180000  }
0x6b3: {  	[bflag:$0x0] =	sbarrier.arrive $0xFFFF  }
0x6b4: {  	_ =	strace $0x90000047  }
0x6b5: {  	s0 =	stileid.u32;
	[bflag:$0x2] =	sbarrier.arrive $0xFFFF  }
0x6b6: {  	p0 =	sne.s32 s0, $0x0;
	s0 =	rddreg [dreg:$0x3]  }
0x6b7: {  	s0 =	sadd.s32 @!p0 $0x100000, s0  }
0x6b8: {  	[sflag:s0] =	ssyncadd.tile.s32 @!p0 $0x1;
	_ =	shalt  }
.Lfunc_end2:
_tile_overlayer_lowered:
.L_overlay_start_2:
0x6b9: {  	(tag) =	ssettag $0x2  }
0x6ba: {  	s0 =	rddreg [dreg:$0x0];
	s2 =	stileid.u32  }
0x6bb: {  	s1 =	rddreg [dreg:$0x1];
	p0 =	sne.s32 s2, $0x0  }
0x6bc: {  	s3 =	rddreg [dreg:$0x2];
	[bflag:$0x3] =	sbarrier.arrive $0xFFFF;
	s2 =	simm.s32 @!p0 $0x1C02  }
0x6bd: {  	[timem:s3], [sflag:s2] =	dma.local @!p0 [hbm:s0], s1  }
0x6be: {  	s0 =	simm.s32 @!p0 $0x2  }
0x6bf: {  	_ =	swait.ge @!p0 [sflag:s0], s1  }
0x6c0: {  	s1 =	ssub.s32 @!p0 $0x0, s1;
	[sflag:s0] =	ssyncset.done @!p0 $0x0  }
0x6c1: {  	[sflag:s0] =	ssyncadd.s32 @!p0 s1  }
0x6c2: {  	[bflag:$0x3] =	sbarrier.arrive $0xFFFF  }
0x6c3: {  	_ =	shalt  }

</sc_bundles>
